<compile_context>
chip_gen: v7x
topology: tpu7x:2x2x1
jax: 0.10.2.dev20260603
libtpu: 0.0.44.dev20260713+nightly
codegen_flags: <defaults>
</compile_context>

<pallas_src>
import functools

import jax
import jax.numpy as jnp
from jax import lax
from jax.experimental import pallas as pl
from jax.experimental.pallas import tpu as pltpu
from jax.experimental.pallas import tpu_sc as plsc

N = 10000
E = 320000
L = 4
DIN = 128
DOUT = 128

NC = 2
NS = 16
LPC = L // NC

NP = 10240
ZROW = NP - 2
NPA = 10112
DUMP = NPA - 1
GW = 120
G = 168
CH = 6
NCH = G // CH
RB = 3
EPL = G * GW * NS
GWD = 120
GD = EPL // (GWD * NS)
STRIPE = NP // NS
STRIPA = NPA // NS

@functools.cache
def _sc_kernels():
    mesh = plsc.VectorSubcoreMesh(core_axis_name="c", subcore_axis_name="s",
                                  num_cores=NC, num_subcores=NS)
    deg_k = functools.partial(
        pl.kernel,
        out_type=jax.ShapeDtypeStruct((L, NP), jnp.float32),
        mesh=mesh,
        scratch_types=[
            pltpu.VMEM_SHARED((NP,), jnp.float32),
            pltpu.VMEM_SHARED((NP,), jnp.float32),
            pltpu.VMEM((GD, GWD), jnp.int32),
            pltpu.VMEM((GWD,), jnp.float32),
            pltpu.SemaphoreType.DMA,
        ],
    )(_deg_body)
    agg_k = functools.partial(
        pl.kernel,
        out_type=jax.ShapeDtypeStruct((L, NPA, DOUT), jnp.float32),
        mesh=mesh,
        scratch_types=[
            pltpu.VMEM_SHARED((NPA, DOUT), jnp.float32),
            pltpu.VMEM((CH, GW), jnp.int32),
            pltpu.VMEM((CH, GW), jnp.int32),
            pltpu.VMEM((CH, GW), jnp.int32),
            [pltpu.VMEM((GW, DOUT), jnp.float32) for _ in range(RB)],
            [pltpu.SemaphoreType.DMA for _ in range(RB)],
        ],
    )(_agg_body)
    return deg_k, agg_k


def _deg_body(dst_hbm, z1_hbm, ones_hbm, deg_hbm, acc0, acc1, dstbuf, ones_v,
              dsem):
    c = lax.axis_index("c")
    s = lax.axis_index("s")
    base = s * STRIPE
    pltpu.sync_copy(z1_hbm.at[pl.ds(base, STRIPE)], acc0.at[pl.ds(base, STRIPE)])
    pltpu.sync_copy(z1_hbm.at[pl.ds(base, STRIPE)], acc1.at[pl.ds(base, STRIPE)])
    pltpu.sync_copy(ones_hbm, ones_v)
    plsc.subcore_barrier()
    for i, acc in enumerate((acc0, acc1)):
        layer = c * LPC + i
        pltpu.sync_copy(dst_hbm.at[layer, s], dstbuf)

        def body(k, carry, acc=acc):
            for jj in range(8):
                pltpu.async_copy(ones_v, acc.at[dstbuf.at[k * 8 + jj]],
                                 dsem, add=True)
            for jj in range(8):
                pltpu.make_async_copy(ones_v, acc.at[dstbuf.at[0]],
                                      dsem).wait()
            return carry

        lax.fori_loop(0, GD // 8, body, 0)
    plsc.subcore_barrier()
    for i, acc in enumerate((acc0, acc1)):
        layer = c * LPC + i
        pltpu.sync_copy(acc.at[pl.ds(base, STRIPE)],
                        deg_hbm.at[layer, pl.ds(base, STRIPE)])


def _agg_body(srcoff_hbm, dst_hbm, g2_hbm, z2_hbm, agg_hbm,
              acc, srcbuf, dstA, dstB, rows, sems):
    c = lax.axis_index("c")
    s = lax.axis_index("s")
    base = s * STRIPA

    def wait_buf(b):
        pltpu.make_async_copy(g2_hbm.at[srcbuf.at[0]], rows[b], sems[b]).wait()

    def run_chunk(srcslc, dstslc, dstbuf, first):
        pltpu.sync_copy(srcslc, srcbuf)
        pltpu.sync_copy(dstslc, dstbuf)
        for j in range(CH):
            b = j % RB
            if not (first and j < RB):
                wait_buf(b)
            pltpu.async_copy(g2_hbm.at[srcbuf.at[j]], rows[b], sems[b])
            if j % RB == RB - 1:
                for jj in range(j - (RB - 1), j + 1):
                    bb = jj % RB
                    wait_buf(bb)
                    pltpu.async_copy(rows[bb], acc.at[dstbuf.at[jj]],
                                     sems[bb], add=True)

    for i in range(LPC):
        layer = c * LPC + i
        row0 = s * NCH
        pltpu.sync_copy(z2_hbm.at[pl.ds(base, STRIPA)],
                        acc.at[pl.ds(base, STRIPA)])
        plsc.subcore_barrier()

        run_chunk(srcoff_hbm.at[layer, row0], dst_hbm.at[layer, row0],
                  dstA, first=True)

        def pair(k2, carry):
            k = 1 + 2 * k2
            run_chunk(srcoff_hbm.at[layer, row0 + k],
                      dst_hbm.at[layer, row0 + k], dstB, first=False)
            run_chunk(srcoff_hbm.at[layer, row0 + k + 1],
                      dst_hbm.at[layer, row0 + k + 1], dstA, first=False)
            return carry

        lax.fori_loop(0, (NCH - 2) // 2, pair, 0)
        run_chunk(srcoff_hbm.at[layer, row0 + NCH - 1],
                  dst_hbm.at[layer, row0 + NCH - 1], dstB, first=False)
        for b in range(RB):
            wait_buf(b)
        plsc.subcore_barrier()
        pltpu.sync_copy(acc.at[pl.ds(base, STRIPA)],
                        agg_hbm.at[layer, pl.ds(base, STRIPA)])


def _g_body(x_ref, w_ref, deg_ref, g_ref):
    dis = lax.rsqrt(deg_ref[0] + 1.0)
    h = jnp.dot(x_ref[...], w_ref[0], preferred_element_type=jnp.float32)
    g_ref[0] = h * dis


_g_matmul = pl.pallas_call(
    _g_body,
    grid=(L,),
    in_specs=[
        pl.BlockSpec((NP, DIN), lambda l: (0, 0)),
        pl.BlockSpec((1, DIN, DOUT), lambda l: (l, 0, 0)),
        pl.BlockSpec((1, NP, 1), lambda l: (l, 0, 0)),
    ],
    out_specs=pl.BlockSpec((1, NP, DOUT), lambda l: (l, 0, 0)),
    out_shape=jax.ShapeDtypeStruct((L, NP, DOUT), jnp.float32),
)


def _f_body(agg_ref, deg_ref, x_ref, w_ref, b_ref, out_ref):
    lidx = pl.program_id(0)
    dis = lax.rsqrt(deg_ref[0] + 1.0)
    h = jnp.dot(x_ref[...], w_ref[0], preferred_element_type=jnp.float32)
    t = agg_ref[0] * dis + h * (dis * dis) + b_ref[0]

    @pl.when(lidx == 0)
    def _init():
        out_ref[...] = t

    @pl.when(lidx != 0)
    def _accum():
        out_ref[...] = out_ref[...] + t


_final = pl.pallas_call(
    _f_body,
    grid=(L,),
    in_specs=[
        pl.BlockSpec((1, NPA, DOUT), lambda l: (l, 0, 0)),
        pl.BlockSpec((1, NPA, 1), lambda l: (l, 0, 0)),
        pl.BlockSpec((NPA, DIN), lambda l: (0, 0)),
        pl.BlockSpec((1, DIN, DOUT), lambda l: (l, 0, 0)),
        pl.BlockSpec((1, 1, DOUT), lambda l: (l, 0, 0)),
    ],
    out_specs=pl.BlockSpec((NPA, DOUT), lambda l: (0, 0)),
    out_shape=jax.ShapeDtypeStruct((NPA, DOUT), jnp.float32),
)


def kernel(x, edge_index, W, b):
    i32 = jnp.int32
    f32 = jnp.float32
    src = edge_index[:, 0, :]
    dst = edge_index[:, 1, :]
    pad = EPL - E
    loff = (jnp.arange(L, dtype=i32) * NP)[:, None]
    srcp = (jnp.concatenate([src, jnp.full((L, pad), ZROW, i32)], axis=1)
            + loff)
    dstp = jnp.concatenate([dst, jnp.full((L, pad), DUMP, i32)], axis=1)
    xp = jnp.pad(x, ((0, NP - N), (0, 0)))
    z1 = jnp.zeros((NP,), f32)
    z2 = jnp.zeros((NP, DOUT), f32)
    ones = jnp.ones((GWD,), f32)

    deg_k, agg_k = _sc_kernels()
    deg = deg_k(dstp.reshape(L, NS, GD, GWD), z1, ones)
    deg3 = deg.reshape(L, NP, 1)
    g = _g_matmul(xp, W, deg3)
    agg = agg_k(srcp.reshape(L, NS * NCH, CH, GW),
                dstp.reshape(L, NS * NCH, CH, GW),
                g.reshape(L * NP, DOUT), z2)
    outp = _final(agg, deg3, xp, W, b.reshape(L, 1, DOUT))
    return outp[:N]

# --- scband reference (transcript-rebuilt; emitter-appended) ---
"""Pipeline reference for scband-rgcn-layer-34445637714071 (READ-ONLY COPY).

The authoritative reference and input builder live on the scoring server;
editing this copy changes nothing except your own understanding.
"""

import jax, jax.numpy as jnp
import numpy as np

N = 10000
E = 320000
L = 4
D_IN = 128
D_OUT = 128


def _gcn_conv(x, src, dst, W, b, num_nodes):
    # PyG GCNConv: add self-loops, symmetric normalization, linear transform,
    # scatter-add aggregation at dst, plus bias.
    loop = jnp.arange(num_nodes, dtype=src.dtype)
    src = jnp.concatenate([src, loop])
    dst = jnp.concatenate([dst, loop])
    ones = jnp.ones(src.shape[0], dtype=x.dtype)
    deg = jnp.zeros((num_nodes,), dtype=x.dtype).at[dst].add(ones)
    deg_inv_sqrt = jnp.where(deg > 0, jax.lax.rsqrt(jnp.maximum(deg, 1e-12)), 0.0)
    norm = deg_inv_sqrt[src] * deg_inv_sqrt[dst]
    h = x @ W  # [N, D_OUT]
    msg = h[src] * norm[:, None]  # gather + scale
    agg = jnp.zeros((num_nodes, h.shape[1]), dtype=x.dtype).at[dst].add(msg)
    return agg + b


def setup_inputs(seed: int = 0) -> dict:
    key = jax.random.key(seed)
    k1, k2, k3 = jax.random.split(key, 3)
    x = jax.random.normal(k1, (N, D_IN), dtype=jnp.float32)
    edge_index = jax.random.randint(k2, (L, 2, E), 0, N, dtype=jnp.int32)
    # One GCNConv weight/bias per rewiring sublayer
    W = jax.random.normal(k3, (L, D_IN, D_OUT), dtype=jnp.float32) * (1.0 / np.sqrt(D_IN))
    b = jnp.zeros((L, D_OUT), dtype=jnp.float32)
    return {"x": x, "edge_index": edge_index, "W": W, "b": b}


def reference(x, edge_index, W, b):
    num_nodes = x.shape[0]
    out = jnp.zeros((num_nodes, W.shape[-1]), dtype=x.dtype)
    for i in range(edge_index.shape[0]):
        out = out + _gcn_conv(x, edge_index[i, 0], edge_index[i, 1], W[i], b[i], num_nodes)
    return out

if __name__ == "__main__":
    import jax
    _d = setup_inputs()
    print(jax.jit(kernel)(*tuple(_d.values())))

</pallas_src>

<mosaic_0001>
#map = affine_map<(d0, d1) -> (0, 0, 0, 0)>
#map1 = affine_map<(d0, d1) -> (0, 0)>
#map2 = affine_map<(d0, d1) -> (0, 0, 0)>
module attributes {stable_mosaic.version = 14 : i64} {
  func.func @_agg_body(%arg0: i32, %arg1: i32, %arg2: memref<4x448x6x120xi32, #tpu.memory_space<hbm>>, %arg3: memref<4x448x6x120xi32, #tpu.memory_space<hbm>>, %arg4: memref<40960x128xf32, #tpu.memory_space<hbm>>, %arg5: memref<10240x128xf32, #tpu.memory_space<hbm>>, %arg6: memref<4x10112x128xf32, #tpu.memory_space<hbm>>, %arg7: memref<10112x128xf32, #tpu.memory_space<vmem_shared>>, %arg8: memref<6x120xi32, #tpu.memory_space<vmem>>, %arg9: memref<6x120xi32, #tpu.memory_space<vmem>>, %arg10: memref<6x120xi32, #tpu.memory_space<vmem>>, %arg11: memref<120x128xf32, #tpu.memory_space<vmem>>, %arg12: memref<120x128xf32, #tpu.memory_space<vmem>>, %arg13: memref<120x128xf32, #tpu.memory_space<vmem>>, %arg14: memref<!tpu.dma_semaphore, #tpu.memory_space<semaphore_mem>>, %arg15: memref<!tpu.dma_semaphore, #tpu.memory_space<semaphore_mem>>, %arg16: memref<!tpu.dma_semaphore, #tpu.memory_space<semaphore_mem>>) attributes {dimension_semantics = [#tpu.dimension_semantics<core_parallel>, #tpu.dimension_semantics<subcore_parallel>], iteration_bounds = array<i64: 2, 16>, scalar_prefetch = 0 : i64, scratch_operands = 10 : i64, tpu.core_type = #tpu.core_type<sc_vector_subcore>, window_params = [{transform_indices = #map}, {transform_indices = #map}, {transform_indices = #map1}, {transform_indices = #map1}, {transform_indices = #map2}]} {
    %mul3A = arith.constant 632 : i32
    %mul3A_0 = arith.muli %arg1, %mul3A : i32
    %mul3A_1 = arith.constant 2 : i32
    %mul3A_2 = arith.muli %arg0, %mul3A_1 : i32
    %add3A = arith.constant 0 : i32
    %add3A_3 = arith.addi %mul3A_2, %add3A : i32
    %mul3A_4 = arith.constant 28 : i32
    %mul3A_5 = arith.muli %arg1, %mul3A_4 : i32
    "tpu.region"() ({
      %run_scoped3A = tpu.sem_alloc : memref<!tpu.dma_semaphore, #tpu.memory_space<semaphore_mem>>
      %dma_start3A_711 = arith.constant 0 : i32
      %dma_start3A_712 = tpu.memref_slice %arg7[%mul3A_0, %dma_start3A_711] : memref<10112x128xf32, #tpu.memory_space<vmem_shared>> -> memref<632x128xf32, #tpu.memory_space<vmem_shared>>
      %dma_start3A_713 = arith.constant 0 : i32
      %dma_start3A_714 = tpu.memref_slice %arg5[%mul3A_0, %dma_start3A_713] : memref<10240x128xf32, #tpu.memory_space<hbm>> -> memref<632x128xf32, #tpu.memory_space<hbm>>
      tpu.enqueue_dma source(%dma_start3A_714 : memref<632x128xf32, #tpu.memory_space<hbm>>) target(%dma_start3A_712 : memref<632x128xf32, #tpu.memory_space<vmem_shared>>) target_semaphore(%run_scoped3A : memref<!tpu.dma_semaphore, #tpu.memory_space<semaphore_mem>>)
      %dma_wait3A_715 = arith.constant 0 : i32
      %dma_wait3A_716 = tpu.memref_slice %arg7[%mul3A_0, %dma_wait3A_715] : memref<10112x128xf32, #tpu.memory_space<vmem_shared>> -> memref<632x128xf32, #tpu.memory_space<vmem_shared>>
      %dma_wait3A_717 = arith.constant 0 : i32
      %dma_wait3A_718 = tpu.memref_slice %arg5[%mul3A_0, %dma_wait3A_717] : memref<10240x128xf32, #tpu.memory_space<hbm>> -> memref<632x128xf32, #tpu.memory_space<hbm>>
      tpu.wait_dma2 semaphore(%run_scoped3A : memref<!tpu.dma_semaphore, #tpu.memory_space<semaphore_mem>>) src(%dma_wait3A_718 : memref<632x128xf32, #tpu.memory_space<hbm>>) dst(%dma_wait3A_716 : memref<632x128xf32, #tpu.memory_space<vmem_shared>>)
      tpu.yield
    }) : () -> ()
    %barrier3A = arith.constant 0 : index
    tpu.barrier barrier_id(%barrier3A)
    "tpu.region"() ({
      %run_scoped3A = tpu.sem_alloc : memref<!tpu.dma_semaphore, #tpu.memory_space<semaphore_mem>>
      %dma_start3A_711 = arith.constant 0 : i32
      %dma_start3A_712 = arith.constant 0 : i32
      %dma_start3A_713 = tpu.memref_slice %arg2[%add3A_3, %mul3A_5, %dma_start3A_711, %dma_start3A_712] : memref<4x448x6x120xi32, #tpu.memory_space<hbm>> -> memref<1x1x6x120xi32, #tpu.memory_space<hbm>>
      %dma_start3A_714 = tpu.memref_squeeze %dma_start3A_713 : memref<1x1x6x120xi32, #tpu.memory_space<hbm>> -> memref<6x120xi32, #tpu.memory_space<hbm>>
      %dma_start3A_715 = arith.constant 0 : i32
      %dma_start3A_716 = arith.constant 0 : i32
      %dma_start3A_717 = tpu.memref_slice %arg2[%add3A_3, %mul3A_5, %dma_start3A_715, %dma_start3A_716] : memref<4x448x6x120xi32, #tpu.memory_space<hbm>> -> memref<1x1x6x120xi32, #tpu.memory_space<hbm>>
      %dma_start3A_718 = tpu.memref_squeeze %dma_start3A_717 : memref<1x1x6x120xi32, #tpu.memory_space<hbm>> -> memref<6x120xi32, #tpu.memory_space<hbm>>
      tpu.enqueue_dma source(%dma_start3A_718 : memref<6x120xi32, #tpu.memory_space<hbm>>) target(%arg8 : memref<6x120xi32, #tpu.memory_space<vmem>>) target_semaphore(%run_scoped3A : memref<!tpu.dma_semaphore, #tpu.memory_space<semaphore_mem>>)
      %dma_wait3A_719 = arith.constant 0 : i32
      %dma_wait3A_720 = arith.constant 0 : i32
      %dma_wait3A_721 = tpu.memref_slice %arg2[%add3A_3, %mul3A_5, %dma_wait3A_719, %dma_wait3A_720] : memref<4x448x6x120xi32, #tpu.memory_space<hbm>> -> memref<1x1x6x120xi32, #tpu.memory_space<hbm>>
      %dma_wait3A_722 = tpu.memref_squeeze %dma_wait3A_721 : memref<1x1x6x120xi32, #tpu.memory_space<hbm>> -> memref<6x120xi32, #tpu.memory_space<hbm>>
      %dma_wait3A_723 = arith.constant 0 : i32
      %dma_wait3A_724 = arith.constant 0 : i32
      %dma_wait3A_725 = tpu.memref_slice %arg2[%add3A_3, %mul3A_5, %dma_wait3A_723, %dma_wait3A_724] : memref<4x448x6x120xi32, #tpu.memory_space<hbm>> -> memref<1x1x6x120xi32, #tpu.memory_space<hbm>>
      %dma_wait3A_726 = tpu.memref_squeeze %dma_wait3A_725 : memref<1x1x6x120xi32, #tpu.memory_space<hbm>> -> memref<6x120xi32, #tpu.memory_space<hbm>>
      tpu.wait_dma2 semaphore(%run_scoped3A : memref<!tpu.dma_semaphore, #tpu.memory_space<semaphore_mem>>) src(%dma_wait3A_726 : memref<6x120xi32, #tpu.memory_space<hbm>>) dst(%arg8 : memref<6x120xi32, #tpu.memory_space<vmem>>)
      tpu.yield
    }) : () -> ()
    "tpu.region"() ({
      %run_scoped3A = tpu.sem_alloc : memref<!tpu.dma_semaphore, #tpu.memory_space<semaphore_mem>>
      %dma_start3A_711 = arith.constant 0 : i32
      %dma_start3A_712 = arith.constant 0 : i32
      %dma_start3A_713 = tpu.memref_slice %arg3[%add3A_3, %mul3A_5, %dma_start3A_711, %dma_start3A_712] : memref<4x448x6x120xi32, #tpu.memory_space<hbm>> -> memref<1x1x6x120xi32, #tpu.memory_space<hbm>>
      %dma_start3A_714 = tpu.memref_squeeze %dma_start3A_713 : memref<1x1x6x120xi32, #tpu.memory_space<hbm>> -> memref<6x120xi32, #tpu.memory_space<hbm>>
      %dma_start3A_715 = arith.constant 0 : i32
      %dma_start3A_716 = arith.constant 0 : i32
      %dma_start3A_717 = tpu.memref_slice %arg3[%add3A_3, %mul3A_5, %dma_start3A_715, %dma_start3A_716] : memref<4x448x6x120xi32, #tpu.memory_space<hbm>> -> memref<1x1x6x120xi32, #tpu.memory_space<hbm>>
      %dma_start3A_718 = tpu.memref_squeeze %dma_start3A_717 : memref<1x1x6x120xi32, #tpu.memory_space<hbm>> -> memref<6x120xi32, #tpu.memory_space<hbm>>
      tpu.enqueue_dma source(%dma_start3A_718 : memref<6x120xi32, #tpu.memory_space<hbm>>) target(%arg9 : memref<6x120xi32, #tpu.memory_space<vmem>>) target_semaphore(%run_scoped3A : memref<!tpu.dma_semaphore, #tpu.memory_space<semaphore_mem>>)
      %dma_wait3A_719 = arith.constant 0 : i32
      %dma_wait3A_720 = arith.constant 0 : i32
      %dma_wait3A_721 = tpu.memref_slice %arg3[%add3A_3, %mul3A_5, %dma_wait3A_719, %dma_wait3A_720] : memref<4x448x6x120xi32, #tpu.memory_space<hbm>> -> memref<1x1x6x120xi32, #tpu.memory_space<hbm>>
      %dma_wait3A_722 = tpu.memref_squeeze %dma_wait3A_721 : memref<1x1x6x120xi32, #tpu.memory_space<hbm>> -> memref<6x120xi32, #tpu.memory_space<hbm>>
      %dma_wait3A_723 = arith.constant 0 : i32
      %dma_wait3A_724 = arith.constant 0 : i32
      %dma_wait3A_725 = tpu.memref_slice %arg3[%add3A_3, %mul3A_5, %dma_wait3A_723, %dma_wait3A_724] : memref<4x448x6x120xi32, #tpu.memory_space<hbm>> -> memref<1x1x6x120xi32, #tpu.memory_space<hbm>>
      %dma_wait3A_726 = tpu.memref_squeeze %dma_wait3A_725 : memref<1x1x6x120xi32, #tpu.memory_space<hbm>> -> memref<6x120xi32, #tpu.memory_space<hbm>>
      tpu.wait_dma2 semaphore(%run_scoped3A : memref<!tpu.dma_semaphore, #tpu.memory_space<semaphore_mem>>) src(%dma_wait3A_726 : memref<6x120xi32, #tpu.memory_space<hbm>>) dst(%arg9 : memref<6x120xi32, #tpu.memory_space<vmem>>)
      tpu.yield
    }) : () -> ()
    %dma_start3A = arith.constant 0 : i32
    %dma_start3A_6 = arith.constant 0 : i32
    %dma_start3A_7 = tpu.memref_slice %arg8[%dma_start3A, %dma_start3A_6] : memref<6x120xi32, #tpu.memory_space<vmem>> -> memref<1x120xi32, #tpu.memory_space<vmem>>
    %dma_start3A_8 = tpu.memref_squeeze %dma_start3A_7 : memref<1x120xi32, #tpu.memory_space<vmem>> -> memref<120xi32, #tpu.memory_space<vmem>>
    %dma_start3A_9 = arith.constant 0 : i32
    %dma_start3A_10 = arith.constant 0 : i32
    %dma_start3A_11 = tpu.memref_slice %arg4[%dma_start3A_9, %dma_start3A_10] : memref<40960x128xf32, #tpu.memory_space<hbm>> -> memref<40960x128xf32, #tpu.memory_space<hbm>>
    tpu.enqueue_indirect_dma source(%dma_start3A_11 : memref<40960x128xf32, #tpu.memory_space<hbm>>) target(%arg11 : memref<120x128xf32, #tpu.memory_space<vmem>>) offsets(%dma_start3A_8 : memref<120xi32, #tpu.memory_space<vmem>>) semaphore(%arg14 : memref<!tpu.dma_semaphore, #tpu.memory_space<semaphore_mem>>)
    %dma_start3A_12 = arith.constant 1 : i32
    %dma_start3A_13 = arith.constant 0 : i32
    %dma_start3A_14 = tpu.memref_slice %arg8[%dma_start3A_12, %dma_start3A_13] : memref<6x120xi32, #tpu.memory_space<vmem>> -> memref<1x120xi32, #tpu.memory_space<vmem>>
    %dma_start3A_15 = tpu.memref_squeeze %dma_start3A_14 : memref<1x120xi32, #tpu.memory_space<vmem>> -> memref<120xi32, #tpu.memory_space<vmem>>
    %dma_start3A_16 = arith.constant 0 : i32
    %dma_start3A_17 = arith.constant 0 : i32
    %dma_start3A_18 = tpu.memref_slice %arg4[%dma_start3A_16, %dma_start3A_17] : memref<40960x128xf32, #tpu.memory_space<hbm>> -> memref<40960x128xf32, #tpu.memory_space<hbm>>
    tpu.enqueue_indirect_dma source(%dma_start3A_18 : memref<40960x128xf32, #tpu.memory_space<hbm>>) target(%arg12 : memref<120x128xf32, #tpu.memory_space<vmem>>) offsets(%dma_start3A_15 : memref<120xi32, #tpu.memory_space<vmem>>) semaphore(%arg15 : memref<!tpu.dma_semaphore, #tpu.memory_space<semaphore_mem>>)
    %dma_start3A_19 = arith.constant 2 : i32
    %dma_start3A_20 = arith.constant 0 : i32
    %dma_start3A_21 = tpu.memref_slice %arg8[%dma_start3A_19, %dma_start3A_20] : memref<6x120xi32, #tpu.memory_space<vmem>> -> memref<1x120xi32, #tpu.memory_space<vmem>>
    %dma_start3A_22 = tpu.memref_squeeze %dma_start3A_21 : memref<1x120xi32, #tpu.memory_space<vmem>> -> memref<120xi32, #tpu.memory_space<vmem>>
    %dma_start3A_23 = arith.constant 0 : i32
    %dma_start3A_24 = arith.constant 0 : i32
    %dma_start3A_25 = tpu.memref_slice %arg4[%dma_start3A_23, %dma_start3A_24] : memref<40960x128xf32, #tpu.memory_space<hbm>> -> memref<40960x128xf32, #tpu.memory_space<hbm>>
    tpu.enqueue_indirect_dma source(%dma_start3A_25 : memref<40960x128xf32, #tpu.memory_space<hbm>>) target(%arg13 : memref<120x128xf32, #tpu.memory_space<vmem>>) offsets(%dma_start3A_22 : memref<120xi32, #tpu.memory_space<vmem>>) semaphore(%arg16 : memref<!tpu.dma_semaphore, #tpu.memory_space<semaphore_mem>>)
    %dma_wait3A = arith.constant 0 : i32
    %dma_wait3A_26 = arith.constant 0 : i32
    %dma_wait3A_27 = tpu.memref_slice %arg8[%dma_wait3A, %dma_wait3A_26] : memref<6x120xi32, #tpu.memory_space<vmem>> -> memref<1x120xi32, #tpu.memory_space<vmem>>
    %dma_wait3A_28 = tpu.memref_squeeze %dma_wait3A_27 : memref<1x120xi32, #tpu.memory_space<vmem>> -> memref<120xi32, #tpu.memory_space<vmem>>
    %dma_wait3A_29 = arith.constant 0 : i32
    %dma_wait3A_30 = arith.constant 0 : i32
    %dma_wait3A_31 = tpu.memref_slice %arg4[%dma_wait3A_29, %dma_wait3A_30] : memref<40960x128xf32, #tpu.memory_space<hbm>> -> memref<40960x128xf32, #tpu.memory_space<hbm>>
    tpu.wait_indirect_dma semaphore(%arg14 : memref<!tpu.dma_semaphore, #tpu.memory_space<semaphore_mem>>) src(%dma_wait3A_31 : memref<40960x128xf32, #tpu.memory_space<hbm>>) dst(%arg11 : memref<120x128xf32, #tpu.memory_space<vmem>>)
    %dma_start3A_32 = arith.constant 0 : i32
    %dma_start3A_33 = arith.constant 0 : i32
    %dma_start3A_34 = tpu.memref_slice %arg9[%dma_start3A_32, %dma_start3A_33] : memref<6x120xi32, #tpu.memory_space<vmem>> -> memref<1x120xi32, #tpu.memory_space<vmem>>
    %dma_start3A_35 = tpu.memref_squeeze %dma_start3A_34 : memref<1x120xi32, #tpu.memory_space<vmem>> -> memref<120xi32, #tpu.memory_space<vmem>>
    %dma_start3A_36 = arith.constant 0 : i32
    %dma_start3A_37 = arith.constant 0 : i32
    %dma_start3A_38 = tpu.memref_slice %arg7[%dma_start3A_36, %dma_start3A_37] : memref<10112x128xf32, #tpu.memory_space<vmem_shared>> -> memref<10112x128xf32, #tpu.memory_space<vmem_shared>>
    tpu.enqueue_indirect_dma source(%arg11 : memref<120x128xf32, #tpu.memory_space<vmem>>) target(%dma_start3A_38 : memref<10112x128xf32, #tpu.memory_space<vmem_shared>>) offsets(%dma_start3A_35 : memref<120xi32, #tpu.memory_space<vmem>>) semaphore(%arg14 : memref<!tpu.dma_semaphore, #tpu.memory_space<semaphore_mem>>) {add = true}
    %dma_wait3A_39 = arith.constant 0 : i32
    %dma_wait3A_40 = arith.constant 0 : i32
    %dma_wait3A_41 = tpu.memref_slice %arg8[%dma_wait3A_39, %dma_wait3A_40] : memref<6x120xi32, #tpu.memory_space<vmem>> -> memref<1x120xi32, #tpu.memory_space<vmem>>
    %dma_wait3A_42 = tpu.memref_squeeze %dma_wait3A_41 : memref<1x120xi32, #tpu.memory_space<vmem>> -> memref<120xi32, #tpu.memory_space<vmem>>
    %dma_wait3A_43 = arith.constant 0 : i32
    %dma_wait3A_44 = arith.constant 0 : i32
    %dma_wait3A_45 = tpu.memref_slice %arg4[%dma_wait3A_43, %dma_wait3A_44] : memref<40960x128xf32, #tpu.memory_space<hbm>> -> memref<40960x128xf32, #tpu.memory_space<hbm>>
    tpu.wait_indirect_dma semaphore(%arg15 : memref<!tpu.dma_semaphore, #tpu.memory_space<semaphore_mem>>) src(%dma_wait3A_45 : memref<40960x128xf32, #tpu.memory_space<hbm>>) dst(%arg12 : memref<120x128xf32, #tpu.memory_space<vmem>>)
    %dma_start3A_46 = arith.constant 1 : i32
    %dma_start3A_47 = arith.constant 0 : i32
    %dma_start3A_48 = tpu.memref_slice %arg9[%dma_start3A_46, %dma_start3A_47] : memref<6x120xi32, #tpu.memory_space<vmem>> -> memref<1x120xi32, #tpu.memory_space<vmem>>
    %dma_start3A_49 = tpu.memref_squeeze %dma_start3A_48 : memref<1x120xi32, #tpu.memory_space<vmem>> -> memref<120xi32, #tpu.memory_space<vmem>>
    %dma_start3A_50 = arith.constant 0 : i32
    %dma_start3A_51 = arith.constant 0 : i32
    %dma_start3A_52 = tpu.memref_slice %arg7[%dma_start3A_50, %dma_start3A_51] : memref<10112x128xf32, #tpu.memory_space<vmem_shared>> -> memref<10112x128xf32, #tpu.memory_space<vmem_shared>>
    tpu.enqueue_indirect_dma source(%arg12 : memref<120x128xf32, #tpu.memory_space<vmem>>) target(%dma_start3A_52 : memref<10112x128xf32, #tpu.memory_space<vmem_shared>>) offsets(%dma_start3A_49 : memref<120xi32, #tpu.memory_space<vmem>>) semaphore(%arg15 : memref<!tpu.dma_semaphore, #tpu.memory_space<semaphore_mem>>) {add = true}
    %dma_wait3A_53 = arith.constant 0 : i32
    %dma_wait3A_54 = arith.constant 0 : i32
    %dma_wait3A_55 = tpu.memref_slice %arg8[%dma_wait3A_53, %dma_wait3A_54] : memref<6x120xi32, #tpu.memory_space<vmem>> -> memref<1x120xi32, #tpu.memory_space<vmem>>
    %dma_wait3A_56 = tpu.memref_squeeze %dma_wait3A_55 : memref<1x120xi32, #tpu.memory_space<vmem>> -> memref<120xi32, #tpu.memory_space<vmem>>
    %dma_wait3A_57 = arith.constant 0 : i32
    %dma_wait3A_58 = arith.constant 0 : i32
    %dma_wait3A_59 = tpu.memref_slice %arg4[%dma_wait3A_57, %dma_wait3A_58] : memref<40960x128xf32, #tpu.memory_space<hbm>> -> memref<40960x128xf32, #tpu.memory_space<hbm>>
    tpu.wait_indirect_dma semaphore(%arg16 : memref<!tpu.dma_semaphore, #tpu.memory_space<semaphore_mem>>) src(%dma_wait3A_59 : memref<40960x128xf32, #tpu.memory_space<hbm>>) dst(%arg13 : memref<120x128xf32, #tpu.memory_space<vmem>>)
    %dma_start3A_60 = arith.constant 2 : i32
    %dma_start3A_61 = arith.constant 0 : i32
    %dma_start3A_62 = tpu.memref_slice %arg9[%dma_start3A_60, %dma_start3A_61] : memref<6x120xi32, #tpu.memory_space<vmem>> -> memref<1x120xi32, #tpu.memory_space<vmem>>
    %dma_start3A_63 = tpu.memref_squeeze %dma_start3A_62 : memref<1x120xi32, #tpu.memory_space<vmem>> -> memref<120xi32, #tpu.memory_space<vmem>>
    %dma_start3A_64 = arith.constant 0 : i32
    %dma_start3A_65 = arith.constant 0 : i32
    %dma_start3A_66 = tpu.memref_slice %arg7[%dma_start3A_64, %dma_start3A_65] : memref<10112x128xf32, #tpu.memory_space<vmem_shared>> -> memref<10112x128xf32, #tpu.memory_space<vmem_shared>>
    tpu.enqueue_indirect_dma source(%arg13 : memref<120x128xf32, #tpu.memory_space<vmem>>) target(%dma_start3A_66 : memref<10112x128xf32, #tpu.memory_space<vmem_shared>>) offsets(%dma_start3A_63 : memref<120xi32, #tpu.memory_space<vmem>>) semaphore(%arg16 : memref<!tpu.dma_semaphore, #tpu.memory_space<semaphore_mem>>) {add = true}
    %dma_wait3A_67 = arith.constant 0 : i32
    %dma_wait3A_68 = arith.constant 0 : i32
    %dma_wait3A_69 = tpu.memref_slice %arg8[%dma_wait3A_67, %dma_wait3A_68] : memref<6x120xi32, #tpu.memory_space<vmem>> -> memref<1x120xi32, #tpu.memory_space<vmem>>
    %dma_wait3A_70 = tpu.memref_squeeze %dma_wait3A_69 : memref<1x120xi32, #tpu.memory_space<vmem>> -> memref<120xi32, #tpu.memory_space<vmem>>
    %dma_wait3A_71 = arith.constant 0 : i32
    %dma_wait3A_72 = arith.constant 0 : i32
    %dma_wait3A_73 = tpu.memref_slice %arg4[%dma_wait3A_71, %dma_wait3A_72] : memref<40960x128xf32, #tpu.memory_space<hbm>> -> memref<40960x128xf32, #tpu.memory_space<hbm>>
    tpu.wait_indirect_dma semaphore(%arg14 : memref<!tpu.dma_semaphore, #tpu.memory_space<semaphore_mem>>) src(%dma_wait3A_73 : memref<40960x128xf32, #tpu.memory_space<hbm>>) dst(%arg11 : memref<120x128xf32, #tpu.memory_space<vmem>>)
    %dma_start3A_74 = arith.constant 3 : i32
    %dma_start3A_75 = arith.constant 0 : i32
    %dma_start3A_76 = tpu.memref_slice %arg8[%dma_start3A_74, %dma_start3A_75] : memref<6x120xi32, #tpu.memory_space<vmem>> -> memref<1x120xi32, #tpu.memory_space<vmem>>
    %dma_start3A_77 = tpu.memref_squeeze %dma_start3A_76 : memref<1x120xi32, #tpu.memory_space<vmem>> -> memref<120xi32, #tpu.memory_space<vmem>>
    %dma_start3A_78 = arith.constant 0 : i32
    %dma_start3A_79 = arith.constant 0 : i32
    %dma_start3A_80 = tpu.memref_slice %arg4[%dma_start3A_78, %dma_start3A_79] : memref<40960x128xf32, #tpu.memory_space<hbm>> -> memref<40960x128xf32, #tpu.memory_space<hbm>>
    tpu.enqueue_indirect_dma source(%dma_start3A_80 : memref<40960x128xf32, #tpu.memory_space<hbm>>) target(%arg11 : memref<120x128xf32, #tpu.memory_space<vmem>>) offsets(%dma_start3A_77 : memref<120xi32, #tpu.memory_space<vmem>>) semaphore(%arg14 : memref<!tpu.dma_semaphore, #tpu.memory_space<semaphore_mem>>)
    %dma_wait3A_81 = arith.constant 0 : i32
    %dma_wait3A_82 = arith.constant 0 : i32
    %dma_wait3A_83 = tpu.memref_slice %arg8[%dma_wait3A_81, %dma_wait3A_82] : memref<6x120xi32, #tpu.memory_space<vmem>> -> memref<1x120xi32, #tpu.memory_space<vmem>>
    %dma_wait3A_84 = tpu.memref_squeeze %dma_wait3A_83 : memref<1x120xi32, #tpu.memory_space<vmem>> -> memref<120xi32, #tpu.memory_space<vmem>>
    %dma_wait3A_85 = arith.constant 0 : i32
    %dma_wait3A_86 = arith.constant 0 : i32
    %dma_wait3A_87 = tpu.memref_slice %arg4[%dma_wait3A_85, %dma_wait3A_86] : memref<40960x128xf32, #tpu.memory_space<hbm>> -> memref<40960x128xf32, #tpu.memory_space<hbm>>
    tpu.wait_indirect_dma semaphore(%arg15 : memref<!tpu.dma_semaphore, #tpu.memory_space<semaphore_mem>>) src(%dma_wait3A_87 : memref<40960x128xf32, #tpu.memory_space<hbm>>) dst(%arg12 : memref<120x128xf32, #tpu.memory_space<vmem>>)
    %dma_start3A_88 = arith.constant 4 : i32
    %dma_start3A_89 = arith.constant 0 : i32
    %dma_start3A_90 = tpu.memref_slice %arg8[%dma_start3A_88, %dma_start3A_89] : memref<6x120xi32, #tpu.memory_space<vmem>> -> memref<1x120xi32, #tpu.memory_space<vmem>>
    %dma_start3A_91 = tpu.memref_squeeze %dma_start3A_90 : memref<1x120xi32, #tpu.memory_space<vmem>> -> memref<120xi32, #tpu.memory_space<vmem>>
    %dma_start3A_92 = arith.constant 0 : i32
    %dma_start3A_93 = arith.constant 0 : i32
    %dma_start3A_94 = tpu.memref_slice %arg4[%dma_start3A_92, %dma_start3A_93] : memref<40960x128xf32, #tpu.memory_space<hbm>> -> memref<40960x128xf32, #tpu.memory_space<hbm>>
    tpu.enqueue_indirect_dma source(%dma_start3A_94 : memref<40960x128xf32, #tpu.memory_space<hbm>>) target(%arg12 : memref<120x128xf32, #tpu.memory_space<vmem>>) offsets(%dma_start3A_91 : memref<120xi32, #tpu.memory_space<vmem>>) semaphore(%arg15 : memref<!tpu.dma_semaphore, #tpu.memory_space<semaphore_mem>>)
    %dma_wait3A_95 = arith.constant 0 : i32
    %dma_wait3A_96 = arith.constant 0 : i32
    %dma_wait3A_97 = tpu.memref_slice %arg8[%dma_wait3A_95, %dma_wait3A_96] : memref<6x120xi32, #tpu.memory_space<vmem>> -> memref<1x120xi32, #tpu.memory_space<vmem>>
    %dma_wait3A_98 = tpu.memref_squeeze %dma_wait3A_97 : memref<1x120xi32, #tpu.memory_space<vmem>> -> memref<120xi32, #tpu.memory_space<vmem>>
    %dma_wait3A_99 = arith.constant 0 : i32
    %dma_wait3A_100 = arith.constant 0 : i32
    %dma_wait3A_101 = tpu.memref_slice %arg4[%dma_wait3A_99, %dma_wait3A_100] : memref<40960x128xf32, #tpu.memory_space<hbm>> -> memref<40960x128xf32, #tpu.memory_space<hbm>>
    tpu.wait_indirect_dma semaphore(%arg16 : memref<!tpu.dma_semaphore, #tpu.memory_space<semaphore_mem>>) src(%dma_wait3A_101 : memref<40960x128xf32, #tpu.memory_space<hbm>>) dst(%arg13 : memref<120x128xf32, #tpu.memory_space<vmem>>)
    %dma_start3A_102 = arith.constant 5 : i32
    %dma_start3A_103 = arith.constant 0 : i32
    %dma_start3A_104 = tpu.memref_slice %arg8[%dma_start3A_102, %dma_start3A_103] : memref<6x120xi32, #tpu.memory_space<vmem>> -> memref<1x120xi32, #tpu.memory_space<vmem>>
    %dma_start3A_105 = tpu.memref_squeeze %dma_start3A_104 : memref<1x120xi32, #tpu.memory_space<vmem>> -> memref<120xi32, #tpu.memory_space<vmem>>
    %dma_start3A_106 = arith.constant 0 : i32
    %dma_start3A_107 = arith.constant 0 : i32
    %dma_start3A_108 = tpu.memref_slice %arg4[%dma_start3A_106, %dma_start3A_107] : memref<40960x128xf32, #tpu.memory_space<hbm>> -> memref<40960x128xf32, #tpu.memory_space<hbm>>
    tpu.enqueue_indirect_dma source(%dma_start3A_108 : memref<40960x128xf32, #tpu.memory_space<hbm>>) target(%arg13 : memref<120x128xf32, #tpu.memory_space<vmem>>) offsets(%dma_start3A_105 : memref<120xi32, #tpu.memory_space<vmem>>) semaphore(%arg16 : memref<!tpu.dma_semaphore, #tpu.memory_space<semaphore_mem>>)
    %dma_wait3A_109 = arith.constant 0 : i32
    %dma_wait3A_110 = arith.constant 0 : i32
    %dma_wait3A_111 = tpu.memref_slice %arg8[%dma_wait3A_109, %dma_wait3A_110] : memref<6x120xi32, #tpu.memory_space<vmem>> -> memref<1x120xi32, #tpu.memory_space<vmem>>
    %dma_wait3A_112 = tpu.memref_squeeze %dma_wait3A_111 : memref<1x120xi32, #tpu.memory_space<vmem>> -> memref<120xi32, #tpu.memory_space<vmem>>
    %dma_wait3A_113 = arith.constant 0 : i32
    %dma_wait3A_114 = arith.constant 0 : i32
    %dma_wait3A_115 = tpu.memref_slice %arg4[%dma_wait3A_113, %dma_wait3A_114] : memref<40960x128xf32, #tpu.memory_space<hbm>> -> memref<40960x128xf32, #tpu.memory_space<hbm>>
    tpu.wait_indirect_dma semaphore(%arg14 : memref<!tpu.dma_semaphore, #tpu.memory_space<semaphore_mem>>) src(%dma_wait3A_115 : memref<40960x128xf32, #tpu.memory_space<hbm>>) dst(%arg11 : memref<120x128xf32, #tpu.memory_space<vmem>>)
    %dma_start3A_116 = arith.constant 3 : i32
    %dma_start3A_117 = arith.constant 0 : i32
    %dma_start3A_118 = tpu.memref_slice %arg9[%dma_start3A_116, %dma_start3A_117] : memref<6x120xi32, #tpu.memory_space<vmem>> -> memref<1x120xi32, #tpu.memory_space<vmem>>
    %dma_start3A_119 = tpu.memref_squeeze %dma_start3A_118 : memref<1x120xi32, #tpu.memory_space<vmem>> -> memref<120xi32, #tpu.memory_space<vmem>>
    %dma_start3A_120 = arith.constant 0 : i32
    %dma_start3A_121 = arith.constant 0 : i32
    %dma_start3A_122 = tpu.memref_slice %arg7[%dma_start3A_120, %dma_start3A_121] : memref<10112x128xf32, #tpu.memory_space<vmem_shared>> -> memref<10112x128xf32, #tpu.memory_space<vmem_shared>>
    tpu.enqueue_indirect_dma source(%arg11 : memref<120x128xf32, #tpu.memory_space<vmem>>) target(%dma_start3A_122 : memref<10112x128xf32, #tpu.memory_space<vmem_shared>>) offsets(%dma_start3A_119 : memref<120xi32, #tpu.memory_space<vmem>>) semaphore(%arg14 : memref<!tpu.dma_semaphore, #tpu.memory_space<semaphore_mem>>) {add = true}
    %dma_wait3A_123 = arith.constant 0 : i32
    %dma_wait3A_124 = arith.constant 0 : i32
    %dma_wait3A_125 = tpu.memref_slice %arg8[%dma_wait3A_123, %dma_wait3A_124] : memref<6x120xi32, #tpu.memory_space<vmem>> -> memref<1x120xi32, #tpu.memory_space<vmem>>
    %dma_wait3A_126 = tpu.memref_squeeze %dma_wait3A_125 : memref<1x120xi32, #tpu.memory_space<vmem>> -> memref<120xi32, #tpu.memory_space<vmem>>
    %dma_wait3A_127 = arith.constant 0 : i32
    %dma_wait3A_128 = arith.constant 0 : i32
    %dma_wait3A_129 = tpu.memref_slice %arg4[%dma_wait3A_127, %dma_wait3A_128] : memref<40960x128xf32, #tpu.memory_space<hbm>> -> memref<40960x128xf32, #tpu.memory_space<hbm>>
    tpu.wait_indirect_dma semaphore(%arg15 : memref<!tpu.dma_semaphore, #tpu.memory_space<semaphore_mem>>) src(%dma_wait3A_129 : memref<40960x128xf32, #tpu.memory_space<hbm>>) dst(%arg12 : memref<120x128xf32, #tpu.memory_space<vmem>>)
    %dma_start3A_130 = arith.constant 4 : i32
    %dma_start3A_131 = arith.constant 0 : i32
    %dma_start3A_132 = tpu.memref_slice %arg9[%dma_start3A_130, %dma_start3A_131] : memref<6x120xi32, #tpu.memory_space<vmem>> -> memref<1x120xi32, #tpu.memory_space<vmem>>
    %dma_start3A_133 = tpu.memref_squeeze %dma_start3A_132 : memref<1x120xi32, #tpu.memory_space<vmem>> -> memref<120xi32, #tpu.memory_space<vmem>>
    %dma_start3A_134 = arith.constant 0 : i32
    %dma_start3A_135 = arith.constant 0 : i32
    %dma_start3A_136 = tpu.memref_slice %arg7[%dma_start3A_134, %dma_start3A_135] : memref<10112x128xf32, #tpu.memory_space<vmem_shared>> -> memref<10112x128xf32, #tpu.memory_space<vmem_shared>>
    tpu.enqueue_indirect_dma source(%arg12 : memref<120x128xf32, #tpu.memory_space<vmem>>) target(%dma_start3A_136 : memref<10112x128xf32, #tpu.memory_space<vmem_shared>>) offsets(%dma_start3A_133 : memref<120xi32, #tpu.memory_space<vmem>>) semaphore(%arg15 : memref<!tpu.dma_semaphore, #tpu.memory_space<semaphore_mem>>) {add = true}
    %dma_wait3A_137 = arith.constant 0 : i32
    %dma_wait3A_138 = arith.constant 0 : i32
    %dma_wait3A_139 = tpu.memref_slice %arg8[%dma_wait3A_137, %dma_wait3A_138] : memref<6x120xi32, #tpu.memory_space<vmem>> -> memref<1x120xi32, #tpu.memory_space<vmem>>
    %dma_wait3A_140 = tpu.memref_squeeze %dma_wait3A_139 : memref<1x120xi32, #tpu.memory_space<vmem>> -> memref<120xi32, #tpu.memory_space<vmem>>
    %dma_wait3A_141 = arith.constant 0 : i32
    %dma_wait3A_142 = arith.constant 0 : i32
    %dma_wait3A_143 = tpu.memref_slice %arg4[%dma_wait3A_141, %dma_wait3A_142] : memref<40960x128xf32, #tpu.memory_space<hbm>> -> memref<40960x128xf32, #tpu.memory_space<hbm>>
    tpu.wait_indirect_dma semaphore(%arg16 : memref<!tpu.dma_semaphore, #tpu.memory_space<semaphore_mem>>) src(%dma_wait3A_143 : memref<40960x128xf32, #tpu.memory_space<hbm>>) dst(%arg13 : memref<120x128xf32, #tpu.memory_space<vmem>>)
    %dma_start3A_144 = arith.constant 5 : i32
    %dma_start3A_145 = arith.constant 0 : i32
    %dma_start3A_146 = tpu.memref_slice %arg9[%dma_start3A_144, %dma_start3A_145] : memref<6x120xi32, #tpu.memory_space<vmem>> -> memref<1x120xi32, #tpu.memory_space<vmem>>
    %dma_start3A_147 = tpu.memref_squeeze %dma_start3A_146 : memref<1x120xi32, #tpu.memory_space<vmem>> -> memref<120xi32, #tpu.memory_space<vmem>>
    %dma_start3A_148 = arith.constant 0 : i32
    %dma_start3A_149 = arith.constant 0 : i32
    %dma_start3A_150 = tpu.memref_slice %arg7[%dma_start3A_148, %dma_start3A_149] : memref<10112x128xf32, #tpu.memory_space<vmem_shared>> -> memref<10112x128xf32, #tpu.memory_space<vmem_shared>>
    tpu.enqueue_indirect_dma source(%arg13 : memref<120x128xf32, #tpu.memory_space<vmem>>) target(%dma_start3A_150 : memref<10112x128xf32, #tpu.memory_space<vmem_shared>>) offsets(%dma_start3A_147 : memref<120xi32, #tpu.memory_space<vmem>>) semaphore(%arg16 : memref<!tpu.dma_semaphore, #tpu.memory_space<semaphore_mem>>) {add = true}
    %scan3A = arith.constant 0 : i32
    %scan3A_151 = arith.constant 0 : i32
    %scan3A_152 = arith.constant 13 : i32
    %scan3A_153 = arith.addi %scan3A_151, %scan3A_152 : i32
    %scan3A_154 = arith.constant 1 : i32
    scf.for %scan3A_711 = %scan3A_151 to %scan3A_153 step %scan3A_154  : i32 {
      %mul3A_712 = arith.constant 2 : i32
      %mul3A_713 = arith.muli %mul3A_712, %scan3A_711 : i32
      %add3A_714 = arith.constant 1 : i32
      %add3A_715 = arith.addi %add3A_714, %mul3A_713 : i32
      %add3A_716 = arith.addi %mul3A_5, %add3A_715 : i32
      %add3A_717 = arith.addi %mul3A_5, %add3A_715 : i32
      "tpu.region"() ({
        %run_scoped3A = tpu.sem_alloc : memref<!tpu.dma_semaphore, #tpu.memory_space<semaphore_mem>>
        %dma_start3A_1060 = arith.constant 0 : i32
        %dma_start3A_1061 = arith.constant 0 : i32
        %dma_start3A_1062 = tpu.memref_slice %arg2[%add3A_3, %add3A_716, %dma_start3A_1060, %dma_start3A_1061] : memref<4x448x6x120xi32, #tpu.memory_space<hbm>> -> memref<1x1x6x120xi32, #tpu.memory_space<hbm>>
        %dma_start3A_1063 = tpu.memref_squeeze %dma_start3A_1062 : memref<1x1x6x120xi32, #tpu.memory_space<hbm>> -> memref<6x120xi32, #tpu.memory_space<hbm>>
        %dma_start3A_1064 = arith.constant 0 : i32
        %dma_start3A_1065 = arith.constant 0 : i32
        %dma_start3A_1066 = tpu.memref_slice %arg2[%add3A_3, %add3A_716, %dma_start3A_1064, %dma_start3A_1065] : memref<4x448x6x120xi32, #tpu.memory_space<hbm>> -> memref<1x1x6x120xi32, #tpu.memory_space<hbm>>
        %dma_start3A_1067 = tpu.memref_squeeze %dma_start3A_1066 : memref<1x1x6x120xi32, #tpu.memory_space<hbm>> -> memref<6x120xi32, #tpu.memory_space<hbm>>
        tpu.enqueue_dma source(%dma_start3A_1067 : memref<6x120xi32, #tpu.memory_space<hbm>>) target(%arg8 : memref<6x120xi32, #tpu.memory_space<vmem>>) target_semaphore(%run_scoped3A : memref<!tpu.dma_semaphore, #tpu.memory_space<semaphore_mem>>)
        %dma_wait3A_1068 = arith.constant 0 : i32
        %dma_wait3A_1069 = arith.constant 0 : i32
        %dma_wait3A_1070 = tpu.memref_slice %arg2[%add3A_3, %add3A_716, %dma_wait3A_1068, %dma_wait3A_1069] : memref<4x448x6x120xi32, #tpu.memory_space<hbm>> -> memref<1x1x6x120xi32, #tpu.memory_space<hbm>>
        %dma_wait3A_1071 = tpu.memref_squeeze %dma_wait3A_1070 : memref<1x1x6x120xi32, #tpu.memory_space<hbm>> -> memref<6x120xi32, #tpu.memory_space<hbm>>
        %dma_wait3A_1072 = arith.constant 0 : i32
        %dma_wait3A_1073 = arith.constant 0 : i32
        %dma_wait3A_1074 = tpu.memref_slice %arg2[%add3A_3, %add3A_716, %dma_wait3A_1072, %dma_wait3A_1073] : memref<4x448x6x120xi32, #tpu.memory_space<hbm>> -> memref<1x1x6x120xi32, #tpu.memory_space<hbm>>
        %dma_wait3A_1075 = tpu.memref_squeeze %dma_wait3A_1074 : memref<1x1x6x120xi32, #tpu.memory_space<hbm>> -> memref<6x120xi32, #tpu.memory_space<hbm>>
        tpu.wait_dma2 semaphore(%run_scoped3A : memref<!tpu.dma_semaphore, #tpu.memory_space<semaphore_mem>>) src(%dma_wait3A_1075 : memref<6x120xi32, #tpu.memory_space<hbm>>) dst(%arg8 : memref<6x120xi32, #tpu.memory_space<vmem>>)
        tpu.yield
      }) : () -> ()
      "tpu.region"() ({
        %run_scoped3A = tpu.sem_alloc : memref<!tpu.dma_semaphore, #tpu.memory_space<semaphore_mem>>
        %dma_start3A_1060 = arith.constant 0 : i32
        %dma_start3A_1061 = arith.constant 0 : i32
        %dma_start3A_1062 = tpu.memref_slice %arg3[%add3A_3, %add3A_717, %dma_start3A_1060, %dma_start3A_1061] : memref<4x448x6x120xi32, #tpu.memory_space<hbm>> -> memref<1x1x6x120xi32, #tpu.memory_space<hbm>>
        %dma_start3A_1063 = tpu.memref_squeeze %dma_start3A_1062 : memref<1x1x6x120xi32, #tpu.memory_space<hbm>> -> memref<6x120xi32, #tpu.memory_space<hbm>>
        %dma_start3A_1064 = arith.constant 0 : i32
        %dma_start3A_1065 = arith.constant 0 : i32
        %dma_start3A_1066 = tpu.memref_slice %arg3[%add3A_3, %add3A_717, %dma_start3A_1064, %dma_start3A_1065] : memref<4x448x6x120xi32, #tpu.memory_space<hbm>> -> memref<1x1x6x120xi32, #tpu.memory_space<hbm>>
        %dma_start3A_1067 = tpu.memref_squeeze %dma_start3A_1066 : memref<1x1x6x120xi32, #tpu.memory_space<hbm>> -> memref<6x120xi32, #tpu.memory_space<hbm>>
        tpu.enqueue_dma source(%dma_start3A_1067 : memref<6x120xi32, #tpu.memory_space<hbm>>) target(%arg10 : memref<6x120xi32, #tpu.memory_space<vmem>>) target_semaphore(%run_scoped3A : memref<!tpu.dma_semaphore, #tpu.memory_space<semaphore_mem>>)
        %dma_wait3A_1068 = arith.constant 0 : i32
        %dma_wait3A_1069 = arith.constant 0 : i32
        %dma_wait3A_1070 = tpu.memref_slice %arg3[%add3A_3, %add3A_717, %dma_wait3A_1068, %dma_wait3A_1069] : memref<4x448x6x120xi32, #tpu.memory_space<hbm>> -> memref<1x1x6x120xi32, #tpu.memory_space<hbm>>
        %dma_wait3A_1071 = tpu.memref_squeeze %dma_wait3A_1070 : memref<1x1x6x120xi32, #tpu.memory_space<hbm>> -> memref<6x120xi32, #tpu.memory_space<hbm>>
        %dma_wait3A_1072 = arith.constant 0 : i32
        %dma_wait3A_1073 = arith.constant 0 : i32
        %dma_wait3A_1074 = tpu.memref_slice %arg3[%add3A_3, %add3A_717, %dma_wait3A_1072, %dma_wait3A_1073] : memref<4x448x6x120xi32, #tpu.memory_space<hbm>> -> memref<1x1x6x120xi32, #tpu.memory_space<hbm>>
        %dma_wait3A_1075 = tpu.memref_squeeze %dma_wait3A_1074 : memref<1x1x6x120xi32, #tpu.memory_space<hbm>> -> memref<6x120xi32, #tpu.memory_space<hbm>>
        tpu.wait_dma2 semaphore(%run_scoped3A : memref<!tpu.dma_semaphore, #tpu.memory_space<semaphore_mem>>) src(%dma_wait3A_1075 : memref<6x120xi32, #tpu.memory_space<hbm>>) dst(%arg10 : memref<6x120xi32, #tpu.memory_space<vmem>>)
        tpu.yield
      }) : () -> ()
      %dma_wait3A_718 = arith.constant 0 : i32
      %dma_wait3A_719 = arith.constant 0 : i32
      %dma_wait3A_720 = tpu.memref_slice %arg8[%dma_wait3A_718, %dma_wait3A_719] : memref<6x120xi32, #tpu.memory_space<vmem>> -> memref<1x120xi32, #tpu.memory_space<vmem>>
      %dma_wait3A_721 = tpu.memref_squeeze %dma_wait3A_720 : memref<1x120xi32, #tpu.memory_space<vmem>> -> memref<120xi32, #tpu.memory_space<vmem>>
      %dma_wait3A_722 = arith.constant 0 : i32
      %dma_wait3A_723 = arith.constant 0 : i32
      %dma_wait3A_724 = tpu.memref_slice %arg4[%dma_wait3A_722, %dma_wait3A_723] : memref<40960x128xf32, #tpu.memory_space<hbm>> -> memref<40960x128xf32, #tpu.memory_space<hbm>>
      tpu.wait_indirect_dma semaphore(%arg14 : memref<!tpu.dma_semaphore, #tpu.memory_space<semaphore_mem>>) src(%dma_wait3A_724 : memref<40960x128xf32, #tpu.memory_space<hbm>>) dst(%arg11 : memref<120x128xf32, #tpu.memory_space<vmem>>)
      %dma_start3A_725 = arith.constant 0 : i32
      %dma_start3A_726 = arith.constant 0 : i32
      %dma_start3A_727 = tpu.memref_slice %arg8[%dma_start3A_725, %dma_start3A_726] : memref<6x120xi32, #tpu.memory_space<vmem>> -> memref<1x120xi32, #tpu.memory_space<vmem>>
      %dma_start3A_728 = tpu.memref_squeeze %dma_start3A_727 : memref<1x120xi32, #tpu.memory_space<vmem>> -> memref<120xi32, #tpu.memory_space<vmem>>
      %dma_start3A_729 = arith.constant 0 : i32
      %dma_start3A_730 = arith.constant 0 : i32
      %dma_start3A_731 = tpu.memref_slice %arg4[%dma_start3A_729, %dma_start3A_730] : memref<40960x128xf32, #tpu.memory_space<hbm>> -> memref<40960x128xf32, #tpu.memory_space<hbm>>
      tpu.enqueue_indirect_dma source(%dma_start3A_731 : memref<40960x128xf32, #tpu.memory_space<hbm>>) target(%arg11 : memref<120x128xf32, #tpu.memory_space<vmem>>) offsets(%dma_start3A_728 : memref<120xi32, #tpu.memory_space<vmem>>) semaphore(%arg14 : memref<!tpu.dma_semaphore, #tpu.memory_space<semaphore_mem>>)
      %dma_wait3A_732 = arith.constant 0 : i32
      %dma_wait3A_733 = arith.constant 0 : i32
      %dma_wait3A_734 = tpu.memref_slice %arg8[%dma_wait3A_732, %dma_wait3A_733] : memref<6x120xi32, #tpu.memory_space<vmem>> -> memref<1x120xi32, #tpu.memory_space<vmem>>
      %dma_wait3A_735 = tpu.memref_squeeze %dma_wait3A_734 : memref<1x120xi32, #tpu.memory_space<vmem>> -> memref<120xi32, #tpu.memory_space<vmem>>
      %dma_wait3A_736 = arith.constant 0 : i32
      %dma_wait3A_737 = arith.constant 0 : i32
      %dma_wait3A_738 = tpu.memref_slice %arg4[%dma_wait3A_736, %dma_wait3A_737] : memref<40960x128xf32, #tpu.memory_space<hbm>> -> memref<40960x128xf32, #tpu.memory_space<hbm>>
      tpu.wait_indirect_dma semaphore(%arg15 : memref<!tpu.dma_semaphore, #tpu.memory_space<semaphore_mem>>) src(%dma_wait3A_738 : memref<40960x128xf32, #tpu.memory_space<hbm>>) dst(%arg12 : memref<120x128xf32, #tpu.memory_space<vmem>>)
      %dma_start3A_739 = arith.constant 1 : i32
      %dma_start3A_740 = arith.constant 0 : i32
      %dma_start3A_741 = tpu.memref_slice %arg8[%dma_start3A_739, %dma_start3A_740] : memref<6x120xi32, #tpu.memory_space<vmem>> -> memref<1x120xi32, #tpu.memory_space<vmem>>
      %dma_start3A_742 = tpu.memref_squeeze %dma_start3A_741 : memref<1x120xi32, #tpu.memory_space<vmem>> -> memref<120xi32, #tpu.memory_space<vmem>>
      %dma_start3A_743 = arith.constant 0 : i32
      %dma_start3A_744 = arith.constant 0 : i32
      %dma_start3A_745 = tpu.memref_slice %arg4[%dma_start3A_743, %dma_start3A_744] : memref<40960x128xf32, #tpu.memory_space<hbm>> -> memref<40960x128xf32, #tpu.memory_space<hbm>>
      tpu.enqueue_indirect_dma source(%dma_start3A_745 : memref<40960x128xf32, #tpu.memory_space<hbm>>) target(%arg12 : memref<120x128xf32, #tpu.memory_space<vmem>>) offsets(%dma_start3A_742 : memref<120xi32, #tpu.memory_space<vmem>>) semaphore(%arg15 : memref<!tpu.dma_semaphore, #tpu.memory_space<semaphore_mem>>)
      %dma_wait3A_746 = arith.constant 0 : i32
      %dma_wait3A_747 = arith.constant 0 : i32
      %dma_wait3A_748 = tpu.memref_slice %arg8[%dma_wait3A_746, %dma_wait3A_747] : memref<6x120xi32, #tpu.memory_space<vmem>> -> memref<1x120xi32, #tpu.memory_space<vmem>>
      %dma_wait3A_749 = tpu.memref_squeeze %dma_wait3A_748 : memref<1x120xi32, #tpu.memory_space<vmem>> -> memref<120xi32, #tpu.memory_space<vmem>>
      %dma_wait3A_750 = arith.constant 0 : i32
      %dma_wait3A_751 = arith.constant 0 : i32
      %dma_wait3A_752 = tpu.memref_slice %arg4[%dma_wait3A_750, %dma_wait3A_751] : memref<40960x128xf32, #tpu.memory_space<hbm>> -> memref<40960x128xf32, #tpu.memory_space<hbm>>
      tpu.wait_indirect_dma semaphore(%arg16 : memref<!tpu.dma_semaphore, #tpu.memory_space<semaphore_mem>>) src(%dma_wait3A_752 : memref<40960x128xf32, #tpu.memory_space<hbm>>) dst(%arg13 : memref<120x128xf32, #tpu.memory_space<vmem>>)
      %dma_start3A_753 = arith.constant 2 : i32
      %dma_start3A_754 = arith.constant 0 : i32
      %dma_start3A_755 = tpu.memref_slice %arg8[%dma_start3A_753, %dma_start3A_754] : memref<6x120xi32, #tpu.memory_space<vmem>> -> memref<1x120xi32, #tpu.memory_space<vmem>>
      %dma_start3A_756 = tpu.memref_squeeze %dma_start3A_755 : memref<1x120xi32, #tpu.memory_space<vmem>> -> memref<120xi32, #tpu.memory_space<vmem>>
      %dma_start3A_757 = arith.constant 0 : i32
      %dma_start3A_758 = arith.constant 0 : i32
      %dma_start3A_759 = tpu.memref_slice %arg4[%dma_start3A_757, %dma_start3A_758] : memref<40960x128xf32, #tpu.memory_space<hbm>> -> memref<40960x128xf32, #tpu.memory_space<hbm>>
      tpu.enqueue_indirect_dma source(%dma_start3A_759 : memref<40960x128xf32, #tpu.memory_space<hbm>>) target(%arg13 : memref<120x128xf32, #tpu.memory_space<vmem>>) offsets(%dma_start3A_756 : memref<120xi32, #tpu.memory_space<vmem>>) semaphore(%arg16 : memref<!tpu.dma_semaphore, #tpu.memory_space<semaphore_mem>>)
      %dma_wait3A_760 = arith.constant 0 : i32
      %dma_wait3A_761 = arith.constant 0 : i32
      %dma_wait3A_762 = tpu.memref_slice %arg8[%dma_wait3A_760, %dma_wait3A_761] : memref<6x120xi32, #tpu.memory_space<vmem>> -> memref<1x120xi32, #tpu.memory_space<vmem>>
      %dma_wait3A_763 = tpu.memref_squeeze %dma_wait3A_762 : memref<1x120xi32, #tpu.memory_space<vmem>> -> memref<120xi32, #tpu.memory_space<vmem>>
      %dma_wait3A_764 = arith.constant 0 : i32
      %dma_wait3A_765 = arith.constant 0 : i32
      %dma_wait3A_766 = tpu.memref_slice %arg4[%dma_wait3A_764, %dma_wait3A_765] : memref<40960x128xf32, #tpu.memory_space<hbm>> -> memref<40960x128xf32, #tpu.memory_space<hbm>>
      tpu.wait_indirect_dma semaphore(%arg14 : memref<!tpu.dma_semaphore, #tpu.memory_space<semaphore_mem>>) src(%dma_wait3A_766 : memref<40960x128xf32, #tpu.memory_space<hbm>>) dst(%arg11 : memref<120x128xf32, #tpu.memory_space<vmem>>)
      %dma_start3A_767 = arith.constant 0 : i32
      %dma_start3A_768 = arith.constant 0 : i32
      %dma_start3A_769 = tpu.memref_slice %arg10[%dma_start3A_767, %dma_start3A_768] : memref<6x120xi32, #tpu.memory_space<vmem>> -> memref<1x120xi32, #tpu.memory_space<vmem>>
      %dma_start3A_770 = tpu.memref_squeeze %dma_start3A_769 : memref<1x120xi32, #tpu.memory_space<vmem>> -> memref<120xi32, #tpu.memory_space<vmem>>
      %dma_start3A_771 = arith.constant 0 : i32
      %dma_start3A_772 = arith.constant 0 : i32
      %dma_start3A_773 = tpu.memref_slice %arg7[%dma_start3A_771, %dma_start3A_772] : memref<10112x128xf32, #tpu.memory_space<vmem_shared>> -> memref<10112x128xf32, #tpu.memory_space<vmem_shared>>
      tpu.enqueue_indirect_dma source(%arg11 : memref<120x128xf32, #tpu.memory_space<vmem>>) target(%dma_start3A_773 : memref<10112x128xf32, #tpu.memory_space<vmem_shared>>) offsets(%dma_start3A_770 : memref<120xi32, #tpu.memory_space<vmem>>) semaphore(%arg14 : memref<!tpu.dma_semaphore, #tpu.memory_space<semaphore_mem>>) {add = true}
      %dma_wait3A_774 = arith.constant 0 : i32
      %dma_wait3A_775 = arith.constant 0 : i32
      %dma_wait3A_776 = tpu.memref_slice %arg8[%dma_wait3A_774, %dma_wait3A_775] : memref<6x120xi32, #tpu.memory_space<vmem>> -> memref<1x120xi32, #tpu.memory_space<vmem>>
      %dma_wait3A_777 = tpu.memref_squeeze %dma_wait3A_776 : memref<1x120xi32, #tpu.memory_space<vmem>> -> memref<120xi32, #tpu.memory_space<vmem>>
      %dma_wait3A_778 = arith.constant 0 : i32
      %dma_wait3A_779 = arith.constant 0 : i32
      %dma_wait3A_780 = tpu.memref_slice %arg4[%dma_wait3A_778, %dma_wait3A_779] : memref<40960x128xf32, #tpu.memory_space<hbm>> -> memref<40960x128xf32, #tpu.memory_space<hbm>>
      tpu.wait_indirect_dma semaphore(%arg15 : memref<!tpu.dma_semaphore, #tpu.memory_space<semaphore_mem>>) src(%dma_wait3A_780 : memref<40960x128xf32, #tpu.memory_space<hbm>>) dst(%arg12 : memref<120x128xf32, #tpu.memory_space<vmem>>)
      %dma_start3A_781 = arith.constant 1 : i32
      %dma_start3A_782 = arith.constant 0 : i32
      %dma_start3A_783 = tpu.memref_slice %arg10[%dma_start3A_781, %dma_start3A_782] : memref<6x120xi32, #tpu.memory_space<vmem>> -> memref<1x120xi32, #tpu.memory_space<vmem>>
      %dma_start3A_784 = tpu.memref_squeeze %dma_start3A_783 : memref<1x120xi32, #tpu.memory_space<vmem>> -> memref<120xi32, #tpu.memory_space<vmem>>
      %dma_start3A_785 = arith.constant 0 : i32
      %dma_start3A_786 = arith.constant 0 : i32
      %dma_start3A_787 = tpu.memref_slice %arg7[%dma_start3A_785, %dma_start3A_786] : memref<10112x128xf32, #tpu.memory_space<vmem_shared>> -> memref<10112x128xf32, #tpu.memory_space<vmem_shared>>
      tpu.enqueue_indirect_dma source(%arg12 : memref<120x128xf32, #tpu.memory_space<vmem>>) target(%dma_start3A_787 : memref<10112x128xf32, #tpu.memory_space<vmem_shared>>) offsets(%dma_start3A_784 : memref<120xi32, #tpu.memory_space<vmem>>) semaphore(%arg15 : memref<!tpu.dma_semaphore, #tpu.memory_space<semaphore_mem>>) {add = true}
      %dma_wait3A_788 = arith.constant 0 : i32
      %dma_wait3A_789 = arith.constant 0 : i32
      %dma_wait3A_790 = tpu.memref_slice %arg8[%dma_wait3A_788, %dma_wait3A_789] : memref<6x120xi32, #tpu.memory_space<vmem>> -> memref<1x120xi32, #tpu.memory_space<vmem>>
      %dma_wait3A_791 = tpu.memref_squeeze %dma_wait3A_790 : memref<1x120xi32, #tpu.memory_space<vmem>> -> memref<120xi32, #tpu.memory_space<vmem>>
      %dma_wait3A_792 = arith.constant 0 : i32
      %dma_wait3A_793 = arith.constant 0 : i32
      %dma_wait3A_794 = tpu.memref_slice %arg4[%dma_wait3A_792, %dma_wait3A_793] : memref<40960x128xf32, #tpu.memory_space<hbm>> -> memref<40960x128xf32, #tpu.memory_space<hbm>>
      tpu.wait_indirect_dma semaphore(%arg16 : memref<!tpu.dma_semaphore, #tpu.memory_space<semaphore_mem>>) src(%dma_wait3A_794 : memref<40960x128xf32, #tpu.memory_space<hbm>>) dst(%arg13 : memref<120x128xf32, #tpu.memory_space<vmem>>)
      %dma_start3A_795 = arith.constant 2 : i32
      %dma_start3A_796 = arith.constant 0 : i32
      %dma_start3A_797 = tpu.memref_slice %arg10[%dma_start3A_795, %dma_start3A_796] : memref<6x120xi32, #tpu.memory_space<vmem>> -> memref<1x120xi32, #tpu.memory_space<vmem>>
      %dma_start3A_798 = tpu.memref_squeeze %dma_start3A_797 : memref<1x120xi32, #tpu.memory_space<vmem>> -> memref<120xi32, #tpu.memory_space<vmem>>
      %dma_start3A_799 = arith.constant 0 : i32
      %dma_start3A_800 = arith.constant 0 : i32
      %dma_start3A_801 = tpu.memref_slice %arg7[%dma_start3A_799, %dma_start3A_800] : memref<10112x128xf32, #tpu.memory_space<vmem_shared>> -> memref<10112x128xf32, #tpu.memory_space<vmem_shared>>
      tpu.enqueue_indirect_dma source(%arg13 : memref<120x128xf32, #tpu.memory_space<vmem>>) target(%dma_start3A_801 : memref<10112x128xf32, #tpu.memory_space<vmem_shared>>) offsets(%dma_start3A_798 : memref<120xi32, #tpu.memory_space<vmem>>) semaphore(%arg16 : memref<!tpu.dma_semaphore, #tpu.memory_space<semaphore_mem>>) {add = true}
      %dma_wait3A_802 = arith.constant 0 : i32
      %dma_wait3A_803 = arith.constant 0 : i32
      %dma_wait3A_804 = tpu.memref_slice %arg8[%dma_wait3A_802, %dma_wait3A_803] : memref<6x120xi32, #tpu.memory_space<vmem>> -> memref<1x120xi32, #tpu.memory_space<vmem>>
      %dma_wait3A_805 = tpu.memref_squeeze %dma_wait3A_804 : memref<1x120xi32, #tpu.memory_space<vmem>> -> memref<120xi32, #tpu.memory_space<vmem>>
      %dma_wait3A_806 = arith.constant 0 : i32
      %dma_wait3A_807 = arith.constant 0 : i32
      %dma_wait3A_808 = tpu.memref_slice %arg4[%dma_wait3A_806, %dma_wait3A_807] : memref<40960x128xf32, #tpu.memory_space<hbm>> -> memref<40960x128xf32, #tpu.memory_space<hbm>>
      tpu.wait_indirect_dma semaphore(%arg14 : memref<!tpu.dma_semaphore, #tpu.memory_space<semaphore_mem>>) src(%dma_wait3A_808 : memref<40960x128xf32, #tpu.memory_space<hbm>>) dst(%arg11 : memref<120x128xf32, #tpu.memory_space<vmem>>)
      %dma_start3A_809 = arith.constant 3 : i32
      %dma_start3A_810 = arith.constant 0 : i32
      %dma_start3A_811 = tpu.memref_slice %arg8[%dma_start3A_809, %dma_start3A_810] : memref<6x120xi32, #tpu.memory_space<vmem>> -> memref<1x120xi32, #tpu.memory_space<vmem>>
      %dma_start3A_812 = tpu.memref_squeeze %dma_start3A_811 : memref<1x120xi32, #tpu.memory_space<vmem>> -> memref<120xi32, #tpu.memory_space<vmem>>
      %dma_start3A_813 = arith.constant 0 : i32
      %dma_start3A_814 = arith.constant 0 : i32
      %dma_start3A_815 = tpu.memref_slice %arg4[%dma_start3A_813, %dma_start3A_814] : memref<40960x128xf32, #tpu.memory_space<hbm>> -> memref<40960x128xf32, #tpu.memory_space<hbm>>
      tpu.enqueue_indirect_dma source(%dma_start3A_815 : memref<40960x128xf32, #tpu.memory_space<hbm>>) target(%arg11 : memref<120x128xf32, #tpu.memory_space<vmem>>) offsets(%dma_start3A_812 : memref<120xi32, #tpu.memory_space<vmem>>) semaphore(%arg14 : memref<!tpu.dma_semaphore, #tpu.memory_space<semaphore_mem>>)
      %dma_wait3A_816 = arith.constant 0 : i32
      %dma_wait3A_817 = arith.constant 0 : i32
      %dma_wait3A_818 = tpu.memref_slice %arg8[%dma_wait3A_816, %dma_wait3A_817] : memref<6x120xi32, #tpu.memory_space<vmem>> -> memref<1x120xi32, #tpu.memory_space<vmem>>
      %dma_wait3A_819 = tpu.memref_squeeze %dma_wait3A_818 : memref<1x120xi32, #tpu.memory_space<vmem>> -> memref<120xi32, #tpu.memory_space<vmem>>
      %dma_wait3A_820 = arith.constant 0 : i32
      %dma_wait3A_821 = arith.constant 0 : i32
      %dma_wait3A_822 = tpu.memref_slice %arg4[%dma_wait3A_820, %dma_wait3A_821] : memref<40960x128xf32, #tpu.memory_space<hbm>> -> memref<40960x128xf32, #tpu.memory_space<hbm>>
      tpu.wait_indirect_dma semaphore(%arg15 : memref<!tpu.dma_semaphore, #tpu.memory_space<semaphore_mem>>) src(%dma_wait3A_822 : memref<40960x128xf32, #tpu.memory_space<hbm>>) dst(%arg12 : memref<120x128xf32, #tpu.memory_space<vmem>>)
      %dma_start3A_823 = arith.constant 4 : i32
      %dma_start3A_824 = arith.constant 0 : i32
      %dma_start3A_825 = tpu.memref_slice %arg8[%dma_start3A_823, %dma_start3A_824] : memref<6x120xi32, #tpu.memory_space<vmem>> -> memref<1x120xi32, #tpu.memory_space<vmem>>
      %dma_start3A_826 = tpu.memref_squeeze %dma_start3A_825 : memref<1x120xi32, #tpu.memory_space<vmem>> -> memref<120xi32, #tpu.memory_space<vmem>>
      %dma_start3A_827 = arith.constant 0 : i32
      %dma_start3A_828 = arith.constant 0 : i32
      %dma_start3A_829 = tpu.memref_slice %arg4[%dma_start3A_827, %dma_start3A_828] : memref<40960x128xf32, #tpu.memory_space<hbm>> -> memref<40960x128xf32, #tpu.memory_space<hbm>>
      tpu.enqueue_indirect_dma source(%dma_start3A_829 : memref<40960x128xf32, #tpu.memory_space<hbm>>) target(%arg12 : memref<120x128xf32, #tpu.memory_space<vmem>>) offsets(%dma_start3A_826 : memref<120xi32, #tpu.memory_space<vmem>>) semaphore(%arg15 : memref<!tpu.dma_semaphore, #tpu.memory_space<semaphore_mem>>)
      %dma_wait3A_830 = arith.constant 0 : i32
      %dma_wait3A_831 = arith.constant 0 : i32
      %dma_wait3A_832 = tpu.memref_slice %arg8[%dma_wait3A_830, %dma_wait3A_831] : memref<6x120xi32, #tpu.memory_space<vmem>> -> memref<1x120xi32, #tpu.memory_space<vmem>>
      %dma_wait3A_833 = tpu.memref_squeeze %dma_wait3A_832 : memref<1x120xi32, #tpu.memory_space<vmem>> -> memref<120xi32, #tpu.memory_space<vmem>>
      %dma_wait3A_834 = arith.constant 0 : i32
      %dma_wait3A_835 = arith.constant 0 : i32
      %dma_wait3A_836 = tpu.memref_slice %arg4[%dma_wait3A_834, %dma_wait3A_835] : memref<40960x128xf32, #tpu.memory_space<hbm>> -> memref<40960x128xf32, #tpu.memory_space<hbm>>
      tpu.wait_indirect_dma semaphore(%arg16 : memref<!tpu.dma_semaphore, #tpu.memory_space<semaphore_mem>>) src(%dma_wait3A_836 : memref<40960x128xf32, #tpu.memory_space<hbm>>) dst(%arg13 : memref<120x128xf32, #tpu.memory_space<vmem>>)
      %dma_start3A_837 = arith.constant 5 : i32
      %dma_start3A_838 = arith.constant 0 : i32
      %dma_start3A_839 = tpu.memref_slice %arg8[%dma_start3A_837, %dma_start3A_838] : memref<6x120xi32, #tpu.memory_space<vmem>> -> memref<1x120xi32, #tpu.memory_space<vmem>>
      %dma_start3A_840 = tpu.memref_squeeze %dma_start3A_839 : memref<1x120xi32, #tpu.memory_space<vmem>> -> memref<120xi32, #tpu.memory_space<vmem>>
      %dma_start3A_841 = arith.constant 0 : i32
      %dma_start3A_842 = arith.constant 0 : i32
      %dma_start3A_843 = tpu.memref_slice %arg4[%dma_start3A_841, %dma_start3A_842] : memref<40960x128xf32, #tpu.memory_space<hbm>> -> memref<40960x128xf32, #tpu.memory_space<hbm>>
      tpu.enqueue_indirect_dma source(%dma_start3A_843 : memref<40960x128xf32, #tpu.memory_space<hbm>>) target(%arg13 : memref<120x128xf32, #tpu.memory_space<vmem>>) offsets(%dma_start3A_840 : memref<120xi32, #tpu.memory_space<vmem>>) semaphore(%arg16 : memref<!tpu.dma_semaphore, #tpu.memory_space<semaphore_mem>>)
      %dma_wait3A_844 = arith.constant 0 : i32
      %dma_wait3A_845 = arith.constant 0 : i32
      %dma_wait3A_846 = tpu.memref_slice %arg8[%dma_wait3A_844, %dma_wait3A_845] : memref<6x120xi32, #tpu.memory_space<vmem>> -> memref<1x120xi32, #tpu.memory_space<vmem>>
      %dma_wait3A_847 = tpu.memref_squeeze %dma_wait3A_846 : memref<1x120xi32, #tpu.memory_space<vmem>> -> memref<120xi32, #tpu.memory_space<vmem>>
      %dma_wait3A_848 = arith.constant 0 : i32
      %dma_wait3A_849 = arith.constant 0 : i32
      %dma_wait3A_850 = tpu.memref_slice %arg4[%dma_wait3A_848, %dma_wait3A_849] : memref<40960x128xf32, #tpu.memory_space<hbm>> -> memref<40960x128xf32, #tpu.memory_space<hbm>>
      tpu.wait_indirect_dma semaphore(%arg14 : memref<!tpu.dma_semaphore, #tpu.memory_space<semaphore_mem>>) src(%dma_wait3A_850 : memref<40960x128xf32, #tpu.memory_space<hbm>>) dst(%arg11 : memref<120x128xf32, #tpu.memory_space<vmem>>)
      %dma_start3A_851 = arith.constant 3 : i32
      %dma_start3A_852 = arith.constant 0 : i32
      %dma_start3A_853 = tpu.memref_slice %arg10[%dma_start3A_851, %dma_start3A_852] : memref<6x120xi32, #tpu.memory_space<vmem>> -> memref<1x120xi32, #tpu.memory_space<vmem>>
      %dma_start3A_854 = tpu.memref_squeeze %dma_start3A_853 : memref<1x120xi32, #tpu.memory_space<vmem>> -> memref<120xi32, #tpu.memory_space<vmem>>
      %dma_start3A_855 = arith.constant 0 : i32
      %dma_start3A_856 = arith.constant 0 : i32
      %dma_start3A_857 = tpu.memref_slice %arg7[%dma_start3A_855, %dma_start3A_856] : memref<10112x128xf32, #tpu.memory_space<vmem_shared>> -> memref<10112x128xf32, #tpu.memory_space<vmem_shared>>
      tpu.enqueue_indirect_dma source(%arg11 : memref<120x128xf32, #tpu.memory_space<vmem>>) target(%dma_start3A_857 : memref<10112x128xf32, #tpu.memory_space<vmem_shared>>) offsets(%dma_start3A_854 : memref<120xi32, #tpu.memory_space<vmem>>) semaphore(%arg14 : memref<!tpu.dma_semaphore, #tpu.memory_space<semaphore_mem>>) {add = true}
      %dma_wait3A_858 = arith.constant 0 : i32
      %dma_wait3A_859 = arith.constant 0 : i32
      %dma_wait3A_860 = tpu.memref_slice %arg8[%dma_wait3A_858, %dma_wait3A_859] : memref<6x120xi32, #tpu.memory_space<vmem>> -> memref<1x120xi32, #tpu.memory_space<vmem>>
      %dma_wait3A_861 = tpu.memref_squeeze %dma_wait3A_860 : memref<1x120xi32, #tpu.memory_space<vmem>> -> memref<120xi32, #tpu.memory_space<vmem>>
      %dma_wait3A_862 = arith.constant 0 : i32
      %dma_wait3A_863 = arith.constant 0 : i32
      %dma_wait3A_864 = tpu.memref_slice %arg4[%dma_wait3A_862, %dma_wait3A_863] : memref<40960x128xf32, #tpu.memory_space<hbm>> -> memref<40960x128xf32, #tpu.memory_space<hbm>>
      tpu.wait_indirect_dma semaphore(%arg15 : memref<!tpu.dma_semaphore, #tpu.memory_space<semaphore_mem>>) src(%dma_wait3A_864 : memref<40960x128xf32, #tpu.memory_space<hbm>>) dst(%arg12 : memref<120x128xf32, #tpu.memory_space<vmem>>)
      %dma_start3A_865 = arith.constant 4 : i32
      %dma_start3A_866 = arith.constant 0 : i32
      %dma_start3A_867 = tpu.memref_slice %arg10[%dma_start3A_865, %dma_start3A_866] : memref<6x120xi32, #tpu.memory_space<vmem>> -> memref<1x120xi32, #tpu.memory_space<vmem>>
      %dma_start3A_868 = tpu.memref_squeeze %dma_start3A_867 : memref<1x120xi32, #tpu.memory_space<vmem>> -> memref<120xi32, #tpu.memory_space<vmem>>
      %dma_start3A_869 = arith.constant 0 : i32
      %dma_start3A_870 = arith.constant 0 : i32
      %dma_start3A_871 = tpu.memref_slice %arg7[%dma_start3A_869, %dma_start3A_870] : memref<10112x128xf32, #tpu.memory_space<vmem_shared>> -> memref<10112x128xf32, #tpu.memory_space<vmem_shared>>
      tpu.enqueue_indirect_dma source(%arg12 : memref<120x128xf32, #tpu.memory_space<vmem>>) target(%dma_start3A_871 : memref<10112x128xf32, #tpu.memory_space<vmem_shared>>) offsets(%dma_start3A_868 : memref<120xi32, #tpu.memory_space<vmem>>) semaphore(%arg15 : memref<!tpu.dma_semaphore, #tpu.memory_space<semaphore_mem>>) {add = true}
      %dma_wait3A_872 = arith.constant 0 : i32
      %dma_wait3A_873 = arith.constant 0 : i32
      %dma_wait3A_874 = tpu.memref_slice %arg8[%dma_wait3A_872, %dma_wait3A_873] : memref<6x120xi32, #tpu.memory_space<vmem>> -> memref<1x120xi32, #tpu.memory_space<vmem>>
      %dma_wait3A_875 = tpu.memref_squeeze %dma_wait3A_874 : memref<1x120xi32, #tpu.memory_space<vmem>> -> memref<120xi32, #tpu.memory_space<vmem>>
      %dma_wait3A_876 = arith.constant 0 : i32
      %dma_wait3A_877 = arith.constant 0 : i32
      %dma_wait3A_878 = tpu.memref_slice %arg4[%dma_wait3A_876, %dma_wait3A_877] : memref<40960x128xf32, #tpu.memory_space<hbm>> -> memref<40960x128xf32, #tpu.memory_space<hbm>>
      tpu.wait_indirect_dma semaphore(%arg16 : memref<!tpu.dma_semaphore, #tpu.memory_space<semaphore_mem>>) src(%dma_wait3A_878 : memref<40960x128xf32, #tpu.memory_space<hbm>>) dst(%arg13 : memref<120x128xf32, #tpu.memory_space<vmem>>)
      %dma_start3A_879 = arith.constant 5 : i32
      %dma_start3A_880 = arith.constant 0 : i32
      %dma_start3A_881 = tpu.memref_slice %arg10[%dma_start3A_879, %dma_start3A_880] : memref<6x120xi32, #tpu.memory_space<vmem>> -> memref<1x120xi32, #tpu.memory_space<vmem>>
      %dma_start3A_882 = tpu.memref_squeeze %dma_start3A_881 : memref<1x120xi32, #tpu.memory_space<vmem>> -> memref<120xi32, #tpu.memory_space<vmem>>
      %dma_start3A_883 = arith.constant 0 : i32
      %dma_start3A_884 = arith.constant 0 : i32
      %dma_start3A_885 = tpu.memref_slice %arg7[%dma_start3A_883, %dma_start3A_884] : memref<10112x128xf32, #tpu.memory_space<vmem_shared>> -> memref<10112x128xf32, #tpu.memory_space<vmem_shared>>
      tpu.enqueue_indirect_dma source(%arg13 : memref<120x128xf32, #tpu.memory_space<vmem>>) target(%dma_start3A_885 : memref<10112x128xf32, #tpu.memory_space<vmem_shared>>) offsets(%dma_start3A_882 : memref<120xi32, #tpu.memory_space<vmem>>) semaphore(%arg16 : memref<!tpu.dma_semaphore, #tpu.memory_space<semaphore_mem>>) {add = true}
      %add3A_886 = arith.addi %mul3A_5, %add3A_715 : i32
      %add3A_887 = arith.constant 1 : i32
      %add3A_888 = arith.addi %add3A_886, %add3A_887 : i32
      %add3A_889 = arith.addi %mul3A_5, %add3A_715 : i32
      %add3A_890 = arith.constant 1 : i32
      %add3A_891 = arith.addi %add3A_889, %add3A_890 : i32
      "tpu.region"() ({
        %run_scoped3A = tpu.sem_alloc : memref<!tpu.dma_semaphore, #tpu.memory_space<semaphore_mem>>
        %dma_start3A_1060 = arith.constant 0 : i32
        %dma_start3A_1061 = arith.constant 0 : i32
        %dma_start3A_1062 = tpu.memref_slice %arg2[%add3A_3, %add3A_888, %dma_start3A_1060, %dma_start3A_1061] : memref<4x448x6x120xi32, #tpu.memory_space<hbm>> -> memref<1x1x6x120xi32, #tpu.memory_space<hbm>>
        %dma_start3A_1063 = tpu.memref_squeeze %dma_start3A_1062 : memref<1x1x6x120xi32, #tpu.memory_space<hbm>> -> memref<6x120xi32, #tpu.memory_space<hbm>>
        %dma_start3A_1064 = arith.constant 0 : i32
        %dma_start3A_1065 = arith.constant 0 : i32
        %dma_start3A_1066 = tpu.memref_slice %arg2[%add3A_3, %add3A_888, %dma_start3A_1064, %dma_start3A_1065] : memref<4x448x6x120xi32, #tpu.memory_space<hbm>> -> memref<1x1x6x120xi32, #tpu.memory_space<hbm>>
        %dma_start3A_1067 = tpu.memref_squeeze %dma_start3A_1066 : memref<1x1x6x120xi32, #tpu.memory_space<hbm>> -> memref<6x120xi32, #tpu.memory_space<hbm>>
        tpu.enqueue_dma source(%dma_start3A_1067 : memref<6x120xi32, #tpu.memory_space<hbm>>) target(%arg8 : memref<6x120xi32, #tpu.memory_space<vmem>>) target_semaphore(%run_scoped3A : memref<!tpu.dma_semaphore, #tpu.memory_space<semaphore_mem>>)
        %dma_wait3A_1068 = arith.constant 0 : i32
        %dma_wait3A_1069 = arith.constant 0 : i32
        %dma_wait3A_1070 = tpu.memref_slice %arg2[%add3A_3, %add3A_888, %dma_wait3A_1068, %dma_wait3A_1069] : memref<4x448x6x120xi32, #tpu.memory_space<hbm>> -> memref<1x1x6x120xi32, #tpu.memory_space<hbm>>
        %dma_wait3A_1071 = tpu.memref_squeeze %dma_wait3A_1070 : memref<1x1x6x120xi32, #tpu.memory_space<hbm>> -> memref<6x120xi32, #tpu.memory_space<hbm>>
        %dma_wait3A_1072 = arith.constant 0 : i32
        %dma_wait3A_1073 = arith.constant 0 : i32
        %dma_wait3A_1074 = tpu.memref_slice %arg2[%add3A_3, %add3A_888, %dma_wait3A_1072, %dma_wait3A_1073] : memref<4x448x6x120xi32, #tpu.memory_space<hbm>> -> memref<1x1x6x120xi32, #tpu.memory_space<hbm>>
        %dma_wait3A_1075 = tpu.memref_squeeze %dma_wait3A_1074 : memref<1x1x6x120xi32, #tpu.memory_space<hbm>> -> memref<6x120xi32, #tpu.memory_space<hbm>>
        tpu.wait_dma2 semaphore(%run_scoped3A : memref<!tpu.dma_semaphore, #tpu.memory_space<semaphore_mem>>) src(%dma_wait3A_1075 : memref<6x120xi32, #tpu.memory_space<hbm>>) dst(%arg8 : memref<6x120xi32, #tpu.memory_space<vmem>>)
        tpu.yield
      }) : () -> ()
      "tpu.region"() ({
        %run_scoped3A = tpu.sem_alloc : memref<!tpu.dma_semaphore, #tpu.memory_space<semaphore_mem>>
        %dma_start3A_1060 = arith.constant 0 : i32
        %dma_start3A_1061 = arith.constant 0 : i32
        %dma_start3A_1062 = tpu.memref_slice %arg3[%add3A_3, %add3A_891, %dma_start3A_1060, %dma_start3A_1061] : memref<4x448x6x120xi32, #tpu.memory_space<hbm>> -> memref<1x1x6x120xi32, #tpu.memory_space<hbm>>
        %dma_start3A_1063 = tpu.memref_squeeze %dma_start3A_1062 : memref<1x1x6x120xi32, #tpu.memory_space<hbm>> -> memref<6x120xi32, #tpu.memory_space<hbm>>
        %dma_start3A_1064 = arith.constant 0 : i32
        %dma_start3A_1065 = arith.constant 0 : i32
        %dma_start3A_1066 = tpu.memref_slice %arg3[%add3A_3, %add3A_891, %dma_start3A_1064, %dma_start3A_1065] : memref<4x448x6x120xi32, #tpu.memory_space<hbm>> -> memref<1x1x6x120xi32, #tpu.memory_space<hbm>>
        %dma_start3A_1067 = tpu.memref_squeeze %dma_start3A_1066 : memref<1x1x6x120xi32, #tpu.memory_space<hbm>> -> memref<6x120xi32, #tpu.memory_space<hbm>>
        tpu.enqueue_dma source(%dma_start3A_1067 : memref<6x120xi32, #tpu.memory_space<hbm>>) target(%arg9 : memref<6x120xi32, #tpu.memory_space<vmem>>) target_semaphore(%run_scoped3A : memref<!tpu.dma_semaphore, #tpu.memory_space<semaphore_mem>>)
        %dma_wait3A_1068 = arith.constant 0 : i32
        %dma_wait3A_1069 = arith.constant 0 : i32
        %dma_wait3A_1070 = tpu.memref_slice %arg3[%add3A_3, %add3A_891, %dma_wait3A_1068, %dma_wait3A_1069] : memref<4x448x6x120xi32, #tpu.memory_space<hbm>> -> memref<1x1x6x120xi32, #tpu.memory_space<hbm>>
        %dma_wait3A_1071 = tpu.memref_squeeze %dma_wait3A_1070 : memref<1x1x6x120xi32, #tpu.memory_space<hbm>> -> memref<6x120xi32, #tpu.memory_space<hbm>>
        %dma_wait3A_1072 = arith.constant 0 : i32
        %dma_wait3A_1073 = arith.constant 0 : i32
        %dma_wait3A_1074 = tpu.memref_slice %arg3[%add3A_3, %add3A_891, %dma_wait3A_1072, %dma_wait3A_1073] : memref<4x448x6x120xi32, #tpu.memory_space<hbm>> -> memref<1x1x6x120xi32, #tpu.memory_space<hbm>>
        %dma_wait3A_1075 = tpu.memref_squeeze %dma_wait3A_1074 : memref<1x1x6x120xi32, #tpu.memory_space<hbm>> -> memref<6x120xi32, #tpu.memory_space<hbm>>
        tpu.wait_dma2 semaphore(%run_scoped3A : memref<!tpu.dma_semaphore, #tpu.memory_space<semaphore_mem>>) src(%dma_wait3A_1075 : memref<6x120xi32, #tpu.memory_space<hbm>>) dst(%arg9 : memref<6x120xi32, #tpu.memory_space<vmem>>)
        tpu.yield
      }) : () -> ()
      %dma_wait3A_892 = arith.constant 0 : i32
      %dma_wait3A_893 = arith.constant 0 : i32
      %dma_wait3A_894 = tpu.memref_slice %arg8[%dma_wait3A_892, %dma_wait3A_893] : memref<6x120xi32, #tpu.memory_space<vmem>> -> memref<1x120xi32, #tpu.memory_space<vmem>>
      %dma_wait3A_895 = tpu.memref_squeeze %dma_wait3A_894 : memref<1x120xi32, #tpu.memory_space<vmem>> -> memref<120xi32, #tpu.memory_space<vmem>>
      %dma_wait3A_896 = arith.constant 0 : i32
      %dma_wait3A_897 = arith.constant 0 : i32
      %dma_wait3A_898 = tpu.memref_slice %arg4[%dma_wait3A_896, %dma_wait3A_897] : memref<40960x128xf32, #tpu.memory_space<hbm>> -> memref<40960x128xf32, #tpu.memory_space<hbm>>
      tpu.wait_indirect_dma semaphore(%arg14 : memref<!tpu.dma_semaphore, #tpu.memory_space<semaphore_mem>>) src(%dma_wait3A_898 : memref<40960x128xf32, #tpu.memory_space<hbm>>) dst(%arg11 : memref<120x128xf32, #tpu.memory_space<vmem>>)
      %dma_start3A_899 = arith.constant 0 : i32
      %dma_start3A_900 = arith.constant 0 : i32
      %dma_start3A_901 = tpu.memref_slice %arg8[%dma_start3A_899, %dma_start3A_900] : memref<6x120xi32, #tpu.memory_space<vmem>> -> memref<1x120xi32, #tpu.memory_space<vmem>>
      %dma_start3A_902 = tpu.memref_squeeze %dma_start3A_901 : memref<1x120xi32, #tpu.memory_space<vmem>> -> memref<120xi32, #tpu.memory_space<vmem>>
      %dma_start3A_903 = arith.constant 0 : i32
      %dma_start3A_904 = arith.constant 0 : i32
      %dma_start3A_905 = tpu.memref_slice %arg4[%dma_start3A_903, %dma_start3A_904] : memref<40960x128xf32, #tpu.memory_space<hbm>> -> memref<40960x128xf32, #tpu.memory_space<hbm>>
      tpu.enqueue_indirect_dma source(%dma_start3A_905 : memref<40960x128xf32, #tpu.memory_space<hbm>>) target(%arg11 : memref<120x128xf32, #tpu.memory_space<vmem>>) offsets(%dma_start3A_902 : memref<120xi32, #tpu.memory_space<vmem>>) semaphore(%arg14 : memref<!tpu.dma_semaphore, #tpu.memory_space<semaphore_mem>>)
      %dma_wait3A_906 = arith.constant 0 : i32
      %dma_wait3A_907 = arith.constant 0 : i32
      %dma_wait3A_908 = tpu.memref_slice %arg8[%dma_wait3A_906, %dma_wait3A_907] : memref<6x120xi32, #tpu.memory_space<vmem>> -> memref<1x120xi32, #tpu.memory_space<vmem>>
      %dma_wait3A_909 = tpu.memref_squeeze %dma_wait3A_908 : memref<1x120xi32, #tpu.memory_space<vmem>> -> memref<120xi32, #tpu.memory_space<vmem>>
      %dma_wait3A_910 = arith.constant 0 : i32
      %dma_wait3A_911 = arith.constant 0 : i32
      %dma_wait3A_912 = tpu.memref_slice %arg4[%dma_wait3A_910, %dma_wait3A_911] : memref<40960x128xf32, #tpu.memory_space<hbm>> -> memref<40960x128xf32, #tpu.memory_space<hbm>>
      tpu.wait_indirect_dma semaphore(%arg15 : memref<!tpu.dma_semaphore, #tpu.memory_space<semaphore_mem>>) src(%dma_wait3A_912 : memref<40960x128xf32, #tpu.memory_space<hbm>>) dst(%arg12 : memref<120x128xf32, #tpu.memory_space<vmem>>)
      %dma_start3A_913 = arith.constant 1 : i32
      %dma_start3A_914 = arith.constant 0 : i32
      %dma_start3A_915 = tpu.memref_slice %arg8[%dma_start3A_913, %dma_start3A_914] : memref<6x120xi32, #tpu.memory_space<vmem>> -> memref<1x120xi32, #tpu.memory_space<vmem>>
      %dma_start3A_916 = tpu.memref_squeeze %dma_start3A_915 : memref<1x120xi32, #tpu.memory_space<vmem>> -> memref<120xi32, #tpu.memory_space<vmem>>
      %dma_start3A_917 = arith.constant 0 : i32
      %dma_start3A_918 = arith.constant 0 : i32
      %dma_start3A_919 = tpu.memref_slice %arg4[%dma_start3A_917, %dma_start3A_918] : memref<40960x128xf32, #tpu.memory_space<hbm>> -> memref<40960x128xf32, #tpu.memory_space<hbm>>
      tpu.enqueue_indirect_dma source(%dma_start3A_919 : memref<40960x128xf32, #tpu.memory_space<hbm>>) target(%arg12 : memref<120x128xf32, #tpu.memory_space<vmem>>) offsets(%dma_start3A_916 : memref<120xi32, #tpu.memory_space<vmem>>) semaphore(%arg15 : memref<!tpu.dma_semaphore, #tpu.memory_space<semaphore_mem>>)
      %dma_wait3A_920 = arith.constant 0 : i32
      %dma_wait3A_921 = arith.constant 0 : i32
      %dma_wait3A_922 = tpu.memref_slice %arg8[%dma_wait3A_920, %dma_wait3A_921] : memref<6x120xi32, #tpu.memory_space<vmem>> -> memref<1x120xi32, #tpu.memory_space<vmem>>
      %dma_wait3A_923 = tpu.memref_squeeze %dma_wait3A_922 : memref<1x120xi32, #tpu.memory_space<vmem>> -> memref<120xi32, #tpu.memory_space<vmem>>
      %dma_wait3A_924 = arith.constant 0 : i32
      %dma_wait3A_925 = arith.constant 0 : i32
      %dma_wait3A_926 = tpu.memref_slice %arg4[%dma_wait3A_924, %dma_wait3A_925] : memref<40960x128xf32, #tpu.memory_space<hbm>> -> memref<40960x128xf32, #tpu.memory_space<hbm>>
      tpu.wait_indirect_dma semaphore(%arg16 : memref<!tpu.dma_semaphore, #tpu.memory_space<semaphore_mem>>) src(%dma_wait3A_926 : memref<40960x128xf32, #tpu.memory_space<hbm>>) dst(%arg13 : memref<120x128xf32, #tpu.memory_space<vmem>>)
      %dma_start3A_927 = arith.constant 2 : i32
      %dma_start3A_928 = arith.constant 0 : i32
      %dma_start3A_929 = tpu.memref_slice %arg8[%dma_start3A_927, %dma_start3A_928] : memref<6x120xi32, #tpu.memory_space<vmem>> -> memref<1x120xi32, #tpu.memory_space<vmem>>
      %dma_start3A_930 = tpu.memref_squeeze %dma_start3A_929 : memref<1x120xi32, #tpu.memory_space<vmem>> -> memref<120xi32, #tpu.memory_space<vmem>>
      %dma_start3A_931 = arith.constant 0 : i32
      %dma_start3A_932 = arith.constant 0 : i32
      %dma_start3A_933 = tpu.memref_slice %arg4[%dma_start3A_931, %dma_start3A_932] : memref<40960x128xf32, #tpu.memory_space<hbm>> -> memref<40960x128xf32, #tpu.memory_space<hbm>>
      tpu.enqueue_indirect_dma source(%dma_start3A_933 : memref<40960x128xf32, #tpu.memory_space<hbm>>) target(%arg13 : memref<120x128xf32, #tpu.memory_space<vmem>>) offsets(%dma_start3A_930 : memref<120xi32, #tpu.memory_space<vmem>>) semaphore(%arg16 : memref<!tpu.dma_semaphore, #tpu.memory_space<semaphore_mem>>)
      %dma_wait3A_934 = arith.constant 0 : i32
      %dma_wait3A_935 = arith.constant 0 : i32
      %dma_wait3A_936 = tpu.memref_slice %arg8[%dma_wait3A_934, %dma_wait3A_935] : memref<6x120xi32, #tpu.memory_space<vmem>> -> memref<1x120xi32, #tpu.memory_space<vmem>>
      %dma_wait3A_937 = tpu.memref_squeeze %dma_wait3A_936 : memref<1x120xi32, #tpu.memory_space<vmem>> -> memref<120xi32, #tpu.memory_space<vmem>>
      %dma_wait3A_938 = arith.constant 0 : i32
      %dma_wait3A_939 = arith.constant 0 : i32
      %dma_wait3A_940 = tpu.memref_slice %arg4[%dma_wait3A_938, %dma_wait3A_939] : memref<40960x128xf32, #tpu.memory_space<hbm>> -> memref<40960x128xf32, #tpu.memory_space<hbm>>
      tpu.wait_indirect_dma semaphore(%arg14 : memref<!tpu.dma_semaphore, #tpu.memory_space<semaphore_mem>>) src(%dma_wait3A_940 : memref<40960x128xf32, #tpu.memory_space<hbm>>) dst(%arg11 : memref<120x128xf32, #tpu.memory_space<vmem>>)
      %dma_start3A_941 = arith.constant 0 : i32
      %dma_start3A_942 = arith.constant 0 : i32
      %dma_start3A_943 = tpu.memref_slice %arg9[%dma_start3A_941, %dma_start3A_942] : memref<6x120xi32, #tpu.memory_space<vmem>> -> memref<1x120xi32, #tpu.memory_space<vmem>>
      %dma_start3A_944 = tpu.memref_squeeze %dma_start3A_943 : memref<1x120xi32, #tpu.memory_space<vmem>> -> memref<120xi32, #tpu.memory_space<vmem>>
      %dma_start3A_945 = arith.constant 0 : i32
      %dma_start3A_946 = arith.constant 0 : i32
      %dma_start3A_947 = tpu.memref_slice %arg7[%dma_start3A_945, %dma_start3A_946] : memref<10112x128xf32, #tpu.memory_space<vmem_shared>> -> memref<10112x128xf32, #tpu.memory_space<vmem_shared>>
      tpu.enqueue_indirect_dma source(%arg11 : memref<120x128xf32, #tpu.memory_space<vmem>>) target(%dma_start3A_947 : memref<10112x128xf32, #tpu.memory_space<vmem_shared>>) offsets(%dma_start3A_944 : memref<120xi32, #tpu.memory_space<vmem>>) semaphore(%arg14 : memref<!tpu.dma_semaphore, #tpu.memory_space<semaphore_mem>>) {add = true}
      %dma_wait3A_948 = arith.constant 0 : i32
      %dma_wait3A_949 = arith.constant 0 : i32
      %dma_wait3A_950 = tpu.memref_slice %arg8[%dma_wait3A_948, %dma_wait3A_949] : memref<6x120xi32, #tpu.memory_space<vmem>> -> memref<1x120xi32, #tpu.memory_space<vmem>>
      %dma_wait3A_951 = tpu.memref_squeeze %dma_wait3A_950 : memref<1x120xi32, #tpu.memory_space<vmem>> -> memref<120xi32, #tpu.memory_space<vmem>>
      %dma_wait3A_952 = arith.constant 0 : i32
      %dma_wait3A_953 = arith.constant 0 : i32
      %dma_wait3A_954 = tpu.memref_slice %arg4[%dma_wait3A_952, %dma_wait3A_953] : memref<40960x128xf32, #tpu.memory_space<hbm>> -> memref<40960x128xf32, #tpu.memory_space<hbm>>
      tpu.wait_indirect_dma semaphore(%arg15 : memref<!tpu.dma_semaphore, #tpu.memory_space<semaphore_mem>>) src(%dma_wait3A_954 : memref<40960x128xf32, #tpu.memory_space<hbm>>) dst(%arg12 : memref<120x128xf32, #tpu.memory_space<vmem>>)
      %dma_start3A_955 = arith.constant 1 : i32
      %dma_start3A_956 = arith.constant 0 : i32
      %dma_start3A_957 = tpu.memref_slice %arg9[%dma_start3A_955, %dma_start3A_956] : memref<6x120xi32, #tpu.memory_space<vmem>> -> memref<1x120xi32, #tpu.memory_space<vmem>>
      %dma_start3A_958 = tpu.memref_squeeze %dma_start3A_957 : memref<1x120xi32, #tpu.memory_space<vmem>> -> memref<120xi32, #tpu.memory_space<vmem>>
      %dma_start3A_959 = arith.constant 0 : i32
      %dma_start3A_960 = arith.constant 0 : i32
      %dma_start3A_961 = tpu.memref_slice %arg7[%dma_start3A_959, %dma_start3A_960] : memref<10112x128xf32, #tpu.memory_space<vmem_shared>> -> memref<10112x128xf32, #tpu.memory_space<vmem_shared>>
      tpu.enqueue_indirect_dma source(%arg12 : memref<120x128xf32, #tpu.memory_space<vmem>>) target(%dma_start3A_961 : memref<10112x128xf32, #tpu.memory_space<vmem_shared>>) offsets(%dma_start3A_958 : memref<120xi32, #tpu.memory_space<vmem>>) semaphore(%arg15 : memref<!tpu.dma_semaphore, #tpu.memory_space<semaphore_mem>>) {add = true}
      %dma_wait3A_962 = arith.constant 0 : i32
      %dma_wait3A_963 = arith.constant 0 : i32
      %dma_wait3A_964 = tpu.memref_slice %arg8[%dma_wait3A_962, %dma_wait3A_963] : memref<6x120xi32, #tpu.memory_space<vmem>> -> memref<1x120xi32, #tpu.memory_space<vmem>>
      %dma_wait3A_965 = tpu.memref_squeeze %dma_wait3A_964 : memref<1x120xi32, #tpu.memory_space<vmem>> -> memref<120xi32, #tpu.memory_space<vmem>>
      %dma_wait3A_966 = arith.constant 0 : i32
      %dma_wait3A_967 = arith.constant 0 : i32
      %dma_wait3A_968 = tpu.memref_slice %arg4[%dma_wait3A_966, %dma_wait3A_967] : memref<40960x128xf32, #tpu.memory_space<hbm>> -> memref<40960x128xf32, #tpu.memory_space<hbm>>
      tpu.wait_indirect_dma semaphore(%arg16 : memref<!tpu.dma_semaphore, #tpu.memory_space<semaphore_mem>>) src(%dma_wait3A_968 : memref<40960x128xf32, #tpu.memory_space<hbm>>) dst(%arg13 : memref<120x128xf32, #tpu.memory_space<vmem>>)
      %dma_start3A_969 = arith.constant 2 : i32
      %dma_start3A_970 = arith.constant 0 : i32
      %dma_start3A_971 = tpu.memref_slice %arg9[%dma_start3A_969, %dma_start3A_970] : memref<6x120xi32, #tpu.memory_space<vmem>> -> memref<1x120xi32, #tpu.memory_space<vmem>>
      %dma_start3A_972 = tpu.memref_squeeze %dma_start3A_971 : memref<1x120xi32, #tpu.memory_space<vmem>> -> memref<120xi32, #tpu.memory_space<vmem>>
      %dma_start3A_973 = arith.constant 0 : i32
      %dma_start3A_974 = arith.constant 0 : i32
      %dma_start3A_975 = tpu.memref_slice %arg7[%dma_start3A_973, %dma_start3A_974] : memref<10112x128xf32, #tpu.memory_space<vmem_shared>> -> memref<10112x128xf32, #tpu.memory_space<vmem_shared>>
      tpu.enqueue_indirect_dma source(%arg13 : memref<120x128xf32, #tpu.memory_space<vmem>>) target(%dma_start3A_975 : memref<10112x128xf32, #tpu.memory_space<vmem_shared>>) offsets(%dma_start3A_972 : memref<120xi32, #tpu.memory_space<vmem>>) semaphore(%arg16 : memref<!tpu.dma_semaphore, #tpu.memory_space<semaphore_mem>>) {add = true}
      %dma_wait3A_976 = arith.constant 0 : i32
      %dma_wait3A_977 = arith.constant 0 : i32
      %dma_wait3A_978 = tpu.memref_slice %arg8[%dma_wait3A_976, %dma_wait3A_977] : memref<6x120xi32, #tpu.memory_space<vmem>> -> memref<1x120xi32, #tpu.memory_space<vmem>>
      %dma_wait3A_979 = tpu.memref_squeeze %dma_wait3A_978 : memref<1x120xi32, #tpu.memory_space<vmem>> -> memref<120xi32, #tpu.memory_space<vmem>>
      %dma_wait3A_980 = arith.constant 0 : i32
      %dma_wait3A_981 = arith.constant 0 : i32
      %dma_wait3A_982 = tpu.memref_slice %arg4[%dma_wait3A_980, %dma_wait3A_981] : memref<40960x128xf32, #tpu.memory_space<hbm>> -> memref<40960x128xf32, #tpu.memory_space<hbm>>
      tpu.wait_indirect_dma semaphore(%arg14 : memref<!tpu.dma_semaphore, #tpu.memory_space<semaphore_mem>>) src(%dma_wait3A_982 : memref<40960x128xf32, #tpu.memory_space<hbm>>) dst(%arg11 : memref<120x128xf32, #tpu.memory_space<vmem>>)
      %dma_start3A_983 = arith.constant 3 : i32
      %dma_start3A_984 = arith.constant 0 : i32
      %dma_start3A_985 = tpu.memref_slice %arg8[%dma_start3A_983, %dma_start3A_984] : memref<6x120xi32, #tpu.memory_space<vmem>> -> memref<1x120xi32, #tpu.memory_space<vmem>>
      %dma_start3A_986 = tpu.memref_squeeze %dma_start3A_985 : memref<1x120xi32, #tpu.memory_space<vmem>> -> memref<120xi32, #tpu.memory_space<vmem>>
      %dma_start3A_987 = arith.constant 0 : i32
      %dma_start3A_988 = arith.constant 0 : i32
      %dma_start3A_989 = tpu.memref_slice %arg4[%dma_start3A_987, %dma_start3A_988] : memref<40960x128xf32, #tpu.memory_space<hbm>> -> memref<40960x128xf32, #tpu.memory_space<hbm>>
      tpu.enqueue_indirect_dma source(%dma_start3A_989 : memref<40960x128xf32, #tpu.memory_space<hbm>>) target(%arg11 : memref<120x128xf32, #tpu.memory_space<vmem>>) offsets(%dma_start3A_986 : memref<120xi32, #tpu.memory_space<vmem>>) semaphore(%arg14 : memref<!tpu.dma_semaphore, #tpu.memory_space<semaphore_mem>>)
      %dma_wait3A_990 = arith.constant 0 : i32
      %dma_wait3A_991 = arith.constant 0 : i32
      %dma_wait3A_992 = tpu.memref_slice %arg8[%dma_wait3A_990, %dma_wait3A_991] : memref<6x120xi32, #tpu.memory_space<vmem>> -> memref<1x120xi32, #tpu.memory_space<vmem>>
      %dma_wait3A_993 = tpu.memref_squeeze %dma_wait3A_992 : memref<1x120xi32, #tpu.memory_space<vmem>> -> memref<120xi32, #tpu.memory_space<vmem>>
      %dma_wait3A_994 = arith.constant 0 : i32
      %dma_wait3A_995 = arith.constant 0 : i32
      %dma_wait3A_996 = tpu.memref_slice %arg4[%dma_wait3A_994, %dma_wait3A_995] : memref<40960x128xf32, #tpu.memory_space<hbm>> -> memref<40960x128xf32, #tpu.memory_space<hbm>>
      tpu.wait_indirect_dma semaphore(%arg15 : memref<!tpu.dma_semaphore, #tpu.memory_space<semaphore_mem>>) src(%dma_wait3A_996 : memref<40960x128xf32, #tpu.memory_space<hbm>>) dst(%arg12 : memref<120x128xf32, #tpu.memory_space<vmem>>)
      %dma_start3A_997 = arith.constant 4 : i32
      %dma_start3A_998 = arith.constant 0 : i32
      %dma_start3A_999 = tpu.memref_slice %arg8[%dma_start3A_997, %dma_start3A_998] : memref<6x120xi32, #tpu.memory_space<vmem>> -> memref<1x120xi32, #tpu.memory_space<vmem>>
      %dma_start3A_1000 = tpu.memref_squeeze %dma_start3A_999 : memref<1x120xi32, #tpu.memory_space<vmem>> -> memref<120xi32, #tpu.memory_space<vmem>>
      %dma_start3A_1001 = arith.constant 0 : i32
      %dma_start3A_1002 = arith.constant 0 : i32
      %dma_start3A_1003 = tpu.memref_slice %arg4[%dma_start3A_1001, %dma_start3A_1002] : memref<40960x128xf32, #tpu.memory_space<hbm>> -> memref<40960x128xf32, #tpu.memory_space<hbm>>
      tpu.enqueue_indirect_dma source(%dma_start3A_1003 : memref<40960x128xf32, #tpu.memory_space<hbm>>) target(%arg12 : memref<120x128xf32, #tpu.memory_space<vmem>>) offsets(%dma_start3A_1000 : memref<120xi32, #tpu.memory_space<vmem>>) semaphore(%arg15 : memref<!tpu.dma_semaphore, #tpu.memory_space<semaphore_mem>>)
      %dma_wait3A_1004 = arith.constant 0 : i32
      %dma_wait3A_1005 = arith.constant 0 : i32
      %dma_wait3A_1006 = tpu.memref_slice %arg8[%dma_wait3A_1004, %dma_wait3A_1005] : memref<6x120xi32, #tpu.memory_space<vmem>> -> memref<1x120xi32, #tpu.memory_space<vmem>>
      %dma_wait3A_1007 = tpu.memref_squeeze %dma_wait3A_1006 : memref<1x120xi32, #tpu.memory_space<vmem>> -> memref<120xi32, #tpu.memory_space<vmem>>
      %dma_wait3A_1008 = arith.constant 0 : i32
      %dma_wait3A_1009 = arith.constant 0 : i32
      %dma_wait3A_1010 = tpu.memref_slice %arg4[%dma_wait3A_1008, %dma_wait3A_1009] : memref<40960x128xf32, #tpu.memory_space<hbm>> -> memref<40960x128xf32, #tpu.memory_space<hbm>>
      tpu.wait_indirect_dma semaphore(%arg16 : memref<!tpu.dma_semaphore, #tpu.memory_space<semaphore_mem>>) src(%dma_wait3A_1010 : memref<40960x128xf32, #tpu.memory_space<hbm>>) dst(%arg13 : memref<120x128xf32, #tpu.memory_space<vmem>>)
      %dma_start3A_1011 = arith.constant 5 : i32
      %dma_start3A_1012 = arith.constant 0 : i32
      %dma_start3A_1013 = tpu.memref_slice %arg8[%dma_start3A_1011, %dma_start3A_1012] : memref<6x120xi32, #tpu.memory_space<vmem>> -> memref<1x120xi32, #tpu.memory_space<vmem>>
      %dma_start3A_1014 = tpu.memref_squeeze %dma_start3A_1013 : memref<1x120xi32, #tpu.memory_space<vmem>> -> memref<120xi32, #tpu.memory_space<vmem>>
      %dma_start3A_1015 = arith.constant 0 : i32
      %dma_start3A_1016 = arith.constant 0 : i32
      %dma_start3A_1017 = tpu.memref_slice %arg4[%dma_start3A_1015, %dma_start3A_1016] : memref<40960x128xf32, #tpu.memory_space<hbm>> -> memref<40960x128xf32, #tpu.memory_space<hbm>>
      tpu.enqueue_indirect_dma source(%dma_start3A_1017 : memref<40960x128xf32, #tpu.memory_space<hbm>>) target(%arg13 : memref<120x128xf32, #tpu.memory_space<vmem>>) offsets(%dma_start3A_1014 : memref<120xi32, #tpu.memory_space<vmem>>) semaphore(%arg16 : memref<!tpu.dma_semaphore, #tpu.memory_space<semaphore_mem>>)
      %dma_wait3A_1018 = arith.constant 0 : i32
      %dma_wait3A_1019 = arith.constant 0 : i32
      %dma_wait3A_1020 = tpu.memref_slice %arg8[%dma_wait3A_1018, %dma_wait3A_1019] : memref<6x120xi32, #tpu.memory_space<vmem>> -> memref<1x120xi32, #tpu.memory_space<vmem>>
      %dma_wait3A_1021 = tpu.memref_squeeze %dma_wait3A_1020 : memref<1x120xi32, #tpu.memory_space<vmem>> -> memref<120xi32, #tpu.memory_space<vmem>>
      %dma_wait3A_1022 = arith.constant 0 : i32
      %dma_wait3A_1023 = arith.constant 0 : i32
      %dma_wait3A_1024 = tpu.memref_slice %arg4[%dma_wait3A_1022, %dma_wait3A_1023] : memref<40960x128xf32, #tpu.memory_space<hbm>> -> memref<40960x128xf32, #tpu.memory_space<hbm>>
      tpu.wait_indirect_dma semaphore(%arg14 : memref<!tpu.dma_semaphore, #tpu.memory_space<semaphore_mem>>) src(%dma_wait3A_1024 : memref<40960x128xf32, #tpu.memory_space<hbm>>) dst(%arg11 : memref<120x128xf32, #tpu.memory_space<vmem>>)
      %dma_start3A_1025 = arith.constant 3 : i32
      %dma_start3A_1026 = arith.constant 0 : i32
      %dma_start3A_1027 = tpu.memref_slice %arg9[%dma_start3A_1025, %dma_start3A_1026] : memref<6x120xi32, #tpu.memory_space<vmem>> -> memref<1x120xi32, #tpu.memory_space<vmem>>
      %dma_start3A_1028 = tpu.memref_squeeze %dma_start3A_1027 : memref<1x120xi32, #tpu.memory_space<vmem>> -> memref<120xi32, #tpu.memory_space<vmem>>
      %dma_start3A_1029 = arith.constant 0 : i32
      %dma_start3A_1030 = arith.constant 0 : i32
      %dma_start3A_1031 = tpu.memref_slice %arg7[%dma_start3A_1029, %dma_start3A_1030] : memref<10112x128xf32, #tpu.memory_space<vmem_shared>> -> memref<10112x128xf32, #tpu.memory_space<vmem_shared>>
      tpu.enqueue_indirect_dma source(%arg11 : memref<120x128xf32, #tpu.memory_space<vmem>>) target(%dma_start3A_1031 : memref<10112x128xf32, #tpu.memory_space<vmem_shared>>) offsets(%dma_start3A_1028 : memref<120xi32, #tpu.memory_space<vmem>>) semaphore(%arg14 : memref<!tpu.dma_semaphore, #tpu.memory_space<semaphore_mem>>) {add = true}
      %dma_wait3A_1032 = arith.constant 0 : i32
      %dma_wait3A_1033 = arith.constant 0 : i32
      %dma_wait3A_1034 = tpu.memref_slice %arg8[%dma_wait3A_1032, %dma_wait3A_1033] : memref<6x120xi32, #tpu.memory_space<vmem>> -> memref<1x120xi32, #tpu.memory_space<vmem>>
      %dma_wait3A_1035 = tpu.memref_squeeze %dma_wait3A_1034 : memref<1x120xi32, #tpu.memory_space<vmem>> -> memref<120xi32, #tpu.memory_space<vmem>>
      %dma_wait3A_1036 = arith.constant 0 : i32
      %dma_wait3A_1037 = arith.constant 0 : i32
      %dma_wait3A_1038 = tpu.memref_slice %arg4[%dma_wait3A_1036, %dma_wait3A_1037] : memref<40960x128xf32, #tpu.memory_space<hbm>> -> memref<40960x128xf32, #tpu.memory_space<hbm>>
      tpu.wait_indirect_dma semaphore(%arg15 : memref<!tpu.dma_semaphore, #tpu.memory_space<semaphore_mem>>) src(%dma_wait3A_1038 : memref<40960x128xf32, #tpu.memory_space<hbm>>) dst(%arg12 : memref<120x128xf32, #tpu.memory_space<vmem>>)
      %dma_start3A_1039 = arith.constant 4 : i32
      %dma_start3A_1040 = arith.constant 0 : i32
      %dma_start3A_1041 = tpu.memref_slice %arg9[%dma_start3A_1039, %dma_start3A_1040] : memref<6x120xi32, #tpu.memory_space<vmem>> -> memref<1x120xi32, #tpu.memory_space<vmem>>
      %dma_start3A_1042 = tpu.memref_squeeze %dma_start3A_1041 : memref<1x120xi32, #tpu.memory_space<vmem>> -> memref<120xi32, #tpu.memory_space<vmem>>
      %dma_start3A_1043 = arith.constant 0 : i32
      %dma_start3A_1044 = arith.constant 0 : i32
      %dma_start3A_1045 = tpu.memref_slice %arg7[%dma_start3A_1043, %dma_start3A_1044] : memref<10112x128xf32, #tpu.memory_space<vmem_shared>> -> memref<10112x128xf32, #tpu.memory_space<vmem_shared>>
      tpu.enqueue_indirect_dma source(%arg12 : memref<120x128xf32, #tpu.memory_space<vmem>>) target(%dma_start3A_1045 : memref<10112x128xf32, #tpu.memory_space<vmem_shared>>) offsets(%dma_start3A_1042 : memref<120xi32, #tpu.memory_space<vmem>>) semaphore(%arg15 : memref<!tpu.dma_semaphore, #tpu.memory_space<semaphore_mem>>) {add = true}
      %dma_wait3A_1046 = arith.constant 0 : i32
      %dma_wait3A_1047 = arith.constant 0 : i32
      %dma_wait3A_1048 = tpu.memref_slice %arg8[%dma_wait3A_1046, %dma_wait3A_1047] : memref<6x120xi32, #tpu.memory_space<vmem>> -> memref<1x120xi32, #tpu.memory_space<vmem>>
      %dma_wait3A_1049 = tpu.memref_squeeze %dma_wait3A_1048 : memref<1x120xi32, #tpu.memory_space<vmem>> -> memref<120xi32, #tpu.memory_space<vmem>>
      %dma_wait3A_1050 = arith.constant 0 : i32
      %dma_wait3A_1051 = arith.constant 0 : i32
      %dma_wait3A_1052 = tpu.memref_slice %arg4[%dma_wait3A_1050, %dma_wait3A_1051] : memref<40960x128xf32, #tpu.memory_space<hbm>> -> memref<40960x128xf32, #tpu.memory_space<hbm>>
      tpu.wait_indirect_dma semaphore(%arg16 : memref<!tpu.dma_semaphore, #tpu.memory_space<semaphore_mem>>) src(%dma_wait3A_1052 : memref<40960x128xf32, #tpu.memory_space<hbm>>) dst(%arg13 : memref<120x128xf32, #tpu.memory_space<vmem>>)
      %dma_start3A_1053 = arith.constant 5 : i32
      %dma_start3A_1054 = arith.constant 0 : i32
      %dma_start3A_1055 = tpu.memref_slice %arg9[%dma_start3A_1053, %dma_start3A_1054] : memref<6x120xi32, #tpu.memory_space<vmem>> -> memref<1x120xi32, #tpu.memory_space<vmem>>
      %dma_start3A_1056 = tpu.memref_squeeze %dma_start3A_1055 : memref<1x120xi32, #tpu.memory_space<vmem>> -> memref<120xi32, #tpu.memory_space<vmem>>
      %dma_start3A_1057 = arith.constant 0 : i32
      %dma_start3A_1058 = arith.constant 0 : i32
      %dma_start3A_1059 = tpu.memref_slice %arg7[%dma_start3A_1057, %dma_start3A_1058] : memref<10112x128xf32, #tpu.memory_space<vmem_shared>> -> memref<10112x128xf32, #tpu.memory_space<vmem_shared>>
      tpu.enqueue_indirect_dma source(%arg13 : memref<120x128xf32, #tpu.memory_space<vmem>>) target(%dma_start3A_1059 : memref<10112x128xf32, #tpu.memory_space<vmem_shared>>) offsets(%dma_start3A_1056 : memref<120xi32, #tpu.memory_space<vmem>>) semaphore(%arg16 : memref<!tpu.dma_semaphore, #tpu.memory_space<semaphore_mem>>) {add = true}
    }
    %scan3A_155 = arith.constant 13 : i32
    %add3A_156 = arith.constant 28 : i32
    %add3A_157 = arith.addi %mul3A_5, %add3A_156 : i32
    %sub3A = arith.constant 1 : i32
    %sub3A_158 = arith.subi %add3A_157, %sub3A : i32
    %add3A_159 = arith.constant 28 : i32
    %add3A_160 = arith.addi %mul3A_5, %add3A_159 : i32
    %sub3A_161 = arith.constant 1 : i32
    %sub3A_162 = arith.subi %add3A_160, %sub3A_161 : i32
    "tpu.region"() ({
      %run_scoped3A = tpu.sem_alloc : memref<!tpu.dma_semaphore, #tpu.memory_space<semaphore_mem>>
      %dma_start3A_711 = arith.constant 0 : i32
      %dma_start3A_712 = arith.constant 0 : i32
      %dma_start3A_713 = tpu.memref_slice %arg2[%add3A_3, %sub3A_158, %dma_start3A_711, %dma_start3A_712] : memref<4x448x6x120xi32, #tpu.memory_space<hbm>> -> memref<1x1x6x120xi32, #tpu.memory_space<hbm>>
      %dma_start3A_714 = tpu.memref_squeeze %dma_start3A_713 : memref<1x1x6x120xi32, #tpu.memory_space<hbm>> -> memref<6x120xi32, #tpu.memory_space<hbm>>
      %dma_start3A_715 = arith.constant 0 : i32
      %dma_start3A_716 = arith.constant 0 : i32
      %dma_start3A_717 = tpu.memref_slice %arg2[%add3A_3, %sub3A_158, %dma_start3A_715, %dma_start3A_716] : memref<4x448x6x120xi32, #tpu.memory_space<hbm>> -> memref<1x1x6x120xi32, #tpu.memory_space<hbm>>
      %dma_start3A_718 = tpu.memref_squeeze %dma_start3A_717 : memref<1x1x6x120xi32, #tpu.memory_space<hbm>> -> memref<6x120xi32, #tpu.memory_space<hbm>>
      tpu.enqueue_dma source(%dma_start3A_718 : memref<6x120xi32, #tpu.memory_space<hbm>>) target(%arg8 : memref<6x120xi32, #tpu.memory_space<vmem>>) target_semaphore(%run_scoped3A : memref<!tpu.dma_semaphore, #tpu.memory_space<semaphore_mem>>)
      %dma_wait3A_719 = arith.constant 0 : i32
      %dma_wait3A_720 = arith.constant 0 : i32
      %dma_wait3A_721 = tpu.memref_slice %arg2[%add3A_3, %sub3A_158, %dma_wait3A_719, %dma_wait3A_720] : memref<4x448x6x120xi32, #tpu.memory_space<hbm>> -> memref<1x1x6x120xi32, #tpu.memory_space<hbm>>
      %dma_wait3A_722 = tpu.memref_squeeze %dma_wait3A_721 : memref<1x1x6x120xi32, #tpu.memory_space<hbm>> -> memref<6x120xi32, #tpu.memory_space<hbm>>
      %dma_wait3A_723 = arith.constant 0 : i32
      %dma_wait3A_724 = arith.constant 0 : i32
      %dma_wait3A_725 = tpu.memref_slice %arg2[%add3A_3, %sub3A_158, %dma_wait3A_723, %dma_wait3A_724] : memref<4x448x6x120xi32, #tpu.memory_space<hbm>> -> memref<1x1x6x120xi32, #tpu.memory_space<hbm>>
      %dma_wait3A_726 = tpu.memref_squeeze %dma_wait3A_725 : memref<1x1x6x120xi32, #tpu.memory_space<hbm>> -> memref<6x120xi32, #tpu.memory_space<hbm>>
      tpu.wait_dma2 semaphore(%run_scoped3A : memref<!tpu.dma_semaphore, #tpu.memory_space<semaphore_mem>>) src(%dma_wait3A_726 : memref<6x120xi32, #tpu.memory_space<hbm>>) dst(%arg8 : memref<6x120xi32, #tpu.memory_space<vmem>>)
      tpu.yield
    }) : () -> ()
    "tpu.region"() ({
      %run_scoped3A = tpu.sem_alloc : memref<!tpu.dma_semaphore, #tpu.memory_space<semaphore_mem>>
      %dma_start3A_711 = arith.constant 0 : i32
      %dma_start3A_712 = arith.constant 0 : i32
      %dma_start3A_713 = tpu.memref_slice %arg3[%add3A_3, %sub3A_162, %dma_start3A_711, %dma_start3A_712] : memref<4x448x6x120xi32, #tpu.memory_space<hbm>> -> memref<1x1x6x120xi32, #tpu.memory_space<hbm>>
      %dma_start3A_714 = tpu.memref_squeeze %dma_start3A_713 : memref<1x1x6x120xi32, #tpu.memory_space<hbm>> -> memref<6x120xi32, #tpu.memory_space<hbm>>
      %dma_start3A_715 = arith.constant 0 : i32
      %dma_start3A_716 = arith.constant 0 : i32
      %dma_start3A_717 = tpu.memref_slice %arg3[%add3A_3, %sub3A_162, %dma_start3A_715, %dma_start3A_716] : memref<4x448x6x120xi32, #tpu.memory_space<hbm>> -> memref<1x1x6x120xi32, #tpu.memory_space<hbm>>
      %dma_start3A_718 = tpu.memref_squeeze %dma_start3A_717 : memref<1x1x6x120xi32, #tpu.memory_space<hbm>> -> memref<6x120xi32, #tpu.memory_space<hbm>>
      tpu.enqueue_dma source(%dma_start3A_718 : memref<6x120xi32, #tpu.memory_space<hbm>>) target(%arg10 : memref<6x120xi32, #tpu.memory_space<vmem>>) target_semaphore(%run_scoped3A : memref<!tpu.dma_semaphore, #tpu.memory_space<semaphore_mem>>)
      %dma_wait3A_719 = arith.constant 0 : i32
      %dma_wait3A_720 = arith.constant 0 : i32
      %dma_wait3A_721 = tpu.memref_slice %arg3[%add3A_3, %sub3A_162, %dma_wait3A_719, %dma_wait3A_720] : memref<4x448x6x120xi32, #tpu.memory_space<hbm>> -> memref<1x1x6x120xi32, #tpu.memory_space<hbm>>
      %dma_wait3A_722 = tpu.memref_squeeze %dma_wait3A_721 : memref<1x1x6x120xi32, #tpu.memory_space<hbm>> -> memref<6x120xi32, #tpu.memory_space<hbm>>
      %dma_wait3A_723 = arith.constant 0 : i32
      %dma_wait3A_724 = arith.constant 0 : i32
      %dma_wait3A_725 = tpu.memref_slice %arg3[%add3A_3, %sub3A_162, %dma_wait3A_723, %dma_wait3A_724] : memref<4x448x6x120xi32, #tpu.memory_space<hbm>> -> memref<1x1x6x120xi32, #tpu.memory_space<hbm>>
      %dma_wait3A_726 = tpu.memref_squeeze %dma_wait3A_725 : memref<1x1x6x120xi32, #tpu.memory_space<hbm>> -> memref<6x120xi32, #tpu.memory_space<hbm>>
      tpu.wait_dma2 semaphore(%run_scoped3A : memref<!tpu.dma_semaphore, #tpu.memory_space<semaphore_mem>>) src(%dma_wait3A_726 : memref<6x120xi32, #tpu.memory_space<hbm>>) dst(%arg10 : memref<6x120xi32, #tpu.memory_space<vmem>>)
      tpu.yield
    }) : () -> ()
    %dma_wait3A_163 = arith.constant 0 : i32
    %dma_wait3A_164 = arith.constant 0 : i32
    %dma_wait3A_165 = tpu.memref_slice %arg8[%dma_wait3A_163, %dma_wait3A_164] : memref<6x120xi32, #tpu.memory_space<vmem>> -> memref<1x120xi32, #tpu.memory_space<vmem>>
    %dma_wait3A_166 = tpu.memref_squeeze %dma_wait3A_165 : memref<1x120xi32, #tpu.memory_space<vmem>> -> memref<120xi32, #tpu.memory_space<vmem>>
    %dma_wait3A_167 = arith.constant 0 : i32
    %dma_wait3A_168 = arith.constant 0 : i32
    %dma_wait3A_169 = tpu.memref_slice %arg4[%dma_wait3A_167, %dma_wait3A_168] : memref<40960x128xf32, #tpu.memory_space<hbm>> -> memref<40960x128xf32, #tpu.memory_space<hbm>>
    tpu.wait_indirect_dma semaphore(%arg14 : memref<!tpu.dma_semaphore, #tpu.memory_space<semaphore_mem>>) src(%dma_wait3A_169 : memref<40960x128xf32, #tpu.memory_space<hbm>>) dst(%arg11 : memref<120x128xf32, #tpu.memory_space<vmem>>)
    %dma_start3A_170 = arith.constant 0 : i32
    %dma_start3A_171 = arith.constant 0 : i32
    %dma_start3A_172 = tpu.memref_slice %arg8[%dma_start3A_170, %dma_start3A_171] : memref<6x120xi32, #tpu.memory_space<vmem>> -> memref<1x120xi32, #tpu.memory_space<vmem>>
    %dma_start3A_173 = tpu.memref_squeeze %dma_start3A_172 : memref<1x120xi32, #tpu.memory_space<vmem>> -> memref<120xi32, #tpu.memory_space<vmem>>
    %dma_start3A_174 = arith.constant 0 : i32
    %dma_start3A_175 = arith.constant 0 : i32
    %dma_start3A_176 = tpu.memref_slice %arg4[%dma_start3A_174, %dma_start3A_175] : memref<40960x128xf32, #tpu.memory_space<hbm>> -> memref<40960x128xf32, #tpu.memory_space<hbm>>
    tpu.enqueue_indirect_dma source(%dma_start3A_176 : memref<40960x128xf32, #tpu.memory_space<hbm>>) target(%arg11 : memref<120x128xf32, #tpu.memory_space<vmem>>) offsets(%dma_start3A_173 : memref<120xi32, #tpu.memory_space<vmem>>) semaphore(%arg14 : memref<!tpu.dma_semaphore, #tpu.memory_space<semaphore_mem>>)
    %dma_wait3A_177 = arith.constant 0 : i32
    %dma_wait3A_178 = arith.constant 0 : i32
    %dma_wait3A_179 = tpu.memref_slice %arg8[%dma_wait3A_177, %dma_wait3A_178] : memref<6x120xi32, #tpu.memory_space<vmem>> -> memref<1x120xi32, #tpu.memory_space<vmem>>
    %dma_wait3A_180 = tpu.memref_squeeze %dma_wait3A_179 : memref<1x120xi32, #tpu.memory_space<vmem>> -> memref<120xi32, #tpu.memory_space<vmem>>
    %dma_wait3A_181 = arith.constant 0 : i32
    %dma_wait3A_182 = arith.constant 0 : i32
    %dma_wait3A_183 = tpu.memref_slice %arg4[%dma_wait3A_181, %dma_wait3A_182] : memref<40960x128xf32, #tpu.memory_space<hbm>> -> memref<40960x128xf32, #tpu.memory_space<hbm>>
    tpu.wait_indirect_dma semaphore(%arg15 : memref<!tpu.dma_semaphore, #tpu.memory_space<semaphore_mem>>) src(%dma_wait3A_183 : memref<40960x128xf32, #tpu.memory_space<hbm>>) dst(%arg12 : memref<120x128xf32, #tpu.memory_space<vmem>>)
    %dma_start3A_184 = arith.constant 1 : i32
    %dma_start3A_185 = arith.constant 0 : i32
    %dma_start3A_186 = tpu.memref_slice %arg8[%dma_start3A_184, %dma_start3A_185] : memref<6x120xi32, #tpu.memory_space<vmem>> -> memref<1x120xi32, #tpu.memory_space<vmem>>
    %dma_start3A_187 = tpu.memref_squeeze %dma_start3A_186 : memref<1x120xi32, #tpu.memory_space<vmem>> -> memref<120xi32, #tpu.memory_space<vmem>>
    %dma_start3A_188 = arith.constant 0 : i32
    %dma_start3A_189 = arith.constant 0 : i32
    %dma_start3A_190 = tpu.memref_slice %arg4[%dma_start3A_188, %dma_start3A_189] : memref<40960x128xf32, #tpu.memory_space<hbm>> -> memref<40960x128xf32, #tpu.memory_space<hbm>>
    tpu.enqueue_indirect_dma source(%dma_start3A_190 : memref<40960x128xf32, #tpu.memory_space<hbm>>) target(%arg12 : memref<120x128xf32, #tpu.memory_space<vmem>>) offsets(%dma_start3A_187 : memref<120xi32, #tpu.memory_space<vmem>>) semaphore(%arg15 : memref<!tpu.dma_semaphore, #tpu.memory_space<semaphore_mem>>)
    %dma_wait3A_191 = arith.constant 0 : i32
    %dma_wait3A_192 = arith.constant 0 : i32
    %dma_wait3A_193 = tpu.memref_slice %arg8[%dma_wait3A_191, %dma_wait3A_192] : memref<6x120xi32, #tpu.memory_space<vmem>> -> memref<1x120xi32, #tpu.memory_space<vmem>>
    %dma_wait3A_194 = tpu.memref_squeeze %dma_wait3A_193 : memref<1x120xi32, #tpu.memory_space<vmem>> -> memref<120xi32, #tpu.memory_space<vmem>>
    %dma_wait3A_195 = arith.constant 0 : i32
    %dma_wait3A_196 = arith.constant 0 : i32
    %dma_wait3A_197 = tpu.memref_slice %arg4[%dma_wait3A_195, %dma_wait3A_196] : memref<40960x128xf32, #tpu.memory_space<hbm>> -> memref<40960x128xf32, #tpu.memory_space<hbm>>
    tpu.wait_indirect_dma semaphore(%arg16 : memref<!tpu.dma_semaphore, #tpu.memory_space<semaphore_mem>>) src(%dma_wait3A_197 : memref<40960x128xf32, #tpu.memory_space<hbm>>) dst(%arg13 : memref<120x128xf32, #tpu.memory_space<vmem>>)
    %dma_start3A_198 = arith.constant 2 : i32
    %dma_start3A_199 = arith.constant 0 : i32
    %dma_start3A_200 = tpu.memref_slice %arg8[%dma_start3A_198, %dma_start3A_199] : memref<6x120xi32, #tpu.memory_space<vmem>> -> memref<1x120xi32, #tpu.memory_space<vmem>>
    %dma_start3A_201 = tpu.memref_squeeze %dma_start3A_200 : memref<1x120xi32, #tpu.memory_space<vmem>> -> memref<120xi32, #tpu.memory_space<vmem>>
    %dma_start3A_202 = arith.constant 0 : i32
    %dma_start3A_203 = arith.constant 0 : i32
    %dma_start3A_204 = tpu.memref_slice %arg4[%dma_start3A_202, %dma_start3A_203] : memref<40960x128xf32, #tpu.memory_space<hbm>> -> memref<40960x128xf32, #tpu.memory_space<hbm>>
    tpu.enqueue_indirect_dma source(%dma_start3A_204 : memref<40960x128xf32, #tpu.memory_space<hbm>>) target(%arg13 : memref<120x128xf32, #tpu.memory_space<vmem>>) offsets(%dma_start3A_201 : memref<120xi32, #tpu.memory_space<vmem>>) semaphore(%arg16 : memref<!tpu.dma_semaphore, #tpu.memory_space<semaphore_mem>>)
    %dma_wait3A_205 = arith.constant 0 : i32
    %dma_wait3A_206 = arith.constant 0 : i32
    %dma_wait3A_207 = tpu.memref_slice %arg8[%dma_wait3A_205, %dma_wait3A_206] : memref<6x120xi32, #tpu.memory_space<vmem>> -> memref<1x120xi32, #tpu.memory_space<vmem>>
    %dma_wait3A_208 = tpu.memref_squeeze %dma_wait3A_207 : memref<1x120xi32, #tpu.memory_space<vmem>> -> memref<120xi32, #tpu.memory_space<vmem>>
    %dma_wait3A_209 = arith.constant 0 : i32
    %dma_wait3A_210 = arith.constant 0 : i32
    %dma_wait3A_211 = tpu.memref_slice %arg4[%dma_wait3A_209, %dma_wait3A_210] : memref<40960x128xf32, #tpu.memory_space<hbm>> -> memref<40960x128xf32, #tpu.memory_space<hbm>>
    tpu.wait_indirect_dma semaphore(%arg14 : memref<!tpu.dma_semaphore, #tpu.memory_space<semaphore_mem>>) src(%dma_wait3A_211 : memref<40960x128xf32, #tpu.memory_space<hbm>>) dst(%arg11 : memref<120x128xf32, #tpu.memory_space<vmem>>)
    %dma_start3A_212 = arith.constant 0 : i32
    %dma_start3A_213 = arith.constant 0 : i32
    %dma_start3A_214 = tpu.memref_slice %arg10[%dma_start3A_212, %dma_start3A_213] : memref<6x120xi32, #tpu.memory_space<vmem>> -> memref<1x120xi32, #tpu.memory_space<vmem>>
    %dma_start3A_215 = tpu.memref_squeeze %dma_start3A_214 : memref<1x120xi32, #tpu.memory_space<vmem>> -> memref<120xi32, #tpu.memory_space<vmem>>
    %dma_start3A_216 = arith.constant 0 : i32
    %dma_start3A_217 = arith.constant 0 : i32
    %dma_start3A_218 = tpu.memref_slice %arg7[%dma_start3A_216, %dma_start3A_217] : memref<10112x128xf32, #tpu.memory_space<vmem_shared>> -> memref<10112x128xf32, #tpu.memory_space<vmem_shared>>
    tpu.enqueue_indirect_dma source(%arg11 : memref<120x128xf32, #tpu.memory_space<vmem>>) target(%dma_start3A_218 : memref<10112x128xf32, #tpu.memory_space<vmem_shared>>) offsets(%dma_start3A_215 : memref<120xi32, #tpu.memory_space<vmem>>) semaphore(%arg14 : memref<!tpu.dma_semaphore, #tpu.memory_space<semaphore_mem>>) {add = true}
    %dma_wait3A_219 = arith.constant 0 : i32
    %dma_wait3A_220 = arith.constant 0 : i32
    %dma_wait3A_221 = tpu.memref_slice %arg8[%dma_wait3A_219, %dma_wait3A_220] : memref<6x120xi32, #tpu.memory_space<vmem>> -> memref<1x120xi32, #tpu.memory_space<vmem>>
    %dma_wait3A_222 = tpu.memref_squeeze %dma_wait3A_221 : memref<1x120xi32, #tpu.memory_space<vmem>> -> memref<120xi32, #tpu.memory_space<vmem>>
    %dma_wait3A_223 = arith.constant 0 : i32
    %dma_wait3A_224 = arith.constant 0 : i32
    %dma_wait3A_225 = tpu.memref_slice %arg4[%dma_wait3A_223, %dma_wait3A_224] : memref<40960x128xf32, #tpu.memory_space<hbm>> -> memref<40960x128xf32, #tpu.memory_space<hbm>>
    tpu.wait_indirect_dma semaphore(%arg15 : memref<!tpu.dma_semaphore, #tpu.memory_space<semaphore_mem>>) src(%dma_wait3A_225 : memref<40960x128xf32, #tpu.memory_space<hbm>>) dst(%arg12 : memref<120x128xf32, #tpu.memory_space<vmem>>)
    %dma_start3A_226 = arith.constant 1 : i32
    %dma_start3A_227 = arith.constant 0 : i32
    %dma_start3A_228 = tpu.memref_slice %arg10[%dma_start3A_226, %dma_start3A_227] : memref<6x120xi32, #tpu.memory_space<vmem>> -> memref<1x120xi32, #tpu.memory_space<vmem>>
    %dma_start3A_229 = tpu.memref_squeeze %dma_start3A_228 : memref<1x120xi32, #tpu.memory_space<vmem>> -> memref<120xi32, #tpu.memory_space<vmem>>
    %dma_start3A_230 = arith.constant 0 : i32
    %dma_start3A_231 = arith.constant 0 : i32
    %dma_start3A_232 = tpu.memref_slice %arg7[%dma_start3A_230, %dma_start3A_231] : memref<10112x128xf32, #tpu.memory_space<vmem_shared>> -> memref<10112x128xf32, #tpu.memory_space<vmem_shared>>
    tpu.enqueue_indirect_dma source(%arg12 : memref<120x128xf32, #tpu.memory_space<vmem>>) target(%dma_start3A_232 : memref<10112x128xf32, #tpu.memory_space<vmem_shared>>) offsets(%dma_start3A_229 : memref<120xi32, #tpu.memory_space<vmem>>) semaphore(%arg15 : memref<!tpu.dma_semaphore, #tpu.memory_space<semaphore_mem>>) {add = true}
    %dma_wait3A_233 = arith.constant 0 : i32
    %dma_wait3A_234 = arith.constant 0 : i32
    %dma_wait3A_235 = tpu.memref_slice %arg8[%dma_wait3A_233, %dma_wait3A_234] : memref<6x120xi32, #tpu.memory_space<vmem>> -> memref<1x120xi32, #tpu.memory_space<vmem>>
    %dma_wait3A_236 = tpu.memref_squeeze %dma_wait3A_235 : memref<1x120xi32, #tpu.memory_space<vmem>> -> memref<120xi32, #tpu.memory_space<vmem>>
    %dma_wait3A_237 = arith.constant 0 : i32
    %dma_wait3A_238 = arith.constant 0 : i32
    %dma_wait3A_239 = tpu.memref_slice %arg4[%dma_wait3A_237, %dma_wait3A_238] : memref<40960x128xf32, #tpu.memory_space<hbm>> -> memref<40960x128xf32, #tpu.memory_space<hbm>>
    tpu.wait_indirect_dma semaphore(%arg16 : memref<!tpu.dma_semaphore, #tpu.memory_space<semaphore_mem>>) src(%dma_wait3A_239 : memref<40960x128xf32, #tpu.memory_space<hbm>>) dst(%arg13 : memref<120x128xf32, #tpu.memory_space<vmem>>)
    %dma_start3A_240 = arith.constant 2 : i32
    %dma_start3A_241 = arith.constant 0 : i32
    %dma_start3A_242 = tpu.memref_slice %arg10[%dma_start3A_240, %dma_start3A_241] : memref<6x120xi32, #tpu.memory_space<vmem>> -> memref<1x120xi32, #tpu.memory_space<vmem>>
    %dma_start3A_243 = tpu.memref_squeeze %dma_start3A_242 : memref<1x120xi32, #tpu.memory_space<vmem>> -> memref<120xi32, #tpu.memory_space<vmem>>
    %dma_start3A_244 = arith.constant 0 : i32
    %dma_start3A_245 = arith.constant 0 : i32
    %dma_start3A_246 = tpu.memref_slice %arg7[%dma_start3A_244, %dma_start3A_245] : memref<10112x128xf32, #tpu.memory_space<vmem_shared>> -> memref<10112x128xf32, #tpu.memory_space<vmem_shared>>
    tpu.enqueue_indirect_dma source(%arg13 : memref<120x128xf32, #tpu.memory_space<vmem>>) target(%dma_start3A_246 : memref<10112x128xf32, #tpu.memory_space<vmem_shared>>) offsets(%dma_start3A_243 : memref<120xi32, #tpu.memory_space<vmem>>) semaphore(%arg16 : memref<!tpu.dma_semaphore, #tpu.memory_space<semaphore_mem>>) {add = true}
    %dma_wait3A_247 = arith.constant 0 : i32
    %dma_wait3A_248 = arith.constant 0 : i32
    %dma_wait3A_249 = tpu.memref_slice %arg8[%dma_wait3A_247, %dma_wait3A_248] : memref<6x120xi32, #tpu.memory_space<vmem>> -> memref<1x120xi32, #tpu.memory_space<vmem>>
    %dma_wait3A_250 = tpu.memref_squeeze %dma_wait3A_249 : memref<1x120xi32, #tpu.memory_space<vmem>> -> memref<120xi32, #tpu.memory_space<vmem>>
    %dma_wait3A_251 = arith.constant 0 : i32
    %dma_wait3A_252 = arith.constant 0 : i32
    %dma_wait3A_253 = tpu.memref_slice %arg4[%dma_wait3A_251, %dma_wait3A_252] : memref<40960x128xf32, #tpu.memory_space<hbm>> -> memref<40960x128xf32, #tpu.memory_space<hbm>>
    tpu.wait_indirect_dma semaphore(%arg14 : memref<!tpu.dma_semaphore, #tpu.memory_space<semaphore_mem>>) src(%dma_wait3A_253 : memref<40960x128xf32, #tpu.memory_space<hbm>>) dst(%arg11 : memref<120x128xf32, #tpu.memory_space<vmem>>)
    %dma_start3A_254 = arith.constant 3 : i32
    %dma_start3A_255 = arith.constant 0 : i32
    %dma_start3A_256 = tpu.memref_slice %arg8[%dma_start3A_254, %dma_start3A_255] : memref<6x120xi32, #tpu.memory_space<vmem>> -> memref<1x120xi32, #tpu.memory_space<vmem>>
    %dma_start3A_257 = tpu.memref_squeeze %dma_start3A_256 : memref<1x120xi32, #tpu.memory_space<vmem>> -> memref<120xi32, #tpu.memory_space<vmem>>
    %dma_start3A_258 = arith.constant 0 : i32
    %dma_start3A_259 = arith.constant 0 : i32
    %dma_start3A_260 = tpu.memref_slice %arg4[%dma_start3A_258, %dma_start3A_259] : memref<40960x128xf32, #tpu.memory_space<hbm>> -> memref<40960x128xf32, #tpu.memory_space<hbm>>
    tpu.enqueue_indirect_dma source(%dma_start3A_260 : memref<40960x128xf32, #tpu.memory_space<hbm>>) target(%arg11 : memref<120x128xf32, #tpu.memory_space<vmem>>) offsets(%dma_start3A_257 : memref<120xi32, #tpu.memory_space<vmem>>) semaphore(%arg14 : memref<!tpu.dma_semaphore, #tpu.memory_space<semaphore_mem>>)
    %dma_wait3A_261 = arith.constant 0 : i32
    %dma_wait3A_262 = arith.constant 0 : i32
    %dma_wait3A_263 = tpu.memref_slice %arg8[%dma_wait3A_261, %dma_wait3A_262] : memref<6x120xi32, #tpu.memory_space<vmem>> -> memref<1x120xi32, #tpu.memory_space<vmem>>
    %dma_wait3A_264 = tpu.memref_squeeze %dma_wait3A_263 : memref<1x120xi32, #tpu.memory_space<vmem>> -> memref<120xi32, #tpu.memory_space<vmem>>
    %dma_wait3A_265 = arith.constant 0 : i32
    %dma_wait3A_266 = arith.constant 0 : i32
    %dma_wait3A_267 = tpu.memref_slice %arg4[%dma_wait3A_265, %dma_wait3A_266] : memref<40960x128xf32, #tpu.memory_space<hbm>> -> memref<40960x128xf32, #tpu.memory_space<hbm>>
    tpu.wait_indirect_dma semaphore(%arg15 : memref<!tpu.dma_semaphore, #tpu.memory_space<semaphore_mem>>) src(%dma_wait3A_267 : memref<40960x128xf32, #tpu.memory_space<hbm>>) dst(%arg12 : memref<120x128xf32, #tpu.memory_space<vmem>>)
    %dma_start3A_268 = arith.constant 4 : i32
    %dma_start3A_269 = arith.constant 0 : i32
    %dma_start3A_270 = tpu.memref_slice %arg8[%dma_start3A_268, %dma_start3A_269] : memref<6x120xi32, #tpu.memory_space<vmem>> -> memref<1x120xi32, #tpu.memory_space<vmem>>
    %dma_start3A_271 = tpu.memref_squeeze %dma_start3A_270 : memref<1x120xi32, #tpu.memory_space<vmem>> -> memref<120xi32, #tpu.memory_space<vmem>>
    %dma_start3A_272 = arith.constant 0 : i32
    %dma_start3A_273 = arith.constant 0 : i32
    %dma_start3A_274 = tpu.memref_slice %arg4[%dma_start3A_272, %dma_start3A_273] : memref<40960x128xf32, #tpu.memory_space<hbm>> -> memref<40960x128xf32, #tpu.memory_space<hbm>>
    tpu.enqueue_indirect_dma source(%dma_start3A_274 : memref<40960x128xf32, #tpu.memory_space<hbm>>) target(%arg12 : memref<120x128xf32, #tpu.memory_space<vmem>>) offsets(%dma_start3A_271 : memref<120xi32, #tpu.memory_space<vmem>>) semaphore(%arg15 : memref<!tpu.dma_semaphore, #tpu.memory_space<semaphore_mem>>)
    %dma_wait3A_275 = arith.constant 0 : i32
    %dma_wait3A_276 = arith.constant 0 : i32
    %dma_wait3A_277 = tpu.memref_slice %arg8[%dma_wait3A_275, %dma_wait3A_276] : memref<6x120xi32, #tpu.memory_space<vmem>> -> memref<1x120xi32, #tpu.memory_space<vmem>>
    %dma_wait3A_278 = tpu.memref_squeeze %dma_wait3A_277 : memref<1x120xi32, #tpu.memory_space<vmem>> -> memref<120xi32, #tpu.memory_space<vmem>>
    %dma_wait3A_279 = arith.constant 0 : i32
    %dma_wait3A_280 = arith.constant 0 : i32
    %dma_wait3A_281 = tpu.memref_slice %arg4[%dma_wait3A_279, %dma_wait3A_280] : memref<40960x128xf32, #tpu.memory_space<hbm>> -> memref<40960x128xf32, #tpu.memory_space<hbm>>
    tpu.wait_indirect_dma semaphore(%arg16 : memref<!tpu.dma_semaphore, #tpu.memory_space<semaphore_mem>>) src(%dma_wait3A_281 : memref<40960x128xf32, #tpu.memory_space<hbm>>) dst(%arg13 : memref<120x128xf32, #tpu.memory_space<vmem>>)
    %dma_start3A_282 = arith.constant 5 : i32
    %dma_start3A_283 = arith.constant 0 : i32
    %dma_start3A_284 = tpu.memref_slice %arg8[%dma_start3A_282, %dma_start3A_283] : memref<6x120xi32, #tpu.memory_space<vmem>> -> memref<1x120xi32, #tpu.memory_space<vmem>>
    %dma_start3A_285 = tpu.memref_squeeze %dma_start3A_284 : memref<1x120xi32, #tpu.memory_space<vmem>> -> memref<120xi32, #tpu.memory_space<vmem>>
    %dma_start3A_286 = arith.constant 0 : i32
    %dma_start3A_287 = arith.constant 0 : i32
    %dma_start3A_288 = tpu.memref_slice %arg4[%dma_start3A_286, %dma_start3A_287] : memref<40960x128xf32, #tpu.memory_space<hbm>> -> memref<40960x128xf32, #tpu.memory_space<hbm>>
    tpu.enqueue_indirect_dma source(%dma_start3A_288 : memref<40960x128xf32, #tpu.memory_space<hbm>>) target(%arg13 : memref<120x128xf32, #tpu.memory_space<vmem>>) offsets(%dma_start3A_285 : memref<120xi32, #tpu.memory_space<vmem>>) semaphore(%arg16 : memref<!tpu.dma_semaphore, #tpu.memory_space<semaphore_mem>>)
    %dma_wait3A_289 = arith.constant 0 : i32
    %dma_wait3A_290 = arith.constant 0 : i32
    %dma_wait3A_291 = tpu.memref_slice %arg8[%dma_wait3A_289, %dma_wait3A_290] : memref<6x120xi32, #tpu.memory_space<vmem>> -> memref<1x120xi32, #tpu.memory_space<vmem>>
    %dma_wait3A_292 = tpu.memref_squeeze %dma_wait3A_291 : memref<1x120xi32, #tpu.memory_space<vmem>> -> memref<120xi32, #tpu.memory_space<vmem>>
    %dma_wait3A_293 = arith.constant 0 : i32
    %dma_wait3A_294 = arith.constant 0 : i32
    %dma_wait3A_295 = tpu.memref_slice %arg4[%dma_wait3A_293, %dma_wait3A_294] : memref<40960x128xf32, #tpu.memory_space<hbm>> -> memref<40960x128xf32, #tpu.memory_space<hbm>>
    tpu.wait_indirect_dma semaphore(%arg14 : memref<!tpu.dma_semaphore, #tpu.memory_space<semaphore_mem>>) src(%dma_wait3A_295 : memref<40960x128xf32, #tpu.memory_space<hbm>>) dst(%arg11 : memref<120x128xf32, #tpu.memory_space<vmem>>)
    %dma_start3A_296 = arith.constant 3 : i32
    %dma_start3A_297 = arith.constant 0 : i32
    %dma_start3A_298 = tpu.memref_slice %arg10[%dma_start3A_296, %dma_start3A_297] : memref<6x120xi32, #tpu.memory_space<vmem>> -> memref<1x120xi32, #tpu.memory_space<vmem>>
    %dma_start3A_299 = tpu.memref_squeeze %dma_start3A_298 : memref<1x120xi32, #tpu.memory_space<vmem>> -> memref<120xi32, #tpu.memory_space<vmem>>
    %dma_start3A_300 = arith.constant 0 : i32
    %dma_start3A_301 = arith.constant 0 : i32
    %dma_start3A_302 = tpu.memref_slice %arg7[%dma_start3A_300, %dma_start3A_301] : memref<10112x128xf32, #tpu.memory_space<vmem_shared>> -> memref<10112x128xf32, #tpu.memory_space<vmem_shared>>
    tpu.enqueue_indirect_dma source(%arg11 : memref<120x128xf32, #tpu.memory_space<vmem>>) target(%dma_start3A_302 : memref<10112x128xf32, #tpu.memory_space<vmem_shared>>) offsets(%dma_start3A_299 : memref<120xi32, #tpu.memory_space<vmem>>) semaphore(%arg14 : memref<!tpu.dma_semaphore, #tpu.memory_space<semaphore_mem>>) {add = true}
    %dma_wait3A_303 = arith.constant 0 : i32
    %dma_wait3A_304 = arith.constant 0 : i32
    %dma_wait3A_305 = tpu.memref_slice %arg8[%dma_wait3A_303, %dma_wait3A_304] : memref<6x120xi32, #tpu.memory_space<vmem>> -> memref<1x120xi32, #tpu.memory_space<vmem>>
    %dma_wait3A_306 = tpu.memref_squeeze %dma_wait3A_305 : memref<1x120xi32, #tpu.memory_space<vmem>> -> memref<120xi32, #tpu.memory_space<vmem>>
    %dma_wait3A_307 = arith.constant 0 : i32
    %dma_wait3A_308 = arith.constant 0 : i32
    %dma_wait3A_309 = tpu.memref_slice %arg4[%dma_wait3A_307, %dma_wait3A_308] : memref<40960x128xf32, #tpu.memory_space<hbm>> -> memref<40960x128xf32, #tpu.memory_space<hbm>>
    tpu.wait_indirect_dma semaphore(%arg15 : memref<!tpu.dma_semaphore, #tpu.memory_space<semaphore_mem>>) src(%dma_wait3A_309 : memref<40960x128xf32, #tpu.memory_space<hbm>>) dst(%arg12 : memref<120x128xf32, #tpu.memory_space<vmem>>)
    %dma_start3A_310 = arith.constant 4 : i32
    %dma_start3A_311 = arith.constant 0 : i32
    %dma_start3A_312 = tpu.memref_slice %arg10[%dma_start3A_310, %dma_start3A_311] : memref<6x120xi32, #tpu.memory_space<vmem>> -> memref<1x120xi32, #tpu.memory_space<vmem>>
    %dma_start3A_313 = tpu.memref_squeeze %dma_start3A_312 : memref<1x120xi32, #tpu.memory_space<vmem>> -> memref<120xi32, #tpu.memory_space<vmem>>
    %dma_start3A_314 = arith.constant 0 : i32
    %dma_start3A_315 = arith.constant 0 : i32
    %dma_start3A_316 = tpu.memref_slice %arg7[%dma_start3A_314, %dma_start3A_315] : memref<10112x128xf32, #tpu.memory_space<vmem_shared>> -> memref<10112x128xf32, #tpu.memory_space<vmem_shared>>
    tpu.enqueue_indirect_dma source(%arg12 : memref<120x128xf32, #tpu.memory_space<vmem>>) target(%dma_start3A_316 : memref<10112x128xf32, #tpu.memory_space<vmem_shared>>) offsets(%dma_start3A_313 : memref<120xi32, #tpu.memory_space<vmem>>) semaphore(%arg15 : memref<!tpu.dma_semaphore, #tpu.memory_space<semaphore_mem>>) {add = true}
    %dma_wait3A_317 = arith.constant 0 : i32
    %dma_wait3A_318 = arith.constant 0 : i32
    %dma_wait3A_319 = tpu.memref_slice %arg8[%dma_wait3A_317, %dma_wait3A_318] : memref<6x120xi32, #tpu.memory_space<vmem>> -> memref<1x120xi32, #tpu.memory_space<vmem>>
    %dma_wait3A_320 = tpu.memref_squeeze %dma_wait3A_319 : memref<1x120xi32, #tpu.memory_space<vmem>> -> memref<120xi32, #tpu.memory_space<vmem>>
    %dma_wait3A_321 = arith.constant 0 : i32
    %dma_wait3A_322 = arith.constant 0 : i32
    %dma_wait3A_323 = tpu.memref_slice %arg4[%dma_wait3A_321, %dma_wait3A_322] : memref<40960x128xf32, #tpu.memory_space<hbm>> -> memref<40960x128xf32, #tpu.memory_space<hbm>>
    tpu.wait_indirect_dma semaphore(%arg16 : memref<!tpu.dma_semaphore, #tpu.memory_space<semaphore_mem>>) src(%dma_wait3A_323 : memref<40960x128xf32, #tpu.memory_space<hbm>>) dst(%arg13 : memref<120x128xf32, #tpu.memory_space<vmem>>)
    %dma_start3A_324 = arith.constant 5 : i32
    %dma_start3A_325 = arith.constant 0 : i32
    %dma_start3A_326 = tpu.memref_slice %arg10[%dma_start3A_324, %dma_start3A_325] : memref<6x120xi32, #tpu.memory_space<vmem>> -> memref<1x120xi32, #tpu.memory_space<vmem>>
    %dma_start3A_327 = tpu.memref_squeeze %dma_start3A_326 : memref<1x120xi32, #tpu.memory_space<vmem>> -> memref<120xi32, #tpu.memory_space<vmem>>
    %dma_start3A_328 = arith.constant 0 : i32
    %dma_start3A_329 = arith.constant 0 : i32
    %dma_start3A_330 = tpu.memref_slice %arg7[%dma_start3A_328, %dma_start3A_329] : memref<10112x128xf32, #tpu.memory_space<vmem_shared>> -> memref<10112x128xf32, #tpu.memory_space<vmem_shared>>
    tpu.enqueue_indirect_dma source(%arg13 : memref<120x128xf32, #tpu.memory_space<vmem>>) target(%dma_start3A_330 : memref<10112x128xf32, #tpu.memory_space<vmem_shared>>) offsets(%dma_start3A_327 : memref<120xi32, #tpu.memory_space<vmem>>) semaphore(%arg16 : memref<!tpu.dma_semaphore, #tpu.memory_space<semaphore_mem>>) {add = true}
    %dma_wait3A_331 = arith.constant 0 : i32
    %dma_wait3A_332 = arith.constant 0 : i32
    %dma_wait3A_333 = tpu.memref_slice %arg8[%dma_wait3A_331, %dma_wait3A_332] : memref<6x120xi32, #tpu.memory_space<vmem>> -> memref<1x120xi32, #tpu.memory_space<vmem>>
    %dma_wait3A_334 = tpu.memref_squeeze %dma_wait3A_333 : memref<1x120xi32, #tpu.memory_space<vmem>> -> memref<120xi32, #tpu.memory_space<vmem>>
    %dma_wait3A_335 = arith.constant 0 : i32
    %dma_wait3A_336 = arith.constant 0 : i32
    %dma_wait3A_337 = tpu.memref_slice %arg4[%dma_wait3A_335, %dma_wait3A_336] : memref<40960x128xf32, #tpu.memory_space<hbm>> -> memref<40960x128xf32, #tpu.memory_space<hbm>>
    tpu.wait_indirect_dma semaphore(%arg14 : memref<!tpu.dma_semaphore, #tpu.memory_space<semaphore_mem>>) src(%dma_wait3A_337 : memref<40960x128xf32, #tpu.memory_space<hbm>>) dst(%arg11 : memref<120x128xf32, #tpu.memory_space<vmem>>)
    %dma_wait3A_338 = arith.constant 0 : i32
    %dma_wait3A_339 = arith.constant 0 : i32
    %dma_wait3A_340 = tpu.memref_slice %arg8[%dma_wait3A_338, %dma_wait3A_339] : memref<6x120xi32, #tpu.memory_space<vmem>> -> memref<1x120xi32, #tpu.memory_space<vmem>>
    %dma_wait3A_341 = tpu.memref_squeeze %dma_wait3A_340 : memref<1x120xi32, #tpu.memory_space<vmem>> -> memref<120xi32, #tpu.memory_space<vmem>>
    %dma_wait3A_342 = arith.constant 0 : i32
    %dma_wait3A_343 = arith.constant 0 : i32
    %dma_wait3A_344 = tpu.memref_slice %arg4[%dma_wait3A_342, %dma_wait3A_343] : memref<40960x128xf32, #tpu.memory_space<hbm>> -> memref<40960x128xf32, #tpu.memory_space<hbm>>
    tpu.wait_indirect_dma semaphore(%arg15 : memref<!tpu.dma_semaphore, #tpu.memory_space<semaphore_mem>>) src(%dma_wait3A_344 : memref<40960x128xf32, #tpu.memory_space<hbm>>) dst(%arg12 : memref<120x128xf32, #tpu.memory_space<vmem>>)
    %dma_wait3A_345 = arith.constant 0 : i32
    %dma_wait3A_346 = arith.constant 0 : i32
    %dma_wait3A_347 = tpu.memref_slice %arg8[%dma_wait3A_345, %dma_wait3A_346] : memref<6x120xi32, #tpu.memory_space<vmem>> -> memref<1x120xi32, #tpu.memory_space<vmem>>
    %dma_wait3A_348 = tpu.memref_squeeze %dma_wait3A_347 : memref<1x120xi32, #tpu.memory_space<vmem>> -> memref<120xi32, #tpu.memory_space<vmem>>
    %dma_wait3A_349 = arith.constant 0 : i32
    %dma_wait3A_350 = arith.constant 0 : i32
    %dma_wait3A_351 = tpu.memref_slice %arg4[%dma_wait3A_349, %dma_wait3A_350] : memref<40960x128xf32, #tpu.memory_space<hbm>> -> memref<40960x128xf32, #tpu.memory_space<hbm>>
    tpu.wait_indirect_dma semaphore(%arg16 : memref<!tpu.dma_semaphore, #tpu.memory_space<semaphore_mem>>) src(%dma_wait3A_351 : memref<40960x128xf32, #tpu.memory_space<hbm>>) dst(%arg13 : memref<120x128xf32, #tpu.memory_space<vmem>>)
    %barrier3A_352 = arith.constant 0 : index
    tpu.barrier barrier_id(%barrier3A_352)
    "tpu.region"() ({
      %run_scoped3A = tpu.sem_alloc : memref<!tpu.dma_semaphore, #tpu.memory_space<semaphore_mem>>
      %dma_start3A_711 = arith.constant 0 : i32
      %dma_start3A_712 = tpu.memref_slice %arg6[%add3A_3, %mul3A_0, %dma_start3A_711] : memref<4x10112x128xf32, #tpu.memory_space<hbm>> -> memref<1x632x128xf32, #tpu.memory_space<hbm>>
      %dma_start3A_713 = tpu.memref_squeeze %dma_start3A_712 : memref<1x632x128xf32, #tpu.memory_space<hbm>> -> memref<632x128xf32, #tpu.memory_space<hbm>>
      %dma_start3A_714 = arith.constant 0 : i32
      %dma_start3A_715 = tpu.memref_slice %arg7[%mul3A_0, %dma_start3A_714] : memref<10112x128xf32, #tpu.memory_space<vmem_shared>> -> memref<632x128xf32, #tpu.memory_space<vmem_shared>>
      tpu.enqueue_dma source(%dma_start3A_715 : memref<632x128xf32, #tpu.memory_space<vmem_shared>>) target(%dma_start3A_713 : memref<632x128xf32, #tpu.memory_space<hbm>>) target_semaphore(%run_scoped3A : memref<!tpu.dma_semaphore, #tpu.memory_space<semaphore_mem>>)
      %dma_wait3A_716 = arith.constant 0 : i32
      %dma_wait3A_717 = tpu.memref_slice %arg6[%add3A_3, %mul3A_0, %dma_wait3A_716] : memref<4x10112x128xf32, #tpu.memory_space<hbm>> -> memref<1x632x128xf32, #tpu.memory_space<hbm>>
      %dma_wait3A_718 = tpu.memref_squeeze %dma_wait3A_717 : memref<1x632x128xf32, #tpu.memory_space<hbm>> -> memref<632x128xf32, #tpu.memory_space<hbm>>
      %dma_wait3A_719 = arith.constant 0 : i32
      %dma_wait3A_720 = tpu.memref_slice %arg7[%mul3A_0, %dma_wait3A_719] : memref<10112x128xf32, #tpu.memory_space<vmem_shared>> -> memref<632x128xf32, #tpu.memory_space<vmem_shared>>
      tpu.wait_dma2 semaphore(%run_scoped3A : memref<!tpu.dma_semaphore, #tpu.memory_space<semaphore_mem>>) src(%dma_wait3A_720 : memref<632x128xf32, #tpu.memory_space<vmem_shared>>) dst(%dma_wait3A_718 : memref<632x128xf32, #tpu.memory_space<hbm>>)
      tpu.yield
    }) : () -> ()
    %mul3A_353 = arith.constant 2 : i32
    %mul3A_354 = arith.muli %arg0, %mul3A_353 : i32
    %add3A_355 = arith.constant 1 : i32
    %add3A_356 = arith.addi %mul3A_354, %add3A_355 : i32
    %mul3A_357 = arith.constant 28 : i32
    %mul3A_358 = arith.muli %arg1, %mul3A_357 : i32
    "tpu.region"() ({
      %run_scoped3A = tpu.sem_alloc : memref<!tpu.dma_semaphore, #tpu.memory_space<semaphore_mem>>
      %dma_start3A_711 = arith.constant 0 : i32
      %dma_start3A_712 = tpu.memref_slice %arg7[%mul3A_0, %dma_start3A_711] : memref<10112x128xf32, #tpu.memory_space<vmem_shared>> -> memref<632x128xf32, #tpu.memory_space<vmem_shared>>
      %dma_start3A_713 = arith.constant 0 : i32
      %dma_start3A_714 = tpu.memref_slice %arg5[%mul3A_0, %dma_start3A_713] : memref<10240x128xf32, #tpu.memory_space<hbm>> -> memref<632x128xf32, #tpu.memory_space<hbm>>
      tpu.enqueue_dma source(%dma_start3A_714 : memref<632x128xf32, #tpu.memory_space<hbm>>) target(%dma_start3A_712 : memref<632x128xf32, #tpu.memory_space<vmem_shared>>) target_semaphore(%run_scoped3A : memref<!tpu.dma_semaphore, #tpu.memory_space<semaphore_mem>>)
      %dma_wait3A_715 = arith.constant 0 : i32
      %dma_wait3A_716 = tpu.memref_slice %arg7[%mul3A_0, %dma_wait3A_715] : memref<10112x128xf32, #tpu.memory_space<vmem_shared>> -> memref<632x128xf32, #tpu.memory_space<vmem_shared>>
      %dma_wait3A_717 = arith.constant 0 : i32
      %dma_wait3A_718 = tpu.memref_slice %arg5[%mul3A_0, %dma_wait3A_717] : memref<10240x128xf32, #tpu.memory_space<hbm>> -> memref<632x128xf32, #tpu.memory_space<hbm>>
      tpu.wait_dma2 semaphore(%run_scoped3A : memref<!tpu.dma_semaphore, #tpu.memory_space<semaphore_mem>>) src(%dma_wait3A_718 : memref<632x128xf32, #tpu.memory_space<hbm>>) dst(%dma_wait3A_716 : memref<632x128xf32, #tpu.memory_space<vmem_shared>>)
      tpu.yield
    }) : () -> ()
    %barrier3A_359 = arith.constant 0 : index
    tpu.barrier barrier_id(%barrier3A_359)
    "tpu.region"() ({
      %run_scoped3A = tpu.sem_alloc : memref<!tpu.dma_semaphore, #tpu.memory_space<semaphore_mem>>
      %dma_start3A_711 = arith.constant 0 : i32
      %dma_start3A_712 = arith.constant 0 : i32
      %dma_start3A_713 = tpu.memref_slice %arg2[%add3A_356, %mul3A_358, %dma_start3A_711, %dma_start3A_712] : memref<4x448x6x120xi32, #tpu.memory_space<hbm>> -> memref<1x1x6x120xi32, #tpu.memory_space<hbm>>
      %dma_start3A_714 = tpu.memref_squeeze %dma_start3A_713 : memref<1x1x6x120xi32, #tpu.memory_space<hbm>> -> memref<6x120xi32, #tpu.memory_space<hbm>>
      %dma_start3A_715 = arith.constant 0 : i32
      %dma_start3A_716 = arith.constant 0 : i32
      %dma_start3A_717 = tpu.memref_slice %arg2[%add3A_356, %mul3A_358, %dma_start3A_715, %dma_start3A_716] : memref<4x448x6x120xi32, #tpu.memory_space<hbm>> -> memref<1x1x6x120xi32, #tpu.memory_space<hbm>>
      %dma_start3A_718 = tpu.memref_squeeze %dma_start3A_717 : memref<1x1x6x120xi32, #tpu.memory_space<hbm>> -> memref<6x120xi32, #tpu.memory_space<hbm>>
      tpu.enqueue_dma source(%dma_start3A_718 : memref<6x120xi32, #tpu.memory_space<hbm>>) target(%arg8 : memref<6x120xi32, #tpu.memory_space<vmem>>) target_semaphore(%run_scoped3A : memref<!tpu.dma_semaphore, #tpu.memory_space<semaphore_mem>>)
      %dma_wait3A_719 = arith.constant 0 : i32
      %dma_wait3A_720 = arith.constant 0 : i32
      %dma_wait3A_721 = tpu.memref_slice %arg2[%add3A_356, %mul3A_358, %dma_wait3A_719, %dma_wait3A_720] : memref<4x448x6x120xi32, #tpu.memory_space<hbm>> -> memref<1x1x6x120xi32, #tpu.memory_space<hbm>>
      %dma_wait3A_722 = tpu.memref_squeeze %dma_wait3A_721 : memref<1x1x6x120xi32, #tpu.memory_space<hbm>> -> memref<6x120xi32, #tpu.memory_space<hbm>>
      %dma_wait3A_723 = arith.constant 0 : i32
      %dma_wait3A_724 = arith.constant 0 : i32
      %dma_wait3A_725 = tpu.memref_slice %arg2[%add3A_356, %mul3A_358, %dma_wait3A_723, %dma_wait3A_724] : memref<4x448x6x120xi32, #tpu.memory_space<hbm>> -> memref<1x1x6x120xi32, #tpu.memory_space<hbm>>
      %dma_wait3A_726 = tpu.memref_squeeze %dma_wait3A_725 : memref<1x1x6x120xi32, #tpu.memory_space<hbm>> -> memref<6x120xi32, #tpu.memory_space<hbm>>
      tpu.wait_dma2 semaphore(%run_scoped3A : memref<!tpu.dma_semaphore, #tpu.memory_space<semaphore_mem>>) src(%dma_wait3A_726 : memref<6x120xi32, #tpu.memory_space<hbm>>) dst(%arg8 : memref<6x120xi32, #tpu.memory_space<vmem>>)
      tpu.yield
    }) : () -> ()
    "tpu.region"() ({
      %run_scoped3A = tpu.sem_alloc : memref<!tpu.dma_semaphore, #tpu.memory_space<semaphore_mem>>
      %dma_start3A_711 = arith.constant 0 : i32
      %dma_start3A_712 = arith.constant 0 : i32
      %dma_start3A_713 = tpu.memref_slice %arg3[%add3A_356, %mul3A_358, %dma_start3A_711, %dma_start3A_712] : memref<4x448x6x120xi32, #tpu.memory_space<hbm>> -> memref<1x1x6x120xi32, #tpu.memory_space<hbm>>
      %dma_start3A_714 = tpu.memref_squeeze %dma_start3A_713 : memref<1x1x6x120xi32, #tpu.memory_space<hbm>> -> memref<6x120xi32, #tpu.memory_space<hbm>>
      %dma_start3A_715 = arith.constant 0 : i32
      %dma_start3A_716 = arith.constant 0 : i32
      %dma_start3A_717 = tpu.memref_slice %arg3[%add3A_356, %mul3A_358, %dma_start3A_715, %dma_start3A_716] : memref<4x448x6x120xi32, #tpu.memory_space<hbm>> -> memref<1x1x6x120xi32, #tpu.memory_space<hbm>>
      %dma_start3A_718 = tpu.memref_squeeze %dma_start3A_717 : memref<1x1x6x120xi32, #tpu.memory_space<hbm>> -> memref<6x120xi32, #tpu.memory_space<hbm>>
      tpu.enqueue_dma source(%dma_start3A_718 : memref<6x120xi32, #tpu.memory_space<hbm>>) target(%arg9 : memref<6x120xi32, #tpu.memory_space<vmem>>) target_semaphore(%run_scoped3A : memref<!tpu.dma_semaphore, #tpu.memory_space<semaphore_mem>>)
      %dma_wait3A_719 = arith.constant 0 : i32
      %dma_wait3A_720 = arith.constant 0 : i32
      %dma_wait3A_721 = tpu.memref_slice %arg3[%add3A_356, %mul3A_358, %dma_wait3A_719, %dma_wait3A_720] : memref<4x448x6x120xi32, #tpu.memory_space<hbm>> -> memref<1x1x6x120xi32, #tpu.memory_space<hbm>>
      %dma_wait3A_722 = tpu.memref_squeeze %dma_wait3A_721 : memref<1x1x6x120xi32, #tpu.memory_space<hbm>> -> memref<6x120xi32, #tpu.memory_space<hbm>>
      %dma_wait3A_723 = arith.constant 0 : i32
      %dma_wait3A_724 = arith.constant 0 : i32
      %dma_wait3A_725 = tpu.memref_slice %arg3[%add3A_356, %mul3A_358, %dma_wait3A_723, %dma_wait3A_724] : memref<4x448x6x120xi32, #tpu.memory_space<hbm>> -> memref<1x1x6x120xi32, #tpu.memory_space<hbm>>
      %dma_wait3A_726 = tpu.memref_squeeze %dma_wait3A_725 : memref<1x1x6x120xi32, #tpu.memory_space<hbm>> -> memref<6x120xi32, #tpu.memory_space<hbm>>
      tpu.wait_dma2 semaphore(%run_scoped3A : memref<!tpu.dma_semaphore, #tpu.memory_space<semaphore_mem>>) src(%dma_wait3A_726 : memref<6x120xi32, #tpu.memory_space<hbm>>) dst(%arg9 : memref<6x120xi32, #tpu.memory_space<vmem>>)
      tpu.yield
    }) : () -> ()
    %dma_start3A_360 = arith.constant 0 : i32
    %dma_start3A_361 = arith.constant 0 : i32
    %dma_start3A_362 = tpu.memref_slice %arg8[%dma_start3A_360, %dma_start3A_361] : memref<6x120xi32, #tpu.memory_space<vmem>> -> memref<1x120xi32, #tpu.memory_space<vmem>>
    %dma_start3A_363 = tpu.memref_squeeze %dma_start3A_362 : memref<1x120xi32, #tpu.memory_space<vmem>> -> memref<120xi32, #tpu.memory_space<vmem>>
    %dma_start3A_364 = arith.constant 0 : i32
    %dma_start3A_365 = arith.constant 0 : i32
    %dma_start3A_366 = tpu.memref_slice %arg4[%dma_start3A_364, %dma_start3A_365] : memref<40960x128xf32, #tpu.memory_space<hbm>> -> memref<40960x128xf32, #tpu.memory_space<hbm>>
    tpu.enqueue_indirect_dma source(%dma_start3A_366 : memref<40960x128xf32, #tpu.memory_space<hbm>>) target(%arg11 : memref<120x128xf32, #tpu.memory_space<vmem>>) offsets(%dma_start3A_363 : memref<120xi32, #tpu.memory_space<vmem>>) semaphore(%arg14 : memref<!tpu.dma_semaphore, #tpu.memory_space<semaphore_mem>>)
    %dma_start3A_367 = arith.constant 1 : i32
    %dma_start3A_368 = arith.constant 0 : i32
    %dma_start3A_369 = tpu.memref_slice %arg8[%dma_start3A_367, %dma_start3A_368] : memref<6x120xi32, #tpu.memory_space<vmem>> -> memref<1x120xi32, #tpu.memory_space<vmem>>
    %dma_start3A_370 = tpu.memref_squeeze %dma_start3A_369 : memref<1x120xi32, #tpu.memory_space<vmem>> -> memref<120xi32, #tpu.memory_space<vmem>>
    %dma_start3A_371 = arith.constant 0 : i32
    %dma_start3A_372 = arith.constant 0 : i32
    %dma_start3A_373 = tpu.memref_slice %arg4[%dma_start3A_371, %dma_start3A_372] : memref<40960x128xf32, #tpu.memory_space<hbm>> -> memref<40960x128xf32, #tpu.memory_space<hbm>>
    tpu.enqueue_indirect_dma source(%dma_start3A_373 : memref<40960x128xf32, #tpu.memory_space<hbm>>) target(%arg12 : memref<120x128xf32, #tpu.memory_space<vmem>>) offsets(%dma_start3A_370 : memref<120xi32, #tpu.memory_space<vmem>>) semaphore(%arg15 : memref<!tpu.dma_semaphore, #tpu.memory_space<semaphore_mem>>)
    %dma_start3A_374 = arith.constant 2 : i32
    %dma_start3A_375 = arith.constant 0 : i32
    %dma_start3A_376 = tpu.memref_slice %arg8[%dma_start3A_374, %dma_start3A_375] : memref<6x120xi32, #tpu.memory_space<vmem>> -> memref<1x120xi32, #tpu.memory_space<vmem>>
    %dma_start3A_377 = tpu.memref_squeeze %dma_start3A_376 : memref<1x120xi32, #tpu.memory_space<vmem>> -> memref<120xi32, #tpu.memory_space<vmem>>
    %dma_start3A_378 = arith.constant 0 : i32
    %dma_start3A_379 = arith.constant 0 : i32
    %dma_start3A_380 = tpu.memref_slice %arg4[%dma_start3A_378, %dma_start3A_379] : memref<40960x128xf32, #tpu.memory_space<hbm>> -> memref<40960x128xf32, #tpu.memory_space<hbm>>
    tpu.enqueue_indirect_dma source(%dma_start3A_380 : memref<40960x128xf32, #tpu.memory_space<hbm>>) target(%arg13 : memref<120x128xf32, #tpu.memory_space<vmem>>) offsets(%dma_start3A_377 : memref<120xi32, #tpu.memory_space<vmem>>) semaphore(%arg16 : memref<!tpu.dma_semaphore, #tpu.memory_space<semaphore_mem>>)
    %dma_wait3A_381 = arith.constant 0 : i32
    %dma_wait3A_382 = arith.constant 0 : i32
    %dma_wait3A_383 = tpu.memref_slice %arg8[%dma_wait3A_381, %dma_wait3A_382] : memref<6x120xi32, #tpu.memory_space<vmem>> -> memref<1x120xi32, #tpu.memory_space<vmem>>
    %dma_wait3A_384 = tpu.memref_squeeze %dma_wait3A_383 : memref<1x120xi32, #tpu.memory_space<vmem>> -> memref<120xi32, #tpu.memory_space<vmem>>
    %dma_wait3A_385 = arith.constant 0 : i32
    %dma_wait3A_386 = arith.constant 0 : i32
    %dma_wait3A_387 = tpu.memref_slice %arg4[%dma_wait3A_385, %dma_wait3A_386] : memref<40960x128xf32, #tpu.memory_space<hbm>> -> memref<40960x128xf32, #tpu.memory_space<hbm>>
    tpu.wait_indirect_dma semaphore(%arg14 : memref<!tpu.dma_semaphore, #tpu.memory_space<semaphore_mem>>) src(%dma_wait3A_387 : memref<40960x128xf32, #tpu.memory_space<hbm>>) dst(%arg11 : memref<120x128xf32, #tpu.memory_space<vmem>>)
    %dma_start3A_388 = arith.constant 0 : i32
    %dma_start3A_389 = arith.constant 0 : i32
    %dma_start3A_390 = tpu.memref_slice %arg9[%dma_start3A_388, %dma_start3A_389] : memref<6x120xi32, #tpu.memory_space<vmem>> -> memref<1x120xi32, #tpu.memory_space<vmem>>
    %dma_start3A_391 = tpu.memref_squeeze %dma_start3A_390 : memref<1x120xi32, #tpu.memory_space<vmem>> -> memref<120xi32, #tpu.memory_space<vmem>>
    %dma_start3A_392 = arith.constant 0 : i32
    %dma_start3A_393 = arith.constant 0 : i32
    %dma_start3A_394 = tpu.memref_slice %arg7[%dma_start3A_392, %dma_start3A_393] : memref<10112x128xf32, #tpu.memory_space<vmem_shared>> -> memref<10112x128xf32, #tpu.memory_space<vmem_shared>>
    tpu.enqueue_indirect_dma source(%arg11 : memref<120x128xf32, #tpu.memory_space<vmem>>) target(%dma_start3A_394 : memref<10112x128xf32, #tpu.memory_space<vmem_shared>>) offsets(%dma_start3A_391 : memref<120xi32, #tpu.memory_space<vmem>>) semaphore(%arg14 : memref<!tpu.dma_semaphore, #tpu.memory_space<semaphore_mem>>) {add = true}
    %dma_wait3A_395 = arith.constant 0 : i32
    %dma_wait3A_396 = arith.constant 0 : i32
    %dma_wait3A_397 = tpu.memref_slice %arg8[%dma_wait3A_395, %dma_wait3A_396] : memref<6x120xi32, #tpu.memory_space<vmem>> -> memref<1x120xi32, #tpu.memory_space<vmem>>
    %dma_wait3A_398 = tpu.memref_squeeze %dma_wait3A_397 : memref<1x120xi32, #tpu.memory_space<vmem>> -> memref<120xi32, #tpu.memory_space<vmem>>
    %dma_wait3A_399 = arith.constant 0 : i32
    %dma_wait3A_400 = arith.constant 0 : i32
    %dma_wait3A_401 = tpu.memref_slice %arg4[%dma_wait3A_399, %dma_wait3A_400] : memref<40960x128xf32, #tpu.memory_space<hbm>> -> memref<40960x128xf32, #tpu.memory_space<hbm>>
    tpu.wait_indirect_dma semaphore(%arg15 : memref<!tpu.dma_semaphore, #tpu.memory_space<semaphore_mem>>) src(%dma_wait3A_401 : memref<40960x128xf32, #tpu.memory_space<hbm>>) dst(%arg12 : memref<120x128xf32, #tpu.memory_space<vmem>>)
    %dma_start3A_402 = arith.constant 1 : i32
    %dma_start3A_403 = arith.constant 0 : i32
    %dma_start3A_404 = tpu.memref_slice %arg9[%dma_start3A_402, %dma_start3A_403] : memref<6x120xi32, #tpu.memory_space<vmem>> -> memref<1x120xi32, #tpu.memory_space<vmem>>
    %dma_start3A_405 = tpu.memref_squeeze %dma_start3A_404 : memref<1x120xi32, #tpu.memory_space<vmem>> -> memref<120xi32, #tpu.memory_space<vmem>>
    %dma_start3A_406 = arith.constant 0 : i32
    %dma_start3A_407 = arith.constant 0 : i32
    %dma_start3A_408 = tpu.memref_slice %arg7[%dma_start3A_406, %dma_start3A_407] : memref<10112x128xf32, #tpu.memory_space<vmem_shared>> -> memref<10112x128xf32, #tpu.memory_space<vmem_shared>>
    tpu.enqueue_indirect_dma source(%arg12 : memref<120x128xf32, #tpu.memory_space<vmem>>) target(%dma_start3A_408 : memref<10112x128xf32, #tpu.memory_space<vmem_shared>>) offsets(%dma_start3A_405 : memref<120xi32, #tpu.memory_space<vmem>>) semaphore(%arg15 : memref<!tpu.dma_semaphore, #tpu.memory_space<semaphore_mem>>) {add = true}
    %dma_wait3A_409 = arith.constant 0 : i32
    %dma_wait3A_410 = arith.constant 0 : i32
    %dma_wait3A_411 = tpu.memref_slice %arg8[%dma_wait3A_409, %dma_wait3A_410] : memref<6x120xi32, #tpu.memory_space<vmem>> -> memref<1x120xi32, #tpu.memory_space<vmem>>
    %dma_wait3A_412 = tpu.memref_squeeze %dma_wait3A_411 : memref<1x120xi32, #tpu.memory_space<vmem>> -> memref<120xi32, #tpu.memory_space<vmem>>
    %dma_wait3A_413 = arith.constant 0 : i32
    %dma_wait3A_414 = arith.constant 0 : i32
    %dma_wait3A_415 = tpu.memref_slice %arg4[%dma_wait3A_413, %dma_wait3A_414] : memref<40960x128xf32, #tpu.memory_space<hbm>> -> memref<40960x128xf32, #tpu.memory_space<hbm>>
    tpu.wait_indirect_dma semaphore(%arg16 : memref<!tpu.dma_semaphore, #tpu.memory_space<semaphore_mem>>) src(%dma_wait3A_415 : memref<40960x128xf32, #tpu.memory_space<hbm>>) dst(%arg13 : memref<120x128xf32, #tpu.memory_space<vmem>>)
    %dma_start3A_416 = arith.constant 2 : i32
    %dma_start3A_417 = arith.constant 0 : i32
    %dma_start3A_418 = tpu.memref_slice %arg9[%dma_start3A_416, %dma_start3A_417] : memref<6x120xi32, #tpu.memory_space<vmem>> -> memref<1x120xi32, #tpu.memory_space<vmem>>
    %dma_start3A_419 = tpu.memref_squeeze %dma_start3A_418 : memref<1x120xi32, #tpu.memory_space<vmem>> -> memref<120xi32, #tpu.memory_space<vmem>>
    %dma_start3A_420 = arith.constant 0 : i32
    %dma_start3A_421 = arith.constant 0 : i32
    %dma_start3A_422 = tpu.memref_slice %arg7[%dma_start3A_420, %dma_start3A_421] : memref<10112x128xf32, #tpu.memory_space<vmem_shared>> -> memref<10112x128xf32, #tpu.memory_space<vmem_shared>>
    tpu.enqueue_indirect_dma source(%arg13 : memref<120x128xf32, #tpu.memory_space<vmem>>) target(%dma_start3A_422 : memref<10112x128xf32, #tpu.memory_space<vmem_shared>>) offsets(%dma_start3A_419 : memref<120xi32, #tpu.memory_space<vmem>>) semaphore(%arg16 : memref<!tpu.dma_semaphore, #tpu.memory_space<semaphore_mem>>) {add = true}
    %dma_wait3A_423 = arith.constant 0 : i32
    %dma_wait3A_424 = arith.constant 0 : i32
    %dma_wait3A_425 = tpu.memref_slice %arg8[%dma_wait3A_423, %dma_wait3A_424] : memref<6x120xi32, #tpu.memory_space<vmem>> -> memref<1x120xi32, #tpu.memory_space<vmem>>
    %dma_wait3A_426 = tpu.memref_squeeze %dma_wait3A_425 : memref<1x120xi32, #tpu.memory_space<vmem>> -> memref<120xi32, #tpu.memory_space<vmem>>
    %dma_wait3A_427 = arith.constant 0 : i32
    %dma_wait3A_428 = arith.constant 0 : i32
    %dma_wait3A_429 = tpu.memref_slice %arg4[%dma_wait3A_427, %dma_wait3A_428] : memref<40960x128xf32, #tpu.memory_space<hbm>> -> memref<40960x128xf32, #tpu.memory_space<hbm>>
    tpu.wait_indirect_dma semaphore(%arg14 : memref<!tpu.dma_semaphore, #tpu.memory_space<semaphore_mem>>) src(%dma_wait3A_429 : memref<40960x128xf32, #tpu.memory_space<hbm>>) dst(%arg11 : memref<120x128xf32, #tpu.memory_space<vmem>>)
    %dma_start3A_430 = arith.constant 3 : i32
    %dma_start3A_431 = arith.constant 0 : i32
    %dma_start3A_432 = tpu.memref_slice %arg8[%dma_start3A_430, %dma_start3A_431] : memref<6x120xi32, #tpu.memory_space<vmem>> -> memref<1x120xi32, #tpu.memory_space<vmem>>
    %dma_start3A_433 = tpu.memref_squeeze %dma_start3A_432 : memref<1x120xi32, #tpu.memory_space<vmem>> -> memref<120xi32, #tpu.memory_space<vmem>>
    %dma_start3A_434 = arith.constant 0 : i32
    %dma_start3A_435 = arith.constant 0 : i32
    %dma_start3A_436 = tpu.memref_slice %arg4[%dma_start3A_434, %dma_start3A_435] : memref<40960x128xf32, #tpu.memory_space<hbm>> -> memref<40960x128xf32, #tpu.memory_space<hbm>>
    tpu.enqueue_indirect_dma source(%dma_start3A_436 : memref<40960x128xf32, #tpu.memory_space<hbm>>) target(%arg11 : memref<120x128xf32, #tpu.memory_space<vmem>>) offsets(%dma_start3A_433 : memref<120xi32, #tpu.memory_space<vmem>>) semaphore(%arg14 : memref<!tpu.dma_semaphore, #tpu.memory_space<semaphore_mem>>)
    %dma_wait3A_437 = arith.constant 0 : i32
    %dma_wait3A_438 = arith.constant 0 : i32
    %dma_wait3A_439 = tpu.memref_slice %arg8[%dma_wait3A_437, %dma_wait3A_438] : memref<6x120xi32, #tpu.memory_space<vmem>> -> memref<1x120xi32, #tpu.memory_space<vmem>>
    %dma_wait3A_440 = tpu.memref_squeeze %dma_wait3A_439 : memref<1x120xi32, #tpu.memory_space<vmem>> -> memref<120xi32, #tpu.memory_space<vmem>>
    %dma_wait3A_441 = arith.constant 0 : i32
    %dma_wait3A_442 = arith.constant 0 : i32
    %dma_wait3A_443 = tpu.memref_slice %arg4[%dma_wait3A_441, %dma_wait3A_442] : memref<40960x128xf32, #tpu.memory_space<hbm>> -> memref<40960x128xf32, #tpu.memory_space<hbm>>
    tpu.wait_indirect_dma semaphore(%arg15 : memref<!tpu.dma_semaphore, #tpu.memory_space<semaphore_mem>>) src(%dma_wait3A_443 : memref<40960x128xf32, #tpu.memory_space<hbm>>) dst(%arg12 : memref<120x128xf32, #tpu.memory_space<vmem>>)
    %dma_start3A_444 = arith.constant 4 : i32
    %dma_start3A_445 = arith.constant 0 : i32
    %dma_start3A_446 = tpu.memref_slice %arg8[%dma_start3A_444, %dma_start3A_445] : memref<6x120xi32, #tpu.memory_space<vmem>> -> memref<1x120xi32, #tpu.memory_space<vmem>>
    %dma_start3A_447 = tpu.memref_squeeze %dma_start3A_446 : memref<1x120xi32, #tpu.memory_space<vmem>> -> memref<120xi32, #tpu.memory_space<vmem>>
    %dma_start3A_448 = arith.constant 0 : i32
    %dma_start3A_449 = arith.constant 0 : i32
    %dma_start3A_450 = tpu.memref_slice %arg4[%dma_start3A_448, %dma_start3A_449] : memref<40960x128xf32, #tpu.memory_space<hbm>> -> memref<40960x128xf32, #tpu.memory_space<hbm>>
    tpu.enqueue_indirect_dma source(%dma_start3A_450 : memref<40960x128xf32, #tpu.memory_space<hbm>>) target(%arg12 : memref<120x128xf32, #tpu.memory_space<vmem>>) offsets(%dma_start3A_447 : memref<120xi32, #tpu.memory_space<vmem>>) semaphore(%arg15 : memref<!tpu.dma_semaphore, #tpu.memory_space<semaphore_mem>>)
    %dma_wait3A_451 = arith.constant 0 : i32
    %dma_wait3A_452 = arith.constant 0 : i32
    %dma_wait3A_453 = tpu.memref_slice %arg8[%dma_wait3A_451, %dma_wait3A_452] : memref<6x120xi32, #tpu.memory_space<vmem>> -> memref<1x120xi32, #tpu.memory_space<vmem>>
    %dma_wait3A_454 = tpu.memref_squeeze %dma_wait3A_453 : memref<1x120xi32, #tpu.memory_space<vmem>> -> memref<120xi32, #tpu.memory_space<vmem>>
    %dma_wait3A_455 = arith.constant 0 : i32
    %dma_wait3A_456 = arith.constant 0 : i32
    %dma_wait3A_457 = tpu.memref_slice %arg4[%dma_wait3A_455, %dma_wait3A_456] : memref<40960x128xf32, #tpu.memory_space<hbm>> -> memref<40960x128xf32, #tpu.memory_space<hbm>>
    tpu.wait_indirect_dma semaphore(%arg16 : memref<!tpu.dma_semaphore, #tpu.memory_space<semaphore_mem>>) src(%dma_wait3A_457 : memref<40960x128xf32, #tpu.memory_space<hbm>>) dst(%arg13 : memref<120x128xf32, #tpu.memory_space<vmem>>)
    %dma_start3A_458 = arith.constant 5 : i32
    %dma_start3A_459 = arith.constant 0 : i32
    %dma_start3A_460 = tpu.memref_slice %arg8[%dma_start3A_458, %dma_start3A_459] : memref<6x120xi32, #tpu.memory_space<vmem>> -> memref<1x120xi32, #tpu.memory_space<vmem>>
    %dma_start3A_461 = tpu.memref_squeeze %dma_start3A_460 : memref<1x120xi32, #tpu.memory_space<vmem>> -> memref<120xi32, #tpu.memory_space<vmem>>
    %dma_start3A_462 = arith.constant 0 : i32
    %dma_start3A_463 = arith.constant 0 : i32
    %dma_start3A_464 = tpu.memref_slice %arg4[%dma_start3A_462, %dma_start3A_463] : memref<40960x128xf32, #tpu.memory_space<hbm>> -> memref<40960x128xf32, #tpu.memory_space<hbm>>
    tpu.enqueue_indirect_dma source(%dma_start3A_464 : memref<40960x128xf32, #tpu.memory_space<hbm>>) target(%arg13 : memref<120x128xf32, #tpu.memory_space<vmem>>) offsets(%dma_start3A_461 : memref<120xi32, #tpu.memory_space<vmem>>) semaphore(%arg16 : memref<!tpu.dma_semaphore, #tpu.memory_space<semaphore_mem>>)
    %dma_wait3A_465 = arith.constant 0 : i32
    %dma_wait3A_466 = arith.constant 0 : i32
    %dma_wait3A_467 = tpu.memref_slice %arg8[%dma_wait3A_465, %dma_wait3A_466] : memref<6x120xi32, #tpu.memory_space<vmem>> -> memref<1x120xi32, #tpu.memory_space<vmem>>
    %dma_wait3A_468 = tpu.memref_squeeze %dma_wait3A_467 : memref<1x120xi32, #tpu.memory_space<vmem>> -> memref<120xi32, #tpu.memory_space<vmem>>
    %dma_wait3A_469 = arith.constant 0 : i32
    %dma_wait3A_470 = arith.constant 0 : i32
    %dma_wait3A_471 = tpu.memref_slice %arg4[%dma_wait3A_469, %dma_wait3A_470] : memref<40960x128xf32, #tpu.memory_space<hbm>> -> memref<40960x128xf32, #tpu.memory_space<hbm>>
    tpu.wait_indirect_dma semaphore(%arg14 : memref<!tpu.dma_semaphore, #tpu.memory_space<semaphore_mem>>) src(%dma_wait3A_471 : memref<40960x128xf32, #tpu.memory_space<hbm>>) dst(%arg11 : memref<120x128xf32, #tpu.memory_space<vmem>>)
    %dma_start3A_472 = arith.constant 3 : i32
    %dma_start3A_473 = arith.constant 0 : i32
    %dma_start3A_474 = tpu.memref_slice %arg9[%dma_start3A_472, %dma_start3A_473] : memref<6x120xi32, #tpu.memory_space<vmem>> -> memref<1x120xi32, #tpu.memory_space<vmem>>
    %dma_start3A_475 = tpu.memref_squeeze %dma_start3A_474 : memref<1x120xi32, #tpu.memory_space<vmem>> -> memref<120xi32, #tpu.memory_space<vmem>>
    %dma_start3A_476 = arith.constant 0 : i32
    %dma_start3A_477 = arith.constant 0 : i32
    %dma_start3A_478 = tpu.memref_slice %arg7[%dma_start3A_476, %dma_start3A_477] : memref<10112x128xf32, #tpu.memory_space<vmem_shared>> -> memref<10112x128xf32, #tpu.memory_space<vmem_shared>>
    tpu.enqueue_indirect_dma source(%arg11 : memref<120x128xf32, #tpu.memory_space<vmem>>) target(%dma_start3A_478 : memref<10112x128xf32, #tpu.memory_space<vmem_shared>>) offsets(%dma_start3A_475 : memref<120xi32, #tpu.memory_space<vmem>>) semaphore(%arg14 : memref<!tpu.dma_semaphore, #tpu.memory_space<semaphore_mem>>) {add = true}
    %dma_wait3A_479 = arith.constant 0 : i32
    %dma_wait3A_480 = arith.constant 0 : i32
    %dma_wait3A_481 = tpu.memref_slice %arg8[%dma_wait3A_479, %dma_wait3A_480] : memref<6x120xi32, #tpu.memory_space<vmem>> -> memref<1x120xi32, #tpu.memory_space<vmem>>
    %dma_wait3A_482 = tpu.memref_squeeze %dma_wait3A_481 : memref<1x120xi32, #tpu.memory_space<vmem>> -> memref<120xi32, #tpu.memory_space<vmem>>
    %dma_wait3A_483 = arith.constant 0 : i32
    %dma_wait3A_484 = arith.constant 0 : i32
    %dma_wait3A_485 = tpu.memref_slice %arg4[%dma_wait3A_483, %dma_wait3A_484] : memref<40960x128xf32, #tpu.memory_space<hbm>> -> memref<40960x128xf32, #tpu.memory_space<hbm>>
    tpu.wait_indirect_dma semaphore(%arg15 : memref<!tpu.dma_semaphore, #tpu.memory_space<semaphore_mem>>) src(%dma_wait3A_485 : memref<40960x128xf32, #tpu.memory_space<hbm>>) dst(%arg12 : memref<120x128xf32, #tpu.memory_space<vmem>>)
    %dma_start3A_486 = arith.constant 4 : i32
    %dma_start3A_487 = arith.constant 0 : i32
    %dma_start3A_488 = tpu.memref_slice %arg9[%dma_start3A_486, %dma_start3A_487] : memref<6x120xi32, #tpu.memory_space<vmem>> -> memref<1x120xi32, #tpu.memory_space<vmem>>
    %dma_start3A_489 = tpu.memref_squeeze %dma_start3A_488 : memref<1x120xi32, #tpu.memory_space<vmem>> -> memref<120xi32, #tpu.memory_space<vmem>>
    %dma_start3A_490 = arith.constant 0 : i32
    %dma_start3A_491 = arith.constant 0 : i32
    %dma_start3A_492 = tpu.memref_slice %arg7[%dma_start3A_490, %dma_start3A_491] : memref<10112x128xf32, #tpu.memory_space<vmem_shared>> -> memref<10112x128xf32, #tpu.memory_space<vmem_shared>>
    tpu.enqueue_indirect_dma source(%arg12 : memref<120x128xf32, #tpu.memory_space<vmem>>) target(%dma_start3A_492 : memref<10112x128xf32, #tpu.memory_space<vmem_shared>>) offsets(%dma_start3A_489 : memref<120xi32, #tpu.memory_space<vmem>>) semaphore(%arg15 : memref<!tpu.dma_semaphore, #tpu.memory_space<semaphore_mem>>) {add = true}
    %dma_wait3A_493 = arith.constant 0 : i32
    %dma_wait3A_494 = arith.constant 0 : i32
    %dma_wait3A_495 = tpu.memref_slice %arg8[%dma_wait3A_493, %dma_wait3A_494] : memref<6x120xi32, #tpu.memory_space<vmem>> -> memref<1x120xi32, #tpu.memory_space<vmem>>
    %dma_wait3A_496 = tpu.memref_squeeze %dma_wait3A_495 : memref<1x120xi32, #tpu.memory_space<vmem>> -> memref<120xi32, #tpu.memory_space<vmem>>
    %dma_wait3A_497 = arith.constant 0 : i32
    %dma_wait3A_498 = arith.constant 0 : i32
    %dma_wait3A_499 = tpu.memref_slice %arg4[%dma_wait3A_497, %dma_wait3A_498] : memref<40960x128xf32, #tpu.memory_space<hbm>> -> memref<40960x128xf32, #tpu.memory_space<hbm>>
    tpu.wait_indirect_dma semaphore(%arg16 : memref<!tpu.dma_semaphore, #tpu.memory_space<semaphore_mem>>) src(%dma_wait3A_499 : memref<40960x128xf32, #tpu.memory_space<hbm>>) dst(%arg13 : memref<120x128xf32, #tpu.memory_space<vmem>>)
    %dma_start3A_500 = arith.constant 5 : i32
    %dma_start3A_501 = arith.constant 0 : i32
    %dma_start3A_502 = tpu.memref_slice %arg9[%dma_start3A_500, %dma_start3A_501] : memref<6x120xi32, #tpu.memory_space<vmem>> -> memref<1x120xi32, #tpu.memory_space<vmem>>
    %dma_start3A_503 = tpu.memref_squeeze %dma_start3A_502 : memref<1x120xi32, #tpu.memory_space<vmem>> -> memref<120xi32, #tpu.memory_space<vmem>>
    %dma_start3A_504 = arith.constant 0 : i32
    %dma_start3A_505 = arith.constant 0 : i32
    %dma_start3A_506 = tpu.memref_slice %arg7[%dma_start3A_504, %dma_start3A_505] : memref<10112x128xf32, #tpu.memory_space<vmem_shared>> -> memref<10112x128xf32, #tpu.memory_space<vmem_shared>>
    tpu.enqueue_indirect_dma source(%arg13 : memref<120x128xf32, #tpu.memory_space<vmem>>) target(%dma_start3A_506 : memref<10112x128xf32, #tpu.memory_space<vmem_shared>>) offsets(%dma_start3A_503 : memref<120xi32, #tpu.memory_space<vmem>>) semaphore(%arg16 : memref<!tpu.dma_semaphore, #tpu.memory_space<semaphore_mem>>) {add = true}
    %scan3A_507 = arith.constant 0 : i32
    %scan3A_508 = arith.constant 0 : i32
    %scan3A_509 = arith.constant 13 : i32
    %scan3A_510 = arith.addi %scan3A_508, %scan3A_509 : i32
    %scan3A_511 = arith.constant 1 : i32
    scf.for %scan3A_711 = %scan3A_508 to %scan3A_510 step %scan3A_511  : i32 {
      %mul3A_712 = arith.constant 2 : i32
      %mul3A_713 = arith.muli %mul3A_712, %scan3A_711 : i32
      %add3A_714 = arith.constant 1 : i32
      %add3A_715 = arith.addi %add3A_714, %mul3A_713 : i32
      %add3A_716 = arith.addi %mul3A_358, %add3A_715 : i32
      %add3A_717 = arith.addi %mul3A_358, %add3A_715 : i32
      "tpu.region"() ({
        %run_scoped3A = tpu.sem_alloc : memref<!tpu.dma_semaphore, #tpu.memory_space<semaphore_mem>>
        %dma_start3A_1060 = arith.constant 0 : i32
        %dma_start3A_1061 = arith.constant 0 : i32
        %dma_start3A_1062 = tpu.memref_slice %arg2[%add3A_356, %add3A_716, %dma_start3A_1060, %dma_start3A_1061] : memref<4x448x6x120xi32, #tpu.memory_space<hbm>> -> memref<1x1x6x120xi32, #tpu.memory_space<hbm>>
        %dma_start3A_1063 = tpu.memref_squeeze %dma_start3A_1062 : memref<1x1x6x120xi32, #tpu.memory_space<hbm>> -> memref<6x120xi32, #tpu.memory_space<hbm>>
        %dma_start3A_1064 = arith.constant 0 : i32
        %dma_start3A_1065 = arith.constant 0 : i32
        %dma_start3A_1066 = tpu.memref_slice %arg2[%add3A_356, %add3A_716, %dma_start3A_1064, %dma_start3A_1065] : memref<4x448x6x120xi32, #tpu.memory_space<hbm>> -> memref<1x1x6x120xi32, #tpu.memory_space<hbm>>
        %dma_start3A_1067 = tpu.memref_squeeze %dma_start3A_1066 : memref<1x1x6x120xi32, #tpu.memory_space<hbm>> -> memref<6x120xi32, #tpu.memory_space<hbm>>
        tpu.enqueue_dma source(%dma_start3A_1067 : memref<6x120xi32, #tpu.memory_space<hbm>>) target(%arg8 : memref<6x120xi32, #tpu.memory_space<vmem>>) target_semaphore(%run_scoped3A : memref<!tpu.dma_semaphore, #tpu.memory_space<semaphore_mem>>)
        %dma_wait3A_1068 = arith.constant 0 : i32
        %dma_wait3A_1069 = arith.constant 0 : i32
        %dma_wait3A_1070 = tpu.memref_slice %arg2[%add3A_356, %add3A_716, %dma_wait3A_1068, %dma_wait3A_1069] : memref<4x448x6x120xi32, #tpu.memory_space<hbm>> -> memref<1x1x6x120xi32, #tpu.memory_space<hbm>>
        %dma_wait3A_1071 = tpu.memref_squeeze %dma_wait3A_1070 : memref<1x1x6x120xi32, #tpu.memory_space<hbm>> -> memref<6x120xi32, #tpu.memory_space<hbm>>
        %dma_wait3A_1072 = arith.constant 0 : i32
        %dma_wait3A_1073 = arith.constant 0 : i32
        %dma_wait3A_1074 = tpu.memref_slice %arg2[%add3A_356, %add3A_716, %dma_wait3A_1072, %dma_wait3A_1073] : memref<4x448x6x120xi32, #tpu.memory_space<hbm>> -> memref<1x1x6x120xi32, #tpu.memory_space<hbm>>
        %dma_wait3A_1075 = tpu.memref_squeeze %dma_wait3A_1074 : memref<1x1x6x120xi32, #tpu.memory_space<hbm>> -> memref<6x120xi32, #tpu.memory_space<hbm>>
        tpu.wait_dma2 semaphore(%run_scoped3A : memref<!tpu.dma_semaphore, #tpu.memory_space<semaphore_mem>>) src(%dma_wait3A_1075 : memref<6x120xi32, #tpu.memory_space<hbm>>) dst(%arg8 : memref<6x120xi32, #tpu.memory_space<vmem>>)
        tpu.yield
      }) : () -> ()
      "tpu.region"() ({
        %run_scoped3A = tpu.sem_alloc : memref<!tpu.dma_semaphore, #tpu.memory_space<semaphore_mem>>
        %dma_start3A_1060 = arith.constant 0 : i32
        %dma_start3A_1061 = arith.constant 0 : i32
        %dma_start3A_1062 = tpu.memref_slice %arg3[%add3A_356, %add3A_717, %dma_start3A_1060, %dma_start3A_1061] : memref<4x448x6x120xi32, #tpu.memory_space<hbm>> -> memref<1x1x6x120xi32, #tpu.memory_space<hbm>>
        %dma_start3A_1063 = tpu.memref_squeeze %dma_start3A_1062 : memref<1x1x6x120xi32, #tpu.memory_space<hbm>> -> memref<6x120xi32, #tpu.memory_space<hbm>>
        %dma_start3A_1064 = arith.constant 0 : i32
        %dma_start3A_1065 = arith.constant 0 : i32
        %dma_start3A_1066 = tpu.memref_slice %arg3[%add3A_356, %add3A_717, %dma_start3A_1064, %dma_start3A_1065] : memref<4x448x6x120xi32, #tpu.memory_space<hbm>> -> memref<1x1x6x120xi32, #tpu.memory_space<hbm>>
        %dma_start3A_1067 = tpu.memref_squeeze %dma_start3A_1066 : memref<1x1x6x120xi32, #tpu.memory_space<hbm>> -> memref<6x120xi32, #tpu.memory_space<hbm>>
        tpu.enqueue_dma source(%dma_start3A_1067 : memref<6x120xi32, #tpu.memory_space<hbm>>) target(%arg10 : memref<6x120xi32, #tpu.memory_space<vmem>>) target_semaphore(%run_scoped3A : memref<!tpu.dma_semaphore, #tpu.memory_space<semaphore_mem>>)
        %dma_wait3A_1068 = arith.constant 0 : i32
        %dma_wait3A_1069 = arith.constant 0 : i32
        %dma_wait3A_1070 = tpu.memref_slice %arg3[%add3A_356, %add3A_717, %dma_wait3A_1068, %dma_wait3A_1069] : memref<4x448x6x120xi32, #tpu.memory_space<hbm>> -> memref<1x1x6x120xi32, #tpu.memory_space<hbm>>
        %dma_wait3A_1071 = tpu.memref_squeeze %dma_wait3A_1070 : memref<1x1x6x120xi32, #tpu.memory_space<hbm>> -> memref<6x120xi32, #tpu.memory_space<hbm>>
        %dma_wait3A_1072 = arith.constant 0 : i32
        %dma_wait3A_1073 = arith.constant 0 : i32
        %dma_wait3A_1074 = tpu.memref_slice %arg3[%add3A_356, %add3A_717, %dma_wait3A_1072, %dma_wait3A_1073] : memref<4x448x6x120xi32, #tpu.memory_space<hbm>> -> memref<1x1x6x120xi32, #tpu.memory_space<hbm>>
        %dma_wait3A_1075 = tpu.memref_squeeze %dma_wait3A_1074 : memref<1x1x6x120xi32, #tpu.memory_space<hbm>> -> memref<6x120xi32, #tpu.memory_space<hbm>>
        tpu.wait_dma2 semaphore(%run_scoped3A : memref<!tpu.dma_semaphore, #tpu.memory_space<semaphore_mem>>) src(%dma_wait3A_1075 : memref<6x120xi32, #tpu.memory_space<hbm>>) dst(%arg10 : memref<6x120xi32, #tpu.memory_space<vmem>>)
        tpu.yield
      }) : () -> ()
      %dma_wait3A_718 = arith.constant 0 : i32
      %dma_wait3A_719 = arith.constant 0 : i32
      %dma_wait3A_720 = tpu.memref_slice %arg8[%dma_wait3A_718, %dma_wait3A_719] : memref<6x120xi32, #tpu.memory_space<vmem>> -> memref<1x120xi32, #tpu.memory_space<vmem>>
      %dma_wait3A_721 = tpu.memref_squeeze %dma_wait3A_720 : memref<1x120xi32, #tpu.memory_space<vmem>> -> memref<120xi32, #tpu.memory_space<vmem>>
      %dma_wait3A_722 = arith.constant 0 : i32
      %dma_wait3A_723 = arith.constant 0 : i32
      %dma_wait3A_724 = tpu.memref_slice %arg4[%dma_wait3A_722, %dma_wait3A_723] : memref<40960x128xf32, #tpu.memory_space<hbm>> -> memref<40960x128xf32, #tpu.memory_space<hbm>>
      tpu.wait_indirect_dma semaphore(%arg14 : memref<!tpu.dma_semaphore, #tpu.memory_space<semaphore_mem>>) src(%dma_wait3A_724 : memref<40960x128xf32, #tpu.memory_space<hbm>>) dst(%arg11 : memref<120x128xf32, #tpu.memory_space<vmem>>)
      %dma_start3A_725 = arith.constant 0 : i32
      %dma_start3A_726 = arith.constant 0 : i32
      %dma_start3A_727 = tpu.memref_slice %arg8[%dma_start3A_725, %dma_start3A_726] : memref<6x120xi32, #tpu.memory_space<vmem>> -> memref<1x120xi32, #tpu.memory_space<vmem>>
      %dma_start3A_728 = tpu.memref_squeeze %dma_start3A_727 : memref<1x120xi32, #tpu.memory_space<vmem>> -> memref<120xi32, #tpu.memory_space<vmem>>
      %dma_start3A_729 = arith.constant 0 : i32
      %dma_start3A_730 = arith.constant 0 : i32
      %dma_start3A_731 = tpu.memref_slice %arg4[%dma_start3A_729, %dma_start3A_730] : memref<40960x128xf32, #tpu.memory_space<hbm>> -> memref<40960x128xf32, #tpu.memory_space<hbm>>
      tpu.enqueue_indirect_dma source(%dma_start3A_731 : memref<40960x128xf32, #tpu.memory_space<hbm>>) target(%arg11 : memref<120x128xf32, #tpu.memory_space<vmem>>) offsets(%dma_start3A_728 : memref<120xi32, #tpu.memory_space<vmem>>) semaphore(%arg14 : memref<!tpu.dma_semaphore, #tpu.memory_space<semaphore_mem>>)
      %dma_wait3A_732 = arith.constant 0 : i32
      %dma_wait3A_733 = arith.constant 0 : i32
      %dma_wait3A_734 = tpu.memref_slice %arg8[%dma_wait3A_732, %dma_wait3A_733] : memref<6x120xi32, #tpu.memory_space<vmem>> -> memref<1x120xi32, #tpu.memory_space<vmem>>
      %dma_wait3A_735 = tpu.memref_squeeze %dma_wait3A_734 : memref<1x120xi32, #tpu.memory_space<vmem>> -> memref<120xi32, #tpu.memory_space<vmem>>
      %dma_wait3A_736 = arith.constant 0 : i32
      %dma_wait3A_737 = arith.constant 0 : i32
      %dma_wait3A_738 = tpu.memref_slice %arg4[%dma_wait3A_736, %dma_wait3A_737] : memref<40960x128xf32, #tpu.memory_space<hbm>> -> memref<40960x128xf32, #tpu.memory_space<hbm>>
      tpu.wait_indirect_dma semaphore(%arg15 : memref<!tpu.dma_semaphore, #tpu.memory_space<semaphore_mem>>) src(%dma_wait3A_738 : memref<40960x128xf32, #tpu.memory_space<hbm>>) dst(%arg12 : memref<120x128xf32, #tpu.memory_space<vmem>>)
      %dma_start3A_739 = arith.constant 1 : i32
      %dma_start3A_740 = arith.constant 0 : i32
      %dma_start3A_741 = tpu.memref_slice %arg8[%dma_start3A_739, %dma_start3A_740] : memref<6x120xi32, #tpu.memory_space<vmem>> -> memref<1x120xi32, #tpu.memory_space<vmem>>
      %dma_start3A_742 = tpu.memref_squeeze %dma_start3A_741 : memref<1x120xi32, #tpu.memory_space<vmem>> -> memref<120xi32, #tpu.memory_space<vmem>>
      %dma_start3A_743 = arith.constant 0 : i32
      %dma_start3A_744 = arith.constant 0 : i32
      %dma_start3A_745 = tpu.memref_slice %arg4[%dma_start3A_743, %dma_start3A_744] : memref<40960x128xf32, #tpu.memory_space<hbm>> -> memref<40960x128xf32, #tpu.memory_space<hbm>>
      tpu.enqueue_indirect_dma source(%dma_start3A_745 : memref<40960x128xf32, #tpu.memory_space<hbm>>) target(%arg12 : memref<120x128xf32, #tpu.memory_space<vmem>>) offsets(%dma_start3A_742 : memref<120xi32, #tpu.memory_space<vmem>>) semaphore(%arg15 : memref<!tpu.dma_semaphore, #tpu.memory_space<semaphore_mem>>)
      %dma_wait3A_746 = arith.constant 0 : i32
      %dma_wait3A_747 = arith.constant 0 : i32
      %dma_wait3A_748 = tpu.memref_slice %arg8[%dma_wait3A_746, %dma_wait3A_747] : memref<6x120xi32, #tpu.memory_space<vmem>> -> memref<1x120xi32, #tpu.memory_space<vmem>>
      %dma_wait3A_749 = tpu.memref_squeeze %dma_wait3A_748 : memref<1x120xi32, #tpu.memory_space<vmem>> -> memref<120xi32, #tpu.memory_space<vmem>>
      %dma_wait3A_750 = arith.constant 0 : i32
      %dma_wait3A_751 = arith.constant 0 : i32
      %dma_wait3A_752 = tpu.memref_slice %arg4[%dma_wait3A_750, %dma_wait3A_751] : memref<40960x128xf32, #tpu.memory_space<hbm>> -> memref<40960x128xf32, #tpu.memory_space<hbm>>
      tpu.wait_indirect_dma semaphore(%arg16 : memref<!tpu.dma_semaphore, #tpu.memory_space<semaphore_mem>>) src(%dma_wait3A_752 : memref<40960x128xf32, #tpu.memory_space<hbm>>) dst(%arg13 : memref<120x128xf32, #tpu.memory_space<vmem>>)
      %dma_start3A_753 = arith.constant 2 : i32
      %dma_start3A_754 = arith.constant 0 : i32
      %dma_start3A_755 = tpu.memref_slice %arg8[%dma_start3A_753, %dma_start3A_754] : memref<6x120xi32, #tpu.memory_space<vmem>> -> memref<1x120xi32, #tpu.memory_space<vmem>>
      %dma_start3A_756 = tpu.memref_squeeze %dma_start3A_755 : memref<1x120xi32, #tpu.memory_space<vmem>> -> memref<120xi32, #tpu.memory_space<vmem>>
      %dma_start3A_757 = arith.constant 0 : i32
      %dma_start3A_758 = arith.constant 0 : i32
      %dma_start3A_759 = tpu.memref_slice %arg4[%dma_start3A_757, %dma_start3A_758] : memref<40960x128xf32, #tpu.memory_space<hbm>> -> memref<40960x128xf32, #tpu.memory_space<hbm>>
      tpu.enqueue_indirect_dma source(%dma_start3A_759 : memref<40960x128xf32, #tpu.memory_space<hbm>>) target(%arg13 : memref<120x128xf32, #tpu.memory_space<vmem>>) offsets(%dma_start3A_756 : memref<120xi32, #tpu.memory_space<vmem>>) semaphore(%arg16 : memref<!tpu.dma_semaphore, #tpu.memory_space<semaphore_mem>>)
      %dma_wait3A_760 = arith.constant 0 : i32
      %dma_wait3A_761 = arith.constant 0 : i32
      %dma_wait3A_762 = tpu.memref_slice %arg8[%dma_wait3A_760, %dma_wait3A_761] : memref<6x120xi32, #tpu.memory_space<vmem>> -> memref<1x120xi32, #tpu.memory_space<vmem>>
      %dma_wait3A_763 = tpu.memref_squeeze %dma_wait3A_762 : memref<1x120xi32, #tpu.memory_space<vmem>> -> memref<120xi32, #tpu.memory_space<vmem>>
      %dma_wait3A_764 = arith.constant 0 : i32
      %dma_wait3A_765 = arith.constant 0 : i32
      %dma_wait3A_766 = tpu.memref_slice %arg4[%dma_wait3A_764, %dma_wait3A_765] : memref<40960x128xf32, #tpu.memory_space<hbm>> -> memref<40960x128xf32, #tpu.memory_space<hbm>>
      tpu.wait_indirect_dma semaphore(%arg14 : memref<!tpu.dma_semaphore, #tpu.memory_space<semaphore_mem>>) src(%dma_wait3A_766 : memref<40960x128xf32, #tpu.memory_space<hbm>>) dst(%arg11 : memref<120x128xf32, #tpu.memory_space<vmem>>)
      %dma_start3A_767 = arith.constant 0 : i32
      %dma_start3A_768 = arith.constant 0 : i32
      %dma_start3A_769 = tpu.memref_slice %arg10[%dma_start3A_767, %dma_start3A_768] : memref<6x120xi32, #tpu.memory_space<vmem>> -> memref<1x120xi32, #tpu.memory_space<vmem>>
      %dma_start3A_770 = tpu.memref_squeeze %dma_start3A_769 : memref<1x120xi32, #tpu.memory_space<vmem>> -> memref<120xi32, #tpu.memory_space<vmem>>
      %dma_start3A_771 = arith.constant 0 : i32
      %dma_start3A_772 = arith.constant 0 : i32
      %dma_start3A_773 = tpu.memref_slice %arg7[%dma_start3A_771, %dma_start3A_772] : memref<10112x128xf32, #tpu.memory_space<vmem_shared>> -> memref<10112x128xf32, #tpu.memory_space<vmem_shared>>
      tpu.enqueue_indirect_dma source(%arg11 : memref<120x128xf32, #tpu.memory_space<vmem>>) target(%dma_start3A_773 : memref<10112x128xf32, #tpu.memory_space<vmem_shared>>) offsets(%dma_start3A_770 : memref<120xi32, #tpu.memory_space<vmem>>) semaphore(%arg14 : memref<!tpu.dma_semaphore, #tpu.memory_space<semaphore_mem>>) {add = true}
      %dma_wait3A_774 = arith.constant 0 : i32
      %dma_wait3A_775 = arith.constant 0 : i32
      %dma_wait3A_776 = tpu.memref_slice %arg8[%dma_wait3A_774, %dma_wait3A_775] : memref<6x120xi32, #tpu.memory_space<vmem>> -> memref<1x120xi32, #tpu.memory_space<vmem>>
      %dma_wait3A_777 = tpu.memref_squeeze %dma_wait3A_776 : memref<1x120xi32, #tpu.memory_space<vmem>> -> memref<120xi32, #tpu.memory_space<vmem>>
      %dma_wait3A_778 = arith.constant 0 : i32
      %dma_wait3A_779 = arith.constant 0 : i32
      %dma_wait3A_780 = tpu.memref_slice %arg4[%dma_wait3A_778, %dma_wait3A_779] : memref<40960x128xf32, #tpu.memory_space<hbm>> -> memref<40960x128xf32, #tpu.memory_space<hbm>>
      tpu.wait_indirect_dma semaphore(%arg15 : memref<!tpu.dma_semaphore, #tpu.memory_space<semaphore_mem>>) src(%dma_wait3A_780 : memref<40960x128xf32, #tpu.memory_space<hbm>>) dst(%arg12 : memref<120x128xf32, #tpu.memory_space<vmem>>)
      %dma_start3A_781 = arith.constant 1 : i32
      %dma_start3A_782 = arith.constant 0 : i32
      %dma_start3A_783 = tpu.memref_slice %arg10[%dma_start3A_781, %dma_start3A_782] : memref<6x120xi32, #tpu.memory_space<vmem>> -> memref<1x120xi32, #tpu.memory_space<vmem>>
      %dma_start3A_784 = tpu.memref_squeeze %dma_start3A_783 : memref<1x120xi32, #tpu.memory_space<vmem>> -> memref<120xi32, #tpu.memory_space<vmem>>
      %dma_start3A_785 = arith.constant 0 : i32
      %dma_start3A_786 = arith.constant 0 : i32
      %dma_start3A_787 = tpu.memref_slice %arg7[%dma_start3A_785, %dma_start3A_786] : memref<10112x128xf32, #tpu.memory_space<vmem_shared>> -> memref<10112x128xf32, #tpu.memory_space<vmem_shared>>
      tpu.enqueue_indirect_dma source(%arg12 : memref<120x128xf32, #tpu.memory_space<vmem>>) target(%dma_start3A_787 : memref<10112x128xf32, #tpu.memory_space<vmem_shared>>) offsets(%dma_start3A_784 : memref<120xi32, #tpu.memory_space<vmem>>) semaphore(%arg15 : memref<!tpu.dma_semaphore, #tpu.memory_space<semaphore_mem>>) {add = true}
      %dma_wait3A_788 = arith.constant 0 : i32
      %dma_wait3A_789 = arith.constant 0 : i32
      %dma_wait3A_790 = tpu.memref_slice %arg8[%dma_wait3A_788, %dma_wait3A_789] : memref<6x120xi32, #tpu.memory_space<vmem>> -> memref<1x120xi32, #tpu.memory_space<vmem>>
      %dma_wait3A_791 = tpu.memref_squeeze %dma_wait3A_790 : memref<1x120xi32, #tpu.memory_space<vmem>> -> memref<120xi32, #tpu.memory_space<vmem>>
      %dma_wait3A_792 = arith.constant 0 : i32
      %dma_wait3A_793 = arith.constant 0 : i32
      %dma_wait3A_794 = tpu.memref_slice %arg4[%dma_wait3A_792, %dma_wait3A_793] : memref<40960x128xf32, #tpu.memory_space<hbm>> -> memref<40960x128xf32, #tpu.memory_space<hbm>>
      tpu.wait_indirect_dma semaphore(%arg16 : memref<!tpu.dma_semaphore, #tpu.memory_space<semaphore_mem>>) src(%dma_wait3A_794 : memref<40960x128xf32, #tpu.memory_space<hbm>>) dst(%arg13 : memref<120x128xf32, #tpu.memory_space<vmem>>)
      %dma_start3A_795 = arith.constant 2 : i32
      %dma_start3A_796 = arith.constant 0 : i32
      %dma_start3A_797 = tpu.memref_slice %arg10[%dma_start3A_795, %dma_start3A_796] : memref<6x120xi32, #tpu.memory_space<vmem>> -> memref<1x120xi32, #tpu.memory_space<vmem>>
      %dma_start3A_798 = tpu.memref_squeeze %dma_start3A_797 : memref<1x120xi32, #tpu.memory_space<vmem>> -> memref<120xi32, #tpu.memory_space<vmem>>
      %dma_start3A_799 = arith.constant 0 : i32
      %dma_start3A_800 = arith.constant 0 : i32
      %dma_start3A_801 = tpu.memref_slice %arg7[%dma_start3A_799, %dma_start3A_800] : memref<10112x128xf32, #tpu.memory_space<vmem_shared>> -> memref<10112x128xf32, #tpu.memory_space<vmem_shared>>
      tpu.enqueue_indirect_dma source(%arg13 : memref<120x128xf32, #tpu.memory_space<vmem>>) target(%dma_start3A_801 : memref<10112x128xf32, #tpu.memory_space<vmem_shared>>) offsets(%dma_start3A_798 : memref<120xi32, #tpu.memory_space<vmem>>) semaphore(%arg16 : memref<!tpu.dma_semaphore, #tpu.memory_space<semaphore_mem>>) {add = true}
      %dma_wait3A_802 = arith.constant 0 : i32
      %dma_wait3A_803 = arith.constant 0 : i32
      %dma_wait3A_804 = tpu.memref_slice %arg8[%dma_wait3A_802, %dma_wait3A_803] : memref<6x120xi32, #tpu.memory_space<vmem>> -> memref<1x120xi32, #tpu.memory_space<vmem>>
      %dma_wait3A_805 = tpu.memref_squeeze %dma_wait3A_804 : memref<1x120xi32, #tpu.memory_space<vmem>> -> memref<120xi32, #tpu.memory_space<vmem>>
      %dma_wait3A_806 = arith.constant 0 : i32
      %dma_wait3A_807 = arith.constant 0 : i32
      %dma_wait3A_808 = tpu.memref_slice %arg4[%dma_wait3A_806, %dma_wait3A_807] : memref<40960x128xf32, #tpu.memory_space<hbm>> -> memref<40960x128xf32, #tpu.memory_space<hbm>>
      tpu.wait_indirect_dma semaphore(%arg14 : memref<!tpu.dma_semaphore, #tpu.memory_space<semaphore_mem>>) src(%dma_wait3A_808 : memref<40960x128xf32, #tpu.memory_space<hbm>>) dst(%arg11 : memref<120x128xf32, #tpu.memory_space<vmem>>)
      %dma_start3A_809 = arith.constant 3 : i32
      %dma_start3A_810 = arith.constant 0 : i32
      %dma_start3A_811 = tpu.memref_slice %arg8[%dma_start3A_809, %dma_start3A_810] : memref<6x120xi32, #tpu.memory_space<vmem>> -> memref<1x120xi32, #tpu.memory_space<vmem>>
      %dma_start3A_812 = tpu.memref_squeeze %dma_start3A_811 : memref<1x120xi32, #tpu.memory_space<vmem>> -> memref<120xi32, #tpu.memory_space<vmem>>
      %dma_start3A_813 = arith.constant 0 : i32
      %dma_start3A_814 = arith.constant 0 : i32
      %dma_start3A_815 = tpu.memref_slice %arg4[%dma_start3A_813, %dma_start3A_814] : memref<40960x128xf32, #tpu.memory_space<hbm>> -> memref<40960x128xf32, #tpu.memory_space<hbm>>
      tpu.enqueue_indirect_dma source(%dma_start3A_815 : memref<40960x128xf32, #tpu.memory_space<hbm>>) target(%arg11 : memref<120x128xf32, #tpu.memory_space<vmem>>) offsets(%dma_start3A_812 : memref<120xi32, #tpu.memory_space<vmem>>) semaphore(%arg14 : memref<!tpu.dma_semaphore, #tpu.memory_space<semaphore_mem>>)
      %dma_wait3A_816 = arith.constant 0 : i32
      %dma_wait3A_817 = arith.constant 0 : i32
      %dma_wait3A_818 = tpu.memref_slice %arg8[%dma_wait3A_816, %dma_wait3A_817] : memref<6x120xi32, #tpu.memory_space<vmem>> -> memref<1x120xi32, #tpu.memory_space<vmem>>
      %dma_wait3A_819 = tpu.memref_squeeze %dma_wait3A_818 : memref<1x120xi32, #tpu.memory_space<vmem>> -> memref<120xi32, #tpu.memory_space<vmem>>
      %dma_wait3A_820 = arith.constant 0 : i32
      %dma_wait3A_821 = arith.constant 0 : i32
      %dma_wait3A_822 = tpu.memref_slice %arg4[%dma_wait3A_820, %dma_wait3A_821] : memref<40960x128xf32, #tpu.memory_space<hbm>> -> memref<40960x128xf32, #tpu.memory_space<hbm>>
      tpu.wait_indirect_dma semaphore(%arg15 : memref<!tpu.dma_semaphore, #tpu.memory_space<semaphore_mem>>) src(%dma_wait3A_822 : memref<40960x128xf32, #tpu.memory_space<hbm>>) dst(%arg12 : memref<120x128xf32, #tpu.memory_space<vmem>>)
      %dma_start3A_823 = arith.constant 4 : i32
      %dma_start3A_824 = arith.constant 0 : i32
      %dma_start3A_825 = tpu.memref_slice %arg8[%dma_start3A_823, %dma_start3A_824] : memref<6x120xi32, #tpu.memory_space<vmem>> -> memref<1x120xi32, #tpu.memory_space<vmem>>
      %dma_start3A_826 = tpu.memref_squeeze %dma_start3A_825 : memref<1x120xi32, #tpu.memory_space<vmem>> -> memref<120xi32, #tpu.memory_space<vmem>>
      %dma_start3A_827 = arith.constant 0 : i32
      %dma_start3A_828 = arith.constant 0 : i32
      %dma_start3A_829 = tpu.memref_slice %arg4[%dma_start3A_827, %dma_start3A_828] : memref<40960x128xf32, #tpu.memory_space<hbm>> -> memref<40960x128xf32, #tpu.memory_space<hbm>>
      tpu.enqueue_indirect_dma source(%dma_start3A_829 : memref<40960x128xf32, #tpu.memory_space<hbm>>) target(%arg12 : memref<120x128xf32, #tpu.memory_space<vmem>>) offsets(%dma_start3A_826 : memref<120xi32, #tpu.memory_space<vmem>>) semaphore(%arg15 : memref<!tpu.dma_semaphore, #tpu.memory_space<semaphore_mem>>)
      %dma_wait3A_830 = arith.constant 0 : i32
      %dma_wait3A_831 = arith.constant 0 : i32
      %dma_wait3A_832 = tpu.memref_slice %arg8[%dma_wait3A_830, %dma_wait3A_831] : memref<6x120xi32, #tpu.memory_space<vmem>> -> memref<1x120xi32, #tpu.memory_space<vmem>>
      %dma_wait3A_833 = tpu.memref_squeeze %dma_wait3A_832 : memref<1x120xi32, #tpu.memory_space<vmem>> -> memref<120xi32, #tpu.memory_space<vmem>>
      %dma_wait3A_834 = arith.constant 0 : i32
      %dma_wait3A_835 = arith.constant 0 : i32
      %dma_wait3A_836 = tpu.memref_slice %arg4[%dma_wait3A_834, %dma_wait3A_835] : memref<40960x128xf32, #tpu.memory_space<hbm>> -> memref<40960x128xf32, #tpu.memory_space<hbm>>
      tpu.wait_indirect_dma semaphore(%arg16 : memref<!tpu.dma_semaphore, #tpu.memory_space<semaphore_mem>>) src(%dma_wait3A_836 : memref<40960x128xf32, #tpu.memory_space<hbm>>) dst(%arg13 : memref<120x128xf32, #tpu.memory_space<vmem>>)
      %dma_start3A_837 = arith.constant 5 : i32
      %dma_start3A_838 = arith.constant 0 : i32
      %dma_start3A_839 = tpu.memref_slice %arg8[%dma_start3A_837, %dma_start3A_838] : memref<6x120xi32, #tpu.memory_space<vmem>> -> memref<1x120xi32, #tpu.memory_space<vmem>>
      %dma_start3A_840 = tpu.memref_squeeze %dma_start3A_839 : memref<1x120xi32, #tpu.memory_space<vmem>> -> memref<120xi32, #tpu.memory_space<vmem>>
      %dma_start3A_841 = arith.constant 0 : i32
      %dma_start3A_842 = arith.constant 0 : i32
      %dma_start3A_843 = tpu.memref_slice %arg4[%dma_start3A_841, %dma_start3A_842] : memref<40960x128xf32, #tpu.memory_space<hbm>> -> memref<40960x128xf32, #tpu.memory_space<hbm>>
      tpu.enqueue_indirect_dma source(%dma_start3A_843 : memref<40960x128xf32, #tpu.memory_space<hbm>>) target(%arg13 : memref<120x128xf32, #tpu.memory_space<vmem>>) offsets(%dma_start3A_840 : memref<120xi32, #tpu.memory_space<vmem>>) semaphore(%arg16 : memref<!tpu.dma_semaphore, #tpu.memory_space<semaphore_mem>>)
      %dma_wait3A_844 = arith.constant 0 : i32
      %dma_wait3A_845 = arith.constant 0 : i32
      %dma_wait3A_846 = tpu.memref_slice %arg8[%dma_wait3A_844, %dma_wait3A_845] : memref<6x120xi32, #tpu.memory_space<vmem>> -> memref<1x120xi32, #tpu.memory_space<vmem>>
      %dma_wait3A_847 = tpu.memref_squeeze %dma_wait3A_846 : memref<1x120xi32, #tpu.memory_space<vmem>> -> memref<120xi32, #tpu.memory_space<vmem>>
      %dma_wait3A_848 = arith.constant 0 : i32
      %dma_wait3A_849 = arith.constant 0 : i32
      %dma_wait3A_850 = tpu.memref_slice %arg4[%dma_wait3A_848, %dma_wait3A_849] : memref<40960x128xf32, #tpu.memory_space<hbm>> -> memref<40960x128xf32, #tpu.memory_space<hbm>>
      tpu.wait_indirect_dma semaphore(%arg14 : memref<!tpu.dma_semaphore, #tpu.memory_space<semaphore_mem>>) src(%dma_wait3A_850 : memref<40960x128xf32, #tpu.memory_space<hbm>>) dst(%arg11 : memref<120x128xf32, #tpu.memory_space<vmem>>)
      %dma_start3A_851 = arith.constant 3 : i32
      %dma_start3A_852 = arith.constant 0 : i32
      %dma_start3A_853 = tpu.memref_slice %arg10[%dma_start3A_851, %dma_start3A_852] : memref<6x120xi32, #tpu.memory_space<vmem>> -> memref<1x120xi32, #tpu.memory_space<vmem>>
      %dma_start3A_854 = tpu.memref_squeeze %dma_start3A_853 : memref<1x120xi32, #tpu.memory_space<vmem>> -> memref<120xi32, #tpu.memory_space<vmem>>
      %dma_start3A_855 = arith.constant 0 : i32
      %dma_start3A_856 = arith.constant 0 : i32
      %dma_start3A_857 = tpu.memref_slice %arg7[%dma_start3A_855, %dma_start3A_856] : memref<10112x128xf32, #tpu.memory_space<vmem_shared>> -> memref<10112x128xf32, #tpu.memory_space<vmem_shared>>
      tpu.enqueue_indirect_dma source(%arg11 : memref<120x128xf32, #tpu.memory_space<vmem>>) target(%dma_start3A_857 : memref<10112x128xf32, #tpu.memory_space<vmem_shared>>) offsets(%dma_start3A_854 : memref<120xi32, #tpu.memory_space<vmem>>) semaphore(%arg14 : memref<!tpu.dma_semaphore, #tpu.memory_space<semaphore_mem>>) {add = true}
      %dma_wait3A_858 = arith.constant 0 : i32
      %dma_wait3A_859 = arith.constant 0 : i32
      %dma_wait3A_860 = tpu.memref_slice %arg8[%dma_wait3A_858, %dma_wait3A_859] : memref<6x120xi32, #tpu.memory_space<vmem>> -> memref<1x120xi32, #tpu.memory_space<vmem>>
      %dma_wait3A_861 = tpu.memref_squeeze %dma_wait3A_860 : memref<1x120xi32, #tpu.memory_space<vmem>> -> memref<120xi32, #tpu.memory_space<vmem>>
      %dma_wait3A_862 = arith.constant 0 : i32
      %dma_wait3A_863 = arith.constant 0 : i32
      %dma_wait3A_864 = tpu.memref_slice %arg4[%dma_wait3A_862, %dma_wait3A_863] : memref<40960x128xf32, #tpu.memory_space<hbm>> -> memref<40960x128xf32, #tpu.memory_space<hbm>>
      tpu.wait_indirect_dma semaphore(%arg15 : memref<!tpu.dma_semaphore, #tpu.memory_space<semaphore_mem>>) src(%dma_wait3A_864 : memref<40960x128xf32, #tpu.memory_space<hbm>>) dst(%arg12 : memref<120x128xf32, #tpu.memory_space<vmem>>)
      %dma_start3A_865 = arith.constant 4 : i32
      %dma_start3A_866 = arith.constant 0 : i32
      %dma_start3A_867 = tpu.memref_slice %arg10[%dma_start3A_865, %dma_start3A_866] : memref<6x120xi32, #tpu.memory_space<vmem>> -> memref<1x120xi32, #tpu.memory_space<vmem>>
      %dma_start3A_868 = tpu.memref_squeeze %dma_start3A_867 : memref<1x120xi32, #tpu.memory_space<vmem>> -> memref<120xi32, #tpu.memory_space<vmem>>
      %dma_start3A_869 = arith.constant 0 : i32
      %dma_start3A_870 = arith.constant 0 : i32
      %dma_start3A_871 = tpu.memref_slice %arg7[%dma_start3A_869, %dma_start3A_870] : memref<10112x128xf32, #tpu.memory_space<vmem_shared>> -> memref<10112x128xf32, #tpu.memory_space<vmem_shared>>
      tpu.enqueue_indirect_dma source(%arg12 : memref<120x128xf32, #tpu.memory_space<vmem>>) target(%dma_start3A_871 : memref<10112x128xf32, #tpu.memory_space<vmem_shared>>) offsets(%dma_start3A_868 : memref<120xi32, #tpu.memory_space<vmem>>) semaphore(%arg15 : memref<!tpu.dma_semaphore, #tpu.memory_space<semaphore_mem>>) {add = true}
      %dma_wait3A_872 = arith.constant 0 : i32
      %dma_wait3A_873 = arith.constant 0 : i32
      %dma_wait3A_874 = tpu.memref_slice %arg8[%dma_wait3A_872, %dma_wait3A_873] : memref<6x120xi32, #tpu.memory_space<vmem>> -> memref<1x120xi32, #tpu.memory_space<vmem>>
      %dma_wait3A_875 = tpu.memref_squeeze %dma_wait3A_874 : memref<1x120xi32, #tpu.memory_space<vmem>> -> memref<120xi32, #tpu.memory_space<vmem>>
      %dma_wait3A_876 = arith.constant 0 : i32
      %dma_wait3A_877 = arith.constant 0 : i32
      %dma_wait3A_878 = tpu.memref_slice %arg4[%dma_wait3A_876, %dma_wait3A_877] : memref<40960x128xf32, #tpu.memory_space<hbm>> -> memref<40960x128xf32, #tpu.memory_space<hbm>>
      tpu.wait_indirect_dma semaphore(%arg16 : memref<!tpu.dma_semaphore, #tpu.memory_space<semaphore_mem>>) src(%dma_wait3A_878 : memref<40960x128xf32, #tpu.memory_space<hbm>>) dst(%arg13 : memref<120x128xf32, #tpu.memory_space<vmem>>)
      %dma_start3A_879 = arith.constant 5 : i32
      %dma_start3A_880 = arith.constant 0 : i32
      %dma_start3A_881 = tpu.memref_slice %arg10[%dma_start3A_879, %dma_start3A_880] : memref<6x120xi32, #tpu.memory_space<vmem>> -> memref<1x120xi32, #tpu.memory_space<vmem>>
      %dma_start3A_882 = tpu.memref_squeeze %dma_start3A_881 : memref<1x120xi32, #tpu.memory_space<vmem>> -> memref<120xi32, #tpu.memory_space<vmem>>
      %dma_start3A_883 = arith.constant 0 : i32
      %dma_start3A_884 = arith.constant 0 : i32
      %dma_start3A_885 = tpu.memref_slice %arg7[%dma_start3A_883, %dma_start3A_884] : memref<10112x128xf32, #tpu.memory_space<vmem_shared>> -> memref<10112x128xf32, #tpu.memory_space<vmem_shared>>
      tpu.enqueue_indirect_dma source(%arg13 : memref<120x128xf32, #tpu.memory_space<vmem>>) target(%dma_start3A_885 : memref<10112x128xf32, #tpu.memory_space<vmem_shared>>) offsets(%dma_start3A_882 : memref<120xi32, #tpu.memory_space<vmem>>) semaphore(%arg16 : memref<!tpu.dma_semaphore, #tpu.memory_space<semaphore_mem>>) {add = true}
      %add3A_886 = arith.addi %mul3A_358, %add3A_715 : i32
      %add3A_887 = arith.constant 1 : i32
      %add3A_888 = arith.addi %add3A_886, %add3A_887 : i32
      %add3A_889 = arith.addi %mul3A_358, %add3A_715 : i32
      %add3A_890 = arith.constant 1 : i32
      %add3A_891 = arith.addi %add3A_889, %add3A_890 : i32
      "tpu.region"() ({
        %run_scoped3A = tpu.sem_alloc : memref<!tpu.dma_semaphore, #tpu.memory_space<semaphore_mem>>
        %dma_start3A_1060 = arith.constant 0 : i32
        %dma_start3A_1061 = arith.constant 0 : i32
        %dma_start3A_1062 = tpu.memref_slice %arg2[%add3A_356, %add3A_888, %dma_start3A_1060, %dma_start3A_1061] : memref<4x448x6x120xi32, #tpu.memory_space<hbm>> -> memref<1x1x6x120xi32, #tpu.memory_space<hbm>>
        %dma_start3A_1063 = tpu.memref_squeeze %dma_start3A_1062 : memref<1x1x6x120xi32, #tpu.memory_space<hbm>> -> memref<6x120xi32, #tpu.memory_space<hbm>>
        %dma_start3A_1064 = arith.constant 0 : i32
        %dma_start3A_1065 = arith.constant 0 : i32
        %dma_start3A_1066 = tpu.memref_slice %arg2[%add3A_356, %add3A_888, %dma_start3A_1064, %dma_start3A_1065] : memref<4x448x6x120xi32, #tpu.memory_space<hbm>> -> memref<1x1x6x120xi32, #tpu.memory_space<hbm>>
        %dma_start3A_1067 = tpu.memref_squeeze %dma_start3A_1066 : memref<1x1x6x120xi32, #tpu.memory_space<hbm>> -> memref<6x120xi32, #tpu.memory_space<hbm>>
        tpu.enqueue_dma source(%dma_start3A_1067 : memref<6x120xi32, #tpu.memory_space<hbm>>) target(%arg8 : memref<6x120xi32, #tpu.memory_space<vmem>>) target_semaphore(%run_scoped3A : memref<!tpu.dma_semaphore, #tpu.memory_space<semaphore_mem>>)
        %dma_wait3A_1068 = arith.constant 0 : i32
        %dma_wait3A_1069 = arith.constant 0 : i32
        %dma_wait3A_1070 = tpu.memref_slice %arg2[%add3A_356, %add3A_888, %dma_wait3A_1068, %dma_wait3A_1069] : memref<4x448x6x120xi32, #tpu.memory_space<hbm>> -> memref<1x1x6x120xi32, #tpu.memory_space<hbm>>
        %dma_wait3A_1071 = tpu.memref_squeeze %dma_wait3A_1070 : memref<1x1x6x120xi32, #tpu.memory_space<hbm>> -> memref<6x120xi32, #tpu.memory_space<hbm>>
        %dma_wait3A_1072 = arith.constant 0 : i32
        %dma_wait3A_1073 = arith.constant 0 : i32
        %dma_wait3A_1074 = tpu.memref_slice %arg2[%add3A_356, %add3A_888, %dma_wait3A_1072, %dma_wait3A_1073] : memref<4x448x6x120xi32, #tpu.memory_space<hbm>> -> memref<1x1x6x120xi32, #tpu.memory_space<hbm>>
        %dma_wait3A_1075 = tpu.memref_squeeze %dma_wait3A_1074 : memref<1x1x6x120xi32, #tpu.memory_space<hbm>> -> memref<6x120xi32, #tpu.memory_space<hbm>>
        tpu.wait_dma2 semaphore(%run_scoped3A : memref<!tpu.dma_semaphore, #tpu.memory_space<semaphore_mem>>) src(%dma_wait3A_1075 : memref<6x120xi32, #tpu.memory_space<hbm>>) dst(%arg8 : memref<6x120xi32, #tpu.memory_space<vmem>>)
        tpu.yield
      }) : () -> ()
      "tpu.region"() ({
        %run_scoped3A = tpu.sem_alloc : memref<!tpu.dma_semaphore, #tpu.memory_space<semaphore_mem>>
        %dma_start3A_1060 = arith.constant 0 : i32
        %dma_start3A_1061 = arith.constant 0 : i32
        %dma_start3A_1062 = tpu.memref_slice %arg3[%add3A_356, %add3A_891, %dma_start3A_1060, %dma_start3A_1061] : memref<4x448x6x120xi32, #tpu.memory_space<hbm>> -> memref<1x1x6x120xi32, #tpu.memory_space<hbm>>
        %dma_start3A_1063 = tpu.memref_squeeze %dma_start3A_1062 : memref<1x1x6x120xi32, #tpu.memory_space<hbm>> -> memref<6x120xi32, #tpu.memory_space<hbm>>
        %dma_start3A_1064 = arith.constant 0 : i32
        %dma_start3A_1065 = arith.constant 0 : i32
        %dma_start3A_1066 = tpu.memref_slice %arg3[%add3A_356, %add3A_891, %dma_start3A_1064, %dma_start3A_1065] : memref<4x448x6x120xi32, #tpu.memory_space<hbm>> -> memref<1x1x6x120xi32, #tpu.memory_space<hbm>>
        %dma_start3A_1067 = tpu.memref_squeeze %dma_start3A_1066 : memref<1x1x6x120xi32, #tpu.memory_space<hbm>> -> memref<6x120xi32, #tpu.memory_space<hbm>>
        tpu.enqueue_dma source(%dma_start3A_1067 : memref<6x120xi32, #tpu.memory_space<hbm>>) target(%arg9 : memref<6x120xi32, #tpu.memory_space<vmem>>) target_semaphore(%run_scoped3A : memref<!tpu.dma_semaphore, #tpu.memory_space<semaphore_mem>>)
        %dma_wait3A_1068 = arith.constant 0 : i32
        %dma_wait3A_1069 = arith.constant 0 : i32
        %dma_wait3A_1070 = tpu.memref_slice %arg3[%add3A_356, %add3A_891, %dma_wait3A_1068, %dma_wait3A_1069] : memref<4x448x6x120xi32, #tpu.memory_space<hbm>> -> memref<1x1x6x120xi32, #tpu.memory_space<hbm>>
        %dma_wait3A_1071 = tpu.memref_squeeze %dma_wait3A_1070 : memref<1x1x6x120xi32, #tpu.memory_space<hbm>> -> memref<6x120xi32, #tpu.memory_space<hbm>>
        %dma_wait3A_1072 = arith.constant 0 : i32
        %dma_wait3A_1073 = arith.constant 0 : i32
        %dma_wait3A_1074 = tpu.memref_slice %arg3[%add3A_356, %add3A_891, %dma_wait3A_1072, %dma_wait3A_1073] : memref<4x448x6x120xi32, #tpu.memory_space<hbm>> -> memref<1x1x6x120xi32, #tpu.memory_space<hbm>>
        %dma_wait3A_1075 = tpu.memref_squeeze %dma_wait3A_1074 : memref<1x1x6x120xi32, #tpu.memory_space<hbm>> -> memref<6x120xi32, #tpu.memory_space<hbm>>
        tpu.wait_dma2 semaphore(%run_scoped3A : memref<!tpu.dma_semaphore, #tpu.memory_space<semaphore_mem>>) src(%dma_wait3A_1075 : memref<6x120xi32, #tpu.memory_space<hbm>>) dst(%arg9 : memref<6x120xi32, #tpu.memory_space<vmem>>)
        tpu.yield
      }) : () -> ()
      %dma_wait3A_892 = arith.constant 0 : i32
      %dma_wait3A_893 = arith.constant 0 : i32
      %dma_wait3A_894 = tpu.memref_slice %arg8[%dma_wait3A_892, %dma_wait3A_893] : memref<6x120xi32, #tpu.memory_space<vmem>> -> memref<1x120xi32, #tpu.memory_space<vmem>>
      %dma_wait3A_895 = tpu.memref_squeeze %dma_wait3A_894 : memref<1x120xi32, #tpu.memory_space<vmem>> -> memref<120xi32, #tpu.memory_space<vmem>>
      %dma_wait3A_896 = arith.constant 0 : i32
      %dma_wait3A_897 = arith.constant 0 : i32
      %dma_wait3A_898 = tpu.memref_slice %arg4[%dma_wait3A_896, %dma_wait3A_897] : memref<40960x128xf32, #tpu.memory_space<hbm>> -> memref<40960x128xf32, #tpu.memory_space<hbm>>
      tpu.wait_indirect_dma semaphore(%arg14 : memref<!tpu.dma_semaphore, #tpu.memory_space<semaphore_mem>>) src(%dma_wait3A_898 : memref<40960x128xf32, #tpu.memory_space<hbm>>) dst(%arg11 : memref<120x128xf32, #tpu.memory_space<vmem>>)
      %dma_start3A_899 = arith.constant 0 : i32
      %dma_start3A_900 = arith.constant 0 : i32
      %dma_start3A_901 = tpu.memref_slice %arg8[%dma_start3A_899, %dma_start3A_900] : memref<6x120xi32, #tpu.memory_space<vmem>> -> memref<1x120xi32, #tpu.memory_space<vmem>>
      %dma_start3A_902 = tpu.memref_squeeze %dma_start3A_901 : memref<1x120xi32, #tpu.memory_space<vmem>> -> memref<120xi32, #tpu.memory_space<vmem>>
      %dma_start3A_903 = arith.constant 0 : i32
      %dma_start3A_904 = arith.constant 0 : i32
      %dma_start3A_905 = tpu.memref_slice %arg4[%dma_start3A_903, %dma_start3A_904] : memref<40960x128xf32, #tpu.memory_space<hbm>> -> memref<40960x128xf32, #tpu.memory_space<hbm>>
      tpu.enqueue_indirect_dma source(%dma_start3A_905 : memref<40960x128xf32, #tpu.memory_space<hbm>>) target(%arg11 : memref<120x128xf32, #tpu.memory_space<vmem>>) offsets(%dma_start3A_902 : memref<120xi32, #tpu.memory_space<vmem>>) semaphore(%arg14 : memref<!tpu.dma_semaphore, #tpu.memory_space<semaphore_mem>>)
      %dma_wait3A_906 = arith.constant 0 : i32
      %dma_wait3A_907 = arith.constant 0 : i32
      %dma_wait3A_908 = tpu.memref_slice %arg8[%dma_wait3A_906, %dma_wait3A_907] : memref<6x120xi32, #tpu.memory_space<vmem>> -> memref<1x120xi32, #tpu.memory_space<vmem>>
      %dma_wait3A_909 = tpu.memref_squeeze %dma_wait3A_908 : memref<1x120xi32, #tpu.memory_space<vmem>> -> memref<120xi32, #tpu.memory_space<vmem>>
      %dma_wait3A_910 = arith.constant 0 : i32
      %dma_wait3A_911 = arith.constant 0 : i32
      %dma_wait3A_912 = tpu.memref_slice %arg4[%dma_wait3A_910, %dma_wait3A_911] : memref<40960x128xf32, #tpu.memory_space<hbm>> -> memref<40960x128xf32, #tpu.memory_space<hbm>>
      tpu.wait_indirect_dma semaphore(%arg15 : memref<!tpu.dma_semaphore, #tpu.memory_space<semaphore_mem>>) src(%dma_wait3A_912 : memref<40960x128xf32, #tpu.memory_space<hbm>>) dst(%arg12 : memref<120x128xf32, #tpu.memory_space<vmem>>)
      %dma_start3A_913 = arith.constant 1 : i32
      %dma_start3A_914 = arith.constant 0 : i32
      %dma_start3A_915 = tpu.memref_slice %arg8[%dma_start3A_913, %dma_start3A_914] : memref<6x120xi32, #tpu.memory_space<vmem>> -> memref<1x120xi32, #tpu.memory_space<vmem>>
      %dma_start3A_916 = tpu.memref_squeeze %dma_start3A_915 : memref<1x120xi32, #tpu.memory_space<vmem>> -> memref<120xi32, #tpu.memory_space<vmem>>
      %dma_start3A_917 = arith.constant 0 : i32
      %dma_start3A_918 = arith.constant 0 : i32
      %dma_start3A_919 = tpu.memref_slice %arg4[%dma_start3A_917, %dma_start3A_918] : memref<40960x128xf32, #tpu.memory_space<hbm>> -> memref<40960x128xf32, #tpu.memory_space<hbm>>
      tpu.enqueue_indirect_dma source(%dma_start3A_919 : memref<40960x128xf32, #tpu.memory_space<hbm>>) target(%arg12 : memref<120x128xf32, #tpu.memory_space<vmem>>) offsets(%dma_start3A_916 : memref<120xi32, #tpu.memory_space<vmem>>) semaphore(%arg15 : memref<!tpu.dma_semaphore, #tpu.memory_space<semaphore_mem>>)
      %dma_wait3A_920 = arith.constant 0 : i32
      %dma_wait3A_921 = arith.constant 0 : i32
      %dma_wait3A_922 = tpu.memref_slice %arg8[%dma_wait3A_920, %dma_wait3A_921] : memref<6x120xi32, #tpu.memory_space<vmem>> -> memref<1x120xi32, #tpu.memory_space<vmem>>
      %dma_wait3A_923 = tpu.memref_squeeze %dma_wait3A_922 : memref<1x120xi32, #tpu.memory_space<vmem>> -> memref<120xi32, #tpu.memory_space<vmem>>
      %dma_wait3A_924 = arith.constant 0 : i32
      %dma_wait3A_925 = arith.constant 0 : i32
      %dma_wait3A_926 = tpu.memref_slice %arg4[%dma_wait3A_924, %dma_wait3A_925] : memref<40960x128xf32, #tpu.memory_space<hbm>> -> memref<40960x128xf32, #tpu.memory_space<hbm>>
      tpu.wait_indirect_dma semaphore(%arg16 : memref<!tpu.dma_semaphore, #tpu.memory_space<semaphore_mem>>) src(%dma_wait3A_926 : memref<40960x128xf32, #tpu.memory_space<hbm>>) dst(%arg13 : memref<120x128xf32, #tpu.memory_space<vmem>>)
      %dma_start3A_927 = arith.constant 2 : i32
      %dma_start3A_928 = arith.constant 0 : i32
      %dma_start3A_929 = tpu.memref_slice %arg8[%dma_start3A_927, %dma_start3A_928] : memref<6x120xi32, #tpu.memory_space<vmem>> -> memref<1x120xi32, #tpu.memory_space<vmem>>
      %dma_start3A_930 = tpu.memref_squeeze %dma_start3A_929 : memref<1x120xi32, #tpu.memory_space<vmem>> -> memref<120xi32, #tpu.memory_space<vmem>>
      %dma_start3A_931 = arith.constant 0 : i32
      %dma_start3A_932 = arith.constant 0 : i32
      %dma_start3A_933 = tpu.memref_slice %arg4[%dma_start3A_931, %dma_start3A_932] : memref<40960x128xf32, #tpu.memory_space<hbm>> -> memref<40960x128xf32, #tpu.memory_space<hbm>>
      tpu.enqueue_indirect_dma source(%dma_start3A_933 : memref<40960x128xf32, #tpu.memory_space<hbm>>) target(%arg13 : memref<120x128xf32, #tpu.memory_space<vmem>>) offsets(%dma_start3A_930 : memref<120xi32, #tpu.memory_space<vmem>>) semaphore(%arg16 : memref<!tpu.dma_semaphore, #tpu.memory_space<semaphore_mem>>)
      %dma_wait3A_934 = arith.constant 0 : i32
      %dma_wait3A_935 = arith.constant 0 : i32
      %dma_wait3A_936 = tpu.memref_slice %arg8[%dma_wait3A_934, %dma_wait3A_935] : memref<6x120xi32, #tpu.memory_space<vmem>> -> memref<1x120xi32, #tpu.memory_space<vmem>>
      %dma_wait3A_937 = tpu.memref_squeeze %dma_wait3A_936 : memref<1x120xi32, #tpu.memory_space<vmem>> -> memref<120xi32, #tpu.memory_space<vmem>>
      %dma_wait3A_938 = arith.constant 0 : i32
      %dma_wait3A_939 = arith.constant 0 : i32
      %dma_wait3A_940 = tpu.memref_slice %arg4[%dma_wait3A_938, %dma_wait3A_939] : memref<40960x128xf32, #tpu.memory_space<hbm>> -> memref<40960x128xf32, #tpu.memory_space<hbm>>
      tpu.wait_indirect_dma semaphore(%arg14 : memref<!tpu.dma_semaphore, #tpu.memory_space<semaphore_mem>>) src(%dma_wait3A_940 : memref<40960x128xf32, #tpu.memory_space<hbm>>) dst(%arg11 : memref<120x128xf32, #tpu.memory_space<vmem>>)
      %dma_start3A_941 = arith.constant 0 : i32
      %dma_start3A_942 = arith.constant 0 : i32
      %dma_start3A_943 = tpu.memref_slice %arg9[%dma_start3A_941, %dma_start3A_942] : memref<6x120xi32, #tpu.memory_space<vmem>> -> memref<1x120xi32, #tpu.memory_space<vmem>>
      %dma_start3A_944 = tpu.memref_squeeze %dma_start3A_943 : memref<1x120xi32, #tpu.memory_space<vmem>> -> memref<120xi32, #tpu.memory_space<vmem>>
      %dma_start3A_945 = arith.constant 0 : i32
      %dma_start3A_946 = arith.constant 0 : i32
      %dma_start3A_947 = tpu.memref_slice %arg7[%dma_start3A_945, %dma_start3A_946] : memref<10112x128xf32, #tpu.memory_space<vmem_shared>> -> memref<10112x128xf32, #tpu.memory_space<vmem_shared>>
      tpu.enqueue_indirect_dma source(%arg11 : memref<120x128xf32, #tpu.memory_space<vmem>>) target(%dma_start3A_947 : memref<10112x128xf32, #tpu.memory_space<vmem_shared>>) offsets(%dma_start3A_944 : memref<120xi32, #tpu.memory_space<vmem>>) semaphore(%arg14 : memref<!tpu.dma_semaphore, #tpu.memory_space<semaphore_mem>>) {add = true}
      %dma_wait3A_948 = arith.constant 0 : i32
      %dma_wait3A_949 = arith.constant 0 : i32
      %dma_wait3A_950 = tpu.memref_slice %arg8[%dma_wait3A_948, %dma_wait3A_949] : memref<6x120xi32, #tpu.memory_space<vmem>> -> memref<1x120xi32, #tpu.memory_space<vmem>>
      %dma_wait3A_951 = tpu.memref_squeeze %dma_wait3A_950 : memref<1x120xi32, #tpu.memory_space<vmem>> -> memref<120xi32, #tpu.memory_space<vmem>>
      %dma_wait3A_952 = arith.constant 0 : i32
      %dma_wait3A_953 = arith.constant 0 : i32
      %dma_wait3A_954 = tpu.memref_slice %arg4[%dma_wait3A_952, %dma_wait3A_953] : memref<40960x128xf32, #tpu.memory_space<hbm>> -> memref<40960x128xf32, #tpu.memory_space<hbm>>
      tpu.wait_indirect_dma semaphore(%arg15 : memref<!tpu.dma_semaphore, #tpu.memory_space<semaphore_mem>>) src(%dma_wait3A_954 : memref<40960x128xf32, #tpu.memory_space<hbm>>) dst(%arg12 : memref<120x128xf32, #tpu.memory_space<vmem>>)
      %dma_start3A_955 = arith.constant 1 : i32
      %dma_start3A_956 = arith.constant 0 : i32
      %dma_start3A_957 = tpu.memref_slice %arg9[%dma_start3A_955, %dma_start3A_956] : memref<6x120xi32, #tpu.memory_space<vmem>> -> memref<1x120xi32, #tpu.memory_space<vmem>>
      %dma_start3A_958 = tpu.memref_squeeze %dma_start3A_957 : memref<1x120xi32, #tpu.memory_space<vmem>> -> memref<120xi32, #tpu.memory_space<vmem>>
      %dma_start3A_959 = arith.constant 0 : i32
      %dma_start3A_960 = arith.constant 0 : i32
      %dma_start3A_961 = tpu.memref_slice %arg7[%dma_start3A_959, %dma_start3A_960] : memref<10112x128xf32, #tpu.memory_space<vmem_shared>> -> memref<10112x128xf32, #tpu.memory_space<vmem_shared>>
      tpu.enqueue_indirect_dma source(%arg12 : memref<120x128xf32, #tpu.memory_space<vmem>>) target(%dma_start3A_961 : memref<10112x128xf32, #tpu.memory_space<vmem_shared>>) offsets(%dma_start3A_958 : memref<120xi32, #tpu.memory_space<vmem>>) semaphore(%arg15 : memref<!tpu.dma_semaphore, #tpu.memory_space<semaphore_mem>>) {add = true}
      %dma_wait3A_962 = arith.constant 0 : i32
      %dma_wait3A_963 = arith.constant 0 : i32
      %dma_wait3A_964 = tpu.memref_slice %arg8[%dma_wait3A_962, %dma_wait3A_963] : memref<6x120xi32, #tpu.memory_space<vmem>> -> memref<1x120xi32, #tpu.memory_space<vmem>>
      %dma_wait3A_965 = tpu.memref_squeeze %dma_wait3A_964 : memref<1x120xi32, #tpu.memory_space<vmem>> -> memref<120xi32, #tpu.memory_space<vmem>>
      %dma_wait3A_966 = arith.constant 0 : i32
      %dma_wait3A_967 = arith.constant 0 : i32
      %dma_wait3A_968 = tpu.memref_slice %arg4[%dma_wait3A_966, %dma_wait3A_967] : memref<40960x128xf32, #tpu.memory_space<hbm>> -> memref<40960x128xf32, #tpu.memory_space<hbm>>
      tpu.wait_indirect_dma semaphore(%arg16 : memref<!tpu.dma_semaphore, #tpu.memory_space<semaphore_mem>>) src(%dma_wait3A_968 : memref<40960x128xf32, #tpu.memory_space<hbm>>) dst(%arg13 : memref<120x128xf32, #tpu.memory_space<vmem>>)
      %dma_start3A_969 = arith.constant 2 : i32
      %dma_start3A_970 = arith.constant 0 : i32
      %dma_start3A_971 = tpu.memref_slice %arg9[%dma_start3A_969, %dma_start3A_970] : memref<6x120xi32, #tpu.memory_space<vmem>> -> memref<1x120xi32, #tpu.memory_space<vmem>>
      %dma_start3A_972 = tpu.memref_squeeze %dma_start3A_971 : memref<1x120xi32, #tpu.memory_space<vmem>> -> memref<120xi32, #tpu.memory_space<vmem>>
      %dma_start3A_973 = arith.constant 0 : i32
      %dma_start3A_974 = arith.constant 0 : i32
      %dma_start3A_975 = tpu.memref_slice %arg7[%dma_start3A_973, %dma_start3A_974] : memref<10112x128xf32, #tpu.memory_space<vmem_shared>> -> memref<10112x128xf32, #tpu.memory_space<vmem_shared>>
      tpu.enqueue_indirect_dma source(%arg13 : memref<120x128xf32, #tpu.memory_space<vmem>>) target(%dma_start3A_975 : memref<10112x128xf32, #tpu.memory_space<vmem_shared>>) offsets(%dma_start3A_972 : memref<120xi32, #tpu.memory_space<vmem>>) semaphore(%arg16 : memref<!tpu.dma_semaphore, #tpu.memory_space<semaphore_mem>>) {add = true}
      %dma_wait3A_976 = arith.constant 0 : i32
      %dma_wait3A_977 = arith.constant 0 : i32
      %dma_wait3A_978 = tpu.memref_slice %arg8[%dma_wait3A_976, %dma_wait3A_977] : memref<6x120xi32, #tpu.memory_space<vmem>> -> memref<1x120xi32, #tpu.memory_space<vmem>>
      %dma_wait3A_979 = tpu.memref_squeeze %dma_wait3A_978 : memref<1x120xi32, #tpu.memory_space<vmem>> -> memref<120xi32, #tpu.memory_space<vmem>>
      %dma_wait3A_980 = arith.constant 0 : i32
      %dma_wait3A_981 = arith.constant 0 : i32
      %dma_wait3A_982 = tpu.memref_slice %arg4[%dma_wait3A_980, %dma_wait3A_981] : memref<40960x128xf32, #tpu.memory_space<hbm>> -> memref<40960x128xf32, #tpu.memory_space<hbm>>
      tpu.wait_indirect_dma semaphore(%arg14 : memref<!tpu.dma_semaphore, #tpu.memory_space<semaphore_mem>>) src(%dma_wait3A_982 : memref<40960x128xf32, #tpu.memory_space<hbm>>) dst(%arg11 : memref<120x128xf32, #tpu.memory_space<vmem>>)
      %dma_start3A_983 = arith.constant 3 : i32
      %dma_start3A_984 = arith.constant 0 : i32
      %dma_start3A_985 = tpu.memref_slice %arg8[%dma_start3A_983, %dma_start3A_984] : memref<6x120xi32, #tpu.memory_space<vmem>> -> memref<1x120xi32, #tpu.memory_space<vmem>>
      %dma_start3A_986 = tpu.memref_squeeze %dma_start3A_985 : memref<1x120xi32, #tpu.memory_space<vmem>> -> memref<120xi32, #tpu.memory_space<vmem>>
      %dma_start3A_987 = arith.constant 0 : i32
      %dma_start3A_988 = arith.constant 0 : i32
      %dma_start3A_989 = tpu.memref_slice %arg4[%dma_start3A_987, %dma_start3A_988] : memref<40960x128xf32, #tpu.memory_space<hbm>> -> memref<40960x128xf32, #tpu.memory_space<hbm>>
      tpu.enqueue_indirect_dma source(%dma_start3A_989 : memref<40960x128xf32, #tpu.memory_space<hbm>>) target(%arg11 : memref<120x128xf32, #tpu.memory_space<vmem>>) offsets(%dma_start3A_986 : memref<120xi32, #tpu.memory_space<vmem>>) semaphore(%arg14 : memref<!tpu.dma_semaphore, #tpu.memory_space<semaphore_mem>>)
      %dma_wait3A_990 = arith.constant 0 : i32
      %dma_wait3A_991 = arith.constant 0 : i32
      %dma_wait3A_992 = tpu.memref_slice %arg8[%dma_wait3A_990, %dma_wait3A_991] : memref<6x120xi32, #tpu.memory_space<vmem>> -> memref<1x120xi32, #tpu.memory_space<vmem>>
      %dma_wait3A_993 = tpu.memref_squeeze %dma_wait3A_992 : memref<1x120xi32, #tpu.memory_space<vmem>> -> memref<120xi32, #tpu.memory_space<vmem>>
      %dma_wait3A_994 = arith.constant 0 : i32
      %dma_wait3A_995 = arith.constant 0 : i32
      %dma_wait3A_996 = tpu.memref_slice %arg4[%dma_wait3A_994, %dma_wait3A_995] : memref<40960x128xf32, #tpu.memory_space<hbm>> -> memref<40960x128xf32, #tpu.memory_space<hbm>>
      tpu.wait_indirect_dma semaphore(%arg15 : memref<!tpu.dma_semaphore, #tpu.memory_space<semaphore_mem>>) src(%dma_wait3A_996 : memref<40960x128xf32, #tpu.memory_space<hbm>>) dst(%arg12 : memref<120x128xf32, #tpu.memory_space<vmem>>)
      %dma_start3A_997 = arith.constant 4 : i32
      %dma_start3A_998 = arith.constant 0 : i32
      %dma_start3A_999 = tpu.memref_slice %arg8[%dma_start3A_997, %dma_start3A_998] : memref<6x120xi32, #tpu.memory_space<vmem>> -> memref<1x120xi32, #tpu.memory_space<vmem>>
      %dma_start3A_1000 = tpu.memref_squeeze %dma_start3A_999 : memref<1x120xi32, #tpu.memory_space<vmem>> -> memref<120xi32, #tpu.memory_space<vmem>>
      %dma_start3A_1001 = arith.constant 0 : i32
      %dma_start3A_1002 = arith.constant 0 : i32
      %dma_start3A_1003 = tpu.memref_slice %arg4[%dma_start3A_1001, %dma_start3A_1002] : memref<40960x128xf32, #tpu.memory_space<hbm>> -> memref<40960x128xf32, #tpu.memory_space<hbm>>
      tpu.enqueue_indirect_dma source(%dma_start3A_1003 : memref<40960x128xf32, #tpu.memory_space<hbm>>) target(%arg12 : memref<120x128xf32, #tpu.memory_space<vmem>>) offsets(%dma_start3A_1000 : memref<120xi32, #tpu.memory_space<vmem>>) semaphore(%arg15 : memref<!tpu.dma_semaphore, #tpu.memory_space<semaphore_mem>>)
      %dma_wait3A_1004 = arith.constant 0 : i32
      %dma_wait3A_1005 = arith.constant 0 : i32
      %dma_wait3A_1006 = tpu.memref_slice %arg8[%dma_wait3A_1004, %dma_wait3A_1005] : memref<6x120xi32, #tpu.memory_space<vmem>> -> memref<1x120xi32, #tpu.memory_space<vmem>>
      %dma_wait3A_1007 = tpu.memref_squeeze %dma_wait3A_1006 : memref<1x120xi32, #tpu.memory_space<vmem>> -> memref<120xi32, #tpu.memory_space<vmem>>
      %dma_wait3A_1008 = arith.constant 0 : i32
      %dma_wait3A_1009 = arith.constant 0 : i32
      %dma_wait3A_1010 = tpu.memref_slice %arg4[%dma_wait3A_1008, %dma_wait3A_1009] : memref<40960x128xf32, #tpu.memory_space<hbm>> -> memref<40960x128xf32, #tpu.memory_space<hbm>>
      tpu.wait_indirect_dma semaphore(%arg16 : memref<!tpu.dma_semaphore, #tpu.memory_space<semaphore_mem>>) src(%dma_wait3A_1010 : memref<40960x128xf32, #tpu.memory_space<hbm>>) dst(%arg13 : memref<120x128xf32, #tpu.memory_space<vmem>>)
      %dma_start3A_1011 = arith.constant 5 : i32
      %dma_start3A_1012 = arith.constant 0 : i32
      %dma_start3A_1013 = tpu.memref_slice %arg8[%dma_start3A_1011, %dma_start3A_1012] : memref<6x120xi32, #tpu.memory_space<vmem>> -> memref<1x120xi32, #tpu.memory_space<vmem>>
      %dma_start3A_1014 = tpu.memref_squeeze %dma_start3A_1013 : memref<1x120xi32, #tpu.memory_space<vmem>> -> memref<120xi32, #tpu.memory_space<vmem>>
      %dma_start3A_1015 = arith.constant 0 : i32
      %dma_start3A_1016 = arith.constant 0 : i32
      %dma_start3A_1017 = tpu.memref_slice %arg4[%dma_start3A_1015, %dma_start3A_1016] : memref<40960x128xf32, #tpu.memory_space<hbm>> -> memref<40960x128xf32, #tpu.memory_space<hbm>>
      tpu.enqueue_indirect_dma source(%dma_start3A_1017 : memref<40960x128xf32, #tpu.memory_space<hbm>>) target(%arg13 : memref<120x128xf32, #tpu.memory_space<vmem>>) offsets(%dma_start3A_1014 : memref<120xi32, #tpu.memory_space<vmem>>) semaphore(%arg16 : memref<!tpu.dma_semaphore, #tpu.memory_space<semaphore_mem>>)
      %dma_wait3A_1018 = arith.constant 0 : i32
      %dma_wait3A_1019 = arith.constant 0 : i32
      %dma_wait3A_1020 = tpu.memref_slice %arg8[%dma_wait3A_1018, %dma_wait3A_1019] : memref<6x120xi32, #tpu.memory_space<vmem>> -> memref<1x120xi32, #tpu.memory_space<vmem>>
      %dma_wait3A_1021 = tpu.memref_squeeze %dma_wait3A_1020 : memref<1x120xi32, #tpu.memory_space<vmem>> -> memref<120xi32, #tpu.memory_space<vmem>>
      %dma_wait3A_1022 = arith.constant 0 : i32
      %dma_wait3A_1023 = arith.constant 0 : i32
      %dma_wait3A_1024 = tpu.memref_slice %arg4[%dma_wait3A_1022, %dma_wait3A_1023] : memref<40960x128xf32, #tpu.memory_space<hbm>> -> memref<40960x128xf32, #tpu.memory_space<hbm>>
      tpu.wait_indirect_dma semaphore(%arg14 : memref<!tpu.dma_semaphore, #tpu.memory_space<semaphore_mem>>) src(%dma_wait3A_1024 : memref<40960x128xf32, #tpu.memory_space<hbm>>) dst(%arg11 : memref<120x128xf32, #tpu.memory_space<vmem>>)
      %dma_start3A_1025 = arith.constant 3 : i32
      %dma_start3A_1026 = arith.constant 0 : i32
      %dma_start3A_1027 = tpu.memref_slice %arg9[%dma_start3A_1025, %dma_start3A_1026] : memref<6x120xi32, #tpu.memory_space<vmem>> -> memref<1x120xi32, #tpu.memory_space<vmem>>
      %dma_start3A_1028 = tpu.memref_squeeze %dma_start3A_1027 : memref<1x120xi32, #tpu.memory_space<vmem>> -> memref<120xi32, #tpu.memory_space<vmem>>
      %dma_start3A_1029 = arith.constant 0 : i32
      %dma_start3A_1030 = arith.constant 0 : i32
      %dma_start3A_1031 = tpu.memref_slice %arg7[%dma_start3A_1029, %dma_start3A_1030] : memref<10112x128xf32, #tpu.memory_space<vmem_shared>> -> memref<10112x128xf32, #tpu.memory_space<vmem_shared>>
      tpu.enqueue_indirect_dma source(%arg11 : memref<120x128xf32, #tpu.memory_space<vmem>>) target(%dma_start3A_1031 : memref<10112x128xf32, #tpu.memory_space<vmem_shared>>) offsets(%dma_start3A_1028 : memref<120xi32, #tpu.memory_space<vmem>>) semaphore(%arg14 : memref<!tpu.dma_semaphore, #tpu.memory_space<semaphore_mem>>) {add = true}
      %dma_wait3A_1032 = arith.constant 0 : i32
      %dma_wait3A_1033 = arith.constant 0 : i32
      %dma_wait3A_1034 = tpu.memref_slice %arg8[%dma_wait3A_1032, %dma_wait3A_1033] : memref<6x120xi32, #tpu.memory_space<vmem>> -> memref<1x120xi32, #tpu.memory_space<vmem>>
      %dma_wait3A_1035 = tpu.memref_squeeze %dma_wait3A_1034 : memref<1x120xi32, #tpu.memory_space<vmem>> -> memref<120xi32, #tpu.memory_space<vmem>>
      %dma_wait3A_1036 = arith.constant 0 : i32
      %dma_wait3A_1037 = arith.constant 0 : i32
      %dma_wait3A_1038 = tpu.memref_slice %arg4[%dma_wait3A_1036, %dma_wait3A_1037] : memref<40960x128xf32, #tpu.memory_space<hbm>> -> memref<40960x128xf32, #tpu.memory_space<hbm>>
      tpu.wait_indirect_dma semaphore(%arg15 : memref<!tpu.dma_semaphore, #tpu.memory_space<semaphore_mem>>) src(%dma_wait3A_1038 : memref<40960x128xf32, #tpu.memory_space<hbm>>) dst(%arg12 : memref<120x128xf32, #tpu.memory_space<vmem>>)
      %dma_start3A_1039 = arith.constant 4 : i32
      %dma_start3A_1040 = arith.constant 0 : i32
      %dma_start3A_1041 = tpu.memref_slice %arg9[%dma_start3A_1039, %dma_start3A_1040] : memref<6x120xi32, #tpu.memory_space<vmem>> -> memref<1x120xi32, #tpu.memory_space<vmem>>
      %dma_start3A_1042 = tpu.memref_squeeze %dma_start3A_1041 : memref<1x120xi32, #tpu.memory_space<vmem>> -> memref<120xi32, #tpu.memory_space<vmem>>
      %dma_start3A_1043 = arith.constant 0 : i32
      %dma_start3A_1044 = arith.constant 0 : i32
      %dma_start3A_1045 = tpu.memref_slice %arg7[%dma_start3A_1043, %dma_start3A_1044] : memref<10112x128xf32, #tpu.memory_space<vmem_shared>> -> memref<10112x128xf32, #tpu.memory_space<vmem_shared>>
      tpu.enqueue_indirect_dma source(%arg12 : memref<120x128xf32, #tpu.memory_space<vmem>>) target(%dma_start3A_1045 : memref<10112x128xf32, #tpu.memory_space<vmem_shared>>) offsets(%dma_start3A_1042 : memref<120xi32, #tpu.memory_space<vmem>>) semaphore(%arg15 : memref<!tpu.dma_semaphore, #tpu.memory_space<semaphore_mem>>) {add = true}
      %dma_wait3A_1046 = arith.constant 0 : i32
      %dma_wait3A_1047 = arith.constant 0 : i32
      %dma_wait3A_1048 = tpu.memref_slice %arg8[%dma_wait3A_1046, %dma_wait3A_1047] : memref<6x120xi32, #tpu.memory_space<vmem>> -> memref<1x120xi32, #tpu.memory_space<vmem>>
      %dma_wait3A_1049 = tpu.memref_squeeze %dma_wait3A_1048 : memref<1x120xi32, #tpu.memory_space<vmem>> -> memref<120xi32, #tpu.memory_space<vmem>>
      %dma_wait3A_1050 = arith.constant 0 : i32
      %dma_wait3A_1051 = arith.constant 0 : i32
      %dma_wait3A_1052 = tpu.memref_slice %arg4[%dma_wait3A_1050, %dma_wait3A_1051] : memref<40960x128xf32, #tpu.memory_space<hbm>> -> memref<40960x128xf32, #tpu.memory_space<hbm>>
      tpu.wait_indirect_dma semaphore(%arg16 : memref<!tpu.dma_semaphore, #tpu.memory_space<semaphore_mem>>) src(%dma_wait3A_1052 : memref<40960x128xf32, #tpu.memory_space<hbm>>) dst(%arg13 : memref<120x128xf32, #tpu.memory_space<vmem>>)
      %dma_start3A_1053 = arith.constant 5 : i32
      %dma_start3A_1054 = arith.constant 0 : i32
      %dma_start3A_1055 = tpu.memref_slice %arg9[%dma_start3A_1053, %dma_start3A_1054] : memref<6x120xi32, #tpu.memory_space<vmem>> -> memref<1x120xi32, #tpu.memory_space<vmem>>
      %dma_start3A_1056 = tpu.memref_squeeze %dma_start3A_1055 : memref<1x120xi32, #tpu.memory_space<vmem>> -> memref<120xi32, #tpu.memory_space<vmem>>
      %dma_start3A_1057 = arith.constant 0 : i32
      %dma_start3A_1058 = arith.constant 0 : i32
      %dma_start3A_1059 = tpu.memref_slice %arg7[%dma_start3A_1057, %dma_start3A_1058] : memref<10112x128xf32, #tpu.memory_space<vmem_shared>> -> memref<10112x128xf32, #tpu.memory_space<vmem_shared>>
      tpu.enqueue_indirect_dma source(%arg13 : memref<120x128xf32, #tpu.memory_space<vmem>>) target(%dma_start3A_1059 : memref<10112x128xf32, #tpu.memory_space<vmem_shared>>) offsets(%dma_start3A_1056 : memref<120xi32, #tpu.memory_space<vmem>>) semaphore(%arg16 : memref<!tpu.dma_semaphore, #tpu.memory_space<semaphore_mem>>) {add = true}
    }
    %scan3A_512 = arith.constant 13 : i32
    %add3A_513 = arith.constant 28 : i32
    %add3A_514 = arith.addi %mul3A_358, %add3A_513 : i32
    %sub3A_515 = arith.constant 1 : i32
    %sub3A_516 = arith.subi %add3A_514, %sub3A_515 : i32
    %add3A_517 = arith.constant 28 : i32
    %add3A_518 = arith.addi %mul3A_358, %add3A_517 : i32
    %sub3A_519 = arith.constant 1 : i32
    %sub3A_520 = arith.subi %add3A_518, %sub3A_519 : i32
    "tpu.region"() ({
      %run_scoped3A = tpu.sem_alloc : memref<!tpu.dma_semaphore, #tpu.memory_space<semaphore_mem>>
      %dma_start3A_711 = arith.constant 0 : i32
      %dma_start3A_712 = arith.constant 0 : i32
      %dma_start3A_713 = tpu.memref_slice %arg2[%add3A_356, %sub3A_516, %dma_start3A_711, %dma_start3A_712] : memref<4x448x6x120xi32, #tpu.memory_space<hbm>> -> memref<1x1x6x120xi32, #tpu.memory_space<hbm>>
      %dma_start3A_714 = tpu.memref_squeeze %dma_start3A_713 : memref<1x1x6x120xi32, #tpu.memory_space<hbm>> -> memref<6x120xi32, #tpu.memory_space<hbm>>
      %dma_start3A_715 = arith.constant 0 : i32
      %dma_start3A_716 = arith.constant 0 : i32
      %dma_start3A_717 = tpu.memref_slice %arg2[%add3A_356, %sub3A_516, %dma_start3A_715, %dma_start3A_716] : memref<4x448x6x120xi32, #tpu.memory_space<hbm>> -> memref<1x1x6x120xi32, #tpu.memory_space<hbm>>
      %dma_start3A_718 = tpu.memref_squeeze %dma_start3A_717 : memref<1x1x6x120xi32, #tpu.memory_space<hbm>> -> memref<6x120xi32, #tpu.memory_space<hbm>>
      tpu.enqueue_dma source(%dma_start3A_718 : memref<6x120xi32, #tpu.memory_space<hbm>>) target(%arg8 : memref<6x120xi32, #tpu.memory_space<vmem>>) target_semaphore(%run_scoped3A : memref<!tpu.dma_semaphore, #tpu.memory_space<semaphore_mem>>)
      %dma_wait3A_719 = arith.constant 0 : i32
      %dma_wait3A_720 = arith.constant 0 : i32
      %dma_wait3A_721 = tpu.memref_slice %arg2[%add3A_356, %sub3A_516, %dma_wait3A_719, %dma_wait3A_720] : memref<4x448x6x120xi32, #tpu.memory_space<hbm>> -> memref<1x1x6x120xi32, #tpu.memory_space<hbm>>
      %dma_wait3A_722 = tpu.memref_squeeze %dma_wait3A_721 : memref<1x1x6x120xi32, #tpu.memory_space<hbm>> -> memref<6x120xi32, #tpu.memory_space<hbm>>
      %dma_wait3A_723 = arith.constant 0 : i32
      %dma_wait3A_724 = arith.constant 0 : i32
      %dma_wait3A_725 = tpu.memref_slice %arg2[%add3A_356, %sub3A_516, %dma_wait3A_723, %dma_wait3A_724] : memref<4x448x6x120xi32, #tpu.memory_space<hbm>> -> memref<1x1x6x120xi32, #tpu.memory_space<hbm>>
      %dma_wait3A_726 = tpu.memref_squeeze %dma_wait3A_725 : memref<1x1x6x120xi32, #tpu.memory_space<hbm>> -> memref<6x120xi32, #tpu.memory_space<hbm>>
      tpu.wait_dma2 semaphore(%run_scoped3A : memref<!tpu.dma_semaphore, #tpu.memory_space<semaphore_mem>>) src(%dma_wait3A_726 : memref<6x120xi32, #tpu.memory_space<hbm>>) dst(%arg8 : memref<6x120xi32, #tpu.memory_space<vmem>>)
      tpu.yield
    }) : () -> ()
    "tpu.region"() ({
      %run_scoped3A = tpu.sem_alloc : memref<!tpu.dma_semaphore, #tpu.memory_space<semaphore_mem>>
      %dma_start3A_711 = arith.constant 0 : i32
      %dma_start3A_712 = arith.constant 0 : i32
      %dma_start3A_713 = tpu.memref_slice %arg3[%add3A_356, %sub3A_520, %dma_start3A_711, %dma_start3A_712] : memref<4x448x6x120xi32, #tpu.memory_space<hbm>> -> memref<1x1x6x120xi32, #tpu.memory_space<hbm>>
      %dma_start3A_714 = tpu.memref_squeeze %dma_start3A_713 : memref<1x1x6x120xi32, #tpu.memory_space<hbm>> -> memref<6x120xi32, #tpu.memory_space<hbm>>
      %dma_start3A_715 = arith.constant 0 : i32
      %dma_start3A_716 = arith.constant 0 : i32
      %dma_start3A_717 = tpu.memref_slice %arg3[%add3A_356, %sub3A_520, %dma_start3A_715, %dma_start3A_716] : memref<4x448x6x120xi32, #tpu.memory_space<hbm>> -> memref<1x1x6x120xi32, #tpu.memory_space<hbm>>
      %dma_start3A_718 = tpu.memref_squeeze %dma_start3A_717 : memref<1x1x6x120xi32, #tpu.memory_space<hbm>> -> memref<6x120xi32, #tpu.memory_space<hbm>>
      tpu.enqueue_dma source(%dma_start3A_718 : memref<6x120xi32, #tpu.memory_space<hbm>>) target(%arg10 : memref<6x120xi32, #tpu.memory_space<vmem>>) target_semaphore(%run_scoped3A : memref<!tpu.dma_semaphore, #tpu.memory_space<semaphore_mem>>)
      %dma_wait3A_719 = arith.constant 0 : i32
      %dma_wait3A_720 = arith.constant 0 : i32
      %dma_wait3A_721 = tpu.memref_slice %arg3[%add3A_356, %sub3A_520, %dma_wait3A_719, %dma_wait3A_720] : memref<4x448x6x120xi32, #tpu.memory_space<hbm>> -> memref<1x1x6x120xi32, #tpu.memory_space<hbm>>
      %dma_wait3A_722 = tpu.memref_squeeze %dma_wait3A_721 : memref<1x1x6x120xi32, #tpu.memory_space<hbm>> -> memref<6x120xi32, #tpu.memory_space<hbm>>
      %dma_wait3A_723 = arith.constant 0 : i32
      %dma_wait3A_724 = arith.constant 0 : i32
      %dma_wait3A_725 = tpu.memref_slice %arg3[%add3A_356, %sub3A_520, %dma_wait3A_723, %dma_wait3A_724] : memref<4x448x6x120xi32, #tpu.memory_space<hbm>> -> memref<1x1x6x120xi32, #tpu.memory_space<hbm>>
      %dma_wait3A_726 = tpu.memref_squeeze %dma_wait3A_725 : memref<1x1x6x120xi32, #tpu.memory_space<hbm>> -> memref<6x120xi32, #tpu.memory_space<hbm>>
      tpu.wait_dma2 semaphore(%run_scoped3A : memref<!tpu.dma_semaphore, #tpu.memory_space<semaphore_mem>>) src(%dma_wait3A_726 : memref<6x120xi32, #tpu.memory_space<hbm>>) dst(%arg10 : memref<6x120xi32, #tpu.memory_space<vmem>>)
      tpu.yield
    }) : () -> ()
    %dma_wait3A_521 = arith.constant 0 : i32
    %dma_wait3A_522 = arith.constant 0 : i32
    %dma_wait3A_523 = tpu.memref_slice %arg8[%dma_wait3A_521, %dma_wait3A_522] : memref<6x120xi32, #tpu.memory_space<vmem>> -> memref<1x120xi32, #tpu.memory_space<vmem>>
    %dma_wait3A_524 = tpu.memref_squeeze %dma_wait3A_523 : memref<1x120xi32, #tpu.memory_space<vmem>> -> memref<120xi32, #tpu.memory_space<vmem>>
    %dma_wait3A_525 = arith.constant 0 : i32
    %dma_wait3A_526 = arith.constant 0 : i32
    %dma_wait3A_527 = tpu.memref_slice %arg4[%dma_wait3A_525, %dma_wait3A_526] : memref<40960x128xf32, #tpu.memory_space<hbm>> -> memref<40960x128xf32, #tpu.memory_space<hbm>>
    tpu.wait_indirect_dma semaphore(%arg14 : memref<!tpu.dma_semaphore, #tpu.memory_space<semaphore_mem>>) src(%dma_wait3A_527 : memref<40960x128xf32, #tpu.memory_space<hbm>>) dst(%arg11 : memref<120x128xf32, #tpu.memory_space<vmem>>)
    %dma_start3A_528 = arith.constant 0 : i32
    %dma_start3A_529 = arith.constant 0 : i32
    %dma_start3A_530 = tpu.memref_slice %arg8[%dma_start3A_528, %dma_start3A_529] : memref<6x120xi32, #tpu.memory_space<vmem>> -> memref<1x120xi32, #tpu.memory_space<vmem>>
    %dma_start3A_531 = tpu.memref_squeeze %dma_start3A_530 : memref<1x120xi32, #tpu.memory_space<vmem>> -> memref<120xi32, #tpu.memory_space<vmem>>
    %dma_start3A_532 = arith.constant 0 : i32
    %dma_start3A_533 = arith.constant 0 : i32
    %dma_start3A_534 = tpu.memref_slice %arg4[%dma_start3A_532, %dma_start3A_533] : memref<40960x128xf32, #tpu.memory_space<hbm>> -> memref<40960x128xf32, #tpu.memory_space<hbm>>
    tpu.enqueue_indirect_dma source(%dma_start3A_534 : memref<40960x128xf32, #tpu.memory_space<hbm>>) target(%arg11 : memref<120x128xf32, #tpu.memory_space<vmem>>) offsets(%dma_start3A_531 : memref<120xi32, #tpu.memory_space<vmem>>) semaphore(%arg14 : memref<!tpu.dma_semaphore, #tpu.memory_space<semaphore_mem>>)
    %dma_wait3A_535 = arith.constant 0 : i32
    %dma_wait3A_536 = arith.constant 0 : i32
    %dma_wait3A_537 = tpu.memref_slice %arg8[%dma_wait3A_535, %dma_wait3A_536] : memref<6x120xi32, #tpu.memory_space<vmem>> -> memref<1x120xi32, #tpu.memory_space<vmem>>
    %dma_wait3A_538 = tpu.memref_squeeze %dma_wait3A_537 : memref<1x120xi32, #tpu.memory_space<vmem>> -> memref<120xi32, #tpu.memory_space<vmem>>
    %dma_wait3A_539 = arith.constant 0 : i32
    %dma_wait3A_540 = arith.constant 0 : i32
    %dma_wait3A_541 = tpu.memref_slice %arg4[%dma_wait3A_539, %dma_wait3A_540] : memref<40960x128xf32, #tpu.memory_space<hbm>> -> memref<40960x128xf32, #tpu.memory_space<hbm>>
    tpu.wait_indirect_dma semaphore(%arg15 : memref<!tpu.dma_semaphore, #tpu.memory_space<semaphore_mem>>) src(%dma_wait3A_541 : memref<40960x128xf32, #tpu.memory_space<hbm>>) dst(%arg12 : memref<120x128xf32, #tpu.memory_space<vmem>>)
    %dma_start3A_542 = arith.constant 1 : i32
    %dma_start3A_543 = arith.constant 0 : i32
    %dma_start3A_544 = tpu.memref_slice %arg8[%dma_start3A_542, %dma_start3A_543] : memref<6x120xi32, #tpu.memory_space<vmem>> -> memref<1x120xi32, #tpu.memory_space<vmem>>
    %dma_start3A_545 = tpu.memref_squeeze %dma_start3A_544 : memref<1x120xi32, #tpu.memory_space<vmem>> -> memref<120xi32, #tpu.memory_space<vmem>>
    %dma_start3A_546 = arith.constant 0 : i32
    %dma_start3A_547 = arith.constant 0 : i32
    %dma_start3A_548 = tpu.memref_slice %arg4[%dma_start3A_546, %dma_start3A_547] : memref<40960x128xf32, #tpu.memory_space<hbm>> -> memref<40960x128xf32, #tpu.memory_space<hbm>>
    tpu.enqueue_indirect_dma source(%dma_start3A_548 : memref<40960x128xf32, #tpu.memory_space<hbm>>) target(%arg12 : memref<120x128xf32, #tpu.memory_space<vmem>>) offsets(%dma_start3A_545 : memref<120xi32, #tpu.memory_space<vmem>>) semaphore(%arg15 : memref<!tpu.dma_semaphore, #tpu.memory_space<semaphore_mem>>)
    %dma_wait3A_549 = arith.constant 0 : i32
    %dma_wait3A_550 = arith.constant 0 : i32
    %dma_wait3A_551 = tpu.memref_slice %arg8[%dma_wait3A_549, %dma_wait3A_550] : memref<6x120xi32, #tpu.memory_space<vmem>> -> memref<1x120xi32, #tpu.memory_space<vmem>>
    %dma_wait3A_552 = tpu.memref_squeeze %dma_wait3A_551 : memref<1x120xi32, #tpu.memory_space<vmem>> -> memref<120xi32, #tpu.memory_space<vmem>>
    %dma_wait3A_553 = arith.constant 0 : i32
    %dma_wait3A_554 = arith.constant 0 : i32
    %dma_wait3A_555 = tpu.memref_slice %arg4[%dma_wait3A_553, %dma_wait3A_554] : memref<40960x128xf32, #tpu.memory_space<hbm>> -> memref<40960x128xf32, #tpu.memory_space<hbm>>
    tpu.wait_indirect_dma semaphore(%arg16 : memref<!tpu.dma_semaphore, #tpu.memory_space<semaphore_mem>>) src(%dma_wait3A_555 : memref<40960x128xf32, #tpu.memory_space<hbm>>) dst(%arg13 : memref<120x128xf32, #tpu.memory_space<vmem>>)
    %dma_start3A_556 = arith.constant 2 : i32
    %dma_start3A_557 = arith.constant 0 : i32
    %dma_start3A_558 = tpu.memref_slice %arg8[%dma_start3A_556, %dma_start3A_557] : memref<6x120xi32, #tpu.memory_space<vmem>> -> memref<1x120xi32, #tpu.memory_space<vmem>>
    %dma_start3A_559 = tpu.memref_squeeze %dma_start3A_558 : memref<1x120xi32, #tpu.memory_space<vmem>> -> memref<120xi32, #tpu.memory_space<vmem>>
    %dma_start3A_560 = arith.constant 0 : i32
    %dma_start3A_561 = arith.constant 0 : i32
    %dma_start3A_562 = tpu.memref_slice %arg4[%dma_start3A_560, %dma_start3A_561] : memref<40960x128xf32, #tpu.memory_space<hbm>> -> memref<40960x128xf32, #tpu.memory_space<hbm>>
    tpu.enqueue_indirect_dma source(%dma_start3A_562 : memref<40960x128xf32, #tpu.memory_space<hbm>>) target(%arg13 : memref<120x128xf32, #tpu.memory_space<vmem>>) offsets(%dma_start3A_559 : memref<120xi32, #tpu.memory_space<vmem>>) semaphore(%arg16 : memref<!tpu.dma_semaphore, #tpu.memory_space<semaphore_mem>>)
    %dma_wait3A_563 = arith.constant 0 : i32
    %dma_wait3A_564 = arith.constant 0 : i32
    %dma_wait3A_565 = tpu.memref_slice %arg8[%dma_wait3A_563, %dma_wait3A_564] : memref<6x120xi32, #tpu.memory_space<vmem>> -> memref<1x120xi32, #tpu.memory_space<vmem>>
    %dma_wait3A_566 = tpu.memref_squeeze %dma_wait3A_565 : memref<1x120xi32, #tpu.memory_space<vmem>> -> memref<120xi32, #tpu.memory_space<vmem>>
    %dma_wait3A_567 = arith.constant 0 : i32
    %dma_wait3A_568 = arith.constant 0 : i32
    %dma_wait3A_569 = tpu.memref_slice %arg4[%dma_wait3A_567, %dma_wait3A_568] : memref<40960x128xf32, #tpu.memory_space<hbm>> -> memref<40960x128xf32, #tpu.memory_space<hbm>>
    tpu.wait_indirect_dma semaphore(%arg14 : memref<!tpu.dma_semaphore, #tpu.memory_space<semaphore_mem>>) src(%dma_wait3A_569 : memref<40960x128xf32, #tpu.memory_space<hbm>>) dst(%arg11 : memref<120x128xf32, #tpu.memory_space<vmem>>)
    %dma_start3A_570 = arith.constant 0 : i32
    %dma_start3A_571 = arith.constant 0 : i32
    %dma_start3A_572 = tpu.memref_slice %arg10[%dma_start3A_570, %dma_start3A_571] : memref<6x120xi32, #tpu.memory_space<vmem>> -> memref<1x120xi32, #tpu.memory_space<vmem>>
    %dma_start3A_573 = tpu.memref_squeeze %dma_start3A_572 : memref<1x120xi32, #tpu.memory_space<vmem>> -> memref<120xi32, #tpu.memory_space<vmem>>
    %dma_start3A_574 = arith.constant 0 : i32
    %dma_start3A_575 = arith.constant 0 : i32
    %dma_start3A_576 = tpu.memref_slice %arg7[%dma_start3A_574, %dma_start3A_575] : memref<10112x128xf32, #tpu.memory_space<vmem_shared>> -> memref<10112x128xf32, #tpu.memory_space<vmem_shared>>
    tpu.enqueue_indirect_dma source(%arg11 : memref<120x128xf32, #tpu.memory_space<vmem>>) target(%dma_start3A_576 : memref<10112x128xf32, #tpu.memory_space<vmem_shared>>) offsets(%dma_start3A_573 : memref<120xi32, #tpu.memory_space<vmem>>) semaphore(%arg14 : memref<!tpu.dma_semaphore, #tpu.memory_space<semaphore_mem>>) {add = true}
    %dma_wait3A_577 = arith.constant 0 : i32
    %dma_wait3A_578 = arith.constant 0 : i32
    %dma_wait3A_579 = tpu.memref_slice %arg8[%dma_wait3A_577, %dma_wait3A_578] : memref<6x120xi32, #tpu.memory_space<vmem>> -> memref<1x120xi32, #tpu.memory_space<vmem>>
    %dma_wait3A_580 = tpu.memref_squeeze %dma_wait3A_579 : memref<1x120xi32, #tpu.memory_space<vmem>> -> memref<120xi32, #tpu.memory_space<vmem>>
    %dma_wait3A_581 = arith.constant 0 : i32
    %dma_wait3A_582 = arith.constant 0 : i32
    %dma_wait3A_583 = tpu.memref_slice %arg4[%dma_wait3A_581, %dma_wait3A_582] : memref<40960x128xf32, #tpu.memory_space<hbm>> -> memref<40960x128xf32, #tpu.memory_space<hbm>>
    tpu.wait_indirect_dma semaphore(%arg15 : memref<!tpu.dma_semaphore, #tpu.memory_space<semaphore_mem>>) src(%dma_wait3A_583 : memref<40960x128xf32, #tpu.memory_space<hbm>>) dst(%arg12 : memref<120x128xf32, #tpu.memory_space<vmem>>)
    %dma_start3A_584 = arith.constant 1 : i32
    %dma_start3A_585 = arith.constant 0 : i32
    %dma_start3A_586 = tpu.memref_slice %arg10[%dma_start3A_584, %dma_start3A_585] : memref<6x120xi32, #tpu.memory_space<vmem>> -> memref<1x120xi32, #tpu.memory_space<vmem>>
    %dma_start3A_587 = tpu.memref_squeeze %dma_start3A_586 : memref<1x120xi32, #tpu.memory_space<vmem>> -> memref<120xi32, #tpu.memory_space<vmem>>
    %dma_start3A_588 = arith.constant 0 : i32
    %dma_start3A_589 = arith.constant 0 : i32
    %dma_start3A_590 = tpu.memref_slice %arg7[%dma_start3A_588, %dma_start3A_589] : memref<10112x128xf32, #tpu.memory_space<vmem_shared>> -> memref<10112x128xf32, #tpu.memory_space<vmem_shared>>
    tpu.enqueue_indirect_dma source(%arg12 : memref<120x128xf32, #tpu.memory_space<vmem>>) target(%dma_start3A_590 : memref<10112x128xf32, #tpu.memory_space<vmem_shared>>) offsets(%dma_start3A_587 : memref<120xi32, #tpu.memory_space<vmem>>) semaphore(%arg15 : memref<!tpu.dma_semaphore, #tpu.memory_space<semaphore_mem>>) {add = true}
    %dma_wait3A_591 = arith.constant 0 : i32
    %dma_wait3A_592 = arith.constant 0 : i32
    %dma_wait3A_593 = tpu.memref_slice %arg8[%dma_wait3A_591, %dma_wait3A_592] : memref<6x120xi32, #tpu.memory_space<vmem>> -> memref<1x120xi32, #tpu.memory_space<vmem>>
    %dma_wait3A_594 = tpu.memref_squeeze %dma_wait3A_593 : memref<1x120xi32, #tpu.memory_space<vmem>> -> memref<120xi32, #tpu.memory_space<vmem>>
    %dma_wait3A_595 = arith.constant 0 : i32
    %dma_wait3A_596 = arith.constant 0 : i32
    %dma_wait3A_597 = tpu.memref_slice %arg4[%dma_wait3A_595, %dma_wait3A_596] : memref<40960x128xf32, #tpu.memory_space<hbm>> -> memref<40960x128xf32, #tpu.memory_space<hbm>>
    tpu.wait_indirect_dma semaphore(%arg16 : memref<!tpu.dma_semaphore, #tpu.memory_space<semaphore_mem>>) src(%dma_wait3A_597 : memref<40960x128xf32, #tpu.memory_space<hbm>>) dst(%arg13 : memref<120x128xf32, #tpu.memory_space<vmem>>)
    %dma_start3A_598 = arith.constant 2 : i32
    %dma_start3A_599 = arith.constant 0 : i32
    %dma_start3A_600 = tpu.memref_slice %arg10[%dma_start3A_598, %dma_start3A_599] : memref<6x120xi32, #tpu.memory_space<vmem>> -> memref<1x120xi32, #tpu.memory_space<vmem>>
    %dma_start3A_601 = tpu.memref_squeeze %dma_start3A_600 : memref<1x120xi32, #tpu.memory_space<vmem>> -> memref<120xi32, #tpu.memory_space<vmem>>
    %dma_start3A_602 = arith.constant 0 : i32
    %dma_start3A_603 = arith.constant 0 : i32
    %dma_start3A_604 = tpu.memref_slice %arg7[%dma_start3A_602, %dma_start3A_603] : memref<10112x128xf32, #tpu.memory_space<vmem_shared>> -> memref<10112x128xf32, #tpu.memory_space<vmem_shared>>
    tpu.enqueue_indirect_dma source(%arg13 : memref<120x128xf32, #tpu.memory_space<vmem>>) target(%dma_start3A_604 : memref<10112x128xf32, #tpu.memory_space<vmem_shared>>) offsets(%dma_start3A_601 : memref<120xi32, #tpu.memory_space<vmem>>) semaphore(%arg16 : memref<!tpu.dma_semaphore, #tpu.memory_space<semaphore_mem>>) {add = true}
    %dma_wait3A_605 = arith.constant 0 : i32
    %dma_wait3A_606 = arith.constant 0 : i32
    %dma_wait3A_607 = tpu.memref_slice %arg8[%dma_wait3A_605, %dma_wait3A_606] : memref<6x120xi32, #tpu.memory_space<vmem>> -> memref<1x120xi32, #tpu.memory_space<vmem>>
    %dma_wait3A_608 = tpu.memref_squeeze %dma_wait3A_607 : memref<1x120xi32, #tpu.memory_space<vmem>> -> memref<120xi32, #tpu.memory_space<vmem>>
    %dma_wait3A_609 = arith.constant 0 : i32
    %dma_wait3A_610 = arith.constant 0 : i32
    %dma_wait3A_611 = tpu.memref_slice %arg4[%dma_wait3A_609, %dma_wait3A_610] : memref<40960x128xf32, #tpu.memory_space<hbm>> -> memref<40960x128xf32, #tpu.memory_space<hbm>>
    tpu.wait_indirect_dma semaphore(%arg14 : memref<!tpu.dma_semaphore, #tpu.memory_space<semaphore_mem>>) src(%dma_wait3A_611 : memref<40960x128xf32, #tpu.memory_space<hbm>>) dst(%arg11 : memref<120x128xf32, #tpu.memory_space<vmem>>)
    %dma_start3A_612 = arith.constant 3 : i32
    %dma_start3A_613 = arith.constant 0 : i32
    %dma_start3A_614 = tpu.memref_slice %arg8[%dma_start3A_612, %dma_start3A_613] : memref<6x120xi32, #tpu.memory_space<vmem>> -> memref<1x120xi32, #tpu.memory_space<vmem>>
    %dma_start3A_615 = tpu.memref_squeeze %dma_start3A_614 : memref<1x120xi32, #tpu.memory_space<vmem>> -> memref<120xi32, #tpu.memory_space<vmem>>
    %dma_start3A_616 = arith.constant 0 : i32
    %dma_start3A_617 = arith.constant 0 : i32
    %dma_start3A_618 = tpu.memref_slice %arg4[%dma_start3A_616, %dma_start3A_617] : memref<40960x128xf32, #tpu.memory_space<hbm>> -> memref<40960x128xf32, #tpu.memory_space<hbm>>
    tpu.enqueue_indirect_dma source(%dma_start3A_618 : memref<40960x128xf32, #tpu.memory_space<hbm>>) target(%arg11 : memref<120x128xf32, #tpu.memory_space<vmem>>) offsets(%dma_start3A_615 : memref<120xi32, #tpu.memory_space<vmem>>) semaphore(%arg14 : memref<!tpu.dma_semaphore, #tpu.memory_space<semaphore_mem>>)
    %dma_wait3A_619 = arith.constant 0 : i32
    %dma_wait3A_620 = arith.constant 0 : i32
    %dma_wait3A_621 = tpu.memref_slice %arg8[%dma_wait3A_619, %dma_wait3A_620] : memref<6x120xi32, #tpu.memory_space<vmem>> -> memref<1x120xi32, #tpu.memory_space<vmem>>
    %dma_wait3A_622 = tpu.memref_squeeze %dma_wait3A_621 : memref<1x120xi32, #tpu.memory_space<vmem>> -> memref<120xi32, #tpu.memory_space<vmem>>
    %dma_wait3A_623 = arith.constant 0 : i32
    %dma_wait3A_624 = arith.constant 0 : i32
    %dma_wait3A_625 = tpu.memref_slice %arg4[%dma_wait3A_623, %dma_wait3A_624] : memref<40960x128xf32, #tpu.memory_space<hbm>> -> memref<40960x128xf32, #tpu.memory_space<hbm>>
    tpu.wait_indirect_dma semaphore(%arg15 : memref<!tpu.dma_semaphore, #tpu.memory_space<semaphore_mem>>) src(%dma_wait3A_625 : memref<40960x128xf32, #tpu.memory_space<hbm>>) dst(%arg12 : memref<120x128xf32, #tpu.memory_space<vmem>>)
    %dma_start3A_626 = arith.constant 4 : i32
    %dma_start3A_627 = arith.constant 0 : i32
    %dma_start3A_628 = tpu.memref_slice %arg8[%dma_start3A_626, %dma_start3A_627] : memref<6x120xi32, #tpu.memory_space<vmem>> -> memref<1x120xi32, #tpu.memory_space<vmem>>
    %dma_start3A_629 = tpu.memref_squeeze %dma_start3A_628 : memref<1x120xi32, #tpu.memory_space<vmem>> -> memref<120xi32, #tpu.memory_space<vmem>>
    %dma_start3A_630 = arith.constant 0 : i32
    %dma_start3A_631 = arith.constant 0 : i32
    %dma_start3A_632 = tpu.memref_slice %arg4[%dma_start3A_630, %dma_start3A_631] : memref<40960x128xf32, #tpu.memory_space<hbm>> -> memref<40960x128xf32, #tpu.memory_space<hbm>>
    tpu.enqueue_indirect_dma source(%dma_start3A_632 : memref<40960x128xf32, #tpu.memory_space<hbm>>) target(%arg12 : memref<120x128xf32, #tpu.memory_space<vmem>>) offsets(%dma_start3A_629 : memref<120xi32, #tpu.memory_space<vmem>>) semaphore(%arg15 : memref<!tpu.dma_semaphore, #tpu.memory_space<semaphore_mem>>)
    %dma_wait3A_633 = arith.constant 0 : i32
    %dma_wait3A_634 = arith.constant 0 : i32
    %dma_wait3A_635 = tpu.memref_slice %arg8[%dma_wait3A_633, %dma_wait3A_634] : memref<6x120xi32, #tpu.memory_space<vmem>> -> memref<1x120xi32, #tpu.memory_space<vmem>>
    %dma_wait3A_636 = tpu.memref_squeeze %dma_wait3A_635 : memref<1x120xi32, #tpu.memory_space<vmem>> -> memref<120xi32, #tpu.memory_space<vmem>>
    %dma_wait3A_637 = arith.constant 0 : i32
    %dma_wait3A_638 = arith.constant 0 : i32
    %dma_wait3A_639 = tpu.memref_slice %arg4[%dma_wait3A_637, %dma_wait3A_638] : memref<40960x128xf32, #tpu.memory_space<hbm>> -> memref<40960x128xf32, #tpu.memory_space<hbm>>
    tpu.wait_indirect_dma semaphore(%arg16 : memref<!tpu.dma_semaphore, #tpu.memory_space<semaphore_mem>>) src(%dma_wait3A_639 : memref<40960x128xf32, #tpu.memory_space<hbm>>) dst(%arg13 : memref<120x128xf32, #tpu.memory_space<vmem>>)
    %dma_start3A_640 = arith.constant 5 : i32
    %dma_start3A_641 = arith.constant 0 : i32
    %dma_start3A_642 = tpu.memref_slice %arg8[%dma_start3A_640, %dma_start3A_641] : memref<6x120xi32, #tpu.memory_space<vmem>> -> memref<1x120xi32, #tpu.memory_space<vmem>>
    %dma_start3A_643 = tpu.memref_squeeze %dma_start3A_642 : memref<1x120xi32, #tpu.memory_space<vmem>> -> memref<120xi32, #tpu.memory_space<vmem>>
    %dma_start3A_644 = arith.constant 0 : i32
    %dma_start3A_645 = arith.constant 0 : i32
    %dma_start3A_646 = tpu.memref_slice %arg4[%dma_start3A_644, %dma_start3A_645] : memref<40960x128xf32, #tpu.memory_space<hbm>> -> memref<40960x128xf32, #tpu.memory_space<hbm>>
    tpu.enqueue_indirect_dma source(%dma_start3A_646 : memref<40960x128xf32, #tpu.memory_space<hbm>>) target(%arg13 : memref<120x128xf32, #tpu.memory_space<vmem>>) offsets(%dma_start3A_643 : memref<120xi32, #tpu.memory_space<vmem>>) semaphore(%arg16 : memref<!tpu.dma_semaphore, #tpu.memory_space<semaphore_mem>>)
    %dma_wait3A_647 = arith.constant 0 : i32
    %dma_wait3A_648 = arith.constant 0 : i32
    %dma_wait3A_649 = tpu.memref_slice %arg8[%dma_wait3A_647, %dma_wait3A_648] : memref<6x120xi32, #tpu.memory_space<vmem>> -> memref<1x120xi32, #tpu.memory_space<vmem>>
    %dma_wait3A_650 = tpu.memref_squeeze %dma_wait3A_649 : memref<1x120xi32, #tpu.memory_space<vmem>> -> memref<120xi32, #tpu.memory_space<vmem>>
    %dma_wait3A_651 = arith.constant 0 : i32
    %dma_wait3A_652 = arith.constant 0 : i32
    %dma_wait3A_653 = tpu.memref_slice %arg4[%dma_wait3A_651, %dma_wait3A_652] : memref<40960x128xf32, #tpu.memory_space<hbm>> -> memref<40960x128xf32, #tpu.memory_space<hbm>>
    tpu.wait_indirect_dma semaphore(%arg14 : memref<!tpu.dma_semaphore, #tpu.memory_space<semaphore_mem>>) src(%dma_wait3A_653 : memref<40960x128xf32, #tpu.memory_space<hbm>>) dst(%arg11 : memref<120x128xf32, #tpu.memory_space<vmem>>)
    %dma_start3A_654 = arith.constant 3 : i32
    %dma_start3A_655 = arith.constant 0 : i32
    %dma_start3A_656 = tpu.memref_slice %arg10[%dma_start3A_654, %dma_start3A_655] : memref<6x120xi32, #tpu.memory_space<vmem>> -> memref<1x120xi32, #tpu.memory_space<vmem>>
    %dma_start3A_657 = tpu.memref_squeeze %dma_start3A_656 : memref<1x120xi32, #tpu.memory_space<vmem>> -> memref<120xi32, #tpu.memory_space<vmem>>
    %dma_start3A_658 = arith.constant 0 : i32
    %dma_start3A_659 = arith.constant 0 : i32
    %dma_start3A_660 = tpu.memref_slice %arg7[%dma_start3A_658, %dma_start3A_659] : memref<10112x128xf32, #tpu.memory_space<vmem_shared>> -> memref<10112x128xf32, #tpu.memory_space<vmem_shared>>
    tpu.enqueue_indirect_dma source(%arg11 : memref<120x128xf32, #tpu.memory_space<vmem>>) target(%dma_start3A_660 : memref<10112x128xf32, #tpu.memory_space<vmem_shared>>) offsets(%dma_start3A_657 : memref<120xi32, #tpu.memory_space<vmem>>) semaphore(%arg14 : memref<!tpu.dma_semaphore, #tpu.memory_space<semaphore_mem>>) {add = true}
    %dma_wait3A_661 = arith.constant 0 : i32
    %dma_wait3A_662 = arith.constant 0 : i32
    %dma_wait3A_663 = tpu.memref_slice %arg8[%dma_wait3A_661, %dma_wait3A_662] : memref<6x120xi32, #tpu.memory_space<vmem>> -> memref<1x120xi32, #tpu.memory_space<vmem>>
    %dma_wait3A_664 = tpu.memref_squeeze %dma_wait3A_663 : memref<1x120xi32, #tpu.memory_space<vmem>> -> memref<120xi32, #tpu.memory_space<vmem>>
    %dma_wait3A_665 = arith.constant 0 : i32
    %dma_wait3A_666 = arith.constant 0 : i32
    %dma_wait3A_667 = tpu.memref_slice %arg4[%dma_wait3A_665, %dma_wait3A_666] : memref<40960x128xf32, #tpu.memory_space<hbm>> -> memref<40960x128xf32, #tpu.memory_space<hbm>>
    tpu.wait_indirect_dma semaphore(%arg15 : memref<!tpu.dma_semaphore, #tpu.memory_space<semaphore_mem>>) src(%dma_wait3A_667 : memref<40960x128xf32, #tpu.memory_space<hbm>>) dst(%arg12 : memref<120x128xf32, #tpu.memory_space<vmem>>)
    %dma_start3A_668 = arith.constant 4 : i32
    %dma_start3A_669 = arith.constant 0 : i32
    %dma_start3A_670 = tpu.memref_slice %arg10[%dma_start3A_668, %dma_start3A_669] : memref<6x120xi32, #tpu.memory_space<vmem>> -> memref<1x120xi32, #tpu.memory_space<vmem>>
    %dma_start3A_671 = tpu.memref_squeeze %dma_start3A_670 : memref<1x120xi32, #tpu.memory_space<vmem>> -> memref<120xi32, #tpu.memory_space<vmem>>
    %dma_start3A_672 = arith.constant 0 : i32
    %dma_start3A_673 = arith.constant 0 : i32
    %dma_start3A_674 = tpu.memref_slice %arg7[%dma_start3A_672, %dma_start3A_673] : memref<10112x128xf32, #tpu.memory_space<vmem_shared>> -> memref<10112x128xf32, #tpu.memory_space<vmem_shared>>
    tpu.enqueue_indirect_dma source(%arg12 : memref<120x128xf32, #tpu.memory_space<vmem>>) target(%dma_start3A_674 : memref<10112x128xf32, #tpu.memory_space<vmem_shared>>) offsets(%dma_start3A_671 : memref<120xi32, #tpu.memory_space<vmem>>) semaphore(%arg15 : memref<!tpu.dma_semaphore, #tpu.memory_space<semaphore_mem>>) {add = true}
    %dma_wait3A_675 = arith.constant 0 : i32
    %dma_wait3A_676 = arith.constant 0 : i32
    %dma_wait3A_677 = tpu.memref_slice %arg8[%dma_wait3A_675, %dma_wait3A_676] : memref<6x120xi32, #tpu.memory_space<vmem>> -> memref<1x120xi32, #tpu.memory_space<vmem>>
    %dma_wait3A_678 = tpu.memref_squeeze %dma_wait3A_677 : memref<1x120xi32, #tpu.memory_space<vmem>> -> memref<120xi32, #tpu.memory_space<vmem>>
    %dma_wait3A_679 = arith.constant 0 : i32
    %dma_wait3A_680 = arith.constant 0 : i32
    %dma_wait3A_681 = tpu.memref_slice %arg4[%dma_wait3A_679, %dma_wait3A_680] : memref<40960x128xf32, #tpu.memory_space<hbm>> -> memref<40960x128xf32, #tpu.memory_space<hbm>>
    tpu.wait_indirect_dma semaphore(%arg16 : memref<!tpu.dma_semaphore, #tpu.memory_space<semaphore_mem>>) src(%dma_wait3A_681 : memref<40960x128xf32, #tpu.memory_space<hbm>>) dst(%arg13 : memref<120x128xf32, #tpu.memory_space<vmem>>)
    %dma_start3A_682 = arith.constant 5 : i32
    %dma_start3A_683 = arith.constant 0 : i32
    %dma_start3A_684 = tpu.memref_slice %arg10[%dma_start3A_682, %dma_start3A_683] : memref<6x120xi32, #tpu.memory_space<vmem>> -> memref<1x120xi32, #tpu.memory_space<vmem>>
    %dma_start3A_685 = tpu.memref_squeeze %dma_start3A_684 : memref<1x120xi32, #tpu.memory_space<vmem>> -> memref<120xi32, #tpu.memory_space<vmem>>
    %dma_start3A_686 = arith.constant 0 : i32
    %dma_start3A_687 = arith.constant 0 : i32
    %dma_start3A_688 = tpu.memref_slice %arg7[%dma_start3A_686, %dma_start3A_687] : memref<10112x128xf32, #tpu.memory_space<vmem_shared>> -> memref<10112x128xf32, #tpu.memory_space<vmem_shared>>
    tpu.enqueue_indirect_dma source(%arg13 : memref<120x128xf32, #tpu.memory_space<vmem>>) target(%dma_start3A_688 : memref<10112x128xf32, #tpu.memory_space<vmem_shared>>) offsets(%dma_start3A_685 : memref<120xi32, #tpu.memory_space<vmem>>) semaphore(%arg16 : memref<!tpu.dma_semaphore, #tpu.memory_space<semaphore_mem>>) {add = true}
    %dma_wait3A_689 = arith.constant 0 : i32
    %dma_wait3A_690 = arith.constant 0 : i32
    %dma_wait3A_691 = tpu.memref_slice %arg8[%dma_wait3A_689, %dma_wait3A_690] : memref<6x120xi32, #tpu.memory_space<vmem>> -> memref<1x120xi32, #tpu.memory_space<vmem>>
    %dma_wait3A_692 = tpu.memref_squeeze %dma_wait3A_691 : memref<1x120xi32, #tpu.memory_space<vmem>> -> memref<120xi32, #tpu.memory_space<vmem>>
    %dma_wait3A_693 = arith.constant 0 : i32
    %dma_wait3A_694 = arith.constant 0 : i32
    %dma_wait3A_695 = tpu.memref_slice %arg4[%dma_wait3A_693, %dma_wait3A_694] : memref<40960x128xf32, #tpu.memory_space<hbm>> -> memref<40960x128xf32, #tpu.memory_space<hbm>>
    tpu.wait_indirect_dma semaphore(%arg14 : memref<!tpu.dma_semaphore, #tpu.memory_space<semaphore_mem>>) src(%dma_wait3A_695 : memref<40960x128xf32, #tpu.memory_space<hbm>>) dst(%arg11 : memref<120x128xf32, #tpu.memory_space<vmem>>)
    %dma_wait3A_696 = arith.constant 0 : i32
    %dma_wait3A_697 = arith.constant 0 : i32
    %dma_wait3A_698 = tpu.memref_slice %arg8[%dma_wait3A_696, %dma_wait3A_697] : memref<6x120xi32, #tpu.memory_space<vmem>> -> memref<1x120xi32, #tpu.memory_space<vmem>>
    %dma_wait3A_699 = tpu.memref_squeeze %dma_wait3A_698 : memref<1x120xi32, #tpu.memory_space<vmem>> -> memref<120xi32, #tpu.memory_space<vmem>>
    %dma_wait3A_700 = arith.constant 0 : i32
    %dma_wait3A_701 = arith.constant 0 : i32
    %dma_wait3A_702 = tpu.memref_slice %arg4[%dma_wait3A_700, %dma_wait3A_701] : memref<40960x128xf32, #tpu.memory_space<hbm>> -> memref<40960x128xf32, #tpu.memory_space<hbm>>
    tpu.wait_indirect_dma semaphore(%arg15 : memref<!tpu.dma_semaphore, #tpu.memory_space<semaphore_mem>>) src(%dma_wait3A_702 : memref<40960x128xf32, #tpu.memory_space<hbm>>) dst(%arg12 : memref<120x128xf32, #tpu.memory_space<vmem>>)
    %dma_wait3A_703 = arith.constant 0 : i32
    %dma_wait3A_704 = arith.constant 0 : i32
    %dma_wait3A_705 = tpu.memref_slice %arg8[%dma_wait3A_703, %dma_wait3A_704] : memref<6x120xi32, #tpu.memory_space<vmem>> -> memref<1x120xi32, #tpu.memory_space<vmem>>
    %dma_wait3A_706 = tpu.memref_squeeze %dma_wait3A_705 : memref<1x120xi32, #tpu.memory_space<vmem>> -> memref<120xi32, #tpu.memory_space<vmem>>
    %dma_wait3A_707 = arith.constant 0 : i32
    %dma_wait3A_708 = arith.constant 0 : i32
    %dma_wait3A_709 = tpu.memref_slice %arg4[%dma_wait3A_707, %dma_wait3A_708] : memref<40960x128xf32, #tpu.memory_space<hbm>> -> memref<40960x128xf32, #tpu.memory_space<hbm>>
    tpu.wait_indirect_dma semaphore(%arg16 : memref<!tpu.dma_semaphore, #tpu.memory_space<semaphore_mem>>) src(%dma_wait3A_709 : memref<40960x128xf32, #tpu.memory_space<hbm>>) dst(%arg13 : memref<120x128xf32, #tpu.memory_space<vmem>>)
    %barrier3A_710 = arith.constant 0 : index
    tpu.barrier barrier_id(%barrier3A_710)
    "tpu.region"() ({
      %run_scoped3A = tpu.sem_alloc : memref<!tpu.dma_semaphore, #tpu.memory_space<semaphore_mem>>
      %dma_start3A_711 = arith.constant 0 : i32
      %dma_start3A_712 = tpu.memref_slice %arg6[%add3A_356, %mul3A_0, %dma_start3A_711] : memref<4x10112x128xf32, #tpu.memory_space<hbm>> -> memref<1x632x128xf32, #tpu.memory_space<hbm>>
      %dma_start3A_713 = tpu.memref_squeeze %dma_start3A_712 : memref<1x632x128xf32, #tpu.memory_space<hbm>> -> memref<632x128xf32, #tpu.memory_space<hbm>>
      %dma_start3A_714 = arith.constant 0 : i32
      %dma_start3A_715 = tpu.memref_slice %arg7[%mul3A_0, %dma_start3A_714] : memref<10112x128xf32, #tpu.memory_space<vmem_shared>> -> memref<632x128xf32, #tpu.memory_space<vmem_shared>>
      tpu.enqueue_dma source(%dma_start3A_715 : memref<632x128xf32, #tpu.memory_space<vmem_shared>>) target(%dma_start3A_713 : memref<632x128xf32, #tpu.memory_space<hbm>>) target_semaphore(%run_scoped3A : memref<!tpu.dma_semaphore, #tpu.memory_space<semaphore_mem>>)
      %dma_wait3A_716 = arith.constant 0 : i32
      %dma_wait3A_717 = tpu.memref_slice %arg6[%add3A_356, %mul3A_0, %dma_wait3A_716] : memref<4x10112x128xf32, #tpu.memory_space<hbm>> -> memref<1x632x128xf32, #tpu.memory_space<hbm>>
      %dma_wait3A_718 = tpu.memref_squeeze %dma_wait3A_717 : memref<1x632x128xf32, #tpu.memory_space<hbm>> -> memref<632x128xf32, #tpu.memory_space<hbm>>
      %dma_wait3A_719 = arith.constant 0 : i32
      %dma_wait3A_720 = tpu.memref_slice %arg7[%mul3A_0, %dma_wait3A_719] : memref<10112x128xf32, #tpu.memory_space<vmem_shared>> -> memref<632x128xf32, #tpu.memory_space<vmem_shared>>
      tpu.wait_dma2 semaphore(%run_scoped3A : memref<!tpu.dma_semaphore, #tpu.memory_space<semaphore_mem>>) src(%dma_wait3A_720 : memref<632x128xf32, #tpu.memory_space<vmem_shared>>) dst(%dma_wait3A_718 : memref<632x128xf32, #tpu.memory_space<hbm>>)
      tpu.yield
    }) : () -> ()
    return
  }
}

#map = affine_map<(d0, d1) -> (0, 0, 0, 0)>
#map1 = affine_map<(d0, d1) -> (0)>
#map2 = affine_map<(d0, d1) -> (0, 0)>
module attributes {stable_mosaic.version = 14 : i64} {
  func.func @_deg_body(%arg0: i32, %arg1: i32, %arg2: memref<4x16x168x120xi32, #tpu.memory_space<hbm>>, %arg3: memref<10240xf32, #tpu.memory_space<hbm>>, %arg4: memref<120xf32, #tpu.memory_space<hbm>>, %arg5: memref<4x10240xf32, #tpu.memory_space<hbm>>, %arg6: memref<10240xf32, #tpu.memory_space<vmem_shared>>, %arg7: memref<10240xf32, #tpu.memory_space<vmem_shared>>, %arg8: memref<168x120xi32, #tpu.memory_space<vmem>>, %arg9: memref<120xf32, #tpu.memory_space<vmem>>, %arg10: memref<!tpu.dma_semaphore, #tpu.memory_space<semaphore_mem>>) attributes {dimension_semantics = [#tpu.dimension_semantics<core_parallel>, #tpu.dimension_semantics<subcore_parallel>], iteration_bounds = array<i64: 2, 16>, scalar_prefetch = 0 : i64, scratch_operands = 5 : i64, tpu.core_type = #tpu.core_type<sc_vector_subcore>, window_params = [{transform_indices = #map}, {transform_indices = #map1}, {transform_indices = #map1}, {transform_indices = #map2}]} {
    %mul3A = arith.constant 640 : i32
    %mul3A_0 = arith.muli %arg1, %mul3A : i32
    "tpu.region"() ({
      %run_scoped3A = tpu.sem_alloc : memref<!tpu.dma_semaphore, #tpu.memory_space<semaphore_mem>>
      %dma_start3A = tpu.memref_slice %arg6[%mul3A_0] : memref<10240xf32, #tpu.memory_space<vmem_shared>> -> memref<640xf32, #tpu.memory_space<vmem_shared>>
      %dma_start3A_28 = tpu.memref_slice %arg3[%mul3A_0] : memref<10240xf32, #tpu.memory_space<hbm>> -> memref<640xf32, #tpu.memory_space<hbm>>
      tpu.enqueue_dma source(%dma_start3A_28 : memref<640xf32, #tpu.memory_space<hbm>>) target(%dma_start3A : memref<640xf32, #tpu.memory_space<vmem_shared>>) target_semaphore(%run_scoped3A : memref<!tpu.dma_semaphore, #tpu.memory_space<semaphore_mem>>)
      %dma_wait3A = tpu.memref_slice %arg6[%mul3A_0] : memref<10240xf32, #tpu.memory_space<vmem_shared>> -> memref<640xf32, #tpu.memory_space<vmem_shared>>
      %dma_wait3A_29 = tpu.memref_slice %arg3[%mul3A_0] : memref<10240xf32, #tpu.memory_space<hbm>> -> memref<640xf32, #tpu.memory_space<hbm>>
      tpu.wait_dma2 semaphore(%run_scoped3A : memref<!tpu.dma_semaphore, #tpu.memory_space<semaphore_mem>>) src(%dma_wait3A_29 : memref<640xf32, #tpu.memory_space<hbm>>) dst(%dma_wait3A : memref<640xf32, #tpu.memory_space<vmem_shared>>)
      tpu.yield
    }) : () -> ()
    "tpu.region"() ({
      %run_scoped3A = tpu.sem_alloc : memref<!tpu.dma_semaphore, #tpu.memory_space<semaphore_mem>>
      %dma_start3A = tpu.memref_slice %arg7[%mul3A_0] : memref<10240xf32, #tpu.memory_space<vmem_shared>> -> memref<640xf32, #tpu.memory_space<vmem_shared>>
      %dma_start3A_28 = tpu.memref_slice %arg3[%mul3A_0] : memref<10240xf32, #tpu.memory_space<hbm>> -> memref<640xf32, #tpu.memory_space<hbm>>
      tpu.enqueue_dma source(%dma_start3A_28 : memref<640xf32, #tpu.memory_space<hbm>>) target(%dma_start3A : memref<640xf32, #tpu.memory_space<vmem_shared>>) target_semaphore(%run_scoped3A : memref<!tpu.dma_semaphore, #tpu.memory_space<semaphore_mem>>)
      %dma_wait3A = tpu.memref_slice %arg7[%mul3A_0] : memref<10240xf32, #tpu.memory_space<vmem_shared>> -> memref<640xf32, #tpu.memory_space<vmem_shared>>
      %dma_wait3A_29 = tpu.memref_slice %arg3[%mul3A_0] : memref<10240xf32, #tpu.memory_space<hbm>> -> memref<640xf32, #tpu.memory_space<hbm>>
      tpu.wait_dma2 semaphore(%run_scoped3A : memref<!tpu.dma_semaphore, #tpu.memory_space<semaphore_mem>>) src(%dma_wait3A_29 : memref<640xf32, #tpu.memory_space<hbm>>) dst(%dma_wait3A : memref<640xf32, #tpu.memory_space<vmem_shared>>)
      tpu.yield
    }) : () -> ()
    "tpu.region"() ({
      %run_scoped3A = tpu.sem_alloc : memref<!tpu.dma_semaphore, #tpu.memory_space<semaphore_mem>>
      tpu.enqueue_dma source(%arg4 : memref<120xf32, #tpu.memory_space<hbm>>) target(%arg9 : memref<120xf32, #tpu.memory_space<vmem>>) target_semaphore(%run_scoped3A : memref<!tpu.dma_semaphore, #tpu.memory_space<semaphore_mem>>)
      tpu.wait_dma2 semaphore(%run_scoped3A : memref<!tpu.dma_semaphore, #tpu.memory_space<semaphore_mem>>) src(%arg4 : memref<120xf32, #tpu.memory_space<hbm>>) dst(%arg9 : memref<120xf32, #tpu.memory_space<vmem>>)
      tpu.yield
    }) : () -> ()
    %barrier3A = arith.constant 0 : index
    tpu.barrier barrier_id(%barrier3A)
    %mul3A_1 = arith.constant 2 : i32
    %mul3A_2 = arith.muli %arg0, %mul3A_1 : i32
    %add3A = arith.constant 0 : i32
    %add3A_3 = arith.addi %mul3A_2, %add3A : i32
    "tpu.region"() ({
      %run_scoped3A = tpu.sem_alloc : memref<!tpu.dma_semaphore, #tpu.memory_space<semaphore_mem>>
      %dma_start3A = arith.constant 0 : i32
      %dma_start3A_28 = arith.constant 0 : i32
      %dma_start3A_29 = tpu.memref_slice %arg2[%add3A_3, %arg1, %dma_start3A, %dma_start3A_28] : memref<4x16x168x120xi32, #tpu.memory_space<hbm>> -> memref<1x1x168x120xi32, #tpu.memory_space<hbm>>
      %dma_start3A_30 = tpu.memref_squeeze %dma_start3A_29 : memref<1x1x168x120xi32, #tpu.memory_space<hbm>> -> memref<168x120xi32, #tpu.memory_space<hbm>>
      %dma_start3A_31 = arith.constant 0 : i32
      %dma_start3A_32 = arith.constant 0 : i32
      %dma_start3A_33 = tpu.memref_slice %arg2[%add3A_3, %arg1, %dma_start3A_31, %dma_start3A_32] : memref<4x16x168x120xi32, #tpu.memory_space<hbm>> -> memref<1x1x168x120xi32, #tpu.memory_space<hbm>>
      %dma_start3A_34 = tpu.memref_squeeze %dma_start3A_33 : memref<1x1x168x120xi32, #tpu.memory_space<hbm>> -> memref<168x120xi32, #tpu.memory_space<hbm>>
      tpu.enqueue_dma source(%dma_start3A_34 : memref<168x120xi32, #tpu.memory_space<hbm>>) target(%arg8 : memref<168x120xi32, #tpu.memory_space<vmem>>) target_semaphore(%run_scoped3A : memref<!tpu.dma_semaphore, #tpu.memory_space<semaphore_mem>>)
      %dma_wait3A = arith.constant 0 : i32
      %dma_wait3A_35 = arith.constant 0 : i32
      %dma_wait3A_36 = tpu.memref_slice %arg2[%add3A_3, %arg1, %dma_wait3A, %dma_wait3A_35] : memref<4x16x168x120xi32, #tpu.memory_space<hbm>> -> memref<1x1x168x120xi32, #tpu.memory_space<hbm>>
      %dma_wait3A_37 = tpu.memref_squeeze %dma_wait3A_36 : memref<1x1x168x120xi32, #tpu.memory_space<hbm>> -> memref<168x120xi32, #tpu.memory_space<hbm>>
      %dma_wait3A_38 = arith.constant 0 : i32
      %dma_wait3A_39 = arith.constant 0 : i32
      %dma_wait3A_40 = tpu.memref_slice %arg2[%add3A_3, %arg1, %dma_wait3A_38, %dma_wait3A_39] : memref<4x16x168x120xi32, #tpu.memory_space<hbm>> -> memref<1x1x168x120xi32, #tpu.memory_space<hbm>>
      %dma_wait3A_41 = tpu.memref_squeeze %dma_wait3A_40 : memref<1x1x168x120xi32, #tpu.memory_space<hbm>> -> memref<168x120xi32, #tpu.memory_space<hbm>>
      tpu.wait_dma2 semaphore(%run_scoped3A : memref<!tpu.dma_semaphore, #tpu.memory_space<semaphore_mem>>) src(%dma_wait3A_41 : memref<168x120xi32, #tpu.memory_space<hbm>>) dst(%arg8 : memref<168x120xi32, #tpu.memory_space<vmem>>)
      tpu.yield
    }) : () -> ()
    %scan3A = arith.constant 0 : i32
    %scan3A_4 = arith.constant 0 : i32
    %scan3A_5 = arith.constant 21 : i32
    %scan3A_6 = arith.addi %scan3A_4, %scan3A_5 : i32
    %scan3A_7 = arith.constant 1 : i32
    scf.for %scan3A_28 = %scan3A_4 to %scan3A_6 step %scan3A_7  : i32 {
      %mul3A_29 = arith.constant 8 : i32
      %mul3A_30 = arith.muli %scan3A_28, %mul3A_29 : i32
      %add3A_31 = arith.constant 0 : i32
      %add3A_32 = arith.addi %mul3A_30, %add3A_31 : i32
      %dma_start3A = arith.constant 0 : i32
      %dma_start3A_33 = tpu.memref_slice %arg8[%add3A_32, %dma_start3A] : memref<168x120xi32, #tpu.memory_space<vmem>> -> memref<1x120xi32, #tpu.memory_space<vmem>>
      %dma_start3A_34 = tpu.memref_squeeze %dma_start3A_33 : memref<1x120xi32, #tpu.memory_space<vmem>> -> memref<120xi32, #tpu.memory_space<vmem>>
      %dma_start3A_35 = arith.constant 0 : i32
      %dma_start3A_36 = tpu.memref_slice %arg6[%dma_start3A_35] : memref<10240xf32, #tpu.memory_space<vmem_shared>> -> memref<10240xf32, #tpu.memory_space<vmem_shared>>
      tpu.enqueue_indirect_dma source(%arg9 : memref<120xf32, #tpu.memory_space<vmem>>) target(%dma_start3A_36 : memref<10240xf32, #tpu.memory_space<vmem_shared>>) offsets(%dma_start3A_34 : memref<120xi32, #tpu.memory_space<vmem>>) semaphore(%arg10 : memref<!tpu.dma_semaphore, #tpu.memory_space<semaphore_mem>>) {add = true}
      %mul3A_37 = arith.constant 8 : i32
      %mul3A_38 = arith.muli %scan3A_28, %mul3A_37 : i32
      %add3A_39 = arith.constant 1 : i32
      %add3A_40 = arith.addi %mul3A_38, %add3A_39 : i32
      %dma_start3A_41 = arith.constant 0 : i32
      %dma_start3A_42 = tpu.memref_slice %arg8[%add3A_40, %dma_start3A_41] : memref<168x120xi32, #tpu.memory_space<vmem>> -> memref<1x120xi32, #tpu.memory_space<vmem>>
      %dma_start3A_43 = tpu.memref_squeeze %dma_start3A_42 : memref<1x120xi32, #tpu.memory_space<vmem>> -> memref<120xi32, #tpu.memory_space<vmem>>
      %dma_start3A_44 = arith.constant 0 : i32
      %dma_start3A_45 = tpu.memref_slice %arg6[%dma_start3A_44] : memref<10240xf32, #tpu.memory_space<vmem_shared>> -> memref<10240xf32, #tpu.memory_space<vmem_shared>>
      tpu.enqueue_indirect_dma source(%arg9 : memref<120xf32, #tpu.memory_space<vmem>>) target(%dma_start3A_45 : memref<10240xf32, #tpu.memory_space<vmem_shared>>) offsets(%dma_start3A_43 : memref<120xi32, #tpu.memory_space<vmem>>) semaphore(%arg10 : memref<!tpu.dma_semaphore, #tpu.memory_space<semaphore_mem>>) {add = true}
      %mul3A_46 = arith.constant 8 : i32
      %mul3A_47 = arith.muli %scan3A_28, %mul3A_46 : i32
      %add3A_48 = arith.constant 2 : i32
      %add3A_49 = arith.addi %mul3A_47, %add3A_48 : i32
      %dma_start3A_50 = arith.constant 0 : i32
      %dma_start3A_51 = tpu.memref_slice %arg8[%add3A_49, %dma_start3A_50] : memref<168x120xi32, #tpu.memory_space<vmem>> -> memref<1x120xi32, #tpu.memory_space<vmem>>
      %dma_start3A_52 = tpu.memref_squeeze %dma_start3A_51 : memref<1x120xi32, #tpu.memory_space<vmem>> -> memref<120xi32, #tpu.memory_space<vmem>>
      %dma_start3A_53 = arith.constant 0 : i32
      %dma_start3A_54 = tpu.memref_slice %arg6[%dma_start3A_53] : memref<10240xf32, #tpu.memory_space<vmem_shared>> -> memref<10240xf32, #tpu.memory_space<vmem_shared>>
      tpu.enqueue_indirect_dma source(%arg9 : memref<120xf32, #tpu.memory_space<vmem>>) target(%dma_start3A_54 : memref<10240xf32, #tpu.memory_space<vmem_shared>>) offsets(%dma_start3A_52 : memref<120xi32, #tpu.memory_space<vmem>>) semaphore(%arg10 : memref<!tpu.dma_semaphore, #tpu.memory_space<semaphore_mem>>) {add = true}
      %mul3A_55 = arith.constant 8 : i32
      %mul3A_56 = arith.muli %scan3A_28, %mul3A_55 : i32
      %add3A_57 = arith.constant 3 : i32
      %add3A_58 = arith.addi %mul3A_56, %add3A_57 : i32
      %dma_start3A_59 = arith.constant 0 : i32
      %dma_start3A_60 = tpu.memref_slice %arg8[%add3A_58, %dma_start3A_59] : memref<168x120xi32, #tpu.memory_space<vmem>> -> memref<1x120xi32, #tpu.memory_space<vmem>>
      %dma_start3A_61 = tpu.memref_squeeze %dma_start3A_60 : memref<1x120xi32, #tpu.memory_space<vmem>> -> memref<120xi32, #tpu.memory_space<vmem>>
      %dma_start3A_62 = arith.constant 0 : i32
      %dma_start3A_63 = tpu.memref_slice %arg6[%dma_start3A_62] : memref<10240xf32, #tpu.memory_space<vmem_shared>> -> memref<10240xf32, #tpu.memory_space<vmem_shared>>
      tpu.enqueue_indirect_dma source(%arg9 : memref<120xf32, #tpu.memory_space<vmem>>) target(%dma_start3A_63 : memref<10240xf32, #tpu.memory_space<vmem_shared>>) offsets(%dma_start3A_61 : memref<120xi32, #tpu.memory_space<vmem>>) semaphore(%arg10 : memref<!tpu.dma_semaphore, #tpu.memory_space<semaphore_mem>>) {add = true}
      %mul3A_64 = arith.constant 8 : i32
      %mul3A_65 = arith.muli %scan3A_28, %mul3A_64 : i32
      %add3A_66 = arith.constant 4 : i32
      %add3A_67 = arith.addi %mul3A_65, %add3A_66 : i32
      %dma_start3A_68 = arith.constant 0 : i32
      %dma_start3A_69 = tpu.memref_slice %arg8[%add3A_67, %dma_start3A_68] : memref<168x120xi32, #tpu.memory_space<vmem>> -> memref<1x120xi32, #tpu.memory_space<vmem>>
      %dma_start3A_70 = tpu.memref_squeeze %dma_start3A_69 : memref<1x120xi32, #tpu.memory_space<vmem>> -> memref<120xi32, #tpu.memory_space<vmem>>
      %dma_start3A_71 = arith.constant 0 : i32
      %dma_start3A_72 = tpu.memref_slice %arg6[%dma_start3A_71] : memref<10240xf32, #tpu.memory_space<vmem_shared>> -> memref<10240xf32, #tpu.memory_space<vmem_shared>>
      tpu.enqueue_indirect_dma source(%arg9 : memref<120xf32, #tpu.memory_space<vmem>>) target(%dma_start3A_72 : memref<10240xf32, #tpu.memory_space<vmem_shared>>) offsets(%dma_start3A_70 : memref<120xi32, #tpu.memory_space<vmem>>) semaphore(%arg10 : memref<!tpu.dma_semaphore, #tpu.memory_space<semaphore_mem>>) {add = true}
      %mul3A_73 = arith.constant 8 : i32
      %mul3A_74 = arith.muli %scan3A_28, %mul3A_73 : i32
      %add3A_75 = arith.constant 5 : i32
      %add3A_76 = arith.addi %mul3A_74, %add3A_75 : i32
      %dma_start3A_77 = arith.constant 0 : i32
      %dma_start3A_78 = tpu.memref_slice %arg8[%add3A_76, %dma_start3A_77] : memref<168x120xi32, #tpu.memory_space<vmem>> -> memref<1x120xi32, #tpu.memory_space<vmem>>
      %dma_start3A_79 = tpu.memref_squeeze %dma_start3A_78 : memref<1x120xi32, #tpu.memory_space<vmem>> -> memref<120xi32, #tpu.memory_space<vmem>>
      %dma_start3A_80 = arith.constant 0 : i32
      %dma_start3A_81 = tpu.memref_slice %arg6[%dma_start3A_80] : memref<10240xf32, #tpu.memory_space<vmem_shared>> -> memref<10240xf32, #tpu.memory_space<vmem_shared>>
      tpu.enqueue_indirect_dma source(%arg9 : memref<120xf32, #tpu.memory_space<vmem>>) target(%dma_start3A_81 : memref<10240xf32, #tpu.memory_space<vmem_shared>>) offsets(%dma_start3A_79 : memref<120xi32, #tpu.memory_space<vmem>>) semaphore(%arg10 : memref<!tpu.dma_semaphore, #tpu.memory_space<semaphore_mem>>) {add = true}
      %mul3A_82 = arith.constant 8 : i32
      %mul3A_83 = arith.muli %scan3A_28, %mul3A_82 : i32
      %add3A_84 = arith.constant 6 : i32
      %add3A_85 = arith.addi %mul3A_83, %add3A_84 : i32
      %dma_start3A_86 = arith.constant 0 : i32
      %dma_start3A_87 = tpu.memref_slice %arg8[%add3A_85, %dma_start3A_86] : memref<168x120xi32, #tpu.memory_space<vmem>> -> memref<1x120xi32, #tpu.memory_space<vmem>>
      %dma_start3A_88 = tpu.memref_squeeze %dma_start3A_87 : memref<1x120xi32, #tpu.memory_space<vmem>> -> memref<120xi32, #tpu.memory_space<vmem>>
      %dma_start3A_89 = arith.constant 0 : i32
      %dma_start3A_90 = tpu.memref_slice %arg6[%dma_start3A_89] : memref<10240xf32, #tpu.memory_space<vmem_shared>> -> memref<10240xf32, #tpu.memory_space<vmem_shared>>
      tpu.enqueue_indirect_dma source(%arg9 : memref<120xf32, #tpu.memory_space<vmem>>) target(%dma_start3A_90 : memref<10240xf32, #tpu.memory_space<vmem_shared>>) offsets(%dma_start3A_88 : memref<120xi32, #tpu.memory_space<vmem>>) semaphore(%arg10 : memref<!tpu.dma_semaphore, #tpu.memory_space<semaphore_mem>>) {add = true}
      %mul3A_91 = arith.constant 8 : i32
      %mul3A_92 = arith.muli %scan3A_28, %mul3A_91 : i32
      %add3A_93 = arith.constant 7 : i32
      %add3A_94 = arith.addi %mul3A_92, %add3A_93 : i32
      %dma_start3A_95 = arith.constant 0 : i32
      %dma_start3A_96 = tpu.memref_slice %arg8[%add3A_94, %dma_start3A_95] : memref<168x120xi32, #tpu.memory_space<vmem>> -> memref<1x120xi32, #tpu.memory_space<vmem>>
      %dma_start3A_97 = tpu.memref_squeeze %dma_start3A_96 : memref<1x120xi32, #tpu.memory_space<vmem>> -> memref<120xi32, #tpu.memory_space<vmem>>
      %dma_start3A_98 = arith.constant 0 : i32
      %dma_start3A_99 = tpu.memref_slice %arg6[%dma_start3A_98] : memref<10240xf32, #tpu.memory_space<vmem_shared>> -> memref<10240xf32, #tpu.memory_space<vmem_shared>>
      tpu.enqueue_indirect_dma source(%arg9 : memref<120xf32, #tpu.memory_space<vmem>>) target(%dma_start3A_99 : memref<10240xf32, #tpu.memory_space<vmem_shared>>) offsets(%dma_start3A_97 : memref<120xi32, #tpu.memory_space<vmem>>) semaphore(%arg10 : memref<!tpu.dma_semaphore, #tpu.memory_space<semaphore_mem>>) {add = true}
      %dma_wait3A = arith.constant 0 : i32
      %dma_wait3A_100 = arith.constant 0 : i32
      %dma_wait3A_101 = tpu.memref_slice %arg8[%dma_wait3A, %dma_wait3A_100] : memref<168x120xi32, #tpu.memory_space<vmem>> -> memref<1x120xi32, #tpu.memory_space<vmem>>
      %dma_wait3A_102 = tpu.memref_squeeze %dma_wait3A_101 : memref<1x120xi32, #tpu.memory_space<vmem>> -> memref<120xi32, #tpu.memory_space<vmem>>
      %dma_wait3A_103 = arith.constant 0 : i32
      %dma_wait3A_104 = tpu.memref_slice %arg6[%dma_wait3A_103] : memref<10240xf32, #tpu.memory_space<vmem_shared>> -> memref<10240xf32, #tpu.memory_space<vmem_shared>>
      tpu.wait_indirect_dma semaphore(%arg10 : memref<!tpu.dma_semaphore, #tpu.memory_space<semaphore_mem>>) src(%arg9 : memref<120xf32, #tpu.memory_space<vmem>>) dst(%dma_wait3A_104 : memref<10240xf32, #tpu.memory_space<vmem_shared>>)
      %dma_wait3A_105 = arith.constant 0 : i32
      %dma_wait3A_106 = arith.constant 0 : i32
      %dma_wait3A_107 = tpu.memref_slice %arg8[%dma_wait3A_105, %dma_wait3A_106] : memref<168x120xi32, #tpu.memory_space<vmem>> -> memref<1x120xi32, #tpu.memory_space<vmem>>
      %dma_wait3A_108 = tpu.memref_squeeze %dma_wait3A_107 : memref<1x120xi32, #tpu.memory_space<vmem>> -> memref<120xi32, #tpu.memory_space<vmem>>
      %dma_wait3A_109 = arith.constant 0 : i32
      %dma_wait3A_110 = tpu.memref_slice %arg6[%dma_wait3A_109] : memref<10240xf32, #tpu.memory_space<vmem_shared>> -> memref<10240xf32, #tpu.memory_space<vmem_shared>>
      tpu.wait_indirect_dma semaphore(%arg10 : memref<!tpu.dma_semaphore, #tpu.memory_space<semaphore_mem>>) src(%arg9 : memref<120xf32, #tpu.memory_space<vmem>>) dst(%dma_wait3A_110 : memref<10240xf32, #tpu.memory_space<vmem_shared>>)
      %dma_wait3A_111 = arith.constant 0 : i32
      %dma_wait3A_112 = arith.constant 0 : i32
      %dma_wait3A_113 = tpu.memref_slice %arg8[%dma_wait3A_111, %dma_wait3A_112] : memref<168x120xi32, #tpu.memory_space<vmem>> -> memref<1x120xi32, #tpu.memory_space<vmem>>
      %dma_wait3A_114 = tpu.memref_squeeze %dma_wait3A_113 : memref<1x120xi32, #tpu.memory_space<vmem>> -> memref<120xi32, #tpu.memory_space<vmem>>
      %dma_wait3A_115 = arith.constant 0 : i32
      %dma_wait3A_116 = tpu.memref_slice %arg6[%dma_wait3A_115] : memref<10240xf32, #tpu.memory_space<vmem_shared>> -> memref<10240xf32, #tpu.memory_space<vmem_shared>>
      tpu.wait_indirect_dma semaphore(%arg10 : memref<!tpu.dma_semaphore, #tpu.memory_space<semaphore_mem>>) src(%arg9 : memref<120xf32, #tpu.memory_space<vmem>>) dst(%dma_wait3A_116 : memref<10240xf32, #tpu.memory_space<vmem_shared>>)
      %dma_wait3A_117 = arith.constant 0 : i32
      %dma_wait3A_118 = arith.constant 0 : i32
      %dma_wait3A_119 = tpu.memref_slice %arg8[%dma_wait3A_117, %dma_wait3A_118] : memref<168x120xi32, #tpu.memory_space<vmem>> -> memref<1x120xi32, #tpu.memory_space<vmem>>
      %dma_wait3A_120 = tpu.memref_squeeze %dma_wait3A_119 : memref<1x120xi32, #tpu.memory_space<vmem>> -> memref<120xi32, #tpu.memory_space<vmem>>
      %dma_wait3A_121 = arith.constant 0 : i32
      %dma_wait3A_122 = tpu.memref_slice %arg6[%dma_wait3A_121] : memref<10240xf32, #tpu.memory_space<vmem_shared>> -> memref<10240xf32, #tpu.memory_space<vmem_shared>>
      tpu.wait_indirect_dma semaphore(%arg10 : memref<!tpu.dma_semaphore, #tpu.memory_space<semaphore_mem>>) src(%arg9 : memref<120xf32, #tpu.memory_space<vmem>>) dst(%dma_wait3A_122 : memref<10240xf32, #tpu.memory_space<vmem_shared>>)
      %dma_wait3A_123 = arith.constant 0 : i32
      %dma_wait3A_124 = arith.constant 0 : i32
      %dma_wait3A_125 = tpu.memref_slice %arg8[%dma_wait3A_123, %dma_wait3A_124] : memref<168x120xi32, #tpu.memory_space<vmem>> -> memref<1x120xi32, #tpu.memory_space<vmem>>
      %dma_wait3A_126 = tpu.memref_squeeze %dma_wait3A_125 : memref<1x120xi32, #tpu.memory_space<vmem>> -> memref<120xi32, #tpu.memory_space<vmem>>
      %dma_wait3A_127 = arith.constant 0 : i32
      %dma_wait3A_128 = tpu.memref_slice %arg6[%dma_wait3A_127] : memref<10240xf32, #tpu.memory_space<vmem_shared>> -> memref<10240xf32, #tpu.memory_space<vmem_shared>>
      tpu.wait_indirect_dma semaphore(%arg10 : memref<!tpu.dma_semaphore, #tpu.memory_space<semaphore_mem>>) src(%arg9 : memref<120xf32, #tpu.memory_space<vmem>>) dst(%dma_wait3A_128 : memref<10240xf32, #tpu.memory_space<vmem_shared>>)
      %dma_wait3A_129 = arith.constant 0 : i32
      %dma_wait3A_130 = arith.constant 0 : i32
      %dma_wait3A_131 = tpu.memref_slice %arg8[%dma_wait3A_129, %dma_wait3A_130] : memref<168x120xi32, #tpu.memory_space<vmem>> -> memref<1x120xi32, #tpu.memory_space<vmem>>
      %dma_wait3A_132 = tpu.memref_squeeze %dma_wait3A_131 : memref<1x120xi32, #tpu.memory_space<vmem>> -> memref<120xi32, #tpu.memory_space<vmem>>
      %dma_wait3A_133 = arith.constant 0 : i32
      %dma_wait3A_134 = tpu.memref_slice %arg6[%dma_wait3A_133] : memref<10240xf32, #tpu.memory_space<vmem_shared>> -> memref<10240xf32, #tpu.memory_space<vmem_shared>>
      tpu.wait_indirect_dma semaphore(%arg10 : memref<!tpu.dma_semaphore, #tpu.memory_space<semaphore_mem>>) src(%arg9 : memref<120xf32, #tpu.memory_space<vmem>>) dst(%dma_wait3A_134 : memref<10240xf32, #tpu.memory_space<vmem_shared>>)
      %dma_wait3A_135 = arith.constant 0 : i32
      %dma_wait3A_136 = arith.constant 0 : i32
      %dma_wait3A_137 = tpu.memref_slice %arg8[%dma_wait3A_135, %dma_wait3A_136] : memref<168x120xi32, #tpu.memory_space<vmem>> -> memref<1x120xi32, #tpu.memory_space<vmem>>
      %dma_wait3A_138 = tpu.memref_squeeze %dma_wait3A_137 : memref<1x120xi32, #tpu.memory_space<vmem>> -> memref<120xi32, #tpu.memory_space<vmem>>
      %dma_wait3A_139 = arith.constant 0 : i32
      %dma_wait3A_140 = tpu.memref_slice %arg6[%dma_wait3A_139] : memref<10240xf32, #tpu.memory_space<vmem_shared>> -> memref<10240xf32, #tpu.memory_space<vmem_shared>>
      tpu.wait_indirect_dma semaphore(%arg10 : memref<!tpu.dma_semaphore, #tpu.memory_space<semaphore_mem>>) src(%arg9 : memref<120xf32, #tpu.memory_space<vmem>>) dst(%dma_wait3A_140 : memref<10240xf32, #tpu.memory_space<vmem_shared>>)
      %dma_wait3A_141 = arith.constant 0 : i32
      %dma_wait3A_142 = arith.constant 0 : i32
      %dma_wait3A_143 = tpu.memref_slice %arg8[%dma_wait3A_141, %dma_wait3A_142] : memref<168x120xi32, #tpu.memory_space<vmem>> -> memref<1x120xi32, #tpu.memory_space<vmem>>
      %dma_wait3A_144 = tpu.memref_squeeze %dma_wait3A_143 : memref<1x120xi32, #tpu.memory_space<vmem>> -> memref<120xi32, #tpu.memory_space<vmem>>
      %dma_wait3A_145 = arith.constant 0 : i32
      %dma_wait3A_146 = tpu.memref_slice %arg6[%dma_wait3A_145] : memref<10240xf32, #tpu.memory_space<vmem_shared>> -> memref<10240xf32, #tpu.memory_space<vmem_shared>>
      tpu.wait_indirect_dma semaphore(%arg10 : memref<!tpu.dma_semaphore, #tpu.memory_space<semaphore_mem>>) src(%arg9 : memref<120xf32, #tpu.memory_space<vmem>>) dst(%dma_wait3A_146 : memref<10240xf32, #tpu.memory_space<vmem_shared>>)
    }
    %scan3A_8 = arith.constant 21 : i32
    %mul3A_9 = arith.constant 2 : i32
    %mul3A_10 = arith.muli %arg0, %mul3A_9 : i32
    %add3A_11 = arith.constant 1 : i32
    %add3A_12 = arith.addi %mul3A_10, %add3A_11 : i32
    "tpu.region"() ({
      %run_scoped3A = tpu.sem_alloc : memref<!tpu.dma_semaphore, #tpu.memory_space<semaphore_mem>>
      %dma_start3A = arith.constant 0 : i32
      %dma_start3A_28 = arith.constant 0 : i32
      %dma_start3A_29 = tpu.memref_slice %arg2[%add3A_12, %arg1, %dma_start3A, %dma_start3A_28] : memref<4x16x168x120xi32, #tpu.memory_space<hbm>> -> memref<1x1x168x120xi32, #tpu.memory_space<hbm>>
      %dma_start3A_30 = tpu.memref_squeeze %dma_start3A_29 : memref<1x1x168x120xi32, #tpu.memory_space<hbm>> -> memref<168x120xi32, #tpu.memory_space<hbm>>
      %dma_start3A_31 = arith.constant 0 : i32
      %dma_start3A_32 = arith.constant 0 : i32
      %dma_start3A_33 = tpu.memref_slice %arg2[%add3A_12, %arg1, %dma_start3A_31, %dma_start3A_32] : memref<4x16x168x120xi32, #tpu.memory_space<hbm>> -> memref<1x1x168x120xi32, #tpu.memory_space<hbm>>
      %dma_start3A_34 = tpu.memref_squeeze %dma_start3A_33 : memref<1x1x168x120xi32, #tpu.memory_space<hbm>> -> memref<168x120xi32, #tpu.memory_space<hbm>>
      tpu.enqueue_dma source(%dma_start3A_34 : memref<168x120xi32, #tpu.memory_space<hbm>>) target(%arg8 : memref<168x120xi32, #tpu.memory_space<vmem>>) target_semaphore(%run_scoped3A : memref<!tpu.dma_semaphore, #tpu.memory_space<semaphore_mem>>)
      %dma_wait3A = arith.constant 0 : i32
      %dma_wait3A_35 = arith.constant 0 : i32
      %dma_wait3A_36 = tpu.memref_slice %arg2[%add3A_12, %arg1, %dma_wait3A, %dma_wait3A_35] : memref<4x16x168x120xi32, #tpu.memory_space<hbm>> -> memref<1x1x168x120xi32, #tpu.memory_space<hbm>>
      %dma_wait3A_37 = tpu.memref_squeeze %dma_wait3A_36 : memref<1x1x168x120xi32, #tpu.memory_space<hbm>> -> memref<168x120xi32, #tpu.memory_space<hbm>>
      %dma_wait3A_38 = arith.constant 0 : i32
      %dma_wait3A_39 = arith.constant 0 : i32
      %dma_wait3A_40 = tpu.memref_slice %arg2[%add3A_12, %arg1, %dma_wait3A_38, %dma_wait3A_39] : memref<4x16x168x120xi32, #tpu.memory_space<hbm>> -> memref<1x1x168x120xi32, #tpu.memory_space<hbm>>
      %dma_wait3A_41 = tpu.memref_squeeze %dma_wait3A_40 : memref<1x1x168x120xi32, #tpu.memory_space<hbm>> -> memref<168x120xi32, #tpu.memory_space<hbm>>
      tpu.wait_dma2 semaphore(%run_scoped3A : memref<!tpu.dma_semaphore, #tpu.memory_space<semaphore_mem>>) src(%dma_wait3A_41 : memref<168x120xi32, #tpu.memory_space<hbm>>) dst(%arg8 : memref<168x120xi32, #tpu.memory_space<vmem>>)
      tpu.yield
    }) : () -> ()
    %scan3A_13 = arith.constant 0 : i32
    %scan3A_14 = arith.constant 0 : i32
    %scan3A_15 = arith.constant 21 : i32
    %scan3A_16 = arith.addi %scan3A_14, %scan3A_15 : i32
    %scan3A_17 = arith.constant 1 : i32
    scf.for %scan3A_28 = %scan3A_14 to %scan3A_16 step %scan3A_17  : i32 {
      %mul3A_29 = arith.constant 8 : i32
      %mul3A_30 = arith.muli %scan3A_28, %mul3A_29 : i32
      %add3A_31 = arith.constant 0 : i32
      %add3A_32 = arith.addi %mul3A_30, %add3A_31 : i32
      %dma_start3A = arith.constant 0 : i32
      %dma_start3A_33 = tpu.memref_slice %arg8[%add3A_32, %dma_start3A] : memref<168x120xi32, #tpu.memory_space<vmem>> -> memref<1x120xi32, #tpu.memory_space<vmem>>
      %dma_start3A_34 = tpu.memref_squeeze %dma_start3A_33 : memref<1x120xi32, #tpu.memory_space<vmem>> -> memref<120xi32, #tpu.memory_space<vmem>>
      %dma_start3A_35 = arith.constant 0 : i32
      %dma_start3A_36 = tpu.memref_slice %arg7[%dma_start3A_35] : memref<10240xf32, #tpu.memory_space<vmem_shared>> -> memref<10240xf32, #tpu.memory_space<vmem_shared>>
      tpu.enqueue_indirect_dma source(%arg9 : memref<120xf32, #tpu.memory_space<vmem>>) target(%dma_start3A_36 : memref<10240xf32, #tpu.memory_space<vmem_shared>>) offsets(%dma_start3A_34 : memref<120xi32, #tpu.memory_space<vmem>>) semaphore(%arg10 : memref<!tpu.dma_semaphore, #tpu.memory_space<semaphore_mem>>) {add = true}
      %mul3A_37 = arith.constant 8 : i32
      %mul3A_38 = arith.muli %scan3A_28, %mul3A_37 : i32
      %add3A_39 = arith.constant 1 : i32
      %add3A_40 = arith.addi %mul3A_38, %add3A_39 : i32
      %dma_start3A_41 = arith.constant 0 : i32
      %dma_start3A_42 = tpu.memref_slice %arg8[%add3A_40, %dma_start3A_41] : memref<168x120xi32, #tpu.memory_space<vmem>> -> memref<1x120xi32, #tpu.memory_space<vmem>>
      %dma_start3A_43 = tpu.memref_squeeze %dma_start3A_42 : memref<1x120xi32, #tpu.memory_space<vmem>> -> memref<120xi32, #tpu.memory_space<vmem>>
      %dma_start3A_44 = arith.constant 0 : i32
      %dma_start3A_45 = tpu.memref_slice %arg7[%dma_start3A_44] : memref<10240xf32, #tpu.memory_space<vmem_shared>> -> memref<10240xf32, #tpu.memory_space<vmem_shared>>
      tpu.enqueue_indirect_dma source(%arg9 : memref<120xf32, #tpu.memory_space<vmem>>) target(%dma_start3A_45 : memref<10240xf32, #tpu.memory_space<vmem_shared>>) offsets(%dma_start3A_43 : memref<120xi32, #tpu.memory_space<vmem>>) semaphore(%arg10 : memref<!tpu.dma_semaphore, #tpu.memory_space<semaphore_mem>>) {add = true}
      %mul3A_46 = arith.constant 8 : i32
      %mul3A_47 = arith.muli %scan3A_28, %mul3A_46 : i32
      %add3A_48 = arith.constant 2 : i32
      %add3A_49 = arith.addi %mul3A_47, %add3A_48 : i32
      %dma_start3A_50 = arith.constant 0 : i32
      %dma_start3A_51 = tpu.memref_slice %arg8[%add3A_49, %dma_start3A_50] : memref<168x120xi32, #tpu.memory_space<vmem>> -> memref<1x120xi32, #tpu.memory_space<vmem>>
      %dma_start3A_52 = tpu.memref_squeeze %dma_start3A_51 : memref<1x120xi32, #tpu.memory_space<vmem>> -> memref<120xi32, #tpu.memory_space<vmem>>
      %dma_start3A_53 = arith.constant 0 : i32
      %dma_start3A_54 = tpu.memref_slice %arg7[%dma_start3A_53] : memref<10240xf32, #tpu.memory_space<vmem_shared>> -> memref<10240xf32, #tpu.memory_space<vmem_shared>>
      tpu.enqueue_indirect_dma source(%arg9 : memref<120xf32, #tpu.memory_space<vmem>>) target(%dma_start3A_54 : memref<10240xf32, #tpu.memory_space<vmem_shared>>) offsets(%dma_start3A_52 : memref<120xi32, #tpu.memory_space<vmem>>) semaphore(%arg10 : memref<!tpu.dma_semaphore, #tpu.memory_space<semaphore_mem>>) {add = true}
      %mul3A_55 = arith.constant 8 : i32
      %mul3A_56 = arith.muli %scan3A_28, %mul3A_55 : i32
      %add3A_57 = arith.constant 3 : i32
      %add3A_58 = arith.addi %mul3A_56, %add3A_57 : i32
      %dma_start3A_59 = arith.constant 0 : i32
      %dma_start3A_60 = tpu.memref_slice %arg8[%add3A_58, %dma_start3A_59] : memref<168x120xi32, #tpu.memory_space<vmem>> -> memref<1x120xi32, #tpu.memory_space<vmem>>
      %dma_start3A_61 = tpu.memref_squeeze %dma_start3A_60 : memref<1x120xi32, #tpu.memory_space<vmem>> -> memref<120xi32, #tpu.memory_space<vmem>>
      %dma_start3A_62 = arith.constant 0 : i32
      %dma_start3A_63 = tpu.memref_slice %arg7[%dma_start3A_62] : memref<10240xf32, #tpu.memory_space<vmem_shared>> -> memref<10240xf32, #tpu.memory_space<vmem_shared>>
      tpu.enqueue_indirect_dma source(%arg9 : memref<120xf32, #tpu.memory_space<vmem>>) target(%dma_start3A_63 : memref<10240xf32, #tpu.memory_space<vmem_shared>>) offsets(%dma_start3A_61 : memref<120xi32, #tpu.memory_space<vmem>>) semaphore(%arg10 : memref<!tpu.dma_semaphore, #tpu.memory_space<semaphore_mem>>) {add = true}
      %mul3A_64 = arith.constant 8 : i32
      %mul3A_65 = arith.muli %scan3A_28, %mul3A_64 : i32
      %add3A_66 = arith.constant 4 : i32
      %add3A_67 = arith.addi %mul3A_65, %add3A_66 : i32
      %dma_start3A_68 = arith.constant 0 : i32
      %dma_start3A_69 = tpu.memref_slice %arg8[%add3A_67, %dma_start3A_68] : memref<168x120xi32, #tpu.memory_space<vmem>> -> memref<1x120xi32, #tpu.memory_space<vmem>>
      %dma_start3A_70 = tpu.memref_squeeze %dma_start3A_69 : memref<1x120xi32, #tpu.memory_space<vmem>> -> memref<120xi32, #tpu.memory_space<vmem>>
      %dma_start3A_71 = arith.constant 0 : i32
      %dma_start3A_72 = tpu.memref_slice %arg7[%dma_start3A_71] : memref<10240xf32, #tpu.memory_space<vmem_shared>> -> memref<10240xf32, #tpu.memory_space<vmem_shared>>
      tpu.enqueue_indirect_dma source(%arg9 : memref<120xf32, #tpu.memory_space<vmem>>) target(%dma_start3A_72 : memref<10240xf32, #tpu.memory_space<vmem_shared>>) offsets(%dma_start3A_70 : memref<120xi32, #tpu.memory_space<vmem>>) semaphore(%arg10 : memref<!tpu.dma_semaphore, #tpu.memory_space<semaphore_mem>>) {add = true}
      %mul3A_73 = arith.constant 8 : i32
      %mul3A_74 = arith.muli %scan3A_28, %mul3A_73 : i32
      %add3A_75 = arith.constant 5 : i32
      %add3A_76 = arith.addi %mul3A_74, %add3A_75 : i32
      %dma_start3A_77 = arith.constant 0 : i32
      %dma_start3A_78 = tpu.memref_slice %arg8[%add3A_76, %dma_start3A_77] : memref<168x120xi32, #tpu.memory_space<vmem>> -> memref<1x120xi32, #tpu.memory_space<vmem>>
      %dma_start3A_79 = tpu.memref_squeeze %dma_start3A_78 : memref<1x120xi32, #tpu.memory_space<vmem>> -> memref<120xi32, #tpu.memory_space<vmem>>
      %dma_start3A_80 = arith.constant 0 : i32
      %dma_start3A_81 = tpu.memref_slice %arg7[%dma_start3A_80] : memref<10240xf32, #tpu.memory_space<vmem_shared>> -> memref<10240xf32, #tpu.memory_space<vmem_shared>>
      tpu.enqueue_indirect_dma source(%arg9 : memref<120xf32, #tpu.memory_space<vmem>>) target(%dma_start3A_81 : memref<10240xf32, #tpu.memory_space<vmem_shared>>) offsets(%dma_start3A_79 : memref<120xi32, #tpu.memory_space<vmem>>) semaphore(%arg10 : memref<!tpu.dma_semaphore, #tpu.memory_space<semaphore_mem>>) {add = true}
      %mul3A_82 = arith.constant 8 : i32
      %mul3A_83 = arith.muli %scan3A_28, %mul3A_82 : i32
      %add3A_84 = arith.constant 6 : i32
      %add3A_85 = arith.addi %mul3A_83, %add3A_84 : i32
      %dma_start3A_86 = arith.constant 0 : i32
      %dma_start3A_87 = tpu.memref_slice %arg8[%add3A_85, %dma_start3A_86] : memref<168x120xi32, #tpu.memory_space<vmem>> -> memref<1x120xi32, #tpu.memory_space<vmem>>
      %dma_start3A_88 = tpu.memref_squeeze %dma_start3A_87 : memref<1x120xi32, #tpu.memory_space<vmem>> -> memref<120xi32, #tpu.memory_space<vmem>>
      %dma_start3A_89 = arith.constant 0 : i32
      %dma_start3A_90 = tpu.memref_slice %arg7[%dma_start3A_89] : memref<10240xf32, #tpu.memory_space<vmem_shared>> -> memref<10240xf32, #tpu.memory_space<vmem_shared>>
      tpu.enqueue_indirect_dma source(%arg9 : memref<120xf32, #tpu.memory_space<vmem>>) target(%dma_start3A_90 : memref<10240xf32, #tpu.memory_space<vmem_shared>>) offsets(%dma_start3A_88 : memref<120xi32, #tpu.memory_space<vmem>>) semaphore(%arg10 : memref<!tpu.dma_semaphore, #tpu.memory_space<semaphore_mem>>) {add = true}
      %mul3A_91 = arith.constant 8 : i32
      %mul3A_92 = arith.muli %scan3A_28, %mul3A_91 : i32
      %add3A_93 = arith.constant 7 : i32
      %add3A_94 = arith.addi %mul3A_92, %add3A_93 : i32
      %dma_start3A_95 = arith.constant 0 : i32
      %dma_start3A_96 = tpu.memref_slice %arg8[%add3A_94, %dma_start3A_95] : memref<168x120xi32, #tpu.memory_space<vmem>> -> memref<1x120xi32, #tpu.memory_space<vmem>>
      %dma_start3A_97 = tpu.memref_squeeze %dma_start3A_96 : memref<1x120xi32, #tpu.memory_space<vmem>> -> memref<120xi32, #tpu.memory_space<vmem>>
      %dma_start3A_98 = arith.constant 0 : i32
      %dma_start3A_99 = tpu.memref_slice %arg7[%dma_start3A_98] : memref<10240xf32, #tpu.memory_space<vmem_shared>> -> memref<10240xf32, #tpu.memory_space<vmem_shared>>
      tpu.enqueue_indirect_dma source(%arg9 : memref<120xf32, #tpu.memory_space<vmem>>) target(%dma_start3A_99 : memref<10240xf32, #tpu.memory_space<vmem_shared>>) offsets(%dma_start3A_97 : memref<120xi32, #tpu.memory_space<vmem>>) semaphore(%arg10 : memref<!tpu.dma_semaphore, #tpu.memory_space<semaphore_mem>>) {add = true}
      %dma_wait3A = arith.constant 0 : i32
      %dma_wait3A_100 = arith.constant 0 : i32
      %dma_wait3A_101 = tpu.memref_slice %arg8[%dma_wait3A, %dma_wait3A_100] : memref<168x120xi32, #tpu.memory_space<vmem>> -> memref<1x120xi32, #tpu.memory_space<vmem>>
      %dma_wait3A_102 = tpu.memref_squeeze %dma_wait3A_101 : memref<1x120xi32, #tpu.memory_space<vmem>> -> memref<120xi32, #tpu.memory_space<vmem>>
      %dma_wait3A_103 = arith.constant 0 : i32
      %dma_wait3A_104 = tpu.memref_slice %arg7[%dma_wait3A_103] : memref<10240xf32, #tpu.memory_space<vmem_shared>> -> memref<10240xf32, #tpu.memory_space<vmem_shared>>
      tpu.wait_indirect_dma semaphore(%arg10 : memref<!tpu.dma_semaphore, #tpu.memory_space<semaphore_mem>>) src(%arg9 : memref<120xf32, #tpu.memory_space<vmem>>) dst(%dma_wait3A_104 : memref<10240xf32, #tpu.memory_space<vmem_shared>>)
      %dma_wait3A_105 = arith.constant 0 : i32
      %dma_wait3A_106 = arith.constant 0 : i32
      %dma_wait3A_107 = tpu.memref_slice %arg8[%dma_wait3A_105, %dma_wait3A_106] : memref<168x120xi32, #tpu.memory_space<vmem>> -> memref<1x120xi32, #tpu.memory_space<vmem>>
      %dma_wait3A_108 = tpu.memref_squeeze %dma_wait3A_107 : memref<1x120xi32, #tpu.memory_space<vmem>> -> memref<120xi32, #tpu.memory_space<vmem>>
      %dma_wait3A_109 = arith.constant 0 : i32
      %dma_wait3A_110 = tpu.memref_slice %arg7[%dma_wait3A_109] : memref<10240xf32, #tpu.memory_space<vmem_shared>> -> memref<10240xf32, #tpu.memory_space<vmem_shared>>
      tpu.wait_indirect_dma semaphore(%arg10 : memref<!tpu.dma_semaphore, #tpu.memory_space<semaphore_mem>>) src(%arg9 : memref<120xf32, #tpu.memory_space<vmem>>) dst(%dma_wait3A_110 : memref<10240xf32, #tpu.memory_space<vmem_shared>>)
      %dma_wait3A_111 = arith.constant 0 : i32
      %dma_wait3A_112 = arith.constant 0 : i32
      %dma_wait3A_113 = tpu.memref_slice %arg8[%dma_wait3A_111, %dma_wait3A_112] : memref<168x120xi32, #tpu.memory_space<vmem>> -> memref<1x120xi32, #tpu.memory_space<vmem>>
      %dma_wait3A_114 = tpu.memref_squeeze %dma_wait3A_113 : memref<1x120xi32, #tpu.memory_space<vmem>> -> memref<120xi32, #tpu.memory_space<vmem>>
      %dma_wait3A_115 = arith.constant 0 : i32
      %dma_wait3A_116 = tpu.memref_slice %arg7[%dma_wait3A_115] : memref<10240xf32, #tpu.memory_space<vmem_shared>> -> memref<10240xf32, #tpu.memory_space<vmem_shared>>
      tpu.wait_indirect_dma semaphore(%arg10 : memref<!tpu.dma_semaphore, #tpu.memory_space<semaphore_mem>>) src(%arg9 : memref<120xf32, #tpu.memory_space<vmem>>) dst(%dma_wait3A_116 : memref<10240xf32, #tpu.memory_space<vmem_shared>>)
      %dma_wait3A_117 = arith.constant 0 : i32
      %dma_wait3A_118 = arith.constant 0 : i32
      %dma_wait3A_119 = tpu.memref_slice %arg8[%dma_wait3A_117, %dma_wait3A_118] : memref<168x120xi32, #tpu.memory_space<vmem>> -> memref<1x120xi32, #tpu.memory_space<vmem>>
      %dma_wait3A_120 = tpu.memref_squeeze %dma_wait3A_119 : memref<1x120xi32, #tpu.memory_space<vmem>> -> memref<120xi32, #tpu.memory_space<vmem>>
      %dma_wait3A_121 = arith.constant 0 : i32
      %dma_wait3A_122 = tpu.memref_slice %arg7[%dma_wait3A_121] : memref<10240xf32, #tpu.memory_space<vmem_shared>> -> memref<10240xf32, #tpu.memory_space<vmem_shared>>
      tpu.wait_indirect_dma semaphore(%arg10 : memref<!tpu.dma_semaphore, #tpu.memory_space<semaphore_mem>>) src(%arg9 : memref<120xf32, #tpu.memory_space<vmem>>) dst(%dma_wait3A_122 : memref<10240xf32, #tpu.memory_space<vmem_shared>>)
      %dma_wait3A_123 = arith.constant 0 : i32
      %dma_wait3A_124 = arith.constant 0 : i32
      %dma_wait3A_125 = tpu.memref_slice %arg8[%dma_wait3A_123, %dma_wait3A_124] : memref<168x120xi32, #tpu.memory_space<vmem>> -> memref<1x120xi32, #tpu.memory_space<vmem>>
      %dma_wait3A_126 = tpu.memref_squeeze %dma_wait3A_125 : memref<1x120xi32, #tpu.memory_space<vmem>> -> memref<120xi32, #tpu.memory_space<vmem>>
      %dma_wait3A_127 = arith.constant 0 : i32
      %dma_wait3A_128 = tpu.memref_slice %arg7[%dma_wait3A_127] : memref<10240xf32, #tpu.memory_space<vmem_shared>> -> memref<10240xf32, #tpu.memory_space<vmem_shared>>
      tpu.wait_indirect_dma semaphore(%arg10 : memref<!tpu.dma_semaphore, #tpu.memory_space<semaphore_mem>>) src(%arg9 : memref<120xf32, #tpu.memory_space<vmem>>) dst(%dma_wait3A_128 : memref<10240xf32, #tpu.memory_space<vmem_shared>>)
      %dma_wait3A_129 = arith.constant 0 : i32
      %dma_wait3A_130 = arith.constant 0 : i32
      %dma_wait3A_131 = tpu.memref_slice %arg8[%dma_wait3A_129, %dma_wait3A_130] : memref<168x120xi32, #tpu.memory_space<vmem>> -> memref<1x120xi32, #tpu.memory_space<vmem>>
      %dma_wait3A_132 = tpu.memref_squeeze %dma_wait3A_131 : memref<1x120xi32, #tpu.memory_space<vmem>> -> memref<120xi32, #tpu.memory_space<vmem>>
      %dma_wait3A_133 = arith.constant 0 : i32
      %dma_wait3A_134 = tpu.memref_slice %arg7[%dma_wait3A_133] : memref<10240xf32, #tpu.memory_space<vmem_shared>> -> memref<10240xf32, #tpu.memory_space<vmem_shared>>
      tpu.wait_indirect_dma semaphore(%arg10 : memref<!tpu.dma_semaphore, #tpu.memory_space<semaphore_mem>>) src(%arg9 : memref<120xf32, #tpu.memory_space<vmem>>) dst(%dma_wait3A_134 : memref<10240xf32, #tpu.memory_space<vmem_shared>>)
      %dma_wait3A_135 = arith.constant 0 : i32
      %dma_wait3A_136 = arith.constant 0 : i32
      %dma_wait3A_137 = tpu.memref_slice %arg8[%dma_wait3A_135, %dma_wait3A_136] : memref<168x120xi32, #tpu.memory_space<vmem>> -> memref<1x120xi32, #tpu.memory_space<vmem>>
      %dma_wait3A_138 = tpu.memref_squeeze %dma_wait3A_137 : memref<1x120xi32, #tpu.memory_space<vmem>> -> memref<120xi32, #tpu.memory_space<vmem>>
      %dma_wait3A_139 = arith.constant 0 : i32
      %dma_wait3A_140 = tpu.memref_slice %arg7[%dma_wait3A_139] : memref<10240xf32, #tpu.memory_space<vmem_shared>> -> memref<10240xf32, #tpu.memory_space<vmem_shared>>
      tpu.wait_indirect_dma semaphore(%arg10 : memref<!tpu.dma_semaphore, #tpu.memory_space<semaphore_mem>>) src(%arg9 : memref<120xf32, #tpu.memory_space<vmem>>) dst(%dma_wait3A_140 : memref<10240xf32, #tpu.memory_space<vmem_shared>>)
      %dma_wait3A_141 = arith.constant 0 : i32
      %dma_wait3A_142 = arith.constant 0 : i32
      %dma_wait3A_143 = tpu.memref_slice %arg8[%dma_wait3A_141, %dma_wait3A_142] : memref<168x120xi32, #tpu.memory_space<vmem>> -> memref<1x120xi32, #tpu.memory_space<vmem>>
      %dma_wait3A_144 = tpu.memref_squeeze %dma_wait3A_143 : memref<1x120xi32, #tpu.memory_space<vmem>> -> memref<120xi32, #tpu.memory_space<vmem>>
      %dma_wait3A_145 = arith.constant 0 : i32
      %dma_wait3A_146 = tpu.memref_slice %arg7[%dma_wait3A_145] : memref<10240xf32, #tpu.memory_space<vmem_shared>> -> memref<10240xf32, #tpu.memory_space<vmem_shared>>
      tpu.wait_indirect_dma semaphore(%arg10 : memref<!tpu.dma_semaphore, #tpu.memory_space<semaphore_mem>>) src(%arg9 : memref<120xf32, #tpu.memory_space<vmem>>) dst(%dma_wait3A_146 : memref<10240xf32, #tpu.memory_space<vmem_shared>>)
    }
    %scan3A_18 = arith.constant 21 : i32
    %barrier3A_19 = arith.constant 0 : index
    tpu.barrier barrier_id(%barrier3A_19)
    %mul3A_20 = arith.constant 2 : i32
    %mul3A_21 = arith.muli %arg0, %mul3A_20 : i32
    %add3A_22 = arith.constant 0 : i32
    %add3A_23 = arith.addi %mul3A_21, %add3A_22 : i32
    "tpu.region"() ({
      %run_scoped3A = tpu.sem_alloc : memref<!tpu.dma_semaphore, #tpu.memory_space<semaphore_mem>>
      %dma_start3A = tpu.memref_slice %arg5[%add3A_23, %mul3A_0] : memref<4x10240xf32, #tpu.memory_space<hbm>> -> memref<1x640xf32, #tpu.memory_space<hbm>>
      %dma_start3A_28 = tpu.memref_squeeze %dma_start3A : memref<1x640xf32, #tpu.memory_space<hbm>> -> memref<640xf32, #tpu.memory_space<hbm>>
      %dma_start3A_29 = tpu.memref_slice %arg6[%mul3A_0] : memref<10240xf32, #tpu.memory_space<vmem_shared>> -> memref<640xf32, #tpu.memory_space<vmem_shared>>
      tpu.enqueue_dma source(%dma_start3A_29 : memref<640xf32, #tpu.memory_space<vmem_shared>>) target(%dma_start3A_28 : memref<640xf32, #tpu.memory_space<hbm>>) target_semaphore(%run_scoped3A : memref<!tpu.dma_semaphore, #tpu.memory_space<semaphore_mem>>)
      %dma_wait3A = tpu.memref_slice %arg5[%add3A_23, %mul3A_0] : memref<4x10240xf32, #tpu.memory_space<hbm>> -> memref<1x640xf32, #tpu.memory_space<hbm>>
      %dma_wait3A_30 = tpu.memref_squeeze %dma_wait3A : memref<1x640xf32, #tpu.memory_space<hbm>> -> memref<640xf32, #tpu.memory_space<hbm>>
      %dma_wait3A_31 = tpu.memref_slice %arg6[%mul3A_0] : memref<10240xf32, #tpu.memory_space<vmem_shared>> -> memref<640xf32, #tpu.memory_space<vmem_shared>>
      tpu.wait_dma2 semaphore(%run_scoped3A : memref<!tpu.dma_semaphore, #tpu.memory_space<semaphore_mem>>) src(%dma_wait3A_31 : memref<640xf32, #tpu.memory_space<vmem_shared>>) dst(%dma_wait3A_30 : memref<640xf32, #tpu.memory_space<hbm>>)
      tpu.yield
    }) : () -> ()
    %mul3A_24 = arith.constant 2 : i32
    %mul3A_25 = arith.muli %arg0, %mul3A_24 : i32
    %add3A_26 = arith.constant 1 : i32
    %add3A_27 = arith.addi %mul3A_25, %add3A_26 : i32
    "tpu.region"() ({
      %run_scoped3A = tpu.sem_alloc : memref<!tpu.dma_semaphore, #tpu.memory_space<semaphore_mem>>
      %dma_start3A = tpu.memref_slice %arg5[%add3A_27, %mul3A_0] : memref<4x10240xf32, #tpu.memory_space<hbm>> -> memref<1x640xf32, #tpu.memory_space<hbm>>
      %dma_start3A_28 = tpu.memref_squeeze %dma_start3A : memref<1x640xf32, #tpu.memory_space<hbm>> -> memref<640xf32, #tpu.memory_space<hbm>>
      %dma_start3A_29 = tpu.memref_slice %arg7[%mul3A_0] : memref<10240xf32, #tpu.memory_space<vmem_shared>> -> memref<640xf32, #tpu.memory_space<vmem_shared>>
      tpu.enqueue_dma source(%dma_start3A_29 : memref<640xf32, #tpu.memory_space<vmem_shared>>) target(%dma_start3A_28 : memref<640xf32, #tpu.memory_space<hbm>>) target_semaphore(%run_scoped3A : memref<!tpu.dma_semaphore, #tpu.memory_space<semaphore_mem>>)
      %dma_wait3A = tpu.memref_slice %arg5[%add3A_27, %mul3A_0] : memref<4x10240xf32, #tpu.memory_space<hbm>> -> memref<1x640xf32, #tpu.memory_space<hbm>>
      %dma_wait3A_30 = tpu.memref_squeeze %dma_wait3A : memref<1x640xf32, #tpu.memory_space<hbm>> -> memref<640xf32, #tpu.memory_space<hbm>>
      %dma_wait3A_31 = tpu.memref_slice %arg7[%mul3A_0] : memref<10240xf32, #tpu.memory_space<vmem_shared>> -> memref<640xf32, #tpu.memory_space<vmem_shared>>
      tpu.wait_dma2 semaphore(%run_scoped3A : memref<!tpu.dma_semaphore, #tpu.memory_space<semaphore_mem>>) src(%dma_wait3A_31 : memref<640xf32, #tpu.memory_space<vmem_shared>>) dst(%dma_wait3A_30 : memref<640xf32, #tpu.memory_space<hbm>>)
      tpu.yield
    }) : () -> ()
    return
  }
}

module attributes {stable_mosaic.version = 14 : i64} {
  func.func @_g_body(%arg0: i32, %arg1: memref<10240x128xf32, #tpu.memory_space<vmem>>, %arg2: memref<1x128x128xf32, #tpu.memory_space<vmem>>, %arg3: memref<1x10240x1xf32, #tpu.memory_space<vmem>>, %arg4: memref<1x10240x128xf32, #tpu.memory_space<vmem>>) attributes {dimension_semantics = [#tpu.dimension_semantics<arbitrary>], iteration_bounds = array<i64: 4>, scalar_prefetch = 0 : i64, scratch_operands = 0 : i64, tpu.core_type = #tpu.core_type<tc>, window_params = [{pipeline_mode = #tpu.pipeline_mode<synchronous>, transform_indices = @transform_0, window_bounds = array<i64: 10240, 128>}, {transform_indices = @transform_1, window_bounds = array<i64: 1, 128, 128>}, {transform_indices = @transform_2, window_bounds = array<i64: 1, 10240, 1>}, {transform_indices = @transform_3, window_bounds = array<i64: 1, 10240, 128>}]} {
    %get3A = arith.constant 0 : index
    %get3A_0 = arith.constant 0 : index
    %get3A_1 = arith.constant 0 : index
    %get3A_2 = vector.load %arg3[%get3A, %get3A_0, %get3A_1] : memref<1x10240x1xf32, #tpu.memory_space<vmem>>, vector<1x10240x1xf32>
    %get3A_3 = vector.shape_cast %get3A_2 : vector<1x10240x1xf32> to vector<10240x1xf32>
    %add3A = arith.constant 1.000000e+00 : f32
    %add3A_4 = vector.broadcast %add3A : f32 to vector<10240x1xf32>
    %add3A_5 = arith.addf %get3A_3, %add3A_4 : vector<10240x1xf32>
    %rsqrt3A = math.rsqrt %add3A_5 : vector<10240x1xf32>
    %get3A_6 = arith.constant 0 : index
    %get3A_7 = arith.constant 0 : index
    %get3A_8 = vector.load %arg1[%get3A_6, %get3A_7] : memref<10240x128xf32, #tpu.memory_space<vmem>>, vector<10240x128xf32>
    %get3A_9 = arith.constant 0 : index
    %get3A_10 = arith.constant 0 : index
    %get3A_11 = arith.constant 0 : index
    %get3A_12 = vector.load %arg2[%get3A_9, %get3A_10, %get3A_11] : memref<1x128x128xf32, #tpu.memory_space<vmem>>, vector<1x128x128xf32>
    %get3A_13 = vector.shape_cast %get3A_12 : vector<1x128x128xf32> to vector<128x128xf32>
    %dot_general3A = arith.constant dense<0.000000e+00> : vector<10240x128xf32>
    %dot_general3A_14 = tpu.matmul %get3A_8, %get3A_13, %dot_general3A {dimension_numbers = #tpu.dot_dimension_numbers<[1], [0], [0], [1], [0, 0, 1, 1], [], []>, transpose_lhs_hint = false} : vector<10240x128xf32>, vector<128x128xf32>, vector<10240x128xf32> -> vector<10240x128xf32>
    %mul3A = vector.broadcast %rsqrt3A : vector<10240x1xf32> to vector<10240x128xf32>
    %mul3A_15 = arith.mulf %dot_general3A_14, %mul3A : vector<10240x128xf32>
    %swap3A = arith.constant 0 : index
    %swap3A_16 = arith.constant 0 : index
    %swap3A_17 = arith.constant 0 : index
    %swap3A_18 = vector.load %arg4[%swap3A, %swap3A_16, %swap3A_17] : memref<1x10240x128xf32, #tpu.memory_space<vmem>>, vector<1x10240x128xf32>
    %swap3A_19 = vector.shape_cast %swap3A_18 : vector<1x10240x128xf32> to vector<10240x128xf32>
    %swap3A_20 = vector.shape_cast %mul3A_15 : vector<10240x128xf32> to vector<1x10240x128xf32>
    tpu.vector_store %arg4[%swap3A, %swap3A_16, %swap3A_17], %swap3A_20 {strides = array<i32>} : memref<1x10240x128xf32, #tpu.memory_space<vmem>>, vector<1x10240x128xf32>,
    return
  }
  func.func @transform_0(%arg0: i32) -> (i32, i32) {
    %c0_i32 = arith.constant 0 : i32
    %c0_i32_0 = arith.constant 0 : i32
    %c0_i32_1 = arith.constant 0 : i32
    return %c0_i32, %c0_i32_0 : i32, i32
  }
  func.func @transform_1(%arg0: i32) -> (i32, i32, i32) {
    %c0_i32 = arith.constant 0 : i32
    %c0_i32_0 = arith.constant 0 : i32
    %c0_i32_1 = arith.constant 0 : i32
    return %arg0, %c0_i32, %c0_i32_0 : i32, i32, i32
  }
  func.func @transform_2(%arg0: i32) -> (i32, i32, i32) {
    %c0_i32 = arith.constant 0 : i32
    %c0_i32_0 = arith.constant 0 : i32
    %c0_i32_1 = arith.constant 0 : i32
    return %arg0, %c0_i32, %c0_i32_0 : i32, i32, i32
  }
  func.func @transform_3(%arg0: i32) -> (i32, i32, i32) {
    %c0_i32 = arith.constant 0 : i32
    %c0_i32_0 = arith.constant 0 : i32
    %c0_i32_1 = arith.constant 0 : i32
    return %arg0, %c0_i32, %c0_i32_0 : i32, i32, i32
  }
}

module attributes {stable_mosaic.version = 14 : i64} {
  func.func @_f_body(%arg0: i32, %arg1: memref<1x10112x128xf32, #tpu.memory_space<vmem>>, %arg2: memref<1x10112x1xf32, #tpu.memory_space<vmem>>, %arg3: memref<10112x128xf32, #tpu.memory_space<vmem>>, %arg4: memref<1x128x128xf32, #tpu.memory_space<vmem>>, %arg5: memref<1x1x128xf32, #tpu.memory_space<vmem>>, %arg6: memref<10112x128xf32, #tpu.memory_space<vmem>>) attributes {dimension_semantics = [#tpu.dimension_semantics<arbitrary>], iteration_bounds = array<i64: 4>, scalar_prefetch = 0 : i64, scratch_operands = 0 : i64, tpu.core_type = #tpu.core_type<tc>, window_params = [{transform_indices = @transform_0, window_bounds = array<i64: 1, 10112, 128>}, {transform_indices = @transform_1, window_bounds = array<i64: 1, 10112, 1>}, {transform_indices = @transform_2, window_bounds = array<i64: 10112, 128>}, {transform_indices = @transform_3, window_bounds = array<i64: 1, 128, 128>}, {transform_indices = @transform_4, window_bounds = array<i64: 1, 1, 128>}, {pipeline_mode = #tpu.pipeline_mode<synchronous>, transform_indices = @transform_5, window_bounds = array<i64: 10112, 128>}]} {
    %get3A = arith.constant 0 : index
    %get3A_0 = arith.constant 0 : index
    %get3A_1 = arith.constant 0 : index
    %get3A_2 = vector.load %arg2[%get3A, %get3A_0, %get3A_1] : memref<1x10112x1xf32, #tpu.memory_space<vmem>>, vector<1x10112x1xf32>
    %get3A_3 = vector.shape_cast %get3A_2 : vector<1x10112x1xf32> to vector<10112x1xf32>
    %add3A = arith.constant 1.000000e+00 : f32
    %add3A_4 = vector.broadcast %add3A : f32 to vector<10112x1xf32>
    %add3A_5 = arith.addf %get3A_3, %add3A_4 : vector<10112x1xf32>
    %rsqrt3A = math.rsqrt %add3A_5 : vector<10112x1xf32>
    %get3A_6 = arith.constant 0 : index
    %get3A_7 = arith.constant 0 : index
    %get3A_8 = vector.load %arg3[%get3A_6, %get3A_7] : memref<10112x128xf32, #tpu.memory_space<vmem>>, vector<10112x128xf32>
    %get3A_9 = arith.constant 0 : index
    %get3A_10 = arith.constant 0 : index
    %get3A_11 = arith.constant 0 : index
    %get3A_12 = vector.load %arg4[%get3A_9, %get3A_10, %get3A_11] : memref<1x128x128xf32, #tpu.memory_space<vmem>>, vector<1x128x128xf32>
    %get3A_13 = vector.shape_cast %get3A_12 : vector<1x128x128xf32> to vector<128x128xf32>
    %dot_general3A = arith.constant dense<0.000000e+00> : vector<10112x128xf32>
    %dot_general3A_14 = tpu.matmul %get3A_8, %get3A_13, %dot_general3A {dimension_numbers = #tpu.dot_dimension_numbers<[1], [0], [0], [1], [0, 0, 1, 1], [], []>, transpose_lhs_hint = false} : vector<10112x128xf32>, vector<128x128xf32>, vector<10112x128xf32> -> vector<10112x128xf32>
    %get3A_15 = arith.constant 0 : index
    %get3A_16 = arith.constant 0 : index
    %get3A_17 = arith.constant 0 : index
    %get3A_18 = vector.load %arg1[%get3A_15, %get3A_16, %get3A_17] : memref<1x10112x128xf32, #tpu.memory_space<vmem>>, vector<1x10112x128xf32>
    %get3A_19 = vector.shape_cast %get3A_18 : vector<1x10112x128xf32> to vector<10112x128xf32>
    %mul3A = vector.broadcast %rsqrt3A : vector<10112x1xf32> to vector<10112x128xf32>
    %mul3A_20 = arith.mulf %get3A_19, %mul3A : vector<10112x128xf32>
    %mul3A_21 = arith.mulf %rsqrt3A, %rsqrt3A : vector<10112x1xf32>
    %mul3A_22 = vector.broadcast %mul3A_21 : vector<10112x1xf32> to vector<10112x128xf32>
    %mul3A_23 = arith.mulf %dot_general3A_14, %mul3A_22 : vector<10112x128xf32>
    %add3A_24 = arith.addf %mul3A_20, %mul3A_23 : vector<10112x128xf32>
    %get3A_25 = arith.constant 0 : index
    %get3A_26 = arith.constant 0 : index
    %get3A_27 = arith.constant 0 : index
    %get3A_28 = vector.load %arg5[%get3A_25, %get3A_26, %get3A_27] : memref<1x1x128xf32, #tpu.memory_space<vmem>>, vector<1x1x128xf32>
    %get3A_29 = vector.shape_cast %get3A_28 : vector<1x1x128xf32> to vector<1x128xf32>
    %add3A_30 = vector.broadcast %get3A_29 : vector<1x128xf32> to vector<10112x128xf32>
    %add3A_31 = arith.addf %add3A_24, %add3A_30 : vector<10112x128xf32>
    %eq3A = arith.constant 0 : i32
    %eq3A_32 = arith.cmpi eq, %arg0, %eq3A : i32
    %convert_element_type3A = arith.extui %eq3A_32 : i1 to i32
    %cond3A = arith.constant 0 : i32
    %cond3A_33 = arith.cmpi ne, %convert_element_type3A, %cond3A : i32
    scf.if %cond3A_33 {
      %swap3A = arith.constant 0 : index
      %swap3A_38 = arith.constant 0 : index
      %swap3A_39 = vector.load %arg6[%swap3A, %swap3A_38] : memref<10112x128xf32, #tpu.memory_space<vmem>>, vector<10112x128xf32>
      tpu.vector_store %arg6[%swap3A, %swap3A_38], %add3A_31 {strides = array<i32>} : memref<10112x128xf32, #tpu.memory_space<vmem>>, vector<10112x128xf32>,
    } else {
    }
    %ne3A = arith.constant 0 : i32
    %ne3A_34 = arith.cmpi ne, %arg0, %ne3A : i32
    %convert_element_type3A_35 = arith.extui %ne3A_34 : i1 to i32
    %cond3A_36 = arith.constant 0 : i32
    %cond3A_37 = arith.cmpi ne, %convert_element_type3A_35, %cond3A_36 : i32
    scf.if %cond3A_37 {
      %get3A_38 = arith.constant 0 : index
      %get3A_39 = arith.constant 0 : index
      %get3A_40 = vector.load %arg6[%get3A_38, %get3A_39] : memref<10112x128xf32, #tpu.memory_space<vmem>>, vector<10112x128xf32>
      %add3A_41 = arith.addf %get3A_40, %add3A_31 : vector<10112x128xf32>
      %swap3A = arith.constant 0 : index
      %swap3A_42 = arith.constant 0 : index
      %swap3A_43 = vector.load %arg6[%swap3A, %swap3A_42] : memref<10112x128xf32, #tpu.memory_space<vmem>>, vector<10112x128xf32>
      tpu.vector_store %arg6[%swap3A, %swap3A_42], %add3A_41 {strides = array<i32>} : memref<10112x128xf32, #tpu.memory_space<vmem>>, vector<10112x128xf32>,
    } else {
    }
    return
  }
  func.func @transform_0(%arg0: i32) -> (i32, i32, i32) {
    %c0_i32 = arith.constant 0 : i32
    %c0_i32_0 = arith.constant 0 : i32
    %c0_i32_1 = arith.constant 0 : i32
    return %arg0, %c0_i32, %c0_i32_0 : i32, i32, i32
  }
  func.func @transform_1(%arg0: i32) -> (i32, i32, i32) {
    %c0_i32 = arith.constant 0 : i32
    %c0_i32_0 = arith.constant 0 : i32
    %c0_i32_1 = arith.constant 0 : i32
    return %arg0, %c0_i32, %c0_i32_0 : i32, i32, i32
  }
  func.func @transform_2(%arg0: i32) -> (i32, i32) {
    %c0_i32 = arith.constant 0 : i32
    %c0_i32_0 = arith.constant 0 : i32
    %c0_i32_1 = arith.constant 0 : i32
    return %c0_i32, %c0_i32_0 : i32, i32
  }
  func.func @transform_3(%arg0: i32) -> (i32, i32, i32) {
    %c0_i32 = arith.constant 0 : i32
    %c0_i32_0 = arith.constant 0 : i32
    %c0_i32_1 = arith.constant 0 : i32
    return %arg0, %c0_i32, %c0_i32_0 : i32, i32, i32
  }
  func.func @transform_4(%arg0: i32) -> (i32, i32, i32) {
    %c0_i32 = arith.constant 0 : i32
    %c0_i32_0 = arith.constant 0 : i32
    %c0_i32_1 = arith.constant 0 : i32
    return %arg0, %c0_i32, %c0_i32_0 : i32, i32, i32
  }
  func.func @transform_5(%arg0: i32) -> (i32, i32) {
    %c0_i32 = arith.constant 0 : i32
    %c0_i32_0 = arith.constant 0 : i32
    %c0_i32_1 = arith.constant 0 : i32
    return %c0_i32, %c0_i32_0 : i32, i32
  }
}

</mosaic_0001>

<sc_bundles>
// kernel: kernel.6.cloned.1.call-start
scs
__scs_entry_jumppad:
0x0: {  	(pc) =	sbr.rel $0x88, $3  }
0x1: {  	(tag) =	ssettag $0x0;
	lr =	simm.s32 $0x1  }
0x2: {  	[smem:$0x3F9D] =	sst lr;
	_ =	strace $0xD0000000  }
0x3: {  	_ = 	snop  }
0x4: {  	_ = 	snop  }
0x5: {  	_ = 	snop  }
0x6: {  	_ = 	snop  }
0x7: {  	_ = 	snop  }
__scs_overlays_trampoline_lowered:
0x8: {  	[smem:$0x3FAC] =	sst s0  }
0x9: {  	[smem:$0x3FAD] =	sst s1  }
0xa: {  	[smem:$0x3FAE] =	sst s2  }
0xb: {  	[smem:$0x3FAF] =	sst s3  }
0xc: {  	[smem:$0x3FB0] =	sst s4  }
0xd: {  	[smem:$0x3FB1] =	sst s5  }
0xe: {  	[smem:$0x3FB2] =	sst s6  }
0xf: {  	[smem:$0x3FB3] =	sst s7  }
0x10: {  	[smem:$0x3FB4] =	sst s8  }
0x11: {  	[smem:$0x3FB5] =	sst s9;
	s0 =	simm.s32 @!p0 $0x0  }
0x12: {  	s1 =	sld [smem:$0x3F9B];
	s0 =	simm.s32 @p0 $0x1  }
0x13: {  	[smem:$0x3FB6] =	sst s0;
	s0 =	simm.s32 @!p1 $0x0  }
0x14: {  	s2 =	sld [smem:$0x3F9A];
	s0 =	simm.s32 @p1 $0x1  }
0x15: {  	[smem:$0x3FB7] =	sst s0;
	s0 =	simm.s32 @!p2 $0x0  }
0x16: {  	s3 =	sld [smem:$0x3FDB];
	s0 =	simm.s32 @p2 $0x1  }
0x17: {  	s4 =	simm.s32 $0x1BF5;
	[smem:$0x3FB9] =	sst s0  }
0x18: {  	s0 =	sld [smem:$0x3F9C];
	_ =	swait.ge [sflag:s4], $0x0  }
0x19: {  	s7 =	sld [smem:$0x3F9D]  }
0x1a: {  	s8 =	sadd.s32 $0xFFFFE003, lr  }
0x1b: {  	s9 =	sadd.s32 $0xFFFFFEF7, lr;
	s5 =	simm.s32 $0xFFFFFFFF;
	p2 =	slt.u32 s8, $0xFFFFF086  }
0x1c: {  	p1 =	slt.u32 s9, $0xF7A;
	s5 =	simm.s32 @!p2 $0x0  }
0x1d: {  	s5 =	simm.s32 @p1 $0x1;
	p0 =	seq.s32 s7, s2  }
0x1e: {  	s7 =	smul.u32 @!p0 $0xF7A, s2;
	p2 =	seq.s32 @!p0 s5, $0x0  }
0x1f: {  	s9 =	smul.u32 $0xF7A, s1;
	s8 =	simm.s32 @!p0 $0x1BF5;
	p2 =	por !p2, p0  }
0x20: {  	[sflag:s8] =	ssyncset.s32 @!p0 $0xFFFFF086;
	s6 =	sadd.s32 @!p0 s3, s7;
	s7 =	simm.s32 @!p0 $0x108  }
0x21: {  	s3 =	sadd.s32 s3, s9;
	s6 =	sadd.s32 @!p0 $0x88, s6;
	s7 =	simm.s32 @p2 $0x1082  }
0x22: {  	[simem:s7], [sflag:s8] =	dma.local @!p0 [hbm:s6], $0xF7A  }
0x23: {  	s9 =	sor.u32 $0xD0000000, s2;
	s6 =	simm.s32 $0x108;
	_ =	swait.ge @!p0 [sflag:s8], $0x0  }
0x24: {  	s3 =	sadd.s32 $0x88, s3;
	s6 =	simm.s32 @!p1 $0x1082;
	[sflag:s4] =	ssyncset.s32 $0xFFFFF086  }
0x25: {  	[simem:s6], [sflag:s4] =	dma.local [hbm:s3], $0xF7A  }
0x26: {  	[smem:$0x3F9D] =	sst s1;
	(tag) =	ssettag s2;
	_ =	strace s9  }
0x27: {  	s1 =	sld [smem:$0x3FAD]  }
0x28: {  	s2 =	sld [smem:$0x3FAE]  }
0x29: {  	s4 =	sld [smem:$0x3FB0]  }
0x2a: {  	p0 =	seq.s32 s5, $0x0;
	s5 =	sld [smem:$0x3FB1]  }
0x2b: {  	s6 =	sld [smem:$0x3FB2]  }
0x2c: {  	s7 =	sld [smem:$0x3FB3]  }
0x2d: {  	s3 =	simm.s32 $0x108;
	s8 =	sld [smem:$0x3FB4]  }
0x2e: {  	s3 =	simm.s32 @!p0 $0x1082;
	s9 =	sld [smem:$0x3FB5]  }
0x2f: {  	lr =	sadd.s32 s0, s3;
	s0 =	sld [smem:$0x3FAC]  }
0x30: {  	s3 =	sld [smem:$0x3FAF]  }
0x31: {  	[smem:$0x3FB8] =	sst s10  }
0x32: {  	s10 =	sld [smem:$0x3FB6];
	_ =	sdelay $0x3  }
0x33: {  	p0 =	seq.s32 s10, $0x1;
	s10 =	sld [smem:$0x3FB8];
	_ =	sdelay $0x3  }
0x34: {  	[smem:$0x3FB8] =	sst s10  }
0x35: {  	s10 =	sld [smem:$0x3FB7];
	_ =	sdelay $0x3  }
0x36: {  	p1 =	seq.s32 s10, $0x1;
	s10 =	sld [smem:$0x3FB8];
	_ =	sdelay $0x3  }
0x37: {  	[smem:$0x3FB8] =	sst s10  }
0x38: {  	s10 =	sld [smem:$0x3FB9]  }
0x39: {  	_ = 	snop;
	(pc) =	sbr.ind lr, $3  }
0x3a: {  	_ = 	snop  }
0x3b: {  	_ = 	snop  }
0x3c: {  	p2 =	seq.s32 s10, $0x1;
	s10 =	sld [smem:$0x3FB8]  }
0x3d: {  	_ =	shalt  }
0x3e: {  	_ =	shalt  }
0x3f: {  	_ =	shalt  }
0x40: {  	_ =	shalt  }
0x41: {  	_ =	shalt  }
0x42: {  	_ =	shalt  }
0x43: {  	_ =	shalt  }
0x44: {  	_ =	shalt  }
0x45: {  	_ =	shalt  }
0x46: {  	_ =	shalt  }
0x47: {  	_ =	shalt  }
0x48: {  	_ =	shalt  }
0x49: {  	_ =	shalt  }
0x4a: {  	_ =	shalt  }
0x4b: {  	_ =	shalt  }
0x4c: {  	_ =	shalt  }
0x4d: {  	_ =	shalt  }
0x4e: {  	_ =	shalt  }
0x4f: {  	_ =	shalt  }
0x50: {  	_ =	shalt  }
0x51: {  	_ =	shalt  }
0x52: {  	_ =	shalt  }
0x53: {  	_ =	shalt  }
0x54: {  	_ =	shalt  }
0x55: {  	_ =	shalt  }
0x56: {  	_ =	shalt  }
0x57: {  	_ =	shalt  }
0x58: {  	_ =	shalt  }
0x59: {  	_ =	shalt  }
0x5a: {  	_ =	shalt  }
0x5b: {  	_ =	shalt  }
0x5c: {  	_ =	shalt  }
0x5d: {  	_ =	shalt  }
0x5e: {  	_ =	shalt  }
0x5f: {  	_ =	shalt  }
0x60: {  	_ =	shalt  }
0x61: {  	_ =	shalt  }
0x62: {  	_ =	shalt  }
0x63: {  	_ =	shalt  }
0x64: {  	_ =	shalt  }
0x65: {  	_ =	shalt  }
0x66: {  	_ =	shalt  }
0x67: {  	_ =	shalt  }
0x68: {  	_ =	shalt  }
0x69: {  	_ =	shalt  }
0x6a: {  	_ =	shalt  }
0x6b: {  	_ =	shalt  }
0x6c: {  	_ =	shalt  }
0x6d: {  	_ =	shalt  }
0x6e: {  	_ =	shalt  }
0x6f: {  	_ =	shalt  }
0x70: {  	_ =	shalt  }
0x71: {  	_ =	shalt  }
0x72: {  	_ =	shalt  }
0x73: {  	_ =	shalt  }
0x74: {  	_ =	shalt  }
0x75: {  	_ =	shalt  }
0x76: {  	_ =	shalt  }
0x77: {  	_ =	shalt  }
0x78: {  	_ =	shalt  }
0x79: {  	_ =	shalt  }
0x7a: {  	_ =	shalt  }
0x7b: {  	_ =	shalt  }
0x7c: {  	_ =	shalt  }
0x7d: {  	_ =	shalt  }
0x7e: {  	_ =	shalt  }
0x7f: {  	_ =	shalt  }
0x80: {  	_ =	shalt  }
0x81: {  	_ =	shalt  }
0x82: {  	_ =	shalt  }
0x83: {  	_ =	shalt  }
0x84: {  	_ =	shalt  }
0x85: {  	_ =	shalt  }
0x86: {  	_ =	shalt  }
0x87: {  	_ =	shalt  }
.Lfunc_end0:
.L_simem_size_0:
called_computation_lowered:
.L_overlay_start_0:
0x88: {  	s2 =	sld [smem:$0x3FD9]  }
0x89: {  	s3 =	sld [smem:$0x3FFE];
	_ =	sdelay $0x1  }
0x8a: {  	s1 =	srdreg.scid  }
0x8b: {  	s0 =	sand.u32 $0x1, s1  }
0x8c: {  	s17 =	sshll.u32 s0, $0xA;
	s2 =	sadd.s32 s3, s2  }
0x8d: {  	s2 =	sadd.s32 s2, s17  }
0x8e: {  	[smem:$0x3FC4] =	sst s2  }
0x8f: {  	_ = 	snop  }
0x90: {  	s2 =	sld [smem:$0x3FD0];
	(tm) =	ssettm $0x1  }
0x91: {  	s18 =	sld [smem:$0x3FFB];
	_ =	sdelay $0x3  }
0x92: {  	_ =	strace s18  }
0x93: {  	s3 =	sld [smem:$0x3FFC];
	_ =	sdelay $0x3  }
0x94: {  	_ =	strace s3  }
0x95: {  	s3 =	sld [smem:$0x3FFD];
	_ =	sdelay $0x3  }
0x96: {  	_ =	strace s3  }
0x97: {  	_ =	strace $0x8FFFFFFF  }
0x98: {  	s19 =	sld [smem:$0x3FDB];
	_ =	sdelay $0x1  }
0x99: {  	s4 =	simm.s32 $_scs_section_size  }
0x9a: {  	s5 =	simm.s32 $_size__tile_overlayer_lowered;
	s6 =	simm.s32 $_tile_overlayer_lowered  }
0x9b: {  	s22 =	simm.s32 $0x1BFF;
	s21 =	sshll.u32 s6, $0x1;
	s3 =	sadd.s32 s4, s19  }
0x9c: {  	s7 =	simm.s32 $0x0;
	s20 =	sshll.u32 s5, $0x1;
	s5 =	sadd.s32 s21, s3  }
0x9d: {  	[timem:s7], [sflag:s22] =	dma.local [hbm:s5], s20  }
0x9e: {  	_ =	swait.ge [sflag:s22], s20  }
0x9f: {  	s4 =	ssub.s32 $0x0, s20;
	[sflag:s22] =	ssyncset.done $0x0  }
0xa0: {  	[sflag:s22] =	ssyncadd.s32 s4;
	_ =	sdelay $0x1  }
0xa1: {  	s23 =	simm.s32 $0x1B8B  }
0xa2: {  	_ =	swait.ge [sflag:s23], $0x1  }
0xa3: {  	[sflag:s23] =	ssyncset.done $0x0  }
0xa4: {  	s25 =	simm.s32 $0x1B8E;
	s24 =	sld [smem:$0x3FFE];
	[sflag:s23] =	ssyncadd.s32 $0xFFFFFFFF  }
0xa5: {  	s26 =	simm.s32 $execute0_lowered;
	[smem:$0x3FD2] =	sst s25  }
0xa6: {  	s5 =	sshll.u32 s26, $0x1;
	_ =	strace $0x80000046;
	[dreg:$0x1] =	wrdreg $0xFFFFFFFF  }
0xa7: {  	s28 =	simm.s32 $_size_execute0_lowered;
	s3 =	sadd.s32 s3, s5;
	[dreg:$0x0] =	wrdreg $0x0  }
0xa8: {  	s5 =	sshll.u32 s28, $0x1;
	[dreg:$0x2] =	wrdreg s3  }
0xa9: {  	[dreg:$0x3] =	wrdreg s5  }
0xaa: {  	[dreg:$0x4] =	wrdreg $0xC0  }
0xab: {  	_ =	task [dreg:s7], $0x5FFFF  }
0xac: {  	[dreg:$0x1] =	wrdreg $0xFFFFFFFF  }
0xad: {  	[dreg:$0x0] =	wrdreg $0x60  }
0xae: {  	[dreg:$0x2] =	wrdreg s24  }
0xaf: {  	[dreg:$0x3] =	wrdreg s2  }
0xb0: {  	[dreg:$0x4] =	wrdreg $0x0  }
0xb1: {  	[dreg:$0x5] =	wrdreg $0x2800  }
0xb2: {  	[dreg:$0x6] =	wrdreg $0x9  }
0xb3: {  	_ =	task.clear_ibuf [dreg:s7], $0x7FFFF;
	_ =	strace $0x90000046  }
0xb4: {  	s29 =	simm.s32 $0x9;
	_ =	strace $0x80000048  }
0xb5: {  	_ =	swait.ge [sflag:s29], $0x1  }
0xb6: {  	[sflag:s29] =	ssyncadd.s32 $0xFFFFFFFF  }
0xb7: {  	_ =	strace $0x90000048  }
0xb8: {  	_ =	sfence  }
0xb9: {  	s30 =	sld [smem:$0x0];
	_ =	sdelay $0x2  }
0xba: {  	s31 =	sshll.u32 s1, $0xD;
	s1 =	sshrl.u32 s1, $0x2  }
0xbb: {  	s3 =	sand.u32 $0x4000, s31;
	s1 =	sadd.s32 s1, s30  }
0xbc: {  	s0 =	sor.u32 s3, s0;
	s1 =	sshll.u32 s1, $0x11  }
0xbd: {  	s0 =	sor.u32 s1, s0  }
0xbe: {  	s0 =	sadd.s32 $0x8F2B, s0  }
0xbf: {  	[sflag:s0] =	ssyncadd.remote.s32 $0x1  }
0xc0: {  	_ =	sfence.sel $0xFFFF  }
0xc1: {  	[dreg:$0x0] =	wrdreg $0xFFFFFFFF;
	(pc) =	sbr.abs _section_cstart, $3  }
0xc2: {  	[dreg:$0x1] =	wrdreg $0xFFFFFFFF  }
0xc3: {  	_ =	task.clear_ibuf [dreg:s7], $0x2FFFF;
	_ =	strace $0x9FFFFFFF  }
0xc4: {  	(tm) =	ssettm $0x7FFFFFFF  }
0xc5: {  	_ =	shalt  }
tec
execute0_lowered:
.L_overlay_start_1:
0x0: {  	(tag) =	ssettag $0x1  }
0x1: {  	s5 =	rddreg [dreg:$0x0]  }
0x2: {  	s11 =	rddreg [dreg:$0x1]  }
0x3: {  	s1 =	rddreg [dreg:$0x2]  }
0x4: {  	s3 =	rddreg [dreg:$0x3]  }
0x5: {  	s0 =	rddreg [dreg:$0x4];
	s4 =	simm.s32 $0x0  }
0x6: {  	s2 =	stileid.u32;
	s6 =	srdreg.scid;
	s20 =	simm.s32 $0x40  }
0x7: {  	s21 =	simm.s32 $0x10;
	s22 =	simm.s32 $0x0;
	s8 =	smul.u32 $0x280, s2  }
0x8: {  	[smem:$0x7FF] =	sst s4;
	s9 =	sand.u32 $0x1, s6;
	s13 =	smul.u32 $0x5400, s2  }
0x9: {  	s10 =	sadd.s32 $0x1800, s5;
	s16 =	sshll.u32 s2, $0x6;
	s29 =	smul.u32 $0xA00, s2  }
0xa: {  	_ =	strace $0x80000047;
	s7 =	ssub.s32 $0x2, s9;
	s26 =	smul.u32 $0xA8000, s9  }
0xb: {  	s15 =	sshllo.u32 s9, $0x1;
	s9 =	sshll.u32 s9, $0x8;
	s25 =	sshrl.u32 s8, $0x3  }
0xc: {  	s12 =	sshrl.u32 s7, $0x1;
	s14 =	sadd.s32 s8, s1;
	s18 =	smul.u32 $0x54000, s15  }
0xd: {  	s19 =	sadd.s32 s8, s3;
	s9 =	sor.u32 s9, s29;
	s15 =	sshll.u32 s15, $0x7  }
0xe: {  	s6 =	sadd.s32 s25, s5;
	s5 =	sadd.s32 $0x2B800, s5;
	s12 =	ssub.s32 s7, s12  }
0xf: {  	s17 =	sadd.s32 s13, s26;
	s7 =	sor.u32 $0x1C02, s16;
	s30 =	sshrl.u32 s9, $0x3  }
0x10: {  	s15 =	sor.u32 s29, s15;
	s16 =	simm.s32 $0x5900;
	s6 =	sadd.s32 $0x2BA00, s6  }
0x11: {  	s28 =	sshrl.u32 s17, $0x3;
	s13 =	sadd.s32 s13, s18;
	s31 =	sshrl.u32 s15, $0x3  }
0x12: {  	s12 =	smax.u32 s12, $0x1;
	s15 =	sshrl.u32 s19, $0x3;
	s17 =	simm.s32 $0x500  }
0x13: {  	s18 =	simm.s32 $0x78;
	s19 =	simm.s32 $0x1;
	s13 =	sshrl.u32 s13, $0x3  }
0x14: {  	s8 =	sadd.s32 s10, s28;
	s9 =	sadd.s32 s10, s13;
	s10 =	sadd.s32 s11, s30  }
0x15: {  	s11 =	sadd.s32 s11, s31;
	s13 =	sshrl.u32 s14, $0x3;
	s14 =	simm.s32 $0x2  }
.LBB2_1:
0x16: {  	[spmem:s13], [sflag:s7] =	dma.local [hbm:s6], $0x50  }
0x17: {  	_ =	swait.ge [sflag:s14], $0x50  }
0x18: {  	[sflag:s14] =	ssyncset.done $0x0  }
0x19: {  	[sflag:s14] =	ssyncadd.s32 $0xFFFFFFB0  }
0x1a: {  	[spmem:s15], [sflag:s7] =	dma.local [hbm:s6], $0x50  }
0x1b: {  	_ =	swait.ge [sflag:s14], $0x50  }
0x1c: {  	[sflag:s14] =	ssyncset.done $0x0  }
0x1d: {  	[sflag:s14] =	ssyncadd.s32 $0xFFFFFFB0  }
0x1e: {  	[tilespmem:s16], [sflag:$0x2] =	stream.linear.gather [hbm4b:s5+s4], $0x80, $0x38;
	[tilespmem:$0x5980] =	vst v63  }
0x1f: {  	_ =	swait.ge [sflag:s14], $0x80  }
0x20: {  	[sflag:s14] =	ssyncset.done $0x0  }
0x21: {  	[sflag:s14] =	ssyncadd.s32 $0xFFFFFF80  }
0x22: {  	[bflag:$0x0] =	sbarrier.arrive $0xFFFF  }
0x23: {  	[tilespmem:s17], [sflag:$0x2] =	stream.linear.gather [hbm4b:s8+s4], $0x5400, $0x38;
	[tilespmem:$0x5980] =	vst v63  }
0x24: {  	_ =	swait.ge [sflag:s14], $0x5400  }
0x25: {  	[sflag:s14] =	ssyncset.done $0x0  }
0x26: {  	s23 =	simm.s32 $0x500;
	[sflag:s14] =	ssyncadd.s32 $0xFFFFAC00  }
0x27: {  	[spmem:s1] =	stream.indirect.scatter.add.f32 [tilespmem:s16], [sflag:$0x1], $0x1, s23, s18, $0xb8;
	[tilespmem:$0x5980] =	vst v63  }
0x28: {  	s24 =	simm.s32 $0x580  }
0x29: {  	[spmem:s1] =	stream.indirect.scatter.add.f32 [tilespmem:s16], [sflag:$0x1], $0x1, s24, s18, $0xb8;
	[tilespmem:$0x5980] =	vst v63  }
0x2a: {  	s25 =	simm.s32 $0x600  }
0x2b: {  	[spmem:s1] =	stream.indirect.scatter.add.f32 [tilespmem:s16], [sflag:$0x1], $0x1, s25, s18, $0xb8;
	[tilespmem:$0x5980] =	vst v63  }
0x2c: {  	s26 =	simm.s32 $0x680  }
0x2d: {  	[spmem:s1] =	stream.indirect.scatter.add.f32 [tilespmem:s16], [sflag:$0x1], $0x1, s26, s18, $0xb8;
	[tilespmem:$0x5980] =	vst v63  }
0x2e: {  	s28 =	simm.s32 $0x700  }
0x2f: {  	[spmem:s1] =	stream.indirect.scatter.add.f32 [tilespmem:s16], [sflag:$0x1], $0x1, s28, s18, $0xb8;
	[tilespmem:$0x5980] =	vst v63  }
0x30: {  	s29 =	simm.s32 $0x780  }
0x31: {  	[spmem:s1] =	stream.indirect.scatter.add.f32 [tilespmem:s16], [sflag:$0x1], $0x1, s29, s18, $0xb8;
	[tilespmem:$0x5980] =	vst v63  }
0x32: {  	s30 =	simm.s32 $0x800  }
0x33: {  	[spmem:s1] =	stream.indirect.scatter.add.f32 [tilespmem:s16], [sflag:$0x1], $0x1, s30, s18, $0xb8;
	[tilespmem:$0x5980] =	vst v63  }
0x34: {  	s31 =	simm.s32 $0x880  }
0x35: {  	[spmem:s1] =	stream.indirect.scatter.add.f32 [tilespmem:s16], [sflag:$0x1], $0x1, s31, s18, $0xb8;
	[tilespmem:$0x5980] =	vst v63  }
0x36: {  	_ =	swait.ge [sflag:s19], $0x78  }
0x37: {  	[sflag:s19] =	ssyncset.done $0x0  }
0x38: {  	[sflag:s19] =	ssyncadd.s32 $0xFFFFFF88  }
0x39: {  	_ =	swait.ge [sflag:s19], $0x78  }
0x3a: {  	[sflag:s19] =	ssyncset.done $0x0  }
0x3b: {  	[sflag:s19] =	ssyncadd.s32 $0xFFFFFF88  }
0x3c: {  	_ =	swait.ge [sflag:s19], $0x78  }
0x3d: {  	[sflag:s19] =	ssyncset.done $0x0  }
0x3e: {  	[sflag:s19] =	ssyncadd.s32 $0xFFFFFF88  }
0x3f: {  	_ =	swait.ge [sflag:s19], $0x78  }
0x40: {  	[sflag:s19] =	ssyncset.done $0x0  }
0x41: {  	[sflag:s19] =	ssyncadd.s32 $0xFFFFFF88  }
0x42: {  	_ =	swait.ge [sflag:s19], $0x78  }
0x43: {  	[sflag:s19] =	ssyncset.done $0x0  }
0x44: {  	[sflag:s19] =	ssyncadd.s32 $0xFFFFFF88  }
0x45: {  	_ =	swait.ge [sflag:s19], $0x78  }
0x46: {  	[sflag:s19] =	ssyncset.done $0x0  }
0x47: {  	[sflag:s19] =	ssyncadd.s32 $0xFFFFFF88  }
0x48: {  	_ =	swait.ge [sflag:s19], $0x78  }
0x49: {  	[sflag:s19] =	ssyncset.done $0x0  }
0x4a: {  	[sflag:s19] =	ssyncadd.s32 $0xFFFFFF88  }
0x4b: {  	_ =	swait.ge [sflag:s19], $0x78  }
0x4c: {  	s25 =	simm.s32 $0x400;
	s26 =	simm.s32 $0x2000;
	[sflag:s19] =	ssyncset.done $0x0  }
.LBB2_2:
0x4d: {  	s28 =	sadd.s32 $0x500, s25  }
0x4e: {  	[sflag:s19] =	ssyncadd.s32 $0xFFFFFF88;
	s24 =	smov.u32 s26;
	s23 =	sadd.s32 $0x1000, s26  }
0x4f: {  	[spmem:s1] =	stream.indirect.scatter.add.f32 [tilespmem:s16], [sflag:$0x1], $0x1, s28, s18, $0xb8;
	[tilespmem:$0x5980] =	vst v63  }
0x50: {  	p0 =	sne.s32 s26, $0x14000;
	s26 =	sadd.s32 $0x580, s25  }
0x51: {  	[spmem:s1] =	stream.indirect.scatter.add.f32 [tilespmem:s16], [sflag:$0x1], $0x1, s26, s18, $0xb8;
	[tilespmem:$0x5980] =	vst v63  }
0x52: {  	s26 =	sadd.s32 $0x600, s25  }
0x53: {  	[spmem:s1] =	stream.indirect.scatter.add.f32 [tilespmem:s16], [sflag:$0x1], $0x1, s26, s18, $0xb8;
	[tilespmem:$0x5980] =	vst v63  }
0x54: {  	s26 =	sadd.s32 $0x680, s25  }
0x55: {  	[spmem:s1] =	stream.indirect.scatter.add.f32 [tilespmem:s16], [sflag:$0x1], $0x1, s26, s18, $0xb8;
	[tilespmem:$0x5980] =	vst v63  }
0x56: {  	s26 =	sadd.s32 $0x700, s25  }
0x57: {  	[spmem:s1] =	stream.indirect.scatter.add.f32 [tilespmem:s16], [sflag:$0x1], $0x1, s26, s18, $0xb8;
	[tilespmem:$0x5980] =	vst v63  }
0x58: {  	s26 =	sadd.s32 $0x780, s25  }
0x59: {  	[spmem:s1] =	stream.indirect.scatter.add.f32 [tilespmem:s16], [sflag:$0x1], $0x1, s26, s18, $0xb8;
	[tilespmem:$0x5980] =	vst v63  }
0x5a: {  	s26 =	sadd.s32 $0x800, s25  }
0x5b: {  	[spmem:s1] =	stream.indirect.scatter.add.f32 [tilespmem:s16], [sflag:$0x1], $0x1, s26, s18, $0xb8;
	[tilespmem:$0x5980] =	vst v63  }
0x5c: {  	s25 =	sadd.s32 $0x880, s25  }
0x5d: {  	[spmem:s1] =	stream.indirect.scatter.add.f32 [tilespmem:s16], [sflag:$0x1], $0x1, s25, s18, $0xb8;
	[tilespmem:$0x5980] =	vst v63  }
0x5e: {  	_ =	swait.ge [sflag:s19], $0x78  }
0x5f: {  	[sflag:s19] =	ssyncset.done $0x0  }
0x60: {  	[sflag:s19] =	ssyncadd.s32 $0xFFFFFF88  }
0x61: {  	_ =	swait.ge [sflag:s19], $0x78  }
0x62: {  	[sflag:s19] =	ssyncset.done $0x0  }
0x63: {  	[sflag:s19] =	ssyncadd.s32 $0xFFFFFF88  }
0x64: {  	_ =	swait.ge [sflag:s19], $0x78  }
0x65: {  	[sflag:s19] =	ssyncset.done $0x0  }
0x66: {  	[sflag:s19] =	ssyncadd.s32 $0xFFFFFF88  }
0x67: {  	_ =	swait.ge [sflag:s19], $0x78  }
0x68: {  	[sflag:s19] =	ssyncset.done $0x0  }
0x69: {  	[sflag:s19] =	ssyncadd.s32 $0xFFFFFF88  }
0x6a: {  	_ =	swait.ge [sflag:s19], $0x78  }
0x6b: {  	[sflag:s19] =	ssyncset.done $0x0  }
0x6c: {  	[sflag:s19] =	ssyncadd.s32 $0xFFFFFF88  }
0x6d: {  	_ =	swait.ge [sflag:s19], $0x78  }
0x6e: {  	[sflag:s19] =	ssyncset.done $0x0  }
0x6f: {  	[sflag:s19] =	ssyncadd.s32 $0xFFFFFF88  }
.Ltmp0:
0x70: {  	_ =	swait.ge [sflag:s19], $0x78;
	(pc) =	sbr.rel @p0 .LBB2_2-.Ltmp0, $4  }
0x71: {  	[sflag:s19] =	ssyncset.done $0x0  }
0x72: {  	[sflag:s19] =	ssyncadd.s32 $0xFFFFFF88  }
0x73: {  	_ =	swait.ge [sflag:s19], $0x78  }
0x74: {  	s26 =	smov.u32 s23;
	s25 =	sshra.s32 s24, $0x2;
	[sflag:s19] =	ssyncset.done $0x0  }
0x75: {  	s23 =	sadd.s32 $0x500, s25;
	[sflag:s19] =	ssyncadd.s32 $0xFFFFFF88  }
0x76: {  	[spmem:s1] =	stream.indirect.scatter.add.f32 [tilespmem:s16], [sflag:$0x1], $0x1, s23, s18, $0xb8;
	[tilespmem:$0x5980] =	vst v63  }
0x77: {  	s29 =	sadd.s32 $0x580, s25  }
0x78: {  	[spmem:s1] =	stream.indirect.scatter.add.f32 [tilespmem:s16], [sflag:$0x1], $0x1, s29, s18, $0xb8;
	[tilespmem:$0x5980] =	vst v63  }
0x79: {  	s30 =	sadd.s32 $0x600, s25  }
0x7a: {  	[spmem:s1] =	stream.indirect.scatter.add.f32 [tilespmem:s16], [sflag:$0x1], $0x1, s30, s18, $0xb8;
	[tilespmem:$0x5980] =	vst v63  }
0x7b: {  	s31 =	sadd.s32 $0x680, s25  }
0x7c: {  	[spmem:s1] =	stream.indirect.scatter.add.f32 [tilespmem:s16], [sflag:$0x1], $0x1, s31, s18, $0xb8;
	[tilespmem:$0x5980] =	vst v63  }
0x7d: {  	s24 =	sadd.s32 $0x700, s25  }
0x7e: {  	[spmem:s1] =	stream.indirect.scatter.add.f32 [tilespmem:s16], [sflag:$0x1], $0x1, s24, s18, $0xb8;
	[tilespmem:$0x5980] =	vst v63  }
0x7f: {  	s26 =	sadd.s32 $0x780, s25  }
0x80: {  	[spmem:s1] =	stream.indirect.scatter.add.f32 [tilespmem:s16], [sflag:$0x1], $0x1, s26, s18, $0xb8;
	[tilespmem:$0x5980] =	vst v63  }
0x81: {  	s28 =	sadd.s32 $0x800, s25  }
0x82: {  	[spmem:s1] =	stream.indirect.scatter.add.f32 [tilespmem:s16], [sflag:$0x1], $0x1, s28, s18, $0xb8;
	[tilespmem:$0x5980] =	vst v63  }
0x83: {  	s29 =	sadd.s32 $0x880, s25  }
0x84: {  	[spmem:s1] =	stream.indirect.scatter.add.f32 [tilespmem:s16], [sflag:$0x1], $0x1, s29, s18, $0xb8;
	[tilespmem:$0x5980] =	vst v63  }
0x85: {  	_ =	swait.ge [sflag:s19], $0x78  }
0x86: {  	[sflag:s19] =	ssyncset.done $0x0  }
0x87: {  	[sflag:s19] =	ssyncadd.s32 $0xFFFFFF88  }
0x88: {  	_ =	swait.ge [sflag:s19], $0x78  }
0x89: {  	[sflag:s19] =	ssyncset.done $0x0  }
0x8a: {  	[sflag:s19] =	ssyncadd.s32 $0xFFFFFF88  }
0x8b: {  	_ =	swait.ge [sflag:s19], $0x78  }
0x8c: {  	[sflag:s19] =	ssyncset.done $0x0  }
0x8d: {  	[sflag:s19] =	ssyncadd.s32 $0xFFFFFF88  }
0x8e: {  	_ =	swait.ge [sflag:s19], $0x78  }
0x8f: {  	[sflag:s19] =	ssyncset.done $0x0  }
0x90: {  	[sflag:s19] =	ssyncadd.s32 $0xFFFFFF88  }
0x91: {  	_ =	swait.ge [sflag:s19], $0x78  }
0x92: {  	[sflag:s19] =	ssyncset.done $0x0  }
0x93: {  	[sflag:s19] =	ssyncadd.s32 $0xFFFFFF88  }
0x94: {  	_ =	swait.ge [sflag:s19], $0x78  }
0x95: {  	[sflag:s19] =	ssyncset.done $0x0  }
0x96: {  	[sflag:s19] =	ssyncadd.s32 $0xFFFFFF88  }
0x97: {  	_ =	swait.ge [sflag:s19], $0x78  }
0x98: {  	[sflag:s19] =	ssyncset.done $0x0  }
0x99: {  	[sflag:s19] =	ssyncadd.s32 $0xFFFFFF88  }
0x9a: {  	_ =	swait.ge [sflag:s19], $0x78  }
0x9b: {  	[sflag:s19] =	ssyncset.done $0x0  }
0x9c: {  	s30 =	simm.s32 $0x0;
	[sflag:s19] =	ssyncadd.s32 $0xFFFFFF88  }
0x9d: {  	[tilespmem:s17], [sflag:$0x2] =	stream.linear.gather [hbm4b:s9+s30], $0x5400, $0x38;
	[tilespmem:$0x5980] =	vst v63  }
0x9e: {  	_ =	swait.ge [sflag:s14], $0x5400  }
0x9f: {  	[sflag:s14] =	ssyncset.done $0x0  }
0xa0: {  	s31 =	simm.s32 $0x500;
	[sflag:s14] =	ssyncadd.s32 $0xFFFFAC00  }
0xa1: {  	[spmem:s3] =	stream.indirect.scatter.add.f32 [tilespmem:s16], [sflag:$0x1], $0x1, s31, s18, $0xb8;
	[tilespmem:$0x5980] =	vst v63  }
0xa2: {  	s24 =	simm.s32 $0x580  }
0xa3: {  	[spmem:s3] =	stream.indirect.scatter.add.f32 [tilespmem:s16], [sflag:$0x1], $0x1, s24, s18, $0xb8;
	[tilespmem:$0x5980] =	vst v63  }
0xa4: {  	s25 =	simm.s32 $0x600  }
0xa5: {  	[spmem:s3] =	stream.indirect.scatter.add.f32 [tilespmem:s16], [sflag:$0x1], $0x1, s25, s18, $0xb8;
	[tilespmem:$0x5980] =	vst v63  }
0xa6: {  	s26 =	simm.s32 $0x680  }
0xa7: {  	[spmem:s3] =	stream.indirect.scatter.add.f32 [tilespmem:s16], [sflag:$0x1], $0x1, s26, s18, $0xb8;
	[tilespmem:$0x5980] =	vst v63  }
0xa8: {  	s28 =	simm.s32 $0x700  }
0xa9: {  	[spmem:s3] =	stream.indirect.scatter.add.f32 [tilespmem:s16], [sflag:$0x1], $0x1, s28, s18, $0xb8;
	[tilespmem:$0x5980] =	vst v63  }
0xaa: {  	s29 =	simm.s32 $0x780  }
0xab: {  	[spmem:s3] =	stream.indirect.scatter.add.f32 [tilespmem:s16], [sflag:$0x1], $0x1, s29, s18, $0xb8;
	[tilespmem:$0x5980] =	vst v63  }
0xac: {  	s30 =	simm.s32 $0x800  }
0xad: {  	[spmem:s3] =	stream.indirect.scatter.add.f32 [tilespmem:s16], [sflag:$0x1], $0x1, s30, s18, $0xb8;
	[tilespmem:$0x5980] =	vst v63  }
0xae: {  	s31 =	simm.s32 $0x880  }
0xaf: {  	[spmem:s3] =	stream.indirect.scatter.add.f32 [tilespmem:s16], [sflag:$0x1], $0x1, s31, s18, $0xb8;
	[tilespmem:$0x5980] =	vst v63  }
0xb0: {  	_ =	swait.ge [sflag:s19], $0x78  }
0xb1: {  	[sflag:s19] =	ssyncset.done $0x0  }
0xb2: {  	[sflag:s19] =	ssyncadd.s32 $0xFFFFFF88  }
0xb3: {  	_ =	swait.ge [sflag:s19], $0x78  }
0xb4: {  	[sflag:s19] =	ssyncset.done $0x0  }
0xb5: {  	[sflag:s19] =	ssyncadd.s32 $0xFFFFFF88  }
0xb6: {  	_ =	swait.ge [sflag:s19], $0x78  }
0xb7: {  	[sflag:s19] =	ssyncset.done $0x0  }
0xb8: {  	[sflag:s19] =	ssyncadd.s32 $0xFFFFFF88  }
0xb9: {  	_ =	swait.ge [sflag:s19], $0x78  }
0xba: {  	[sflag:s19] =	ssyncset.done $0x0  }
0xbb: {  	[sflag:s19] =	ssyncadd.s32 $0xFFFFFF88  }
0xbc: {  	_ =	swait.ge [sflag:s19], $0x78  }
0xbd: {  	[sflag:s19] =	ssyncset.done $0x0  }
0xbe: {  	[sflag:s19] =	ssyncadd.s32 $0xFFFFFF88  }
0xbf: {  	_ =	swait.ge [sflag:s19], $0x78  }
0xc0: {  	[sflag:s19] =	ssyncset.done $0x0  }
0xc1: {  	[sflag:s19] =	ssyncadd.s32 $0xFFFFFF88  }
0xc2: {  	_ =	swait.ge [sflag:s19], $0x78  }
0xc3: {  	[sflag:s19] =	ssyncset.done $0x0  }
0xc4: {  	[sflag:s19] =	ssyncadd.s32 $0xFFFFFF88  }
0xc5: {  	_ =	swait.ge [sflag:s19], $0x78  }
0xc6: {  	s25 =	simm.s32 $0x400;
	s26 =	simm.s32 $0x2000;
	[sflag:s19] =	ssyncset.done $0x0  }
.LBB2_4:
0xc7: {  	s28 =	sadd.s32 $0x500, s25  }
0xc8: {  	[sflag:s19] =	ssyncadd.s32 $0xFFFFFF88;
	s24 =	smov.u32 s26;
	s23 =	sadd.s32 $0x1000, s26  }
0xc9: {  	[spmem:s3] =	stream.indirect.scatter.add.f32 [tilespmem:s16], [sflag:$0x1], $0x1, s28, s18, $0xb8;
	[tilespmem:$0x5980] =	vst v63  }
0xca: {  	p0 =	sne.s32 s26, $0x14000;
	s26 =	sadd.s32 $0x580, s25  }
0xcb: {  	[spmem:s3] =	stream.indirect.scatter.add.f32 [tilespmem:s16], [sflag:$0x1], $0x1, s26, s18, $0xb8;
	[tilespmem:$0x5980] =	vst v63  }
0xcc: {  	s26 =	sadd.s32 $0x600, s25  }
0xcd: {  	[spmem:s3] =	stream.indirect.scatter.add.f32 [tilespmem:s16], [sflag:$0x1], $0x1, s26, s18, $0xb8;
	[tilespmem:$0x5980] =	vst v63  }
0xce: {  	s26 =	sadd.s32 $0x680, s25  }
0xcf: {  	[spmem:s3] =	stream.indirect.scatter.add.f32 [tilespmem:s16], [sflag:$0x1], $0x1, s26, s18, $0xb8;
	[tilespmem:$0x5980] =	vst v63  }
0xd0: {  	s26 =	sadd.s32 $0x700, s25  }
0xd1: {  	[spmem:s3] =	stream.indirect.scatter.add.f32 [tilespmem:s16], [sflag:$0x1], $0x1, s26, s18, $0xb8;
	[tilespmem:$0x5980] =	vst v63  }
0xd2: {  	s26 =	sadd.s32 $0x780, s25  }
0xd3: {  	[spmem:s3] =	stream.indirect.scatter.add.f32 [tilespmem:s16], [sflag:$0x1], $0x1, s26, s18, $0xb8;
	[tilespmem:$0x5980] =	vst v63  }
0xd4: {  	s26 =	sadd.s32 $0x800, s25  }
0xd5: {  	[spmem:s3] =	stream.indirect.scatter.add.f32 [tilespmem:s16], [sflag:$0x1], $0x1, s26, s18, $0xb8;
	[tilespmem:$0x5980] =	vst v63  }
0xd6: {  	s25 =	sadd.s32 $0x880, s25  }
0xd7: {  	[spmem:s3] =	stream.indirect.scatter.add.f32 [tilespmem:s16], [sflag:$0x1], $0x1, s25, s18, $0xb8;
	[tilespmem:$0x5980] =	vst v63  }
0xd8: {  	_ =	swait.ge [sflag:s19], $0x78  }
0xd9: {  	[sflag:s19] =	ssyncset.done $0x0  }
0xda: {  	[sflag:s19] =	ssyncadd.s32 $0xFFFFFF88  }
0xdb: {  	_ =	swait.ge [sflag:s19], $0x78  }
0xdc: {  	[sflag:s19] =	ssyncset.done $0x0  }
0xdd: {  	[sflag:s19] =	ssyncadd.s32 $0xFFFFFF88  }
0xde: {  	_ =	swait.ge [sflag:s19], $0x78  }
0xdf: {  	[sflag:s19] =	ssyncset.done $0x0  }
0xe0: {  	[sflag:s19] =	ssyncadd.s32 $0xFFFFFF88  }
0xe1: {  	_ =	swait.ge [sflag:s19], $0x78  }
0xe2: {  	[sflag:s19] =	ssyncset.done $0x0  }
0xe3: {  	[sflag:s19] =	ssyncadd.s32 $0xFFFFFF88  }
0xe4: {  	_ =	swait.ge [sflag:s19], $0x78  }
0xe5: {  	[sflag:s19] =	ssyncset.done $0x0  }
0xe6: {  	[sflag:s19] =	ssyncadd.s32 $0xFFFFFF88  }
0xe7: {  	_ =	swait.ge [sflag:s19], $0x78  }
0xe8: {  	[sflag:s19] =	ssyncset.done $0x0  }
0xe9: {  	[sflag:s19] =	ssyncadd.s32 $0xFFFFFF88  }
.Ltmp1:
0xea: {  	_ =	swait.ge [sflag:s19], $0x78;
	(pc) =	sbr.rel @p0 .LBB2_4-.Ltmp1, $4  }
0xeb: {  	[sflag:s19] =	ssyncset.done $0x0  }
0xec: {  	[sflag:s19] =	ssyncadd.s32 $0xFFFFFF88  }
0xed: {  	_ =	swait.ge [sflag:s19], $0x78  }
0xee: {  	s26 =	smov.u32 s23;
	s25 =	sshra.s32 s24, $0x2;
	[sflag:s19] =	ssyncset.done $0x0  }
0xef: {  	s23 =	sadd.s32 $0x500, s25;
	[sflag:s19] =	ssyncadd.s32 $0xFFFFFF88  }
0xf0: {  	[spmem:s3] =	stream.indirect.scatter.add.f32 [tilespmem:s16], [sflag:$0x1], $0x1, s23, s18, $0xb8;
	[tilespmem:$0x5980] =	vst v63  }
0xf1: {  	s31 =	sadd.s32 $0x580, s25  }
0xf2: {  	[spmem:s3] =	stream.indirect.scatter.add.f32 [tilespmem:s16], [sflag:$0x1], $0x1, s31, s18, $0xb8;
	[tilespmem:$0x5980] =	vst v63  }
0xf3: {  	s24 =	sadd.s32 $0x600, s25  }
0xf4: {  	[spmem:s3] =	stream.indirect.scatter.add.f32 [tilespmem:s16], [sflag:$0x1], $0x1, s24, s18, $0xb8;
	[tilespmem:$0x5980] =	vst v63  }
0xf5: {  	s26 =	sadd.s32 $0x680, s25  }
0xf6: {  	[spmem:s3] =	stream.indirect.scatter.add.f32 [tilespmem:s16], [sflag:$0x1], $0x1, s26, s18, $0xb8;
	[tilespmem:$0x5980] =	vst v63  }
0xf7: {  	s28 =	sadd.s32 $0x700, s25  }
0xf8: {  	[spmem:s3] =	stream.indirect.scatter.add.f32 [tilespmem:s16], [sflag:$0x1], $0x1, s28, s18, $0xb8;
	[tilespmem:$0x5980] =	vst v63  }
0xf9: {  	s29 =	sadd.s32 $0x780, s25  }
0xfa: {  	[spmem:s3] =	stream.indirect.scatter.add.f32 [tilespmem:s16], [sflag:$0x1], $0x1, s29, s18, $0xb8;
	[tilespmem:$0x5980] =	vst v63  }
0xfb: {  	s30 =	sadd.s32 $0x800, s25  }
0xfc: {  	[spmem:s3] =	stream.indirect.scatter.add.f32 [tilespmem:s16], [sflag:$0x1], $0x1, s30, s18, $0xb8;
	[tilespmem:$0x5980] =	vst v63  }
0xfd: {  	s31 =	sadd.s32 $0x880, s25  }
0xfe: {  	[spmem:s3] =	stream.indirect.scatter.add.f32 [tilespmem:s16], [sflag:$0x1], $0x1, s31, s18, $0xb8;
	[tilespmem:$0x5980] =	vst v63  }
0xff: {  	_ =	swait.ge [sflag:s19], $0x78  }
0x100: {  	[sflag:s19] =	ssyncset.done $0x0  }
0x101: {  	[sflag:s19] =	ssyncadd.s32 $0xFFFFFF88  }
0x102: {  	_ =	swait.ge [sflag:s19], $0x78  }
0x103: {  	[sflag:s19] =	ssyncset.done $0x0  }
0x104: {  	[sflag:s19] =	ssyncadd.s32 $0xFFFFFF88  }
0x105: {  	_ =	swait.ge [sflag:s19], $0x78  }
0x106: {  	[sflag:s19] =	ssyncset.done $0x0  }
0x107: {  	[sflag:s19] =	ssyncadd.s32 $0xFFFFFF88  }
0x108: {  	_ =	swait.ge [sflag:s19], $0x78  }
0x109: {  	[sflag:s19] =	ssyncset.done $0x0  }
0x10a: {  	[sflag:s19] =	ssyncadd.s32 $0xFFFFFF88  }
0x10b: {  	_ =	swait.ge [sflag:s19], $0x78  }
0x10c: {  	[sflag:s19] =	ssyncset.done $0x0  }
0x10d: {  	[sflag:s19] =	ssyncadd.s32 $0xFFFFFF88  }
0x10e: {  	_ =	swait.ge [sflag:s19], $0x78  }
0x10f: {  	[sflag:s19] =	ssyncset.done $0x0  }
0x110: {  	[sflag:s19] =	ssyncadd.s32 $0xFFFFFF88  }
0x111: {  	_ =	swait.ge [sflag:s19], $0x78  }
0x112: {  	[sflag:s19] =	ssyncset.done $0x0  }
0x113: {  	[sflag:s19] =	ssyncadd.s32 $0xFFFFFF88  }
0x114: {  	_ =	swait.ge [sflag:s19], $0x78  }
0x115: {  	[sflag:s19] =	ssyncset.done $0x0  }
0x116: {  	[sflag:s19] =	ssyncadd.s32 $0xFFFFFF88  }
0x117: {  	[bflag:$0x0] =	sbarrier.arrive $0xFFFF  }
0x118: {  	[hbm:s10@s20], [sflag:s7] =	dma.strided [spmem:s13@s21], $0x50, s19, $0x10   }
0x119: {  	s22 =	sadd.s32 $0x1, s22;
	_ =	swait.ge [sflag:s14], $0x50  }
0x11a: {  	p0 =	sne.s32 s22, s12;
	[sflag:s14] =	ssyncset.done $0x0  }
.Ltmp2:
0x11b: {  	[sflag:s14] =	ssyncadd.s32 $0xFFFFFFB0;
	(pc) =	sbr.rel @p0 .LBB2_1-.Ltmp2, $4  }
0x11c: {  	[hbm:s11@s20], [sflag:s7] =	dma.strided [spmem:s15@s21], $0x50, s19, $0x10   }
0x11d: {  	_ =	swait.ge [sflag:s14], $0x50  }
0x11e: {  	[sflag:s14] =	ssyncset.done $0x0  }
0x11f: {  	[sflag:s14] =	ssyncadd.s32 $0xFFFFFFB0  }
0x120: {  	_ =	sfence.sel $0x180000  }
0x121: {  	[bflag:$0x0] =	sbarrier.arrive $0xFFFF  }
0x122: {  	p0 =	sne.s32 s2, $0x0;
	_ =	strace $0x90000047  }
0x123: {  	s0 =	sadd.s32 @!p0 $0x100000, s0;
	[bflag:$0x2] =	sbarrier.arrive $0xFFFF  }
0x124: {  	[sflag:s0] =	ssyncadd.tile.s32 @!p0 $0x1;
	_ =	shalt  }
.Lfunc_end2:
_tile_overlayer_lowered:
.L_overlay_start_2:
0x125: {  	(tag) =	ssettag $0x2  }
0x126: {  	s0 =	rddreg [dreg:$0x0];
	s2 =	stileid.u32  }
0x127: {  	s1 =	rddreg [dreg:$0x1];
	p0 =	sne.s32 s2, $0x0  }
0x128: {  	s3 =	rddreg [dreg:$0x2];
	[bflag:$0x3] =	sbarrier.arrive $0xFFFF;
	s2 =	simm.s32 @!p0 $0x1C02  }
0x129: {  	[timem:s3], [sflag:s2] =	dma.local @!p0 [hbm:s0], s1  }
0x12a: {  	s0 =	simm.s32 @!p0 $0x2  }
0x12b: {  	_ =	swait.ge @!p0 [sflag:s0], s1  }
0x12c: {  	s1 =	ssub.s32 @!p0 $0x0, s1;
	[sflag:s0] =	ssyncset.done @!p0 $0x0  }
0x12d: {  	[sflag:s0] =	ssyncadd.s32 @!p0 s1  }
0x12e: {  	[bflag:$0x3] =	sbarrier.arrive $0xFFFF  }
0x12f: {  	_ =	shalt  }

// kernel: kernel.9.cloned.1.call-start
scs
__scs_entry_jumppad:
0x0: {  	(pc) =	sbr.rel $0x88, $3  }
0x1: {  	(tag) =	ssettag $0x0;
	lr =	simm.s32 $0x1  }
0x2: {  	[smem:$0x3F9D] =	sst lr;
	_ =	strace $0xD0000000  }
0x3: {  	_ = 	snop  }
0x4: {  	_ = 	snop  }
0x5: {  	_ = 	snop  }
0x6: {  	_ = 	snop  }
0x7: {  	_ = 	snop  }
__scs_overlays_trampoline_lowered:
0x8: {  	[smem:$0x3FAC] =	sst s0  }
0x9: {  	[smem:$0x3FAD] =	sst s1  }
0xa: {  	[smem:$0x3FAE] =	sst s2  }
0xb: {  	[smem:$0x3FAF] =	sst s3  }
0xc: {  	[smem:$0x3FB0] =	sst s4  }
0xd: {  	[smem:$0x3FB1] =	sst s5  }
0xe: {  	[smem:$0x3FB2] =	sst s6  }
0xf: {  	[smem:$0x3FB3] =	sst s7  }
0x10: {  	[smem:$0x3FB4] =	sst s8  }
0x11: {  	[smem:$0x3FB5] =	sst s9;
	s0 =	simm.s32 @!p0 $0x0  }
0x12: {  	s1 =	sld [smem:$0x3F9B];
	s0 =	simm.s32 @p0 $0x1  }
0x13: {  	[smem:$0x3FB6] =	sst s0;
	s0 =	simm.s32 @!p1 $0x0  }
0x14: {  	s2 =	sld [smem:$0x3F9A];
	s0 =	simm.s32 @p1 $0x1  }
0x15: {  	[smem:$0x3FB7] =	sst s0;
	s0 =	simm.s32 @!p2 $0x0  }
0x16: {  	s3 =	sld [smem:$0x3FDB];
	s0 =	simm.s32 @p2 $0x1  }
0x17: {  	s4 =	simm.s32 $0x1BF5;
	[smem:$0x3FB9] =	sst s0  }
0x18: {  	s0 =	sld [smem:$0x3F9C];
	_ =	swait.ge [sflag:s4], $0x0  }
0x19: {  	s7 =	sld [smem:$0x3F9D]  }
0x1a: {  	s8 =	sadd.s32 $0xFFFFE003, lr  }
0x1b: {  	s9 =	sadd.s32 $0xFFFFFEF7, lr;
	s5 =	simm.s32 $0xFFFFFFFF;
	p2 =	slt.u32 s8, $0xFFFFF086  }
0x1c: {  	p1 =	slt.u32 s9, $0xF7A;
	s5 =	simm.s32 @!p2 $0x0  }
0x1d: {  	s5 =	simm.s32 @p1 $0x1;
	p0 =	seq.s32 s7, s2  }
0x1e: {  	s7 =	smul.u32 @!p0 $0xF7A, s2;
	p2 =	seq.s32 @!p0 s5, $0x0  }
0x1f: {  	s9 =	smul.u32 $0xF7A, s1;
	s8 =	simm.s32 @!p0 $0x1BF5;
	p2 =	por !p2, p0  }
0x20: {  	[sflag:s8] =	ssyncset.s32 @!p0 $0xFFFFF086;
	s6 =	sadd.s32 @!p0 s3, s7;
	s7 =	simm.s32 @!p0 $0x108  }
0x21: {  	s3 =	sadd.s32 s3, s9;
	s6 =	sadd.s32 @!p0 $0x88, s6;
	s7 =	simm.s32 @p2 $0x1082  }
0x22: {  	[simem:s7], [sflag:s8] =	dma.local @!p0 [hbm:s6], $0xF7A  }
0x23: {  	s9 =	sor.u32 $0xD0000000, s2;
	s6 =	simm.s32 $0x108;
	_ =	swait.ge @!p0 [sflag:s8], $0x0  }
0x24: {  	s3 =	sadd.s32 $0x88, s3;
	s6 =	simm.s32 @!p1 $0x1082;
	[sflag:s4] =	ssyncset.s32 $0xFFFFF086  }
0x25: {  	[simem:s6], [sflag:s4] =	dma.local [hbm:s3], $0xF7A  }
0x26: {  	[smem:$0x3F9D] =	sst s1;
	(tag) =	ssettag s2;
	_ =	strace s9  }
0x27: {  	s1 =	sld [smem:$0x3FAD]  }
0x28: {  	s2 =	sld [smem:$0x3FAE]  }
0x29: {  	s4 =	sld [smem:$0x3FB0]  }
0x2a: {  	p0 =	seq.s32 s5, $0x0;
	s5 =	sld [smem:$0x3FB1]  }
0x2b: {  	s6 =	sld [smem:$0x3FB2]  }
0x2c: {  	s7 =	sld [smem:$0x3FB3]  }
0x2d: {  	s3 =	simm.s32 $0x108;
	s8 =	sld [smem:$0x3FB4]  }
0x2e: {  	s3 =	simm.s32 @!p0 $0x1082;
	s9 =	sld [smem:$0x3FB5]  }
0x2f: {  	lr =	sadd.s32 s0, s3;
	s0 =	sld [smem:$0x3FAC]  }
0x30: {  	s3 =	sld [smem:$0x3FAF]  }
0x31: {  	[smem:$0x3FB8] =	sst s10  }
0x32: {  	s10 =	sld [smem:$0x3FB6];
	_ =	sdelay $0x3  }
0x33: {  	p0 =	seq.s32 s10, $0x1;
	s10 =	sld [smem:$0x3FB8];
	_ =	sdelay $0x3  }
0x34: {  	[smem:$0x3FB8] =	sst s10  }
0x35: {  	s10 =	sld [smem:$0x3FB7];
	_ =	sdelay $0x3  }
0x36: {  	p1 =	seq.s32 s10, $0x1;
	s10 =	sld [smem:$0x3FB8];
	_ =	sdelay $0x3  }
0x37: {  	[smem:$0x3FB8] =	sst s10  }
0x38: {  	s10 =	sld [smem:$0x3FB9]  }
0x39: {  	_ = 	snop;
	(pc) =	sbr.ind lr, $3  }
0x3a: {  	_ = 	snop  }
0x3b: {  	_ = 	snop  }
0x3c: {  	p2 =	seq.s32 s10, $0x1;
	s10 =	sld [smem:$0x3FB8]  }
0x3d: {  	_ =	shalt  }
0x3e: {  	_ =	shalt  }
0x3f: {  	_ =	shalt  }
0x40: {  	_ =	shalt  }
0x41: {  	_ =	shalt  }
0x42: {  	_ =	shalt  }
0x43: {  	_ =	shalt  }
0x44: {  	_ =	shalt  }
0x45: {  	_ =	shalt  }
0x46: {  	_ =	shalt  }
0x47: {  	_ =	shalt  }
0x48: {  	_ =	shalt  }
0x49: {  	_ =	shalt  }
0x4a: {  	_ =	shalt  }
0x4b: {  	_ =	shalt  }
0x4c: {  	_ =	shalt  }
0x4d: {  	_ =	shalt  }
0x4e: {  	_ =	shalt  }
0x4f: {  	_ =	shalt  }
0x50: {  	_ =	shalt  }
0x51: {  	_ =	shalt  }
0x52: {  	_ =	shalt  }
0x53: {  	_ =	shalt  }
0x54: {  	_ =	shalt  }
0x55: {  	_ =	shalt  }
0x56: {  	_ =	shalt  }
0x57: {  	_ =	shalt  }
0x58: {  	_ =	shalt  }
0x59: {  	_ =	shalt  }
0x5a: {  	_ =	shalt  }
0x5b: {  	_ =	shalt  }
0x5c: {  	_ =	shalt  }
0x5d: {  	_ =	shalt  }
0x5e: {  	_ =	shalt  }
0x5f: {  	_ =	shalt  }
0x60: {  	_ =	shalt  }
0x61: {  	_ =	shalt  }
0x62: {  	_ =	shalt  }
0x63: {  	_ =	shalt  }
0x64: {  	_ =	shalt  }
0x65: {  	_ =	shalt  }
0x66: {  	_ =	shalt  }
0x67: {  	_ =	shalt  }
0x68: {  	_ =	shalt  }
0x69: {  	_ =	shalt  }
0x6a: {  	_ =	shalt  }
0x6b: {  	_ =	shalt  }
0x6c: {  	_ =	shalt  }
0x6d: {  	_ =	shalt  }
0x6e: {  	_ =	shalt  }
0x6f: {  	_ =	shalt  }
0x70: {  	_ =	shalt  }
0x71: {  	_ =	shalt  }
0x72: {  	_ =	shalt  }
0x73: {  	_ =	shalt  }
0x74: {  	_ =	shalt  }
0x75: {  	_ =	shalt  }
0x76: {  	_ =	shalt  }
0x77: {  	_ =	shalt  }
0x78: {  	_ =	shalt  }
0x79: {  	_ =	shalt  }
0x7a: {  	_ =	shalt  }
0x7b: {  	_ =	shalt  }
0x7c: {  	_ =	shalt  }
0x7d: {  	_ =	shalt  }
0x7e: {  	_ =	shalt  }
0x7f: {  	_ =	shalt  }
0x80: {  	_ =	shalt  }
0x81: {  	_ =	shalt  }
0x82: {  	_ =	shalt  }
0x83: {  	_ =	shalt  }
0x84: {  	_ =	shalt  }
0x85: {  	_ =	shalt  }
0x86: {  	_ =	shalt  }
0x87: {  	_ =	shalt  }
.Lfunc_end0:
.L_simem_size_0:
called_computation.1_lowered:
.L_overlay_start_0:
0x88: {  	s2 =	sld [smem:$0x3FD9]  }
0x89: {  	s3 =	sld [smem:$0x3FFE];
	_ =	sdelay $0x1  }
0x8a: {  	s1 =	srdreg.scid  }
0x8b: {  	s0 =	sand.u32 $0x1, s1  }
0x8c: {  	s16 =	sshll.u32 s0, $0xA;
	s2 =	sadd.s32 s3, s2  }
0x8d: {  	s2 =	sadd.s32 s2, s16  }
0x8e: {  	[smem:$0x3FC4] =	sst s2  }
0x8f: {  	_ = 	snop  }
0x90: {  	(tm) =	ssettm $0x1  }
0x91: {  	s17 =	sld [smem:$0x3FFB];
	_ =	sdelay $0x3  }
0x92: {  	_ =	strace s17  }
0x93: {  	s2 =	sld [smem:$0x3FFC];
	_ =	sdelay $0x3  }
0x94: {  	_ =	strace s2  }
0x95: {  	s2 =	sld [smem:$0x3FFD];
	_ =	sdelay $0x3  }
0x96: {  	_ =	strace s2  }
0x97: {  	_ =	strace $0x8FFFFFFF  }
0x98: {  	s18 =	sld [smem:$0x3FDB];
	_ =	sdelay $0x1  }
0x99: {  	s19 =	simm.s32 $_scs_section_size  }
0x9a: {  	s4 =	simm.s32 $_size__tile_overlayer_lowered;
	s5 =	simm.s32 $_tile_overlayer_lowered  }
0x9b: {  	s22 =	simm.s32 $0x1BFF;
	s21 =	sshll.u32 s5, $0x1;
	s2 =	sadd.s32 s19, s18  }
0x9c: {  	s6 =	simm.s32 $0x0;
	s20 =	sshll.u32 s4, $0x1;
	s4 =	sadd.s32 s21, s2  }
0x9d: {  	[timem:s6], [sflag:s22] =	dma.local [hbm:s4], s20  }
0x9e: {  	_ =	swait.ge [sflag:s22], s20  }
0x9f: {  	s3 =	ssub.s32 $0x0, s20;
	[sflag:s22] =	ssyncset.done $0x0  }
0xa0: {  	[sflag:s22] =	ssyncadd.s32 s3;
	_ =	sdelay $0x1  }
0xa1: {  	s23 =	simm.s32 $0x1B8B  }
0xa2: {  	_ =	swait.ge [sflag:s23], $0x1  }
0xa3: {  	[sflag:s23] =	ssyncset.done $0x0  }
0xa4: {  	s25 =	simm.s32 $0x1B8E;
	s24 =	sld [smem:$0x3FFE];
	[sflag:s23] =	ssyncadd.s32 $0xFFFFFFFF  }
0xa5: {  	s26 =	simm.s32 $execute0_lowered;
	[smem:$0x3FD2] =	sst s25  }
0xa6: {  	s4 =	sshll.u32 s26, $0x1;
	_ =	strace $0x80000049;
	[dreg:$0x1] =	wrdreg $0xFFFFFFFF  }
0xa7: {  	s28 =	simm.s32 $_size_execute0_lowered;
	s2 =	sadd.s32 s2, s4;
	[dreg:$0x0] =	wrdreg $0x0  }
0xa8: {  	s4 =	sshll.u32 s28, $0x1;
	[dreg:$0x2] =	wrdreg s2  }
0xa9: {  	[dreg:$0x3] =	wrdreg s4  }
0xaa: {  	[dreg:$0x4] =	wrdreg $0xC0  }
0xab: {  	_ =	task [dreg:s6], $0x5FFFF  }
0xac: {  	[dreg:$0x1] =	wrdreg $0xFFFFFFFF  }
0xad: {  	[dreg:$0x0] =	wrdreg $0x60  }
0xae: {  	[dreg:$0x2] =	wrdreg s24  }
0xaf: {  	[dreg:$0x3] =	wrdreg $0x0  }
0xb0: {  	[dreg:$0x4] =	wrdreg $0x9  }
0xb1: {  	_ =	task.clear_ibuf [dreg:s6], $0x5FFFF;
	_ =	strace $0x90000049  }
0xb2: {  	s29 =	simm.s32 $0x9;
	_ =	strace $0x8000004B  }
0xb3: {  	_ =	swait.ge [sflag:s29], $0x1  }
0xb4: {  	[sflag:s29] =	ssyncadd.s32 $0xFFFFFFFF  }
0xb5: {  	_ =	strace $0x9000004B  }
0xb6: {  	_ =	sfence  }
0xb7: {  	s30 =	sld [smem:$0x0];
	_ =	sdelay $0x2  }
0xb8: {  	s31 =	sshll.u32 s1, $0xD;
	s1 =	sshrl.u32 s1, $0x2  }
0xb9: {  	s3 =	sand.u32 $0x4000, s31;
	s1 =	sadd.s32 s1, s30  }
0xba: {  	s0 =	sor.u32 s3, s0;
	s1 =	sshll.u32 s1, $0x11  }
0xbb: {  	s0 =	sor.u32 s1, s0  }
0xbc: {  	s0 =	sadd.s32 $0x8F2B, s0  }
0xbd: {  	[sflag:s0] =	ssyncadd.remote.s32 $0x1  }
0xbe: {  	_ =	sfence.sel $0xFFFF  }
0xbf: {  	[dreg:$0x0] =	wrdreg $0xFFFFFFFF;
	(pc) =	sbr.abs _section_cstart, $3  }
0xc0: {  	[dreg:$0x1] =	wrdreg $0xFFFFFFFF  }
0xc1: {  	_ =	task.clear_ibuf [dreg:s6], $0x2FFFF;
	_ =	strace $0x9FFFFFFF  }
0xc2: {  	(tm) =	ssettm $0x7FFFFFFF  }
0xc3: {  	_ =	shalt  }
tec
execute0_lowered:
.L_overlay_start_1:
0x0: {  	(tag) =	ssettag $0x1  }
0x1: {  	s6 =	rddreg [dreg:$0x0]  }
0x2: {  	s2 =	rddreg [dreg:$0x1]  }
0x3: {  	s3 =	simm.s32 $0x0;
	s14 =	stileid.u32;
	s8 =	srdreg.scid  }
0x4: {  	s28 =	simm.s32 $0x1C000;
	s29 =	simm.s32 $0x1;
	s30 =	simm.s32 $0x2  }
0x5: {  	[smem:$0x7FF] =	sst s3;
	s1 =	smul.u32 $0x13C00, s14;
	s0 =	sadd.s32 $0x64000, s6  }
0x6: {  	s5 =	sadd.s32 $0x2C000, s6;
	s4 =	sadd.s32 $0x13C000, s6;
	s9 =	smul.u32 $0x4F000, s14  }
0x7: {  	s8 =	sand.u32 $0x1, s8;
	s13 =	smul.u32 $0x7000, s14;
	s22 =	sshll.u32 s14, $0x6  }
0x8: {  	_ =	strace $0x8000004A;
	s10 =	ssub.s32 $0x2, s8;
	s11 =	smul.u32 $0xE0000, s8  }
0x9: {  	s31 =	sor.u32 $0x1C04, s22;
	s24 =	smul.u32 $0x278000, s8;
	s8 =	sshllo.u32 s8, $0x1  }
0xa: {  	s7 =	sshrl.u32 s1, $0x3;
	s12 =	sshrl.u32 s10, $0x1;
	s15 =	smul.u32 $0x70000, s8  }
0xb: {  	s9 =	sshrl.u32 s9, $0x2;
	s23 =	sadd.s32 $0x6C00, s13;
	s8 =	smul.u32 $0x13C000, s8  }
0xc: {  	[dreg:$0xd] =	wrdreg s31;
	s7 =	sadd.s32 s7, s6;
	s6 =	sadd.s32 $0x1DC000, s6  }
0xd: {  	s10 =	ssub.s32 s10, s12;
	s9 =	sadd.s32 s9, s2;
	s12 =	sadd.s32 s1, s24  }
0xe: {  	[dreg:$0xb] =	wrdreg s9;
	s7 =	sadd.s32 $0x1800, s7;
	s9 =	sadd.s32 s23, s15  }
0xf: {  	s1 =	sadd.s32 s1, s8;
	s8 =	simm.s32 $0x13E00;
	[dreg:$0xc] =	wrdreg s7  }
0x10: {  	s7 =	sadd.s32 s13, s11;
	s11 =	sadd.s32 s11, s23;
	s13 =	sadd.s32 s13, s15  }
0x11: {  	s9 =	sshrl.u32 s9, $0x3;
	s1 =	sshrl.u32 s1, $0x3;
	s15 =	simm.s32 $0x14480  }
0x12: {  	s25 =	sshrl.u32 s7, $0x3;
	s11 =	sshrl.u32 s11, $0x3;
	s18 =	sor.u32 $0x400, s7  }
0x13: {  	s20 =	sor.u32 $0x800, s7;
	s22 =	sadd.s32 s0, s9;
	s9 =	sadd.s32 s5, s9  }
0x14: {  	s24 =	sadd.s32 $0x70400, s7;
	s7 =	sadd.s32 $0x70800, s7;
	[dreg:$0x15] =	wrdreg s22  }
0x15: {  	s1 =	sadd.s32 s6, s1;
	s16 =	sadd.s32 s0, s25;
	[dreg:$0x16] =	wrdreg s9  }
0x16: {  	s14 =	sadd.s32 s5, s25;
	s26 =	sadd.s32 s0, s11;
	[dreg:$0x17] =	wrdreg s1  }
0x17: {  	s11 =	sadd.s32 s5, s11;
	s21 =	sshrl.u32 s20, $0x3;
	[dreg:$0xe] =	wrdreg s16  }
0x18: {  	s9 =	sshrl.u32 s24, $0x3;
	s7 =	sshrl.u32 s7, $0x3;
	[dreg:$0xf] =	wrdreg s14  }
0x19: {  	s20 =	simm.s32 $0x13C00;
	s22 =	simm.s32 $0x78;
	[dreg:$0x10] =	wrdreg s26  }
0x1a: {  	s24 =	simm.s32 $0x13C80;
	[dreg:$0x11] =	wrdreg s11;
	s14 =	sshrl.u32 s12, $0x3  }
0x1b: {  	s16 =	sshrl.u32 s13, $0x3;
	s23 =	sadd.s32 s21, s5;
	s25 =	sadd.s32 s21, s0  }
0x1c: {  	s26 =	sadd.s32 s9, s5;
	s9 =	sadd.s32 s9, s0;
	[dreg:$0x5] =	wrdreg s23  }
0x1d: {  	s21 =	simm.s32 $0x14000;
	s13 =	simm.s32 $0x14400;
	[dreg:$0x6] =	wrdreg s25  }
0x1e: {  	s11 =	sadd.s32 s6, s14;
	s17 =	sadd.s32 s0, s16;
	[dreg:$0x7] =	wrdreg s26  }
0x1f: {  	s12 =	sadd.s32 s5, s16;
	[dreg:$0x8] =	wrdreg s9;
	s23 =	simm.s32 $0x14800  }
0x20: {  	s25 =	simm.s32 $0x18400;
	s26 =	simm.s32 $0x13D00;
	[dreg:$0x12] =	wrdreg s11  }
0x21: {  	s6 =	simm.s32 $0x14080;
	s9 =	simm.s32 $0x13E80;
	[dreg:$0x13] =	wrdreg s17  }
0x22: {  	[dreg:$0x14] =	wrdreg s12;
	s11 =	sshrl.u32 s18, $0x3;
	s12 =	simm.s32 $0x0  }
0x23: {  	s14 =	simm.s32 $0x14280;
	s19 =	sadd.s32 s11, s5;
	[dreg:$0x19] =	wrdreg s12  }
0x24: {  	s16 =	simm.s32 $0x14500;
	s11 =	sadd.s32 s11, s0;
	[dreg:$0x3] =	wrdreg s19  }
0x25: {  	s17 =	simm.s32 $0x14580;
	s5 =	sadd.s32 s7, s5;
	[dreg:$0x4] =	wrdreg s11  }
0x26: {  	s18 =	simm.s32 $0x14600;
	s0 =	sadd.s32 s7, s0;
	[dreg:$0x9] =	wrdreg s5  }
0x27: {  	s7 =	simm.s32 $0x14100;
	s11 =	smax.u32 s10, $0x1;
	[dreg:$0xa] =	wrdreg s0  }
0x28: {  	s19 =	simm.s32 $0x4;
	s0 =	simm.s32 $0x3;
	s5 =	simm.s32 $0x13D80  }
0x29: {  	s10 =	simm.s32 $0x14180;
	[dreg:$0x18] =	wrdreg s11;
	s11 =	simm.s32 $0x14680  }
.LBB2_1:
0x2a: {  	s1 =	rddreg [dreg:$0xb]  }
0x2b: {  	s12 =	sshrl.u32 s1, $0x3;
	s1 =	rddreg [dreg:$0xc]  }
0x2c: {  	[dreg:$0x1a] =	wrdreg s12  }
0x2d: {  	[spmem:s12], [sflag:s31] =	dma.local [hbm:s1], $0x2780  }
0x2e: {  	_ =	swait.ge [sflag:s19], $0x2780  }
0x2f: {  	[sflag:s19] =	ssyncset.done $0x0  }
0x30: {  	[sflag:s19] =	ssyncadd.s32 $0xFFFFD880  }
0x31: {  	[bflag:$0x0] =	sbarrier.arrive $0xFFFF  }
0x32: {  	s31 =	rddreg [dreg:$0xe]  }
0x33: {  	[tilespmem:s20], [sflag:$0x4] =	stream.linear.gather [hbm4b:s31+s3], $0x300, $0x38;
	[tilespmem:$0x1FC00] =	vst v63  }
0x34: {  	_ =	swait.ge [sflag:s19], $0x300  }
0x35: {  	[sflag:s19] =	ssyncset.done $0x0  }
0x36: {  	s12 =	rddreg [dreg:$0xf];
	[sflag:s19] =	ssyncadd.s32 $0xFFFFFD00  }
0x37: {  	[tilespmem:s21], [sflag:$0x4] =	stream.linear.gather [hbm4b:s12+s3], $0x300, $0x38;
	[tilespmem:$0x1FC00] =	vst v63  }
0x38: {  	_ =	swait.ge [sflag:s19], $0x300  }
0x39: {  	[sflag:s19] =	ssyncset.done $0x0  }
0x3a: {  	[sflag:s19] =	ssyncadd.s32 $0xFFFFFD00  }
0x3b: {  	[tilespmem:s23], [sflag:$0x1] =	stream.indirect.gather [hbm4b:s4+s22], $0x80, s20, s22, $0xb8;
	[tilespmem:$0x1FC00] =	vst v63  }
0x3c: {  	_ = 	snop  }
0x3d: {  	[tilespmem:s25], [sflag:$0x2] =	stream.indirect.gather [hbm4b:s4+s22], $0x80, s24, s22, $0xb8;
	[tilespmem:$0x1FC00] =	vst v63  }
0x3e: {  	_ = 	snop  }
0x3f: {  	[tilespmem:s28], [sflag:$0x3] =	stream.indirect.gather [hbm4b:s4+s22], $0x80, s26, s22, $0xb8;
	[tilespmem:$0x1FC00] =	vst v63  }
0x40: {  	_ =	swait.ge [sflag:s29], $0x3C00  }
0x41: {  	[sflag:s29] =	ssyncset.done $0x0  }
0x42: {  	[sflag:s29] =	ssyncadd.s32 $0xFFFFC400  }
0x43: {  	[spmem:s2] =	stream.indirect.scatter.add.f32 [tilespmem:s23], [sflag:$0x1], $0x80, s21, s22, $0xb8;
	[tilespmem:$0x1FC00] =	vst v63  }
0x44: {  	_ =	swait.ge [sflag:s30], $0x3C00  }
0x45: {  	[sflag:s30] =	ssyncset.done $0x0  }
0x46: {  	[sflag:s30] =	ssyncadd.s32 $0xFFFFC400  }
0x47: {  	[spmem:s2] =	stream.indirect.scatter.add.f32 [tilespmem:s25], [sflag:$0x2], $0x80, s6, s22, $0xb8;
	[tilespmem:$0x1FC00] =	vst v63  }
0x48: {  	_ =	swait.ge [sflag:s0], $0x3C00  }
0x49: {  	[sflag:s0] =	ssyncset.done $0x0  }
0x4a: {  	[sflag:s0] =	ssyncadd.s32 $0xFFFFC400  }
0x4b: {  	[spmem:s2] =	stream.indirect.scatter.add.f32 [tilespmem:s28], [sflag:$0x3], $0x80, s7, s22, $0xb8;
	[tilespmem:$0x1FC00] =	vst v63  }
0x4c: {  	_ =	swait.ge [sflag:s29], $0x3C00  }
0x4d: {  	[sflag:s29] =	ssyncset.done $0x0  }
0x4e: {  	[sflag:s29] =	ssyncadd.s32 $0xFFFFC400  }
0x4f: {  	[tilespmem:s23], [sflag:$0x1] =	stream.indirect.gather [hbm4b:s4+s22], $0x80, s5, s22, $0xb8;
	[tilespmem:$0x1FC00] =	vst v63  }
0x50: {  	_ =	swait.ge [sflag:s30], $0x3C00  }
0x51: {  	[sflag:s30] =	ssyncset.done $0x0  }
0x52: {  	[sflag:s30] =	ssyncadd.s32 $0xFFFFC400  }
0x53: {  	[tilespmem:s25], [sflag:$0x2] =	stream.indirect.gather [hbm4b:s4+s22], $0x80, s8, s22, $0xb8;
	[tilespmem:$0x1FC00] =	vst v63  }
0x54: {  	_ =	swait.ge [sflag:s0], $0x3C00  }
0x55: {  	[sflag:s0] =	ssyncset.done $0x0  }
0x56: {  	[sflag:s0] =	ssyncadd.s32 $0xFFFFC400  }
0x57: {  	[tilespmem:s28], [sflag:$0x3] =	stream.indirect.gather [hbm4b:s4+s22], $0x80, s9, s22, $0xb8;
	[tilespmem:$0x1FC00] =	vst v63  }
0x58: {  	_ =	swait.ge [sflag:s29], $0x3C00  }
0x59: {  	[sflag:s29] =	ssyncset.done $0x0  }
0x5a: {  	[sflag:s29] =	ssyncadd.s32 $0xFFFFC400  }
0x5b: {  	[spmem:s2] =	stream.indirect.scatter.add.f32 [tilespmem:s23], [sflag:$0x1], $0x80, s10, s22, $0xb8;
	[tilespmem:$0x1FC00] =	vst v63  }
0x5c: {  	_ =	swait.ge [sflag:s30], $0x3C00  }
0x5d: {  	[sflag:s30] =	ssyncset.done $0x0  }
0x5e: {  	s12 =	simm.s32 $0x14200;
	[sflag:s30] =	ssyncadd.s32 $0xFFFFC400  }
0x5f: {  	[spmem:s2] =	stream.indirect.scatter.add.f32 [tilespmem:s25], [sflag:$0x2], $0x80, s12, s22, $0xb8;
	[tilespmem:$0x1FC00] =	vst v63  }
0x60: {  	_ =	swait.ge [sflag:s0], $0x3C00  }
0x61: {  	[sflag:s0] =	ssyncset.done $0x0  }
0x62: {  	s31 =	rddreg [dreg:$0x4];
	[sflag:s0] =	ssyncadd.s32 $0xFFFFC400  }
0x63: {  	[spmem:s2] =	stream.indirect.scatter.add.f32 [tilespmem:s28], [sflag:$0x3], $0x80, s14, s22, $0xb8;
	[tilespmem:$0x1FC00] =	vst v63  }
0x64: {  	s6 =	sadd.s32 $0x0, s31  }
0x65: {  	[tilespmem:s20], [sflag:$0x4] =	stream.linear.gather [hbm4b:s6+s3], $0x300, $0x38;
	[tilespmem:$0x1FC00] =	vst v63  }
0x66: {  	_ =	swait.ge [sflag:s19], $0x300  }
0x67: {  	s31 =	rddreg [dreg:$0x3];
	[sflag:s19] =	ssyncset.done $0x0  }
0x68: {  	[sflag:s19] =	ssyncadd.s32 $0xFFFFFD00;
	s6 =	sadd.s32 $0x0, s31  }
0x69: {  	[tilespmem:s13], [sflag:$0x4] =	stream.linear.gather [hbm4b:s6+s3], $0x300, $0x38;
	[tilespmem:$0x1FC00] =	vst v63  }
0x6a: {  	_ =	swait.ge [sflag:s19], $0x300  }
0x6b: {  	[sflag:s19] =	ssyncset.done $0x0  }
0x6c: {  	[sflag:s19] =	ssyncadd.s32 $0xFFFFFD00  }
0x6d: {  	_ =	swait.ge [sflag:s29], $0x3C00  }
0x6e: {  	[sflag:s29] =	ssyncset.done $0x0  }
0x6f: {  	[sflag:s29] =	ssyncadd.s32 $0xFFFFC400  }
0x70: {  	[tilespmem:s23], [sflag:$0x1] =	stream.indirect.gather [hbm4b:s4+s22], $0x80, s20, s22, $0xb8;
	[tilespmem:$0x1FC00] =	vst v63  }
0x71: {  	_ =	swait.ge [sflag:s30], $0x3C00  }
0x72: {  	[sflag:s30] =	ssyncset.done $0x0  }
0x73: {  	[sflag:s30] =	ssyncadd.s32 $0xFFFFC400  }
0x74: {  	[tilespmem:s25], [sflag:$0x2] =	stream.indirect.gather [hbm4b:s4+s22], $0x80, s24, s22, $0xb8;
	[tilespmem:$0x1FC00] =	vst v63  }
0x75: {  	_ =	swait.ge [sflag:s0], $0x3C00  }
0x76: {  	[sflag:s0] =	ssyncset.done $0x0  }
0x77: {  	[sflag:s0] =	ssyncadd.s32 $0xFFFFC400  }
0x78: {  	[tilespmem:s28], [sflag:$0x3] =	stream.indirect.gather [hbm4b:s4+s22], $0x80, s26, s22, $0xb8;
	[tilespmem:$0x1FC00] =	vst v63  }
0x79: {  	_ =	swait.ge [sflag:s29], $0x3C00  }
0x7a: {  	[sflag:s29] =	ssyncset.done $0x0  }
0x7b: {  	[sflag:s29] =	ssyncadd.s32 $0xFFFFC400  }
0x7c: {  	[spmem:s2] =	stream.indirect.scatter.add.f32 [tilespmem:s23], [sflag:$0x1], $0x80, s13, s22, $0xb8;
	[tilespmem:$0x1FC00] =	vst v63  }
0x7d: {  	_ =	swait.ge [sflag:s30], $0x3C00  }
0x7e: {  	[sflag:s30] =	ssyncset.done $0x0  }
0x7f: {  	[sflag:s30] =	ssyncadd.s32 $0xFFFFC400  }
0x80: {  	[spmem:s2] =	stream.indirect.scatter.add.f32 [tilespmem:s25], [sflag:$0x2], $0x80, s15, s22, $0xb8;
	[tilespmem:$0x1FC00] =	vst v63  }
0x81: {  	_ =	swait.ge [sflag:s0], $0x3C00  }
0x82: {  	[sflag:s0] =	ssyncset.done $0x0  }
0x83: {  	[sflag:s0] =	ssyncadd.s32 $0xFFFFC400  }
0x84: {  	[spmem:s2] =	stream.indirect.scatter.add.f32 [tilespmem:s28], [sflag:$0x3], $0x80, s16, s22, $0xb8;
	[tilespmem:$0x1FC00] =	vst v63  }
0x85: {  	_ =	swait.ge [sflag:s29], $0x3C00  }
0x86: {  	[sflag:s29] =	ssyncset.done $0x0  }
0x87: {  	[sflag:s29] =	ssyncadd.s32 $0xFFFFC400  }
0x88: {  	[tilespmem:s23], [sflag:$0x1] =	stream.indirect.gather [hbm4b:s4+s22], $0x80, s5, s22, $0xb8;
	[tilespmem:$0x1FC00] =	vst v63  }
0x89: {  	_ =	swait.ge [sflag:s30], $0x3C00  }
0x8a: {  	[sflag:s30] =	ssyncset.done $0x0  }
0x8b: {  	[sflag:s30] =	ssyncadd.s32 $0xFFFFC400  }
0x8c: {  	[tilespmem:s25], [sflag:$0x2] =	stream.indirect.gather [hbm4b:s4+s22], $0x80, s8, s22, $0xb8;
	[tilespmem:$0x1FC00] =	vst v63  }
0x8d: {  	_ =	swait.ge [sflag:s0], $0x3C00  }
0x8e: {  	[sflag:s0] =	ssyncset.done $0x0  }
0x8f: {  	[sflag:s0] =	ssyncadd.s32 $0xFFFFC400  }
0x90: {  	[tilespmem:s28], [sflag:$0x3] =	stream.indirect.gather [hbm4b:s4+s22], $0x80, s9, s22, $0xb8;
	[tilespmem:$0x1FC00] =	vst v63  }
0x91: {  	_ =	swait.ge [sflag:s29], $0x3C00  }
0x92: {  	[sflag:s29] =	ssyncset.done $0x0  }
0x93: {  	[sflag:s29] =	ssyncadd.s32 $0xFFFFC400  }
0x94: {  	[spmem:s2] =	stream.indirect.scatter.add.f32 [tilespmem:s23], [sflag:$0x1], $0x80, s17, s22, $0xb8;
	[tilespmem:$0x1FC00] =	vst v63  }
0x95: {  	_ =	swait.ge [sflag:s30], $0x3C00  }
0x96: {  	[sflag:s30] =	ssyncset.done $0x0  }
0x97: {  	[sflag:s30] =	ssyncadd.s32 $0xFFFFC400  }
0x98: {  	[spmem:s2] =	stream.indirect.scatter.add.f32 [tilespmem:s25], [sflag:$0x2], $0x80, s18, s22, $0xb8;
	[tilespmem:$0x1FC00] =	vst v63  }
0x99: {  	_ =	swait.ge [sflag:s0], $0x3C00  }
0x9a: {  	[sflag:s0] =	ssyncset.done $0x0  }
0x9b: {  	s31 =	rddreg [dreg:$0x6];
	[sflag:s0] =	ssyncadd.s32 $0xFFFFC400  }
0x9c: {  	[spmem:s2] =	stream.indirect.scatter.add.f32 [tilespmem:s28], [sflag:$0x3], $0x80, s11, s22, $0xb8;
	[tilespmem:$0x1FC00] =	vst v63  }
0x9d: {  	s6 =	sadd.s32 $0x0, s31  }
0x9e: {  	[tilespmem:s20], [sflag:$0x4] =	stream.linear.gather [hbm4b:s6+s3], $0x300, $0x38;
	[tilespmem:$0x1FC00] =	vst v63  }
0x9f: {  	_ =	swait.ge [sflag:s19], $0x300  }
0xa0: {  	s31 =	rddreg [dreg:$0x5];
	[sflag:s19] =	ssyncset.done $0x0  }
0xa1: {  	[sflag:s19] =	ssyncadd.s32 $0xFFFFFD00;
	s6 =	sadd.s32 $0x0, s31  }
0xa2: {  	[tilespmem:s21], [sflag:$0x4] =	stream.linear.gather [hbm4b:s6+s3], $0x300, $0x38;
	[tilespmem:$0x1FC00] =	vst v63  }
0xa3: {  	_ =	swait.ge [sflag:s19], $0x300  }
0xa4: {  	[sflag:s19] =	ssyncset.done $0x0  }
0xa5: {  	[sflag:s19] =	ssyncadd.s32 $0xFFFFFD00  }
0xa6: {  	_ =	swait.ge [sflag:s29], $0x3C00  }
0xa7: {  	[sflag:s29] =	ssyncset.done $0x0  }
0xa8: {  	[sflag:s29] =	ssyncadd.s32 $0xFFFFC400  }
0xa9: {  	[tilespmem:s23], [sflag:$0x1] =	stream.indirect.gather [hbm4b:s4+s22], $0x80, s20, s22, $0xb8;
	[tilespmem:$0x1FC00] =	vst v63  }
0xaa: {  	_ =	swait.ge [sflag:s30], $0x3C00  }
0xab: {  	[sflag:s30] =	ssyncset.done $0x0  }
0xac: {  	[sflag:s30] =	ssyncadd.s32 $0xFFFFC400  }
0xad: {  	[tilespmem:s25], [sflag:$0x2] =	stream.indirect.gather [hbm4b:s4+s22], $0x80, s24, s22, $0xb8;
	[tilespmem:$0x1FC00] =	vst v63  }
0xae: {  	_ =	swait.ge [sflag:s0], $0x3C00  }
0xaf: {  	[sflag:s0] =	ssyncset.done $0x0  }
0xb0: {  	[sflag:s0] =	ssyncadd.s32 $0xFFFFC400  }
0xb1: {  	[tilespmem:s28], [sflag:$0x3] =	stream.indirect.gather [hbm4b:s4+s22], $0x80, s26, s22, $0xb8;
	[tilespmem:$0x1FC00] =	vst v63  }
0xb2: {  	_ =	swait.ge [sflag:s29], $0x3C00  }
0xb3: {  	[sflag:s29] =	ssyncset.done $0x0  }
0xb4: {  	[sflag:s29] =	ssyncadd.s32 $0xFFFFC400  }
0xb5: {  	[spmem:s2] =	stream.indirect.scatter.add.f32 [tilespmem:s23], [sflag:$0x1], $0x80, s21, s22, $0xb8;
	[tilespmem:$0x1FC00] =	vst v63  }
0xb6: {  	_ =	swait.ge [sflag:s30], $0x3C00  }
0xb7: {  	[sflag:s30] =	ssyncset.done $0x0  }
0xb8: {  	s1 =	simm.s32 $0x14080;
	[sflag:s30] =	ssyncadd.s32 $0xFFFFC400  }
0xb9: {  	[spmem:s2] =	stream.indirect.scatter.add.f32 [tilespmem:s25], [sflag:$0x2], $0x80, s1, s22, $0xb8;
	[tilespmem:$0x1FC00] =	vst v63  }
0xba: {  	_ =	swait.ge [sflag:s0], $0x3C00  }
0xbb: {  	[sflag:s0] =	ssyncset.done $0x0  }
0xbc: {  	[sflag:s0] =	ssyncadd.s32 $0xFFFFC400  }
0xbd: {  	[spmem:s2] =	stream.indirect.scatter.add.f32 [tilespmem:s28], [sflag:$0x3], $0x80, s7, s22, $0xb8;
	[tilespmem:$0x1FC00] =	vst v63  }
0xbe: {  	_ =	swait.ge [sflag:s29], $0x3C00  }
0xbf: {  	[sflag:s29] =	ssyncset.done $0x0  }
0xc0: {  	[sflag:s29] =	ssyncadd.s32 $0xFFFFC400  }
0xc1: {  	[tilespmem:s23], [sflag:$0x1] =	stream.indirect.gather [hbm4b:s4+s22], $0x80, s5, s22, $0xb8;
	[tilespmem:$0x1FC00] =	vst v63  }
0xc2: {  	_ =	swait.ge [sflag:s30], $0x3C00  }
0xc3: {  	[sflag:s30] =	ssyncset.done $0x0  }
0xc4: {  	[sflag:s30] =	ssyncadd.s32 $0xFFFFC400  }
0xc5: {  	[tilespmem:s25], [sflag:$0x2] =	stream.indirect.gather [hbm4b:s4+s22], $0x80, s8, s22, $0xb8;
	[tilespmem:$0x1FC00] =	vst v63  }
0xc6: {  	_ =	swait.ge [sflag:s0], $0x3C00  }
0xc7: {  	[sflag:s0] =	ssyncset.done $0x0  }
0xc8: {  	[sflag:s0] =	ssyncadd.s32 $0xFFFFC400  }
0xc9: {  	[tilespmem:s28], [sflag:$0x3] =	stream.indirect.gather [hbm4b:s4+s22], $0x80, s9, s22, $0xb8;
	[tilespmem:$0x1FC00] =	vst v63  }
0xca: {  	_ =	swait.ge [sflag:s29], $0x3C00  }
0xcb: {  	[sflag:s29] =	ssyncset.done $0x0  }
0xcc: {  	[sflag:s29] =	ssyncadd.s32 $0xFFFFC400  }
0xcd: {  	[spmem:s2] =	stream.indirect.scatter.add.f32 [tilespmem:s23], [sflag:$0x1], $0x80, s10, s22, $0xb8;
	[tilespmem:$0x1FC00] =	vst v63  }
0xce: {  	_ =	swait.ge [sflag:s30], $0x3C00  }
0xcf: {  	[sflag:s30] =	ssyncset.done $0x0  }
0xd0: {  	s7 =	simm.s32 $0x100;
	[sflag:s30] =	ssyncadd.s32 $0xFFFFC400  }
0xd1: {  	[spmem:s2] =	stream.indirect.scatter.add.f32 [tilespmem:s25], [sflag:$0x2], $0x80, s12, s22, $0xb8;
	[tilespmem:$0x1FC00] =	vst v63  }
0xd2: {  	s10 =	simm.s32 $0x14180;
	s12 =	simm.s32 $0x14100;
	_ =	swait.ge [sflag:s0], $0x3C00  }
.LBB2_2:
0xd3: {  	[sflag:s0] =	ssyncset.done $0x0  }
0xd4: {  	s1 =	rddreg [dreg:$0x4];
	s6 =	smov.u32 s7;
	[sflag:s0] =	ssyncadd.s32 $0xFFFFC400  }
0xd5: {  	[spmem:s2] =	stream.indirect.scatter.add.f32 [tilespmem:s28], [sflag:$0x3], $0x80, s14, s22, $0xb8;
	[tilespmem:$0x1FC00] =	vst v63  }
0xd6: {  	s1 =	sadd.s32 s6, s1  }
0xd7: {  	[tilespmem:s20], [sflag:$0x4] =	stream.linear.gather [hbm4b:s1+s3], $0x300, $0x38;
	[tilespmem:$0x1FC00] =	vst v63  }
0xd8: {  	s31 =	sadd.s32 $0x100, s7;
	_ =	swait.ge [sflag:s19], $0x300  }
0xd9: {  	p0 =	sne.s32 s7, $0xC00;
	s7 =	rddreg [dreg:$0x3];
	[sflag:s19] =	ssyncset.done $0x0  }
0xda: {  	[sflag:s19] =	ssyncadd.s32 $0xFFFFFD00;
	s1 =	sadd.s32 s6, s7  }
0xdb: {  	[tilespmem:s13], [sflag:$0x4] =	stream.linear.gather [hbm4b:s1+s3], $0x300, $0x38;
	[tilespmem:$0x1FC00] =	vst v63  }
0xdc: {  	_ =	swait.ge [sflag:s19], $0x300  }
0xdd: {  	[sflag:s19] =	ssyncset.done $0x0  }
0xde: {  	[sflag:s19] =	ssyncadd.s32 $0xFFFFFD00  }
0xdf: {  	_ =	swait.ge [sflag:s29], $0x3C00  }
0xe0: {  	[sflag:s29] =	ssyncset.done $0x0  }
0xe1: {  	[sflag:s29] =	ssyncadd.s32 $0xFFFFC400  }
0xe2: {  	[tilespmem:s23], [sflag:$0x1] =	stream.indirect.gather [hbm4b:s4+s22], $0x80, s20, s22, $0xb8;
	[tilespmem:$0x1FC00] =	vst v63  }
0xe3: {  	_ =	swait.ge [sflag:s30], $0x3C00  }
0xe4: {  	[sflag:s30] =	ssyncset.done $0x0  }
0xe5: {  	[sflag:s30] =	ssyncadd.s32 $0xFFFFC400  }
0xe6: {  	[tilespmem:s25], [sflag:$0x2] =	stream.indirect.gather [hbm4b:s4+s22], $0x80, s24, s22, $0xb8;
	[tilespmem:$0x1FC00] =	vst v63  }
0xe7: {  	_ =	swait.ge [sflag:s0], $0x3C00  }
0xe8: {  	[sflag:s0] =	ssyncset.done $0x0  }
0xe9: {  	[sflag:s0] =	ssyncadd.s32 $0xFFFFC400  }
0xea: {  	[tilespmem:s28], [sflag:$0x3] =	stream.indirect.gather [hbm4b:s4+s22], $0x80, s26, s22, $0xb8;
	[tilespmem:$0x1FC00] =	vst v63  }
0xeb: {  	_ =	swait.ge [sflag:s29], $0x3C00  }
0xec: {  	[sflag:s29] =	ssyncset.done $0x0  }
0xed: {  	[sflag:s29] =	ssyncadd.s32 $0xFFFFC400  }
0xee: {  	[spmem:s2] =	stream.indirect.scatter.add.f32 [tilespmem:s23], [sflag:$0x1], $0x80, s13, s22, $0xb8;
	[tilespmem:$0x1FC00] =	vst v63  }
0xef: {  	_ =	swait.ge [sflag:s30], $0x3C00  }
0xf0: {  	[sflag:s30] =	ssyncset.done $0x0  }
0xf1: {  	[sflag:s30] =	ssyncadd.s32 $0xFFFFC400  }
0xf2: {  	[spmem:s2] =	stream.indirect.scatter.add.f32 [tilespmem:s25], [sflag:$0x2], $0x80, s15, s22, $0xb8;
	[tilespmem:$0x1FC00] =	vst v63  }
0xf3: {  	_ =	swait.ge [sflag:s0], $0x3C00  }
0xf4: {  	[sflag:s0] =	ssyncset.done $0x0  }
0xf5: {  	[sflag:s0] =	ssyncadd.s32 $0xFFFFC400  }
0xf6: {  	[spmem:s2] =	stream.indirect.scatter.add.f32 [tilespmem:s28], [sflag:$0x3], $0x80, s16, s22, $0xb8;
	[tilespmem:$0x1FC00] =	vst v63  }
0xf7: {  	_ =	swait.ge [sflag:s29], $0x3C00  }
0xf8: {  	[sflag:s29] =	ssyncset.done $0x0  }
0xf9: {  	[sflag:s29] =	ssyncadd.s32 $0xFFFFC400  }
0xfa: {  	[tilespmem:s23], [sflag:$0x1] =	stream.indirect.gather [hbm4b:s4+s22], $0x80, s5, s22, $0xb8;
	[tilespmem:$0x1FC00] =	vst v63  }
0xfb: {  	_ =	swait.ge [sflag:s30], $0x3C00  }
0xfc: {  	[sflag:s30] =	ssyncset.done $0x0  }
0xfd: {  	[sflag:s30] =	ssyncadd.s32 $0xFFFFC400  }
0xfe: {  	[tilespmem:s25], [sflag:$0x2] =	stream.indirect.gather [hbm4b:s4+s22], $0x80, s8, s22, $0xb8;
	[tilespmem:$0x1FC00] =	vst v63  }
0xff: {  	_ =	swait.ge [sflag:s0], $0x3C00  }
0x100: {  	[sflag:s0] =	ssyncset.done $0x0  }
0x101: {  	[sflag:s0] =	ssyncadd.s32 $0xFFFFC400  }
0x102: {  	[tilespmem:s28], [sflag:$0x3] =	stream.indirect.gather [hbm4b:s4+s22], $0x80, s9, s22, $0xb8;
	[tilespmem:$0x1FC00] =	vst v63  }
0x103: {  	_ =	swait.ge [sflag:s29], $0x3C00  }
0x104: {  	[sflag:s29] =	ssyncset.done $0x0  }
0x105: {  	[sflag:s29] =	ssyncadd.s32 $0xFFFFC400  }
0x106: {  	[spmem:s2] =	stream.indirect.scatter.add.f32 [tilespmem:s23], [sflag:$0x1], $0x80, s17, s22, $0xb8;
	[tilespmem:$0x1FC00] =	vst v63  }
0x107: {  	_ =	swait.ge [sflag:s30], $0x3C00  }
0x108: {  	[sflag:s30] =	ssyncset.done $0x0  }
0x109: {  	[sflag:s30] =	ssyncadd.s32 $0xFFFFC400  }
0x10a: {  	[spmem:s2] =	stream.indirect.scatter.add.f32 [tilespmem:s25], [sflag:$0x2], $0x80, s18, s22, $0xb8;
	[tilespmem:$0x1FC00] =	vst v63  }
0x10b: {  	_ =	swait.ge [sflag:s0], $0x3C00  }
0x10c: {  	[sflag:s0] =	ssyncset.done $0x0  }
0x10d: {  	s7 =	rddreg [dreg:$0x6];
	[sflag:s0] =	ssyncadd.s32 $0xFFFFC400  }
0x10e: {  	[spmem:s2] =	stream.indirect.scatter.add.f32 [tilespmem:s28], [sflag:$0x3], $0x80, s11, s22, $0xb8;
	[tilespmem:$0x1FC00] =	vst v63  }
0x10f: {  	s1 =	sadd.s32 s6, s7  }
0x110: {  	[tilespmem:s20], [sflag:$0x4] =	stream.linear.gather [hbm4b:s1+s3], $0x300, $0x38;
	[tilespmem:$0x1FC00] =	vst v63  }
0x111: {  	_ =	swait.ge [sflag:s19], $0x300  }
0x112: {  	s7 =	rddreg [dreg:$0x5];
	[sflag:s19] =	ssyncset.done $0x0  }
0x113: {  	[sflag:s19] =	ssyncadd.s32 $0xFFFFFD00;
	s1 =	sadd.s32 s6, s7  }
0x114: {  	[tilespmem:s21], [sflag:$0x4] =	stream.linear.gather [hbm4b:s1+s3], $0x300, $0x38;
	[tilespmem:$0x1FC00] =	vst v63  }
0x115: {  	_ =	swait.ge [sflag:s19], $0x300  }
0x116: {  	[sflag:s19] =	ssyncset.done $0x0  }
0x117: {  	[sflag:s19] =	ssyncadd.s32 $0xFFFFFD00  }
0x118: {  	_ =	swait.ge [sflag:s29], $0x3C00  }
0x119: {  	[sflag:s29] =	ssyncset.done $0x0  }
0x11a: {  	[sflag:s29] =	ssyncadd.s32 $0xFFFFC400  }
0x11b: {  	[tilespmem:s23], [sflag:$0x1] =	stream.indirect.gather [hbm4b:s4+s22], $0x80, s20, s22, $0xb8;
	[tilespmem:$0x1FC00] =	vst v63  }
0x11c: {  	_ =	swait.ge [sflag:s30], $0x3C00  }
0x11d: {  	[sflag:s30] =	ssyncset.done $0x0  }
0x11e: {  	[sflag:s30] =	ssyncadd.s32 $0xFFFFC400  }
0x11f: {  	[tilespmem:s25], [sflag:$0x2] =	stream.indirect.gather [hbm4b:s4+s22], $0x80, s24, s22, $0xb8;
	[tilespmem:$0x1FC00] =	vst v63  }
0x120: {  	_ =	swait.ge [sflag:s0], $0x3C00  }
0x121: {  	[sflag:s0] =	ssyncset.done $0x0  }
0x122: {  	[sflag:s0] =	ssyncadd.s32 $0xFFFFC400  }
0x123: {  	[tilespmem:s28], [sflag:$0x3] =	stream.indirect.gather [hbm4b:s4+s22], $0x80, s26, s22, $0xb8;
	[tilespmem:$0x1FC00] =	vst v63  }
0x124: {  	_ =	swait.ge [sflag:s29], $0x3C00  }
0x125: {  	[sflag:s29] =	ssyncset.done $0x0  }
0x126: {  	[sflag:s29] =	ssyncadd.s32 $0xFFFFC400  }
0x127: {  	[spmem:s2] =	stream.indirect.scatter.add.f32 [tilespmem:s23], [sflag:$0x1], $0x80, s21, s22, $0xb8;
	[tilespmem:$0x1FC00] =	vst v63  }
0x128: {  	_ =	swait.ge [sflag:s30], $0x3C00  }
0x129: {  	[sflag:s30] =	ssyncset.done $0x0  }
0x12a: {  	s6 =	simm.s32 $0x14080;
	[sflag:s30] =	ssyncadd.s32 $0xFFFFC400  }
0x12b: {  	[spmem:s2] =	stream.indirect.scatter.add.f32 [tilespmem:s25], [sflag:$0x2], $0x80, s6, s22, $0xb8;
	[tilespmem:$0x1FC00] =	vst v63  }
0x12c: {  	_ =	swait.ge [sflag:s0], $0x3C00  }
0x12d: {  	[sflag:s0] =	ssyncset.done $0x0  }
0x12e: {  	[sflag:s0] =	ssyncadd.s32 $0xFFFFC400  }
0x12f: {  	[spmem:s2] =	stream.indirect.scatter.add.f32 [tilespmem:s28], [sflag:$0x3], $0x80, s12, s22, $0xb8;
	[tilespmem:$0x1FC00] =	vst v63  }
0x130: {  	_ =	swait.ge [sflag:s29], $0x3C00  }
0x131: {  	[sflag:s29] =	ssyncset.done $0x0  }
0x132: {  	[sflag:s29] =	ssyncadd.s32 $0xFFFFC400  }
0x133: {  	[tilespmem:s23], [sflag:$0x1] =	stream.indirect.gather [hbm4b:s4+s22], $0x80, s5, s22, $0xb8;
	[tilespmem:$0x1FC00] =	vst v63  }
0x134: {  	_ =	swait.ge [sflag:s30], $0x3C00  }
0x135: {  	[sflag:s30] =	ssyncset.done $0x0  }
0x136: {  	[sflag:s30] =	ssyncadd.s32 $0xFFFFC400  }
0x137: {  	[tilespmem:s25], [sflag:$0x2] =	stream.indirect.gather [hbm4b:s4+s22], $0x80, s8, s22, $0xb8;
	[tilespmem:$0x1FC00] =	vst v63  }
0x138: {  	_ =	swait.ge [sflag:s0], $0x3C00  }
0x139: {  	[sflag:s0] =	ssyncset.done $0x0  }
0x13a: {  	[sflag:s0] =	ssyncadd.s32 $0xFFFFC400  }
0x13b: {  	[tilespmem:s28], [sflag:$0x3] =	stream.indirect.gather [hbm4b:s4+s22], $0x80, s9, s22, $0xb8;
	[tilespmem:$0x1FC00] =	vst v63  }
0x13c: {  	_ =	swait.ge [sflag:s29], $0x3C00  }
0x13d: {  	[sflag:s29] =	ssyncset.done $0x0  }
0x13e: {  	[sflag:s29] =	ssyncadd.s32 $0xFFFFC400  }
0x13f: {  	[spmem:s2] =	stream.indirect.scatter.add.f32 [tilespmem:s23], [sflag:$0x1], $0x80, s10, s22, $0xb8;
	[tilespmem:$0x1FC00] =	vst v63  }
.Ltmp0:
0x140: {  	_ =	swait.ge [sflag:s30], $0x3C00;
	(pc) =	sbr.rel @p0 .LBB2_2-.Ltmp0, $4  }
0x141: {  	[sflag:s30] =	ssyncset.done $0x0  }
0x142: {  	s7 =	simm.s32 $0x14200;
	[sflag:s30] =	ssyncadd.s32 $0xFFFFC400  }
0x143: {  	[spmem:s2] =	stream.indirect.scatter.add.f32 [tilespmem:s25], [sflag:$0x2], $0x80, s7, s22, $0xb8;
	[tilespmem:$0x1FC00] =	vst v63  }
0x144: {  	s7 =	smov.u32 s31;
	_ =	swait.ge [sflag:s0], $0x3C00  }
0x145: {  	[sflag:s0] =	ssyncset.done $0x0  }
0x146: {  	s10 =	simm.s32 $0x14280;
	[sflag:s0] =	ssyncadd.s32 $0xFFFFC400  }
0x147: {  	[spmem:s2] =	stream.indirect.scatter.add.f32 [tilespmem:s28], [sflag:$0x3], $0x80, s10, s22, $0xb8;
	[tilespmem:$0x1FC00] =	vst v63  }
0x148: {  	s6 =	simm.s32 $0x0;
	s1 =	rddreg [dreg:$0x10]  }
0x149: {  	[tilespmem:s20], [sflag:$0x4] =	stream.linear.gather [hbm4b:s1+s6], $0x300, $0x38;
	[tilespmem:$0x1FC00] =	vst v63  }
0x14a: {  	_ =	swait.ge [sflag:s19], $0x300  }
0x14b: {  	[sflag:s19] =	ssyncset.done $0x0  }
0x14c: {  	s7 =	rddreg [dreg:$0x11];
	[sflag:s19] =	ssyncadd.s32 $0xFFFFFD00  }
0x14d: {  	[tilespmem:s13], [sflag:$0x4] =	stream.linear.gather [hbm4b:s7+s6], $0x300, $0x38;
	[tilespmem:$0x1FC00] =	vst v63  }
0x14e: {  	_ =	swait.ge [sflag:s19], $0x300  }
0x14f: {  	[sflag:s19] =	ssyncset.done $0x0  }
0x150: {  	[sflag:s19] =	ssyncadd.s32 $0xFFFFFD00  }
0x151: {  	_ =	swait.ge [sflag:s29], $0x3C00  }
0x152: {  	[sflag:s29] =	ssyncset.done $0x0  }
0x153: {  	[sflag:s29] =	ssyncadd.s32 $0xFFFFC400  }
0x154: {  	[tilespmem:s23], [sflag:$0x1] =	stream.indirect.gather [hbm4b:s4+s22], $0x80, s20, s22, $0xb8;
	[tilespmem:$0x1FC00] =	vst v63  }
0x155: {  	_ =	swait.ge [sflag:s30], $0x3C00  }
0x156: {  	[sflag:s30] =	ssyncset.done $0x0  }
0x157: {  	[sflag:s30] =	ssyncadd.s32 $0xFFFFC400  }
0x158: {  	[tilespmem:s25], [sflag:$0x2] =	stream.indirect.gather [hbm4b:s4+s22], $0x80, s24, s22, $0xb8;
	[tilespmem:$0x1FC00] =	vst v63  }
0x159: {  	_ =	swait.ge [sflag:s0], $0x3C00  }
0x15a: {  	[sflag:s0] =	ssyncset.done $0x0  }
0x15b: {  	[sflag:s0] =	ssyncadd.s32 $0xFFFFC400  }
0x15c: {  	[tilespmem:s28], [sflag:$0x3] =	stream.indirect.gather [hbm4b:s4+s22], $0x80, s26, s22, $0xb8;
	[tilespmem:$0x1FC00] =	vst v63  }
0x15d: {  	_ =	swait.ge [sflag:s29], $0x3C00  }
0x15e: {  	[sflag:s29] =	ssyncset.done $0x0  }
0x15f: {  	[sflag:s29] =	ssyncadd.s32 $0xFFFFC400  }
0x160: {  	[spmem:s2] =	stream.indirect.scatter.add.f32 [tilespmem:s23], [sflag:$0x1], $0x80, s13, s22, $0xb8;
	[tilespmem:$0x1FC00] =	vst v63  }
0x161: {  	_ =	swait.ge [sflag:s30], $0x3C00  }
0x162: {  	[sflag:s30] =	ssyncset.done $0x0  }
0x163: {  	s16 =	simm.s32 $0x14480;
	[sflag:s30] =	ssyncadd.s32 $0xFFFFC400  }
0x164: {  	[spmem:s2] =	stream.indirect.scatter.add.f32 [tilespmem:s25], [sflag:$0x2], $0x80, s16, s22, $0xb8;
	[tilespmem:$0x1FC00] =	vst v63  }
0x165: {  	_ =	swait.ge [sflag:s0], $0x3C00  }
0x166: {  	[sflag:s0] =	ssyncset.done $0x0  }
0x167: {  	s17 =	simm.s32 $0x14500;
	[sflag:s0] =	ssyncadd.s32 $0xFFFFC400  }
0x168: {  	[spmem:s2] =	stream.indirect.scatter.add.f32 [tilespmem:s28], [sflag:$0x3], $0x80, s17, s22, $0xb8;
	[tilespmem:$0x1FC00] =	vst v63  }
0x169: {  	_ =	swait.ge [sflag:s29], $0x3C00  }
0x16a: {  	[sflag:s29] =	ssyncset.done $0x0  }
0x16b: {  	[sflag:s29] =	ssyncadd.s32 $0xFFFFC400  }
0x16c: {  	[tilespmem:s23], [sflag:$0x1] =	stream.indirect.gather [hbm4b:s4+s22], $0x80, s5, s22, $0xb8;
	[tilespmem:$0x1FC00] =	vst v63  }
0x16d: {  	_ =	swait.ge [sflag:s30], $0x3C00  }
0x16e: {  	[sflag:s30] =	ssyncset.done $0x0  }
0x16f: {  	[sflag:s30] =	ssyncadd.s32 $0xFFFFC400  }
0x170: {  	[tilespmem:s25], [sflag:$0x2] =	stream.indirect.gather [hbm4b:s4+s22], $0x80, s8, s22, $0xb8;
	[tilespmem:$0x1FC00] =	vst v63  }
0x171: {  	_ =	swait.ge [sflag:s0], $0x3C00  }
0x172: {  	[sflag:s0] =	ssyncset.done $0x0  }
0x173: {  	[sflag:s0] =	ssyncadd.s32 $0xFFFFC400  }
0x174: {  	[tilespmem:s28], [sflag:$0x3] =	stream.indirect.gather [hbm4b:s4+s22], $0x80, s9, s22, $0xb8;
	[tilespmem:$0x1FC00] =	vst v63  }
0x175: {  	_ =	swait.ge [sflag:s29], $0x3C00  }
0x176: {  	[sflag:s29] =	ssyncset.done $0x0  }
0x177: {  	s18 =	simm.s32 $0x14580;
	[sflag:s29] =	ssyncadd.s32 $0xFFFFC400  }
0x178: {  	[spmem:s2] =	stream.indirect.scatter.add.f32 [tilespmem:s23], [sflag:$0x1], $0x80, s18, s22, $0xb8;
	[tilespmem:$0x1FC00] =	vst v63  }
0x179: {  	_ =	swait.ge [sflag:s30], $0x3C00  }
0x17a: {  	[sflag:s30] =	ssyncset.done $0x0  }
0x17b: {  	s11 =	simm.s32 $0x14600;
	[sflag:s30] =	ssyncadd.s32 $0xFFFFC400  }
0x17c: {  	[spmem:s2] =	stream.indirect.scatter.add.f32 [tilespmem:s25], [sflag:$0x2], $0x80, s11, s22, $0xb8;
	[tilespmem:$0x1FC00] =	vst v63  }
0x17d: {  	_ =	swait.ge [sflag:s0], $0x3C00  }
0x17e: {  	[sflag:s0] =	ssyncset.done $0x0  }
0x17f: {  	s12 =	simm.s32 $0x14680;
	[sflag:s0] =	ssyncadd.s32 $0xFFFFC400  }
0x180: {  	[spmem:s2] =	stream.indirect.scatter.add.f32 [tilespmem:s28], [sflag:$0x3], $0x80, s12, s22, $0xb8;
	[tilespmem:$0x1FC00] =	vst v63  }
0x181: {  	_ =	swait.ge [sflag:s29], $0x3C00  }
0x182: {  	[sflag:s29] =	ssyncset.done $0x0  }
0x183: {  	[sflag:s29] =	ssyncadd.s32 $0xFFFFC400  }
0x184: {  	_ =	swait.ge [sflag:s30], $0x3C00  }
0x185: {  	[sflag:s30] =	ssyncset.done $0x0  }
0x186: {  	[sflag:s30] =	ssyncadd.s32 $0xFFFFC400  }
0x187: {  	_ =	swait.ge [sflag:s0], $0x3C00  }
0x188: {  	[sflag:s0] =	ssyncset.done $0x0  }
0x189: {  	[sflag:s0] =	ssyncadd.s32 $0xFFFFC400  }
0x18a: {  	[bflag:$0x0] =	sbarrier.arrive $0xFFFF  }
0x18b: {  	s7 =	rddreg [dreg:$0xd]  }
0x18c: {  	s14 =	rddreg [dreg:$0x12]  }
0x18d: {  	s11 =	rddreg [dreg:$0x1a]  }
0x18e: {  	[hbm:s14], [sflag:s7] =	dma.local [spmem:s11], $0x2780  }
0x18f: {  	_ =	swait.ge [sflag:s19], $0x2780  }
0x190: {  	[sflag:s19] =	ssyncset.done $0x0  }
0x191: {  	s15 =	rddreg [dreg:$0xc];
	[sflag:s19] =	ssyncadd.s32 $0xFFFFD880  }
0x192: {  	[spmem:s11], [sflag:s7] =	dma.local [hbm:s15], $0x2780  }
0x193: {  	_ =	swait.ge [sflag:s19], $0x2780  }
0x194: {  	[sflag:s19] =	ssyncset.done $0x0  }
0x195: {  	[sflag:s19] =	ssyncadd.s32 $0xFFFFD880  }
0x196: {  	[bflag:$0x0] =	sbarrier.arrive $0xFFFF  }
0x197: {  	s12 =	rddreg [dreg:$0x13]  }
0x198: {  	[tilespmem:s20], [sflag:$0x4] =	stream.linear.gather [hbm4b:s12+s6], $0x300, $0x38;
	[tilespmem:$0x1FC00] =	vst v63  }
0x199: {  	_ =	swait.ge [sflag:s19], $0x300  }
0x19a: {  	[sflag:s19] =	ssyncset.done $0x0  }
0x19b: {  	s14 =	rddreg [dreg:$0x14];
	[sflag:s19] =	ssyncadd.s32 $0xFFFFFD00  }
0x19c: {  	[tilespmem:s21], [sflag:$0x4] =	stream.linear.gather [hbm4b:s14+s6], $0x300, $0x38;
	[tilespmem:$0x1FC00] =	vst v63  }
0x19d: {  	_ =	swait.ge [sflag:s19], $0x300  }
0x19e: {  	[sflag:s19] =	ssyncset.done $0x0  }
0x19f: {  	[sflag:s19] =	ssyncadd.s32 $0xFFFFFD00  }
0x1a0: {  	[tilespmem:s23], [sflag:$0x1] =	stream.indirect.gather [hbm4b:s4+s22], $0x80, s20, s22, $0xb8;
	[tilespmem:$0x1FC00] =	vst v63  }
0x1a1: {  	_ = 	snop  }
0x1a2: {  	[tilespmem:s25], [sflag:$0x2] =	stream.indirect.gather [hbm4b:s4+s22], $0x80, s24, s22, $0xb8;
	[tilespmem:$0x1FC00] =	vst v63  }
0x1a3: {  	_ = 	snop  }
0x1a4: {  	[tilespmem:s28], [sflag:$0x3] =	stream.indirect.gather [hbm4b:s4+s22], $0x80, s26, s22, $0xb8;
	[tilespmem:$0x1FC00] =	vst v63  }
0x1a5: {  	_ =	swait.ge [sflag:s29], $0x3C00  }
0x1a6: {  	[sflag:s29] =	ssyncset.done $0x0  }
0x1a7: {  	[sflag:s29] =	ssyncadd.s32 $0xFFFFC400  }
0x1a8: {  	[spmem:s2] =	stream.indirect.scatter.add.f32 [tilespmem:s23], [sflag:$0x1], $0x80, s21, s22, $0xb8;
	[tilespmem:$0x1FC00] =	vst v63  }
0x1a9: {  	_ =	swait.ge [sflag:s30], $0x3C00  }
0x1aa: {  	[sflag:s30] =	ssyncset.done $0x0  }
0x1ab: {  	s12 =	simm.s32 $0x14080;
	[sflag:s30] =	ssyncadd.s32 $0xFFFFC400  }
0x1ac: {  	[spmem:s2] =	stream.indirect.scatter.add.f32 [tilespmem:s25], [sflag:$0x2], $0x80, s12, s22, $0xb8;
	[tilespmem:$0x1FC00] =	vst v63  }
0x1ad: {  	_ =	swait.ge [sflag:s0], $0x3C00  }
0x1ae: {  	[sflag:s0] =	ssyncset.done $0x0  }
0x1af: {  	s7 =	simm.s32 $0x14100;
	[sflag:s0] =	ssyncadd.s32 $0xFFFFC400  }
0x1b0: {  	[spmem:s2] =	stream.indirect.scatter.add.f32 [tilespmem:s28], [sflag:$0x3], $0x80, s7, s22, $0xb8;
	[tilespmem:$0x1FC00] =	vst v63  }
0x1b1: {  	_ =	swait.ge [sflag:s29], $0x3C00  }
0x1b2: {  	[sflag:s29] =	ssyncset.done $0x0  }
0x1b3: {  	[sflag:s29] =	ssyncadd.s32 $0xFFFFC400  }
0x1b4: {  	[tilespmem:s23], [sflag:$0x1] =	stream.indirect.gather [hbm4b:s4+s22], $0x80, s5, s22, $0xb8;
	[tilespmem:$0x1FC00] =	vst v63  }
0x1b5: {  	_ =	swait.ge [sflag:s30], $0x3C00  }
0x1b6: {  	[sflag:s30] =	ssyncset.done $0x0  }
0x1b7: {  	[sflag:s30] =	ssyncadd.s32 $0xFFFFC400  }
0x1b8: {  	[tilespmem:s25], [sflag:$0x2] =	stream.indirect.gather [hbm4b:s4+s22], $0x80, s8, s22, $0xb8;
	[tilespmem:$0x1FC00] =	vst v63  }
0x1b9: {  	_ =	swait.ge [sflag:s0], $0x3C00  }
0x1ba: {  	[sflag:s0] =	ssyncset.done $0x0  }
0x1bb: {  	[sflag:s0] =	ssyncadd.s32 $0xFFFFC400  }
0x1bc: {  	[tilespmem:s28], [sflag:$0x3] =	stream.indirect.gather [hbm4b:s4+s22], $0x80, s9, s22, $0xb8;
	[tilespmem:$0x1FC00] =	vst v63  }
0x1bd: {  	_ =	swait.ge [sflag:s29], $0x3C00  }
0x1be: {  	[sflag:s29] =	ssyncset.done $0x0  }
0x1bf: {  	s6 =	simm.s32 $0x14180;
	[sflag:s29] =	ssyncadd.s32 $0xFFFFC400  }
0x1c0: {  	[spmem:s2] =	stream.indirect.scatter.add.f32 [tilespmem:s23], [sflag:$0x1], $0x80, s6, s22, $0xb8;
	[tilespmem:$0x1FC00] =	vst v63  }
0x1c1: {  	_ =	swait.ge [sflag:s30], $0x3C00  }
0x1c2: {  	[sflag:s30] =	ssyncset.done $0x0  }
0x1c3: {  	s31 =	simm.s32 $0x14200;
	[sflag:s30] =	ssyncadd.s32 $0xFFFFC400  }
0x1c4: {  	[spmem:s2] =	stream.indirect.scatter.add.f32 [tilespmem:s25], [sflag:$0x2], $0x80, s31, s22, $0xb8;
	[tilespmem:$0x1FC00] =	vst v63  }
0x1c5: {  	_ =	swait.ge [sflag:s0], $0x3C00  }
0x1c6: {  	[sflag:s0] =	ssyncset.done $0x0  }
0x1c7: {  	s15 =	rddreg [dreg:$0x8];
	[sflag:s0] =	ssyncadd.s32 $0xFFFFC400  }
0x1c8: {  	[spmem:s2] =	stream.indirect.scatter.add.f32 [tilespmem:s28], [sflag:$0x3], $0x80, s10, s22, $0xb8;
	[tilespmem:$0x1FC00] =	vst v63  }
0x1c9: {  	s1 =	sadd.s32 $0x0, s15  }
0x1ca: {  	[tilespmem:s20], [sflag:$0x4] =	stream.linear.gather [hbm4b:s1+s3], $0x300, $0x38;
	[tilespmem:$0x1FC00] =	vst v63  }
0x1cb: {  	_ =	swait.ge [sflag:s19], $0x300  }
0x1cc: {  	s10 =	rddreg [dreg:$0x7];
	[sflag:s19] =	ssyncset.done $0x0  }
0x1cd: {  	[sflag:s19] =	ssyncadd.s32 $0xFFFFFD00;
	s1 =	sadd.s32 $0x0, s10  }
0x1ce: {  	[tilespmem:s13], [sflag:$0x4] =	stream.linear.gather [hbm4b:s1+s3], $0x300, $0x38;
	[tilespmem:$0x1FC00] =	vst v63  }
0x1cf: {  	_ =	swait.ge [sflag:s19], $0x300  }
0x1d0: {  	[sflag:s19] =	ssyncset.done $0x0  }
0x1d1: {  	[sflag:s19] =	ssyncadd.s32 $0xFFFFFD00  }
0x1d2: {  	_ =	swait.ge [sflag:s29], $0x3C00  }
0x1d3: {  	[sflag:s29] =	ssyncset.done $0x0  }
0x1d4: {  	[sflag:s29] =	ssyncadd.s32 $0xFFFFC400  }
0x1d5: {  	[tilespmem:s23], [sflag:$0x1] =	stream.indirect.gather [hbm4b:s4+s22], $0x80, s20, s22, $0xb8;
	[tilespmem:$0x1FC00] =	vst v63  }
0x1d6: {  	_ =	swait.ge [sflag:s30], $0x3C00  }
0x1d7: {  	[sflag:s30] =	ssyncset.done $0x0  }
0x1d8: {  	[sflag:s30] =	ssyncadd.s32 $0xFFFFC400  }
0x1d9: {  	[tilespmem:s25], [sflag:$0x2] =	stream.indirect.gather [hbm4b:s4+s22], $0x80, s24, s22, $0xb8;
	[tilespmem:$0x1FC00] =	vst v63  }
0x1da: {  	_ =	swait.ge [sflag:s0], $0x3C00  }
0x1db: {  	[sflag:s0] =	ssyncset.done $0x0  }
0x1dc: {  	[sflag:s0] =	ssyncadd.s32 $0xFFFFC400  }
0x1dd: {  	[tilespmem:s28], [sflag:$0x3] =	stream.indirect.gather [hbm4b:s4+s22], $0x80, s26, s22, $0xb8;
	[tilespmem:$0x1FC00] =	vst v63  }
0x1de: {  	_ =	swait.ge [sflag:s29], $0x3C00  }
0x1df: {  	[sflag:s29] =	ssyncset.done $0x0  }
0x1e0: {  	[sflag:s29] =	ssyncadd.s32 $0xFFFFC400  }
0x1e1: {  	[spmem:s2] =	stream.indirect.scatter.add.f32 [tilespmem:s23], [sflag:$0x1], $0x80, s13, s22, $0xb8;
	[tilespmem:$0x1FC00] =	vst v63  }
0x1e2: {  	_ =	swait.ge [sflag:s30], $0x3C00  }
0x1e3: {  	[sflag:s30] =	ssyncset.done $0x0  }
0x1e4: {  	[sflag:s30] =	ssyncadd.s32 $0xFFFFC400  }
0x1e5: {  	[spmem:s2] =	stream.indirect.scatter.add.f32 [tilespmem:s25], [sflag:$0x2], $0x80, s16, s22, $0xb8;
	[tilespmem:$0x1FC00] =	vst v63  }
0x1e6: {  	_ =	swait.ge [sflag:s0], $0x3C00  }
0x1e7: {  	[sflag:s0] =	ssyncset.done $0x0  }
0x1e8: {  	[sflag:s0] =	ssyncadd.s32 $0xFFFFC400  }
0x1e9: {  	[spmem:s2] =	stream.indirect.scatter.add.f32 [tilespmem:s28], [sflag:$0x3], $0x80, s17, s22, $0xb8;
	[tilespmem:$0x1FC00] =	vst v63  }
0x1ea: {  	_ =	swait.ge [sflag:s29], $0x3C00  }
0x1eb: {  	[sflag:s29] =	ssyncset.done $0x0  }
0x1ec: {  	[sflag:s29] =	ssyncadd.s32 $0xFFFFC400  }
0x1ed: {  	[tilespmem:s23], [sflag:$0x1] =	stream.indirect.gather [hbm4b:s4+s22], $0x80, s5, s22, $0xb8;
	[tilespmem:$0x1FC00] =	vst v63  }
0x1ee: {  	_ =	swait.ge [sflag:s30], $0x3C00  }
0x1ef: {  	[sflag:s30] =	ssyncset.done $0x0  }
0x1f0: {  	[sflag:s30] =	ssyncadd.s32 $0xFFFFC400  }
0x1f1: {  	[tilespmem:s25], [sflag:$0x2] =	stream.indirect.gather [hbm4b:s4+s22], $0x80, s8, s22, $0xb8;
	[tilespmem:$0x1FC00] =	vst v63  }
0x1f2: {  	_ =	swait.ge [sflag:s0], $0x3C00  }
0x1f3: {  	[sflag:s0] =	ssyncset.done $0x0  }
0x1f4: {  	[sflag:s0] =	ssyncadd.s32 $0xFFFFC400  }
0x1f5: {  	[tilespmem:s28], [sflag:$0x3] =	stream.indirect.gather [hbm4b:s4+s22], $0x80, s9, s22, $0xb8;
	[tilespmem:$0x1FC00] =	vst v63  }
0x1f6: {  	_ =	swait.ge [sflag:s29], $0x3C00  }
0x1f7: {  	[sflag:s29] =	ssyncset.done $0x0  }
0x1f8: {  	[sflag:s29] =	ssyncadd.s32 $0xFFFFC400  }
0x1f9: {  	[spmem:s2] =	stream.indirect.scatter.add.f32 [tilespmem:s23], [sflag:$0x1], $0x80, s18, s22, $0xb8;
	[tilespmem:$0x1FC00] =	vst v63  }
0x1fa: {  	_ =	swait.ge [sflag:s30], $0x3C00  }
0x1fb: {  	[sflag:s30] =	ssyncset.done $0x0  }
0x1fc: {  	s11 =	simm.s32 $0x14600;
	[sflag:s30] =	ssyncadd.s32 $0xFFFFC400  }
0x1fd: {  	[spmem:s2] =	stream.indirect.scatter.add.f32 [tilespmem:s25], [sflag:$0x2], $0x80, s11, s22, $0xb8;
	[tilespmem:$0x1FC00] =	vst v63  }
0x1fe: {  	_ =	swait.ge [sflag:s0], $0x3C00  }
0x1ff: {  	[sflag:s0] =	ssyncset.done $0x0  }
0x200: {  	s10 =	simm.s32 $0x14680;
	s1 =	rddreg [dreg:$0xa];
	[sflag:s0] =	ssyncadd.s32 $0xFFFFC400  }
0x201: {  	[spmem:s2] =	stream.indirect.scatter.add.f32 [tilespmem:s28], [sflag:$0x3], $0x80, s10, s22, $0xb8;
	[tilespmem:$0x1FC00] =	vst v63  }
0x202: {  	s1 =	sadd.s32 $0x0, s1  }
0x203: {  	[tilespmem:s20], [sflag:$0x4] =	stream.linear.gather [hbm4b:s1+s3], $0x300, $0x38;
	[tilespmem:$0x1FC00] =	vst v63  }
0x204: {  	_ =	swait.ge [sflag:s19], $0x300  }
0x205: {  	s10 =	rddreg [dreg:$0x9];
	[sflag:s19] =	ssyncset.done $0x0  }
0x206: {  	[sflag:s19] =	ssyncadd.s32 $0xFFFFFD00;
	s1 =	sadd.s32 $0x0, s10  }
0x207: {  	[tilespmem:s21], [sflag:$0x4] =	stream.linear.gather [hbm4b:s1+s3], $0x300, $0x38;
	[tilespmem:$0x1FC00] =	vst v63  }
0x208: {  	_ =	swait.ge [sflag:s19], $0x300  }
0x209: {  	[sflag:s19] =	ssyncset.done $0x0  }
0x20a: {  	[sflag:s19] =	ssyncadd.s32 $0xFFFFFD00  }
0x20b: {  	_ =	swait.ge [sflag:s29], $0x3C00  }
0x20c: {  	[sflag:s29] =	ssyncset.done $0x0  }
0x20d: {  	[sflag:s29] =	ssyncadd.s32 $0xFFFFC400  }
0x20e: {  	[tilespmem:s23], [sflag:$0x1] =	stream.indirect.gather [hbm4b:s4+s22], $0x80, s20, s22, $0xb8;
	[tilespmem:$0x1FC00] =	vst v63  }
0x20f: {  	_ =	swait.ge [sflag:s30], $0x3C00  }
0x210: {  	[sflag:s30] =	ssyncset.done $0x0  }
0x211: {  	[sflag:s30] =	ssyncadd.s32 $0xFFFFC400  }
0x212: {  	[tilespmem:s25], [sflag:$0x2] =	stream.indirect.gather [hbm4b:s4+s22], $0x80, s24, s22, $0xb8;
	[tilespmem:$0x1FC00] =	vst v63  }
0x213: {  	_ =	swait.ge [sflag:s0], $0x3C00  }
0x214: {  	[sflag:s0] =	ssyncset.done $0x0  }
0x215: {  	[sflag:s0] =	ssyncadd.s32 $0xFFFFC400  }
0x216: {  	[tilespmem:s28], [sflag:$0x3] =	stream.indirect.gather [hbm4b:s4+s22], $0x80, s26, s22, $0xb8;
	[tilespmem:$0x1FC00] =	vst v63  }
0x217: {  	_ =	swait.ge [sflag:s29], $0x3C00  }
0x218: {  	[sflag:s29] =	ssyncset.done $0x0  }
0x219: {  	[sflag:s29] =	ssyncadd.s32 $0xFFFFC400  }
0x21a: {  	[spmem:s2] =	stream.indirect.scatter.add.f32 [tilespmem:s23], [sflag:$0x1], $0x80, s21, s22, $0xb8;
	[tilespmem:$0x1FC00] =	vst v63  }
0x21b: {  	_ =	swait.ge [sflag:s30], $0x3C00  }
0x21c: {  	[sflag:s30] =	ssyncset.done $0x0  }
0x21d: {  	[sflag:s30] =	ssyncadd.s32 $0xFFFFC400  }
0x21e: {  	[spmem:s2] =	stream.indirect.scatter.add.f32 [tilespmem:s25], [sflag:$0x2], $0x80, s12, s22, $0xb8;
	[tilespmem:$0x1FC00] =	vst v63  }
0x21f: {  	_ =	swait.ge [sflag:s0], $0x3C00  }
0x220: {  	[sflag:s0] =	ssyncset.done $0x0  }
0x221: {  	[sflag:s0] =	ssyncadd.s32 $0xFFFFC400  }
0x222: {  	[spmem:s2] =	stream.indirect.scatter.add.f32 [tilespmem:s28], [sflag:$0x3], $0x80, s7, s22, $0xb8;
	[tilespmem:$0x1FC00] =	vst v63  }
0x223: {  	_ =	swait.ge [sflag:s29], $0x3C00  }
0x224: {  	[sflag:s29] =	ssyncset.done $0x0  }
0x225: {  	[sflag:s29] =	ssyncadd.s32 $0xFFFFC400  }
0x226: {  	[tilespmem:s23], [sflag:$0x1] =	stream.indirect.gather [hbm4b:s4+s22], $0x80, s5, s22, $0xb8;
	[tilespmem:$0x1FC00] =	vst v63  }
0x227: {  	_ =	swait.ge [sflag:s30], $0x3C00  }
0x228: {  	[sflag:s30] =	ssyncset.done $0x0  }
0x229: {  	[sflag:s30] =	ssyncadd.s32 $0xFFFFC400  }
0x22a: {  	[tilespmem:s25], [sflag:$0x2] =	stream.indirect.gather [hbm4b:s4+s22], $0x80, s8, s22, $0xb8;
	[tilespmem:$0x1FC00] =	vst v63  }
0x22b: {  	_ =	swait.ge [sflag:s0], $0x3C00  }
0x22c: {  	[sflag:s0] =	ssyncset.done $0x0  }
0x22d: {  	[sflag:s0] =	ssyncadd.s32 $0xFFFFC400  }
0x22e: {  	[tilespmem:s28], [sflag:$0x3] =	stream.indirect.gather [hbm4b:s4+s22], $0x80, s9, s22, $0xb8;
	[tilespmem:$0x1FC00] =	vst v63  }
0x22f: {  	_ =	swait.ge [sflag:s29], $0x3C00  }
0x230: {  	[sflag:s29] =	ssyncset.done $0x0  }
0x231: {  	s14 =	simm.s32 $0x14280;
	[sflag:s29] =	ssyncadd.s32 $0xFFFFC400  }
0x232: {  	[spmem:s2] =	stream.indirect.scatter.add.f32 [tilespmem:s23], [sflag:$0x1], $0x80, s6, s22, $0xb8;
	[tilespmem:$0x1FC00] =	vst v63  }
0x233: {  	s15 =	simm.s32 $0x14480;
	s16 =	simm.s32 $0x14500;
	_ =	swait.ge [sflag:s30], $0x3C00  }
0x234: {  	s17 =	simm.s32 $0x14580;
	s18 =	simm.s32 $0x14600;
	[sflag:s30] =	ssyncset.done $0x0  }
0x235: {  	s11 =	simm.s32 $0x14680;
	s10 =	simm.s32 $0x14180;
	[sflag:s30] =	ssyncadd.s32 $0xFFFFC400  }
0x236: {  	[spmem:s2] =	stream.indirect.scatter.add.f32 [tilespmem:s25], [sflag:$0x2], $0x80, s31, s22, $0xb8;
	[tilespmem:$0x1FC00] =	vst v63  }
0x237: {  	s12 =	simm.s32 $0x14200;
	s31 =	simm.s32 $0x100;
	_ =	swait.ge [sflag:s0], $0x3C00  }
.LBB2_4:
0x238: {  	[sflag:s0] =	ssyncset.done $0x0  }
0x239: {  	s1 =	rddreg [dreg:$0x8];
	s6 =	smov.u32 s31;
	[sflag:s0] =	ssyncadd.s32 $0xFFFFC400  }
0x23a: {  	[spmem:s2] =	stream.indirect.scatter.add.f32 [tilespmem:s28], [sflag:$0x3], $0x80, s14, s22, $0xb8;
	[tilespmem:$0x1FC00] =	vst v63  }
0x23b: {  	s1 =	sadd.s32 s6, s1  }
0x23c: {  	[tilespmem:s20], [sflag:$0x4] =	stream.linear.gather [hbm4b:s1+s3], $0x300, $0x38;
	[tilespmem:$0x1FC00] =	vst v63  }
0x23d: {  	_ =	swait.ge [sflag:s19], $0x300  }
0x23e: {  	s1 =	rddreg [dreg:$0x7];
	[sflag:s19] =	ssyncset.done $0x0  }
0x23f: {  	[sflag:s19] =	ssyncadd.s32 $0xFFFFFD00;
	s1 =	sadd.s32 s6, s1  }
0x240: {  	[tilespmem:s13], [sflag:$0x4] =	stream.linear.gather [hbm4b:s1+s3], $0x300, $0x38;
	[tilespmem:$0x1FC00] =	vst v63  }
0x241: {  	_ =	swait.ge [sflag:s19], $0x300  }
0x242: {  	[sflag:s19] =	ssyncset.done $0x0  }
0x243: {  	[sflag:s19] =	ssyncadd.s32 $0xFFFFFD00  }
0x244: {  	_ =	swait.ge [sflag:s29], $0x3C00  }
0x245: {  	[sflag:s29] =	ssyncset.done $0x0  }
0x246: {  	[sflag:s29] =	ssyncadd.s32 $0xFFFFC400  }
0x247: {  	[tilespmem:s23], [sflag:$0x1] =	stream.indirect.gather [hbm4b:s4+s22], $0x80, s20, s22, $0xb8;
	[tilespmem:$0x1FC00] =	vst v63  }
0x248: {  	_ =	swait.ge [sflag:s30], $0x3C00  }
0x249: {  	[sflag:s30] =	ssyncset.done $0x0  }
0x24a: {  	[sflag:s30] =	ssyncadd.s32 $0xFFFFC400  }
0x24b: {  	[tilespmem:s25], [sflag:$0x2] =	stream.indirect.gather [hbm4b:s4+s22], $0x80, s24, s22, $0xb8;
	[tilespmem:$0x1FC00] =	vst v63  }
0x24c: {  	_ =	swait.ge [sflag:s0], $0x3C00  }
0x24d: {  	[sflag:s0] =	ssyncset.done $0x0  }
0x24e: {  	[sflag:s0] =	ssyncadd.s32 $0xFFFFC400  }
0x24f: {  	[tilespmem:s28], [sflag:$0x3] =	stream.indirect.gather [hbm4b:s4+s22], $0x80, s26, s22, $0xb8;
	[tilespmem:$0x1FC00] =	vst v63  }
0x250: {  	_ =	swait.ge [sflag:s29], $0x3C00  }
0x251: {  	[sflag:s29] =	ssyncset.done $0x0  }
0x252: {  	[sflag:s29] =	ssyncadd.s32 $0xFFFFC400  }
0x253: {  	[spmem:s2] =	stream.indirect.scatter.add.f32 [tilespmem:s23], [sflag:$0x1], $0x80, s13, s22, $0xb8;
	[tilespmem:$0x1FC00] =	vst v63  }
0x254: {  	_ =	swait.ge [sflag:s30], $0x3C00  }
0x255: {  	[sflag:s30] =	ssyncset.done $0x0  }
0x256: {  	[sflag:s30] =	ssyncadd.s32 $0xFFFFC400  }
0x257: {  	[spmem:s2] =	stream.indirect.scatter.add.f32 [tilespmem:s25], [sflag:$0x2], $0x80, s15, s22, $0xb8;
	[tilespmem:$0x1FC00] =	vst v63  }
0x258: {  	_ =	swait.ge [sflag:s0], $0x3C00  }
0x259: {  	[sflag:s0] =	ssyncset.done $0x0  }
0x25a: {  	[sflag:s0] =	ssyncadd.s32 $0xFFFFC400  }
0x25b: {  	[spmem:s2] =	stream.indirect.scatter.add.f32 [tilespmem:s28], [sflag:$0x3], $0x80, s16, s22, $0xb8;
	[tilespmem:$0x1FC00] =	vst v63  }
0x25c: {  	_ =	swait.ge [sflag:s29], $0x3C00  }
0x25d: {  	[sflag:s29] =	ssyncset.done $0x0  }
0x25e: {  	[sflag:s29] =	ssyncadd.s32 $0xFFFFC400  }
0x25f: {  	[tilespmem:s23], [sflag:$0x1] =	stream.indirect.gather [hbm4b:s4+s22], $0x80, s5, s22, $0xb8;
	[tilespmem:$0x1FC00] =	vst v63  }
0x260: {  	_ =	swait.ge [sflag:s30], $0x3C00  }
0x261: {  	[sflag:s30] =	ssyncset.done $0x0  }
0x262: {  	[sflag:s30] =	ssyncadd.s32 $0xFFFFC400  }
0x263: {  	[tilespmem:s25], [sflag:$0x2] =	stream.indirect.gather [hbm4b:s4+s22], $0x80, s8, s22, $0xb8;
	[tilespmem:$0x1FC00] =	vst v63  }
0x264: {  	_ =	swait.ge [sflag:s0], $0x3C00  }
0x265: {  	[sflag:s0] =	ssyncset.done $0x0  }
0x266: {  	[sflag:s0] =	ssyncadd.s32 $0xFFFFC400  }
0x267: {  	[tilespmem:s28], [sflag:$0x3] =	stream.indirect.gather [hbm4b:s4+s22], $0x80, s9, s22, $0xb8;
	[tilespmem:$0x1FC00] =	vst v63  }
0x268: {  	_ =	swait.ge [sflag:s29], $0x3C00  }
0x269: {  	[sflag:s29] =	ssyncset.done $0x0  }
0x26a: {  	[sflag:s29] =	ssyncadd.s32 $0xFFFFC400  }
0x26b: {  	[spmem:s2] =	stream.indirect.scatter.add.f32 [tilespmem:s23], [sflag:$0x1], $0x80, s17, s22, $0xb8;
	[tilespmem:$0x1FC00] =	vst v63  }
0x26c: {  	_ =	swait.ge [sflag:s30], $0x3C00  }
0x26d: {  	[sflag:s30] =	ssyncset.done $0x0  }
0x26e: {  	[sflag:s30] =	ssyncadd.s32 $0xFFFFC400  }
0x26f: {  	[spmem:s2] =	stream.indirect.scatter.add.f32 [tilespmem:s25], [sflag:$0x2], $0x80, s18, s22, $0xb8;
	[tilespmem:$0x1FC00] =	vst v63  }
0x270: {  	_ =	swait.ge [sflag:s0], $0x3C00  }
0x271: {  	[sflag:s0] =	ssyncset.done $0x0  }
0x272: {  	s1 =	rddreg [dreg:$0xa];
	[sflag:s0] =	ssyncadd.s32 $0xFFFFC400  }
0x273: {  	[spmem:s2] =	stream.indirect.scatter.add.f32 [tilespmem:s28], [sflag:$0x3], $0x80, s11, s22, $0xb8;
	[tilespmem:$0x1FC00] =	vst v63  }
0x274: {  	s1 =	sadd.s32 s6, s1  }
0x275: {  	[tilespmem:s20], [sflag:$0x4] =	stream.linear.gather [hbm4b:s1+s3], $0x300, $0x38;
	[tilespmem:$0x1FC00] =	vst v63  }
0x276: {  	_ =	swait.ge [sflag:s19], $0x300  }
0x277: {  	s1 =	rddreg [dreg:$0x9];
	[sflag:s19] =	ssyncset.done $0x0  }
0x278: {  	[sflag:s19] =	ssyncadd.s32 $0xFFFFFD00;
	s1 =	sadd.s32 s6, s1  }
0x279: {  	[tilespmem:s21], [sflag:$0x4] =	stream.linear.gather [hbm4b:s1+s3], $0x300, $0x38;
	[tilespmem:$0x1FC00] =	vst v63  }
0x27a: {  	_ =	swait.ge [sflag:s19], $0x300  }
0x27b: {  	[sflag:s19] =	ssyncset.done $0x0  }
0x27c: {  	[sflag:s19] =	ssyncadd.s32 $0xFFFFFD00  }
0x27d: {  	_ =	swait.ge [sflag:s29], $0x3C00  }
0x27e: {  	[sflag:s29] =	ssyncset.done $0x0  }
0x27f: {  	[sflag:s29] =	ssyncadd.s32 $0xFFFFC400  }
0x280: {  	[tilespmem:s23], [sflag:$0x1] =	stream.indirect.gather [hbm4b:s4+s22], $0x80, s20, s22, $0xb8;
	[tilespmem:$0x1FC00] =	vst v63  }
0x281: {  	_ =	swait.ge [sflag:s30], $0x3C00  }
0x282: {  	[sflag:s30] =	ssyncset.done $0x0  }
0x283: {  	[sflag:s30] =	ssyncadd.s32 $0xFFFFC400  }
0x284: {  	[tilespmem:s25], [sflag:$0x2] =	stream.indirect.gather [hbm4b:s4+s22], $0x80, s24, s22, $0xb8;
	[tilespmem:$0x1FC00] =	vst v63  }
0x285: {  	_ =	swait.ge [sflag:s0], $0x3C00  }
0x286: {  	[sflag:s0] =	ssyncset.done $0x0  }
0x287: {  	[sflag:s0] =	ssyncadd.s32 $0xFFFFC400  }
0x288: {  	[tilespmem:s28], [sflag:$0x3] =	stream.indirect.gather [hbm4b:s4+s22], $0x80, s26, s22, $0xb8;
	[tilespmem:$0x1FC00] =	vst v63  }
0x289: {  	_ =	swait.ge [sflag:s29], $0x3C00  }
0x28a: {  	[sflag:s29] =	ssyncset.done $0x0  }
0x28b: {  	[sflag:s29] =	ssyncadd.s32 $0xFFFFC400  }
0x28c: {  	[spmem:s2] =	stream.indirect.scatter.add.f32 [tilespmem:s23], [sflag:$0x1], $0x80, s21, s22, $0xb8;
	[tilespmem:$0x1FC00] =	vst v63  }
0x28d: {  	_ =	swait.ge [sflag:s30], $0x3C00  }
0x28e: {  	[sflag:s30] =	ssyncset.done $0x0  }
0x28f: {  	s6 =	simm.s32 $0x14080;
	[sflag:s30] =	ssyncadd.s32 $0xFFFFC400  }
0x290: {  	[spmem:s2] =	stream.indirect.scatter.add.f32 [tilespmem:s25], [sflag:$0x2], $0x80, s6, s22, $0xb8;
	[tilespmem:$0x1FC00] =	vst v63  }
0x291: {  	_ =	swait.ge [sflag:s0], $0x3C00  }
0x292: {  	[sflag:s0] =	ssyncset.done $0x0  }
0x293: {  	s1 =	simm.s32 $0x14100;
	[sflag:s0] =	ssyncadd.s32 $0xFFFFC400  }
0x294: {  	[spmem:s2] =	stream.indirect.scatter.add.f32 [tilespmem:s28], [sflag:$0x3], $0x80, s1, s22, $0xb8;
	[tilespmem:$0x1FC00] =	vst v63  }
0x295: {  	_ =	swait.ge [sflag:s29], $0x3C00  }
0x296: {  	[sflag:s29] =	ssyncset.done $0x0  }
0x297: {  	[sflag:s29] =	ssyncadd.s32 $0xFFFFC400  }
0x298: {  	[tilespmem:s23], [sflag:$0x1] =	stream.indirect.gather [hbm4b:s4+s22], $0x80, s5, s22, $0xb8;
	[tilespmem:$0x1FC00] =	vst v63  }
0x299: {  	_ =	swait.ge [sflag:s30], $0x3C00  }
0x29a: {  	[sflag:s30] =	ssyncset.done $0x0  }
0x29b: {  	[sflag:s30] =	ssyncadd.s32 $0xFFFFC400  }
0x29c: {  	[tilespmem:s25], [sflag:$0x2] =	stream.indirect.gather [hbm4b:s4+s22], $0x80, s8, s22, $0xb8;
	[tilespmem:$0x1FC00] =	vst v63  }
0x29d: {  	_ =	swait.ge [sflag:s0], $0x3C00  }
0x29e: {  	[sflag:s0] =	ssyncset.done $0x0  }
0x29f: {  	[sflag:s0] =	ssyncadd.s32 $0xFFFFC400  }
0x2a0: {  	[tilespmem:s28], [sflag:$0x3] =	stream.indirect.gather [hbm4b:s4+s22], $0x80, s9, s22, $0xb8;
	[tilespmem:$0x1FC00] =	vst v63  }
0x2a1: {  	_ =	swait.ge [sflag:s29], $0x3C00  }
0x2a2: {  	[sflag:s29] =	ssyncset.done $0x0  }
0x2a3: {  	p0 =	sne.s32 s31, $0xC00;
	[sflag:s29] =	ssyncadd.s32 $0xFFFFC400  }
0x2a4: {  	[spmem:s2] =	stream.indirect.scatter.add.f32 [tilespmem:s23], [sflag:$0x1], $0x80, s10, s22, $0xb8;
	[tilespmem:$0x1FC00] =	vst v63  }
.Ltmp1:
0x2a5: {  	_ =	swait.ge [sflag:s30], $0x3C00;
	(pc) =	sbr.rel @p0 .LBB2_4-.Ltmp1, $4  }
0x2a6: {  	[sflag:s30] =	ssyncset.done $0x0  }
0x2a7: {  	s7 =	sadd.s32 $0x100, s31;
	[sflag:s30] =	ssyncadd.s32 $0xFFFFC400  }
0x2a8: {  	[spmem:s2] =	stream.indirect.scatter.add.f32 [tilespmem:s25], [sflag:$0x2], $0x80, s12, s22, $0xb8;
	[tilespmem:$0x1FC00] =	vst v63  }
0x2a9: {  	s31 =	smov.u32 s7;
	_ =	swait.ge [sflag:s0], $0x3C00  }
0x2aa: {  	[sflag:s0] =	ssyncset.done $0x0  }
0x2ab: {  	[sflag:s0] =	ssyncadd.s32 $0xFFFFC400  }
0x2ac: {  	[spmem:s2] =	stream.indirect.scatter.add.f32 [tilespmem:s28], [sflag:$0x3], $0x80, s14, s22, $0xb8;
	[tilespmem:$0x1FC00] =	vst v63  }
0x2ad: {  	s1 =	rddreg [dreg:$0x15]  }
0x2ae: {  	[tilespmem:s20], [sflag:$0x4] =	stream.linear.gather [hbm4b:s1+s3], $0x300, $0x38;
	[tilespmem:$0x1FC00] =	vst v63  }
0x2af: {  	_ =	swait.ge [sflag:s19], $0x300  }
0x2b0: {  	[sflag:s19] =	ssyncset.done $0x0  }
0x2b1: {  	s10 =	rddreg [dreg:$0x16];
	[sflag:s19] =	ssyncadd.s32 $0xFFFFFD00  }
0x2b2: {  	[tilespmem:s13], [sflag:$0x4] =	stream.linear.gather [hbm4b:s10+s3], $0x300, $0x38;
	[tilespmem:$0x1FC00] =	vst v63  }
0x2b3: {  	_ =	swait.ge [sflag:s19], $0x300  }
0x2b4: {  	[sflag:s19] =	ssyncset.done $0x0  }
0x2b5: {  	[sflag:s19] =	ssyncadd.s32 $0xFFFFFD00  }
0x2b6: {  	_ =	swait.ge [sflag:s29], $0x3C00  }
0x2b7: {  	[sflag:s29] =	ssyncset.done $0x0  }
0x2b8: {  	[sflag:s29] =	ssyncadd.s32 $0xFFFFC400  }
0x2b9: {  	[tilespmem:s23], [sflag:$0x1] =	stream.indirect.gather [hbm4b:s4+s22], $0x80, s20, s22, $0xb8;
	[tilespmem:$0x1FC00] =	vst v63  }
0x2ba: {  	_ =	swait.ge [sflag:s30], $0x3C00  }
0x2bb: {  	[sflag:s30] =	ssyncset.done $0x0  }
0x2bc: {  	[sflag:s30] =	ssyncadd.s32 $0xFFFFC400  }
0x2bd: {  	[tilespmem:s25], [sflag:$0x2] =	stream.indirect.gather [hbm4b:s4+s22], $0x80, s24, s22, $0xb8;
	[tilespmem:$0x1FC00] =	vst v63  }
0x2be: {  	_ =	swait.ge [sflag:s0], $0x3C00  }
0x2bf: {  	[sflag:s0] =	ssyncset.done $0x0  }
0x2c0: {  	[sflag:s0] =	ssyncadd.s32 $0xFFFFC400  }
0x2c1: {  	[tilespmem:s28], [sflag:$0x3] =	stream.indirect.gather [hbm4b:s4+s22], $0x80, s26, s22, $0xb8;
	[tilespmem:$0x1FC00] =	vst v63  }
0x2c2: {  	_ =	swait.ge [sflag:s29], $0x3C00  }
0x2c3: {  	[sflag:s29] =	ssyncset.done $0x0  }
0x2c4: {  	[sflag:s29] =	ssyncadd.s32 $0xFFFFC400  }
0x2c5: {  	[spmem:s2] =	stream.indirect.scatter.add.f32 [tilespmem:s23], [sflag:$0x1], $0x80, s13, s22, $0xb8;
	[tilespmem:$0x1FC00] =	vst v63  }
0x2c6: {  	_ =	swait.ge [sflag:s30], $0x3C00  }
0x2c7: {  	[sflag:s30] =	ssyncset.done $0x0  }
0x2c8: {  	[sflag:s30] =	ssyncadd.s32 $0xFFFFC400  }
0x2c9: {  	[spmem:s2] =	stream.indirect.scatter.add.f32 [tilespmem:s25], [sflag:$0x2], $0x80, s15, s22, $0xb8;
	[tilespmem:$0x1FC00] =	vst v63  }
0x2ca: {  	_ =	swait.ge [sflag:s0], $0x3C00  }
0x2cb: {  	[sflag:s0] =	ssyncset.done $0x0  }
0x2cc: {  	[sflag:s0] =	ssyncadd.s32 $0xFFFFC400  }
0x2cd: {  	[spmem:s2] =	stream.indirect.scatter.add.f32 [tilespmem:s28], [sflag:$0x3], $0x80, s16, s22, $0xb8;
	[tilespmem:$0x1FC00] =	vst v63  }
0x2ce: {  	_ =	swait.ge [sflag:s29], $0x3C00  }
0x2cf: {  	[sflag:s29] =	ssyncset.done $0x0  }
0x2d0: {  	[sflag:s29] =	ssyncadd.s32 $0xFFFFC400  }
0x2d1: {  	[tilespmem:s23], [sflag:$0x1] =	stream.indirect.gather [hbm4b:s4+s22], $0x80, s5, s22, $0xb8;
	[tilespmem:$0x1FC00] =	vst v63  }
0x2d2: {  	_ =	swait.ge [sflag:s30], $0x3C00  }
0x2d3: {  	[sflag:s30] =	ssyncset.done $0x0  }
0x2d4: {  	[sflag:s30] =	ssyncadd.s32 $0xFFFFC400  }
0x2d5: {  	[tilespmem:s25], [sflag:$0x2] =	stream.indirect.gather [hbm4b:s4+s22], $0x80, s8, s22, $0xb8;
	[tilespmem:$0x1FC00] =	vst v63  }
0x2d6: {  	_ =	swait.ge [sflag:s0], $0x3C00  }
0x2d7: {  	[sflag:s0] =	ssyncset.done $0x0  }
0x2d8: {  	[sflag:s0] =	ssyncadd.s32 $0xFFFFC400  }
0x2d9: {  	[tilespmem:s28], [sflag:$0x3] =	stream.indirect.gather [hbm4b:s4+s22], $0x80, s9, s22, $0xb8;
	[tilespmem:$0x1FC00] =	vst v63  }
0x2da: {  	_ =	swait.ge [sflag:s29], $0x3C00  }
0x2db: {  	[sflag:s29] =	ssyncset.done $0x0  }
0x2dc: {  	[sflag:s29] =	ssyncadd.s32 $0xFFFFC400  }
0x2dd: {  	[spmem:s2] =	stream.indirect.scatter.add.f32 [tilespmem:s23], [sflag:$0x1], $0x80, s17, s22, $0xb8;
	[tilespmem:$0x1FC00] =	vst v63  }
0x2de: {  	_ =	swait.ge [sflag:s30], $0x3C00  }
0x2df: {  	[sflag:s30] =	ssyncset.done $0x0  }
0x2e0: {  	[sflag:s30] =	ssyncadd.s32 $0xFFFFC400  }
0x2e1: {  	[spmem:s2] =	stream.indirect.scatter.add.f32 [tilespmem:s25], [sflag:$0x2], $0x80, s18, s22, $0xb8;
	[tilespmem:$0x1FC00] =	vst v63  }
0x2e2: {  	_ =	swait.ge [sflag:s0], $0x3C00  }
0x2e3: {  	[sflag:s0] =	ssyncset.done $0x0  }
0x2e4: {  	[sflag:s0] =	ssyncadd.s32 $0xFFFFC400  }
0x2e5: {  	[spmem:s2] =	stream.indirect.scatter.add.f32 [tilespmem:s28], [sflag:$0x3], $0x80, s11, s22, $0xb8;
	[tilespmem:$0x1FC00] =	vst v63  }
0x2e6: {  	_ =	swait.ge [sflag:s29], $0x3C00  }
0x2e7: {  	[sflag:s29] =	ssyncset.done $0x0  }
0x2e8: {  	[sflag:s29] =	ssyncadd.s32 $0xFFFFC400  }
0x2e9: {  	_ =	swait.ge [sflag:s30], $0x3C00  }
0x2ea: {  	[sflag:s30] =	ssyncset.done $0x0  }
0x2eb: {  	[sflag:s30] =	ssyncadd.s32 $0xFFFFC400  }
0x2ec: {  	_ =	swait.ge [sflag:s0], $0x3C00  }
0x2ed: {  	[sflag:s0] =	ssyncset.done $0x0  }
0x2ee: {  	[sflag:s0] =	ssyncadd.s32 $0xFFFFC400  }
0x2ef: {  	[bflag:$0x0] =	sbarrier.arrive $0xFFFF  }
0x2f0: {  	s31 =	rddreg [dreg:$0xd]  }
0x2f1: {  	s12 =	rddreg [dreg:$0x17]  }
0x2f2: {  	s7 =	rddreg [dreg:$0x1a]  }
0x2f3: {  	[hbm:s12], [sflag:s31] =	dma.local [spmem:s7], $0x2780  }
0x2f4: {  	_ =	swait.ge [sflag:s19], $0x2780  }
0x2f5: {  	s10 =	rddreg [dreg:$0x19]  }
0x2f6: {  	s12 =	rddreg [dreg:$0x18];
	s7 =	sadd.s32 $0x1, s10  }
0x2f7: {  	p0 =	sne.s32 s7, s12  }
.Ltmp2:
0x2f8: {  	_ = 	snop;
	(pc) =	sbr.rel @p0 .LBB2_1-.Ltmp2, $4  }
0x2f9: {  	_ = 	snop  }
0x2fa: {  	[sflag:s19] =	ssyncset.done $0x0  }
0x2fb: {  	[sflag:s19] =	ssyncadd.s32 $0xFFFFD880  }
0x2fc: {  	s10 =	simm.s32 $0x14180;
	[dreg:$0x19] =	wrdreg s7;
	s7 =	simm.s32 $0x14100  }
0x2fd: {  	_ =	sfence.sel $0x180000  }
0x2fe: {  	[bflag:$0x0] =	sbarrier.arrive $0xFFFF  }
0x2ff: {  	_ =	strace $0x9000004A  }
0x300: {  	s0 =	stileid.u32;
	[bflag:$0x2] =	sbarrier.arrive $0xFFFF  }
0x301: {  	p0 =	sne.s32 s0, $0x0;
	s0 =	rddreg [dreg:$0x2]  }
0x302: {  	s0 =	sadd.s32 @!p0 $0x100000, s0  }
0x303: {  	[sflag:s0] =	ssyncadd.tile.s32 @!p0 $0x1;
	_ =	shalt  }
.Lfunc_end2:
_tile_overlayer_lowered:
.L_overlay_start_2:
0x304: {  	(tag) =	ssettag $0x2  }
0x305: {  	s0 =	rddreg [dreg:$0x0];
	s2 =	stileid.u32  }
0x306: {  	s1 =	rddreg [dreg:$0x1];
	p0 =	sne.s32 s2, $0x0  }
0x307: {  	s3 =	rddreg [dreg:$0x2];
	[bflag:$0x3] =	sbarrier.arrive $0xFFFF;
	s2 =	simm.s32 @!p0 $0x1C04  }
0x308: {  	[timem:s3], [sflag:s2] =	dma.local @!p0 [hbm:s0], s1  }
0x309: {  	s0 =	simm.s32 @!p0 $0x4  }
0x30a: {  	_ =	swait.ge @!p0 [sflag:s0], s1  }
0x30b: {  	s1 =	ssub.s32 @!p0 $0x0, s1;
	[sflag:s0] =	ssyncset.done @!p0 $0x0  }
0x30c: {  	[sflag:s0] =	ssyncadd.s32 @!p0 s1  }
0x30d: {  	[bflag:$0x3] =	sbarrier.arrive $0xFFFF  }
0x30e: {  	_ =	shalt  }

</sc_bundles>
